<compile_context>
chip_gen: v7x
topology: tpu7x:2x2x1
jax: 0.10.2.dev20260603
libtpu: 0.0.44.dev20260713+nightly
codegen_flags: <defaults>
</compile_context>

<pallas_src>
import functools

import jax
import jax.numpy as jnp
from jax import lax
from jax.experimental import pallas as pl
from jax.experimental.pallas import tpu as pltpu
from jax.experimental.pallas import tpu_sc as plsc

B = 4096
T = 40960
V = 1000000
D = 32
L = 20
NC = 2
NS = 16
NW = NC * NS
BPW = B // NW
NE = BPW * L
NCHUNK = NE // 16
RPS = 16
EPS = RPS * L
NSUB = BPW // RPS
NT = L * D // 128


def _sc_body(idx_hbm, off_hbm, tab_hbm, out,
             offs_v, pos_v, msk_v, tok_v, col_v, big_v, asm_v,
             sem_i, sem_r, sem_o):
    wid = lax.axis_index("s") * NC + lax.axis_index("c")
    base = wid * BPW
    lane = lax.iota(jnp.int32, 16)

    def row_copy(tab_hbm, k, buf):
        e0 = k * EPS
        c1 = pltpu.make_async_copy(tab_hbm.at[tok_v.at[pl.ds(e0, 128)]],
                                   big_v.at[buf, pl.ds(0, 128)], sem_r)
        c2 = pltpu.make_async_copy(tab_hbm.at[tok_v.at[pl.ds(e0 + 128, 128)]],
                                   big_v.at[buf, pl.ds(128, 128)], sem_r)
        c3 = pltpu.make_async_copy(tab_hbm.at[tok_v.at[pl.ds(e0 + 256, 64)]],
                                   big_v.at[buf, pl.ds(256, 64)], sem_r)
        return c1, c2, c3

    def out_copy(k, c, buf):
        return pltpu.make_async_copy(
            asm_v.at[buf, c],
            out.at[pl.ds(base + k * RPS, RPS), pl.ds(c * 128, 128)], sem_o)

    if True:
        pltpu.sync_copy(off_hbm, offs_v.at[pl.ds(0, B + 1)])

        def pos_body(i, carry):
            b, t = carry
            st = plsc.load_gather(offs_v, [base + b])
            en = plsc.load_gather(offs_v, [base + b + 1])
            pos = st + t
            valid = pos < en
            posc = jnp.minimum(pos, T - 1)
            pos_v[pl.ds(i * 16, 16)] = posc
            msk_v[pl.ds(i * 16, 16)] = jnp.where(valid, 1.0, 0.0)
            t2 = t + 16
            over = t2 >= L
            t_new = jnp.where(over, t2 - L, t2)
            b_new = b + jnp.where(over, 1, 0)
            return (b_new, t_new)

        lax.fori_loop(0, NCHUNK, pos_body,
                      (jnp.zeros((16,), jnp.int32), lane))

        def fire_idx(j, carry):
            pltpu.make_async_copy(idx_hbm.at[pos_v.at[pl.ds(j * 128, 128)]],
                                  tok_v.at[pl.ds(j * 128, 128)], sem_i).start()
            return carry

        lax.fori_loop(0, NE // 128, fire_idx, 0)

        def drain_idx(j, carry):
            pltpu.make_async_copy(idx_hbm.at[pos_v.at[pl.ds(j * 128, 128)]],
                                  tok_v.at[pl.ds(j * 128, 128)], sem_i).wait()
            return carry

        lax.fori_loop(0, NE // 128, drain_idx, 0)

        def rid_body(i, carry):
            v = tok_v[pl.ds(i * 16, 16)]
            tok_v[pl.ds(i * 16, 16)] = lax.shift_right_logical(v, 2)
            col_v[pl.ds(i * 16, 16)] = lax.shift_left(v & 3, 5)
            return carry

        lax.fori_loop(0, NCHUNK, rid_body, 0)

        for cc in row_copy(tab_hbm, 0, 0):
            cc.start()

        def sub_body(k, carry):
            buf = k % 2
            c1, c2, c3 = row_copy(tab_hbm, k, buf)
            c1.wait()
            c2.wait()
            c3.wait()

            @pl.when(k + 1 < NSUB)
            def _():
                for cc in row_copy(tab_hbm, k + 1, 1 - buf):
                    cc.start()

            @pl.when(k >= 2)
            def _():
                for c in range(NT):
                    out_copy(k - 2, c, buf).wait()

            e0 = k * EPS

            def ext_body(i, carry2):
                s, t = carry2
                ii = i * 16 + lane
                m = msk_v[pl.ds(e0 + i * 16, 16)]
                cb = col_v[pl.ds(e0 + i * 16, 16)]
                cvec = lax.shift_right_logical(t, 2)
                lbase = lax.shift_left(t & 3, 5)
                bufv = jnp.full((16,), buf, jnp.int32)
                for d in range(D):
                    val = plsc.load_gather(big_v, [bufv, ii, cb + d])
                    plsc.store_scatter(asm_v, [bufv, cvec, s, lbase + d],
                                       val * m)
                t2 = t + 16
                over = t2 >= L
                t_new = jnp.where(over, t2 - L, t2)
                s_new = s + jnp.where(over, 1, 0)
                return (s_new, t_new)

            lax.fori_loop(0, EPS // 16, ext_body,
                          (jnp.zeros((16,), jnp.int32), lane))

            for c in range(NT):
                out_copy(k, c, buf).start()
            return carry

        lax.fori_loop(0, NSUB, sub_body, 0)

        def drain_out(k, carry):
            for c in range(NT):
                out_copy(k, c, k % 2).wait()
            return carry

        lax.fori_loop(NSUB - 2, NSUB, drain_out, 0)


_sc_call = functools.partial(
    pl.kernel,
    mesh=plsc.VectorSubcoreMesh(core_axis_name="c", subcore_axis_name="s"),
    compiler_params=pltpu.CompilerParams(needs_layout_passes=False,
                                         use_tc_tiling_on_sc=True),
    out_type=jax.ShapeDtypeStruct((B, L * D), jnp.float32),
    scratch_types=[
        pltpu.VMEM((B + 128,), jnp.int32),
        pltpu.VMEM((NE,), jnp.int32),
        pltpu.VMEM((NE,), jnp.float32),
        pltpu.VMEM((NE,), jnp.int32),
        pltpu.VMEM((NE,), jnp.int32),
        pltpu.VMEM((2, EPS, 128), jnp.float32),
        pltpu.VMEM((2, NT, RPS, 128), jnp.float32),
        pltpu.SemaphoreType.DMA,
        pltpu.SemaphoreType.DMA,
        pltpu.SemaphoreType.DMA,
    ],
)(_sc_body)


def _pack(tab):
    flat = jax.lax.optimization_barrier(tab.reshape(-1))
    return flat.reshape(V // 4, 4 * D)


def kernel(indices_0, offsets_0, indices_1, offsets_1, table_0, table_1):
    d0 = _sc_call(indices_0, offsets_0, _pack(table_0))
    d1 = _sc_call(indices_1, offsets_1, _pack(table_1))
    return jnp.concatenate([d0, d1], axis=1)

# --- scband reference (transcript-rebuilt; emitter-appended) ---
"""Pipeline reference for scband-test-sequence-sparse-arch-36326833389805 (READ-ONLY COPY).

The authoritative reference and input builder live on the scoring server;
editing this copy changes nothing except your own understanding.
"""

import jax, jax.numpy as jnp
import numpy as np

B = 4096
T = 40960
V = 1000000
D = 32
L = 20


def setup_inputs(seed: int = 0) -> dict:
    key = jax.random.key(seed)
    k1, k2, k3, k4, k5, k6 = jax.random.split(key, 6)
    indices_0 = jax.random.randint(k1, (T,), 0, V, dtype=jnp.int32)
    offsets_0 = jnp.sort(jax.random.randint(k2, (B + 1,), 0, T + 1, dtype=jnp.int32))
    indices_1 = jax.random.randint(k3, (T,), 0, V, dtype=jnp.int32)
    offsets_1 = jnp.sort(jax.random.randint(k4, (B + 1,), 0, T + 1, dtype=jnp.int32))
    table_0 = jax.random.normal(k5, (V, D), dtype=jnp.float32) * 0.01
    table_1 = jax.random.normal(k6, (V, D), dtype=jnp.float32) * 0.01
    return {
        "indices_0": indices_0,
        "offsets_0": offsets_0,
        "indices_1": indices_1,
        "offsets_1": offsets_1,
        "table_0": table_0,
        "table_1": table_1,
    }


def _jagged_2d_to_dense(vals, offsets, max_len):
    # vals: [total_tokens, D]; offsets: [B+1]
    starts = offsets[:-1]
    lens = offsets[1:] - starts
    t = jnp.arange(max_len)
    pos = starts[:, None] + t[None, :]               # [B, L]
    mask = t[None, :] < lens[:, None]                # truncate/pad to max_len
    idx = jnp.clip(pos, 0, vals.shape[0] - 1)
    dense = jnp.take(vals, idx, axis=0)              # [B, L, D]
    return dense * mask[:, :, None].astype(vals.dtype)


def reference(indices_0, offsets_0, indices_1, offsets_1, table_0, table_1):
    # EmbeddingCollection lookup per feature (gather), then jagged_2d_to_dense
    # with max_sequence_length=20, view to [B, 20*D], concat over features.
    emb0 = jnp.take(table_0, indices_0, axis=0)      # [T, D]
    emb1 = jnp.take(table_1, indices_1, axis=0)      # [T, D]
    d0 = _jagged_2d_to_dense(emb0, offsets_0, L).reshape(-1, L * D)
    d1 = _jagged_2d_to_dense(emb1, offsets_1, L).reshape(-1, L * D)
    return jnp.concatenate([d0, d1], axis=1)

if __name__ == "__main__":
    import jax
    _d = setup_inputs()
    print(jax.jit(kernel)(*tuple(_d.values())))

</pallas_src>

<mosaic_0001>
#map = affine_map<(d0, d1) -> (0)>
#map1 = affine_map<(d0, d1) -> (0, 0)>
module attributes {stable_mosaic.version = 14 : i64} {
  func.func @_sc_body(%arg0: i32, %arg1: i32, %arg2: memref<40960xi32, #tpu.memory_space<hbm>>, %arg3: memref<4097xi32, #tpu.memory_space<hbm>>, %arg4: memref<250000x128xf32, #tpu.memory_space<hbm>>, %arg5: memref<4096x640xf32, #tpu.memory_space<hbm>>, %arg6: memref<4224xi32, #tpu.memory_space<vmem>>, %arg7: memref<2560xi32, #tpu.memory_space<vmem>>, %arg8: memref<2560xf32, #tpu.memory_space<vmem>>, %arg9: memref<2560xi32, #tpu.memory_space<vmem>>, %arg10: memref<2560xi32, #tpu.memory_space<vmem>>, %arg11: memref<2x320x128xf32, #tpu.memory_space<vmem>>, %arg12: memref<2x5x16x128xf32, #tpu.memory_space<vmem>>, %arg13: memref<!tpu.dma_semaphore, #tpu.memory_space<semaphore_mem>>, %arg14: memref<!tpu.dma_semaphore, #tpu.memory_space<semaphore_mem>>, %arg15: memref<!tpu.dma_semaphore, #tpu.memory_space<semaphore_mem>>) attributes {dimension_semantics = [#tpu.dimension_semantics<core_parallel>, #tpu.dimension_semantics<subcore_parallel>], iteration_bounds = array<i64: 2, 16>, scalar_prefetch = 0 : i64, scratch_operands = 10 : i64, tpu.core_type = #tpu.core_type<sc_vector_subcore>, window_params = [{transform_indices = #map}, {transform_indices = #map}, {transform_indices = #map1}, {transform_indices = #map1}]} {
    %mul3A = arith.constant 2 : i32
    %mul3A_0 = arith.muli %arg1, %mul3A : i32
    %add3A = arith.addi %mul3A_0, %arg0 : i32
    %mul3A_1 = arith.constant 128 : i32
    %mul3A_2 = arith.muli %add3A, %mul3A_1 : i32
    %iota3A = tpu.iota {dimensions = array<i32: 0>} : vector<16xi32>
    "tpu.region"() ({
      %run_scoped3A = tpu.sem_alloc : memref<!tpu.dma_semaphore, #tpu.memory_space<semaphore_mem>>
      %dma_start3A_68 = arith.constant 0 : i32
      %dma_start3A_69 = tpu.memref_slice %arg6[%dma_start3A_68] : memref<4224xi32, #tpu.memory_space<vmem>> -> memref<4097xi32, #tpu.memory_space<vmem>>
      %dma_start3A_70 = arith.constant 0 : i32
      %dma_start3A_71 = tpu.memref_slice %arg6[%dma_start3A_70] : memref<4224xi32, #tpu.memory_space<vmem>> -> memref<4097xi32, #tpu.memory_space<vmem>>
      tpu.enqueue_dma source(%arg3 : memref<4097xi32, #tpu.memory_space<hbm>>) target(%dma_start3A_71 : memref<4097xi32, #tpu.memory_space<vmem>>) target_semaphore(%run_scoped3A : memref<!tpu.dma_semaphore, #tpu.memory_space<semaphore_mem>>)
      %dma_wait3A = arith.constant 0 : i32
      %dma_wait3A_72 = tpu.memref_slice %arg6[%dma_wait3A] : memref<4224xi32, #tpu.memory_space<vmem>> -> memref<4097xi32, #tpu.memory_space<vmem>>
      %dma_wait3A_73 = arith.constant 0 : i32
      %dma_wait3A_74 = tpu.memref_slice %arg6[%dma_wait3A_73] : memref<4224xi32, #tpu.memory_space<vmem>> -> memref<4097xi32, #tpu.memory_space<vmem>>
      tpu.wait_dma2 semaphore(%run_scoped3A : memref<!tpu.dma_semaphore, #tpu.memory_space<semaphore_mem>>) src(%arg3 : memref<4097xi32, #tpu.memory_space<hbm>>) dst(%dma_wait3A_74 : memref<4097xi32, #tpu.memory_space<vmem>>)
      tpu.yield
    }) : () -> ()
    %broadcast_in_dim3A = arith.constant 0 : i32
    %broadcast_in_dim3A_3 = vector.broadcast %broadcast_in_dim3A : i32 to vector<16xi32>
    %scan3A = arith.constant 0 : i32
    %scan3A_4 = arith.constant 160 : i32
    %scan3A_5 = arith.addi %scan3A, %scan3A_4 : i32
    %scan3A_6 = arith.constant 1 : i32
    %scan3A_7:2 = scf.for %scan3A_68 = %scan3A to %scan3A_5 step %scan3A_6 iter_args(%scan3A_69 = %broadcast_in_dim3A_3, %scan3A_70 = %iota3A) -> (vector<16xi32>, vector<16xi32>)  : i32 {
      %add3A_71 = vector.broadcast %mul3A_2 : i32 to vector<16xi32>
      %add3A_72 = arith.addi %add3A_71, %scan3A_69 : vector<16xi32>
      %gather3A = tpu.vector_load_idx %arg6[%add3A_72] : memref<4224xi32, #tpu.memory_space<vmem>>[vector<16xi32>], vector<16xi32>,
      %add3A_73 = vector.broadcast %mul3A_2 : i32 to vector<16xi32>
      %add3A_74 = arith.addi %add3A_73, %scan3A_69 : vector<16xi32>
      %add3A_75 = arith.constant 1 : i32
      %add3A_76 = vector.broadcast %add3A_75 : i32 to vector<16xi32>
      %add3A_77 = arith.addi %add3A_74, %add3A_76 : vector<16xi32>
      %gather3A_78 = tpu.vector_load_idx %arg6[%add3A_77] : memref<4224xi32, #tpu.memory_space<vmem>>[vector<16xi32>], vector<16xi32>,
      %add3A_79 = arith.addi %gather3A, %scan3A_70 : vector<16xi32>
      %lt3A = arith.cmpi slt, %add3A_79, %gather3A_78 : vector<16xi32>
      %min3A = arith.constant 40959 : i32
      %min3A_80 = vector.broadcast %min3A : i32 to vector<16xi32>
      %min3A_81 = arith.minsi %add3A_79, %min3A_80 : vector<16xi32>
      %mul3A_82 = arith.constant 16 : i32
      %mul3A_83 = arith.muli %scan3A_68, %mul3A_82 : i32
      %swap3A = arith.index_cast %mul3A_83 : i32 to index
      %swap3A_84 = tpu.vector_load %arg7[%swap3A] {strides = array<i32>} : memref<2560xi32, #tpu.memory_space<vmem>>, vector<16xi32>,
      tpu.vector_store %arg7[%swap3A], %min3A_81 {strides = array<i32>} : memref<2560xi32, #tpu.memory_space<vmem>>, vector<16xi32>,
      %jit3A = arith.constant 1.000000e+00 : f32
      %jit3A_85 = arith.constant 0.000000e+00 : f32
      %broadcast_in_dim3A_86 = vector.broadcast %jit3A : f32 to vector<16xf32>
      %broadcast_in_dim3A_87 = vector.broadcast %jit3A_85 : f32 to vector<16xf32>
      %select_n3A = arith.select %lt3A, %broadcast_in_dim3A_86, %broadcast_in_dim3A_87 : vector<16xi1>, vector<16xf32>
      %mul3A_88 = arith.constant 16 : i32
      %mul3A_89 = arith.muli %scan3A_68, %mul3A_88 : i32
      %swap3A_90 = arith.index_cast %mul3A_89 : i32 to index
      %swap3A_91 = tpu.vector_load %arg8[%swap3A_90] {strides = array<i32>} : memref<2560xf32, #tpu.memory_space<vmem>>, vector<16xf32>,
      tpu.vector_store %arg8[%swap3A_90], %select_n3A {strides = array<i32>} : memref<2560xf32, #tpu.memory_space<vmem>>, vector<16xf32>,
      %add3A_92 = arith.constant 16 : i32
      %add3A_93 = vector.broadcast %add3A_92 : i32 to vector<16xi32>
      %add3A_94 = arith.addi %scan3A_70, %add3A_93 : vector<16xi32>
      %ge3A = arith.constant 20 : i32
      %ge3A_95 = vector.broadcast %ge3A : i32 to vector<16xi32>
      %ge3A_96 = arith.cmpi sge, %add3A_94, %ge3A_95 : vector<16xi32>
      %sub3A = arith.constant 20 : i32
      %sub3A_97 = vector.broadcast %sub3A : i32 to vector<16xi32>
      %sub3A_98 = arith.subi %add3A_94, %sub3A_97 : vector<16xi32>
      %select_n3A_99 = arith.select %ge3A_96, %sub3A_98, %add3A_94 : vector<16xi1>, vector<16xi32>
      %jit3A_100 = arith.constant 1 : i32
      %jit3A_101 = arith.constant 0 : i32
      %broadcast_in_dim3A_102 = vector.broadcast %jit3A_100 : i32 to vector<16xi32>
      %broadcast_in_dim3A_103 = vector.broadcast %jit3A_101 : i32 to vector<16xi32>
      %select_n3A_104 = arith.select %ge3A_96, %broadcast_in_dim3A_102, %broadcast_in_dim3A_103 : vector<16xi1>, vector<16xi32>
      %add3A_105 = arith.addi %scan3A_69, %select_n3A_104 : vector<16xi32>
      scf.yield %add3A_105, %select_n3A_99 : vector<16xi32>, vector<16xi32>
    }
    %scan3A_8 = arith.constant 160 : i32
    %scan3A_9 = arith.constant 0 : i32
    %scan3A_10 = arith.constant 0 : i32
    %scan3A_11 = arith.constant 20 : i32
    %scan3A_12 = arith.addi %scan3A_10, %scan3A_11 : i32
    %scan3A_13 = arith.constant 1 : i32
    scf.for %scan3A_68 = %scan3A_10 to %scan3A_12 step %scan3A_13  : i32 {
      %mul3A_69 = arith.constant 128 : i32
      %mul3A_70 = arith.muli %scan3A_68, %mul3A_69 : i32
      %mul3A_71 = arith.constant 128 : i32
      %mul3A_72 = arith.muli %scan3A_68, %mul3A_71 : i32
      %dma_start3A_73 = tpu.memref_slice %arg9[%mul3A_72] : memref<2560xi32, #tpu.memory_space<vmem>> -> memref<128xi32, #tpu.memory_space<vmem>>
      %dma_start3A_74 = tpu.memref_slice %arg7[%mul3A_70] : memref<2560xi32, #tpu.memory_space<vmem>> -> memref<128xi32, #tpu.memory_space<vmem>>
      %dma_start3A_75 = arith.constant 0 : i32
      %dma_start3A_76 = tpu.memref_slice %arg2[%dma_start3A_75] : memref<40960xi32, #tpu.memory_space<hbm>> -> memref<40960xi32, #tpu.memory_space<hbm>>
      tpu.enqueue_indirect_dma source(%dma_start3A_76 : memref<40960xi32, #tpu.memory_space<hbm>>) target(%dma_start3A_73 : memref<128xi32, #tpu.memory_space<vmem>>) offsets(%dma_start3A_74 : memref<128xi32, #tpu.memory_space<vmem>>) semaphore(%arg13 : memref<!tpu.dma_semaphore, #tpu.memory_space<semaphore_mem>>)
    }
    %scan3A_14 = arith.constant 20 : i32
    %scan3A_15 = arith.constant 0 : i32
    %scan3A_16 = arith.constant 0 : i32
    %scan3A_17 = arith.constant 20 : i32
    %scan3A_18 = arith.addi %scan3A_16, %scan3A_17 : i32
    %scan3A_19 = arith.constant 1 : i32
    scf.for %scan3A_68 = %scan3A_16 to %scan3A_18 step %scan3A_19  : i32 {
      %mul3A_69 = arith.constant 128 : i32
      %mul3A_70 = arith.muli %scan3A_68, %mul3A_69 : i32
      %mul3A_71 = arith.constant 128 : i32
      %mul3A_72 = arith.muli %scan3A_68, %mul3A_71 : i32
      %dma_wait3A = tpu.memref_slice %arg9[%mul3A_72] : memref<2560xi32, #tpu.memory_space<vmem>> -> memref<128xi32, #tpu.memory_space<vmem>>
      %dma_wait3A_73 = tpu.memref_slice %arg7[%mul3A_70] : memref<2560xi32, #tpu.memory_space<vmem>> -> memref<128xi32, #tpu.memory_space<vmem>>
      %dma_wait3A_74 = arith.constant 0 : i32
      %dma_wait3A_75 = tpu.memref_slice %arg2[%dma_wait3A_74] : memref<40960xi32, #tpu.memory_space<hbm>> -> memref<40960xi32, #tpu.memory_space<hbm>>
      tpu.wait_indirect_dma semaphore(%arg13 : memref<!tpu.dma_semaphore, #tpu.memory_space<semaphore_mem>>) src(%dma_wait3A_75 : memref<40960xi32, #tpu.memory_space<hbm>>) dst(%dma_wait3A : memref<128xi32, #tpu.memory_space<vmem>>)
    }
    %scan3A_20 = arith.constant 20 : i32
    %scan3A_21 = arith.constant 0 : i32
    %scan3A_22 = arith.constant 0 : i32
    %scan3A_23 = arith.constant 160 : i32
    %scan3A_24 = arith.addi %scan3A_22, %scan3A_23 : i32
    %scan3A_25 = arith.constant 1 : i32
    scf.for %scan3A_68 = %scan3A_22 to %scan3A_24 step %scan3A_25  : i32 {
      %mul3A_69 = arith.constant 16 : i32
      %mul3A_70 = arith.muli %scan3A_68, %mul3A_69 : i32
      %get3A = arith.index_cast %mul3A_70 : i32 to index
      %get3A_71 = tpu.vector_load %arg9[%get3A] {strides = array<i32>} : memref<2560xi32, #tpu.memory_space<vmem>>, vector<16xi32>,
      %shift_right_logical3A = arith.constant 2 : i32
      %shift_right_logical3A_72 = vector.broadcast %shift_right_logical3A : i32 to vector<16xi32>
      %shift_right_logical3A_73 = arith.shrui %get3A_71, %shift_right_logical3A_72 : vector<16xi32>
      %mul3A_74 = arith.constant 16 : i32
      %mul3A_75 = arith.muli %scan3A_68, %mul3A_74 : i32
      %swap3A = arith.index_cast %mul3A_75 : i32 to index
      %swap3A_76 = tpu.vector_load %arg9[%swap3A] {strides = array<i32>} : memref<2560xi32, #tpu.memory_space<vmem>>, vector<16xi32>,
      tpu.vector_store %arg9[%swap3A], %shift_right_logical3A_73 {strides = array<i32>} : memref<2560xi32, #tpu.memory_space<vmem>>, vector<16xi32>,
      %and3A = arith.constant 3 : i32
      %and3A_77 = vector.broadcast %and3A : i32 to vector<16xi32>
      %and3A_78 = arith.andi %get3A_71, %and3A_77 : vector<16xi32>
      %shift_left3A = arith.constant 5 : i32
      %shift_left3A_79 = vector.broadcast %shift_left3A : i32 to vector<16xi32>
      %shift_left3A_80 = arith.shli %and3A_78, %shift_left3A_79 : vector<16xi32>
      %mul3A_81 = arith.constant 16 : i32
      %mul3A_82 = arith.muli %scan3A_68, %mul3A_81 : i32
      %swap3A_83 = arith.index_cast %mul3A_82 : i32 to index
      %swap3A_84 = tpu.vector_load %arg10[%swap3A_83] {strides = array<i32>} : memref<2560xi32, #tpu.memory_space<vmem>>, vector<16xi32>,
      tpu.vector_store %arg10[%swap3A_83], %shift_left3A_80 {strides = array<i32>} : memref<2560xi32, #tpu.memory_space<vmem>>, vector<16xi32>,
    }
    %scan3A_26 = arith.constant 160 : i32
    %dma_start3A = arith.constant 0 : i32
    %dma_start3A_27 = arith.constant 0 : i32
    %dma_start3A_28 = arith.constant 0 : i32
    %dma_start3A_29 = tpu.memref_slice %arg11[%dma_start3A, %dma_start3A_27, %dma_start3A_28] : memref<2x320x128xf32, #tpu.memory_space<vmem>> -> memref<1x128x128xf32, #tpu.memory_space<vmem>>
    %dma_start3A_30 = tpu.memref_squeeze %dma_start3A_29 : memref<1x128x128xf32, #tpu.memory_space<vmem>> -> memref<128x128xf32, #tpu.memory_space<vmem>>
    %dma_start3A_31 = arith.constant 0 : i32
    %dma_start3A_32 = tpu.memref_slice %arg9[%dma_start3A_31] : memref<2560xi32, #tpu.memory_space<vmem>> -> memref<128xi32, #tpu.memory_space<vmem>>
    %dma_start3A_33 = arith.constant 0 : i32
    %dma_start3A_34 = arith.constant 0 : i32
    %dma_start3A_35 = tpu.memref_slice %arg4[%dma_start3A_33, %dma_start3A_34] : memref<250000x128xf32, #tpu.memory_space<hbm>> -> memref<250000x128xf32, #tpu.memory_space<hbm>>
    tpu.enqueue_indirect_dma source(%dma_start3A_35 : memref<250000x128xf32, #tpu.memory_space<hbm>>) target(%dma_start3A_30 : memref<128x128xf32, #tpu.memory_space<vmem>>) offsets(%dma_start3A_32 : memref<128xi32, #tpu.memory_space<vmem>>) semaphore(%arg14 : memref<!tpu.dma_semaphore, #tpu.memory_space<semaphore_mem>>)
    %dma_start3A_36 = arith.constant 0 : i32
    %dma_start3A_37 = arith.constant 128 : i32
    %dma_start3A_38 = arith.constant 0 : i32
    %dma_start3A_39 = tpu.memref_slice %arg11[%dma_start3A_36, %dma_start3A_37, %dma_start3A_38] : memref<2x320x128xf32, #tpu.memory_space<vmem>> -> memref<1x128x128xf32, #tpu.memory_space<vmem>>
    %dma_start3A_40 = tpu.memref_squeeze %dma_start3A_39 : memref<1x128x128xf32, #tpu.memory_space<vmem>> -> memref<128x128xf32, #tpu.memory_space<vmem>>
    %dma_start3A_41 = arith.constant 128 : i32
    %dma_start3A_42 = tpu.memref_slice %arg9[%dma_start3A_41] : memref<2560xi32, #tpu.memory_space<vmem>> -> memref<128xi32, #tpu.memory_space<vmem>>
    %dma_start3A_43 = arith.constant 0 : i32
    %dma_start3A_44 = arith.constant 0 : i32
    %dma_start3A_45 = tpu.memref_slice %arg4[%dma_start3A_43, %dma_start3A_44] : memref<250000x128xf32, #tpu.memory_space<hbm>> -> memref<250000x128xf32, #tpu.memory_space<hbm>>
    tpu.enqueue_indirect_dma source(%dma_start3A_45 : memref<250000x128xf32, #tpu.memory_space<hbm>>) target(%dma_start3A_40 : memref<128x128xf32, #tpu.memory_space<vmem>>) offsets(%dma_start3A_42 : memref<128xi32, #tpu.memory_space<vmem>>) semaphore(%arg14 : memref<!tpu.dma_semaphore, #tpu.memory_space<semaphore_mem>>)
    %dma_start3A_46 = arith.constant 0 : i32
    %dma_start3A_47 = arith.constant 256 : i32
    %dma_start3A_48 = arith.constant 0 : i32
    %dma_start3A_49 = tpu.memref_slice %arg11[%dma_start3A_46, %dma_start3A_47, %dma_start3A_48] : memref<2x320x128xf32, #tpu.memory_space<vmem>> -> memref<1x64x128xf32, #tpu.memory_space<vmem>>
    %dma_start3A_50 = tpu.memref_squeeze %dma_start3A_49 : memref<1x64x128xf32, #tpu.memory_space<vmem>> -> memref<64x128xf32, #tpu.memory_space<vmem>>
    %dma_start3A_51 = arith.constant 256 : i32
    %dma_start3A_52 = tpu.memref_slice %arg9[%dma_start3A_51] : memref<2560xi32, #tpu.memory_space<vmem>> -> memref<64xi32, #tpu.memory_space<vmem>>
    %dma_start3A_53 = arith.constant 0 : i32
    %dma_start3A_54 = arith.constant 0 : i32
    %dma_start3A_55 = tpu.memref_slice %arg4[%dma_start3A_53, %dma_start3A_54] : memref<250000x128xf32, #tpu.memory_space<hbm>> -> memref<250000x128xf32, #tpu.memory_space<hbm>>
    tpu.enqueue_indirect_dma source(%dma_start3A_55 : memref<250000x128xf32, #tpu.memory_space<hbm>>) target(%dma_start3A_50 : memref<64x128xf32, #tpu.memory_space<vmem>>) offsets(%dma_start3A_52 : memref<64xi32, #tpu.memory_space<vmem>>) semaphore(%arg14 : memref<!tpu.dma_semaphore, #tpu.memory_space<semaphore_mem>>)
    %scan3A_56 = arith.constant 0 : i32
    %scan3A_57 = arith.constant 0 : i32
    %scan3A_58 = arith.constant 8 : i32
    %scan3A_59 = arith.addi %scan3A_57, %scan3A_58 : i32
    %scan3A_60 = arith.constant 1 : i32
    scf.for %scan3A_68 = %scan3A_57 to %scan3A_59 step %scan3A_60  : i32 {
      %jit3A = arith.constant 2 : i32
      %eq3A = arith.constant 0 : i32
      %eq3A_69 = arith.cmpi eq, %jit3A, %eq3A : i32
      %jit3A_70 = arith.constant 1 : i32
      %select_n3A = arith.select %eq3A_69, %jit3A_70, %jit3A : i32
      %rem3A = arith.remsi %scan3A_68, %select_n3A : i32
      %ne3A = arith.constant 0 : i32
      %ne3A_71 = arith.cmpi ne, %rem3A, %ne3A : i32
      %lt3A = arith.constant 0 : i32
      %lt3A_72 = arith.cmpi slt, %rem3A, %lt3A : i32
      %lt3A_73 = arith.constant 0 : i32
      %lt3A_74 = arith.cmpi slt, %select_n3A, %lt3A_73 : i32
      %ne3A_75 = arith.xori %lt3A_72, %lt3A_74 : i1
      %and3A = arith.andi %ne3A_75, %ne3A_71 : i1
      %add3A_76 = arith.addi %rem3A, %select_n3A : i32
      %select_n3A_77 = arith.select %and3A, %add3A_76, %rem3A : i32
      %mul3A_78 = arith.constant 320 : i32
      %mul3A_79 = arith.muli %scan3A_68, %mul3A_78 : i32
      %add3A_80 = arith.constant 128 : i32
      %add3A_81 = arith.addi %mul3A_79, %add3A_80 : i32
      %add3A_82 = arith.constant 256 : i32
      %add3A_83 = arith.addi %mul3A_79, %add3A_82 : i32
      %dma_wait3A = arith.constant 0 : i32
      %dma_wait3A_84 = arith.constant 0 : i32
      %dma_wait3A_85 = tpu.memref_slice %arg11[%select_n3A_77, %dma_wait3A, %dma_wait3A_84] : memref<2x320x128xf32, #tpu.memory_space<vmem>> -> memref<1x128x128xf32, #tpu.memory_space<vmem>>
      %dma_wait3A_86 = tpu.memref_squeeze %dma_wait3A_85 : memref<1x128x128xf32, #tpu.memory_space<vmem>> -> memref<128x128xf32, #tpu.memory_space<vmem>>
      %dma_wait3A_87 = tpu.memref_slice %arg9[%mul3A_79] : memref<2560xi32, #tpu.memory_space<vmem>> -> memref<128xi32, #tpu.memory_space<vmem>>
      %dma_wait3A_88 = arith.constant 0 : i32
      %dma_wait3A_89 = arith.constant 0 : i32
      %dma_wait3A_90 = tpu.memref_slice %arg4[%dma_wait3A_88, %dma_wait3A_89] : memref<250000x128xf32, #tpu.memory_space<hbm>> -> memref<250000x128xf32, #tpu.memory_space<hbm>>
      tpu.wait_indirect_dma semaphore(%arg14 : memref<!tpu.dma_semaphore, #tpu.memory_space<semaphore_mem>>) src(%dma_wait3A_90 : memref<250000x128xf32, #tpu.memory_space<hbm>>) dst(%dma_wait3A_86 : memref<128x128xf32, #tpu.memory_space<vmem>>)
      %dma_wait3A_91 = arith.constant 128 : i32
      %dma_wait3A_92 = arith.constant 0 : i32
      %dma_wait3A_93 = tpu.memref_slice %arg11[%select_n3A_77, %dma_wait3A_91, %dma_wait3A_92] : memref<2x320x128xf32, #tpu.memory_space<vmem>> -> memref<1x128x128xf32, #tpu.memory_space<vmem>>
      %dma_wait3A_94 = tpu.memref_squeeze %dma_wait3A_93 : memref<1x128x128xf32, #tpu.memory_space<vmem>> -> memref<128x128xf32, #tpu.memory_space<vmem>>
      %dma_wait3A_95 = tpu.memref_slice %arg9[%add3A_81] : memref<2560xi32, #tpu.memory_space<vmem>> -> memref<128xi32, #tpu.memory_space<vmem>>
      %dma_wait3A_96 = arith.constant 0 : i32
      %dma_wait3A_97 = arith.constant 0 : i32
      %dma_wait3A_98 = tpu.memref_slice %arg4[%dma_wait3A_96, %dma_wait3A_97] : memref<250000x128xf32, #tpu.memory_space<hbm>> -> memref<250000x128xf32, #tpu.memory_space<hbm>>
      tpu.wait_indirect_dma semaphore(%arg14 : memref<!tpu.dma_semaphore, #tpu.memory_space<semaphore_mem>>) src(%dma_wait3A_98 : memref<250000x128xf32, #tpu.memory_space<hbm>>) dst(%dma_wait3A_94 : memref<128x128xf32, #tpu.memory_space<vmem>>)
      %dma_wait3A_99 = arith.constant 256 : i32
      %dma_wait3A_100 = arith.constant 0 : i32
      %dma_wait3A_101 = tpu.memref_slice %arg11[%select_n3A_77, %dma_wait3A_99, %dma_wait3A_100] : memref<2x320x128xf32, #tpu.memory_space<vmem>> -> memref<1x64x128xf32, #tpu.memory_space<vmem>>
      %dma_wait3A_102 = tpu.memref_squeeze %dma_wait3A_101 : memref<1x64x128xf32, #tpu.memory_space<vmem>> -> memref<64x128xf32, #tpu.memory_space<vmem>>
      %dma_wait3A_103 = tpu.memref_slice %arg9[%add3A_83] : memref<2560xi32, #tpu.memory_space<vmem>> -> memref<64xi32, #tpu.memory_space<vmem>>
      %dma_wait3A_104 = arith.constant 0 : i32
      %dma_wait3A_105 = arith.constant 0 : i32
      %dma_wait3A_106 = tpu.memref_slice %arg4[%dma_wait3A_104, %dma_wait3A_105] : memref<250000x128xf32, #tpu.memory_space<hbm>> -> memref<250000x128xf32, #tpu.memory_space<hbm>>
      tpu.wait_indirect_dma semaphore(%arg14 : memref<!tpu.dma_semaphore, #tpu.memory_space<semaphore_mem>>) src(%dma_wait3A_106 : memref<250000x128xf32, #tpu.memory_space<hbm>>) dst(%dma_wait3A_102 : memref<64x128xf32, #tpu.memory_space<vmem>>)
      %add3A_107 = arith.constant 1 : i32
      %add3A_108 = arith.addi %scan3A_68, %add3A_107 : i32
      %lt3A_109 = arith.constant 8 : i32
      %lt3A_110 = arith.cmpi slt, %add3A_108, %lt3A_109 : i32
      %convert_element_type3A = arith.extui %lt3A_110 : i1 to i32
      %cond3A = arith.constant 0 : i32
      %cond3A_111 = arith.cmpi ne, %convert_element_type3A, %cond3A : i32
      scf.if %cond3A_111 {
        %add3A_206 = arith.constant 1 : i32
        %add3A_207 = arith.addi %scan3A_68, %add3A_206 : i32
        %sub3A = arith.constant 1 : i32
        %sub3A_208 = arith.subi %sub3A, %select_n3A_77 : i32
        %mul3A_209 = arith.constant 320 : i32
        %mul3A_210 = arith.muli %add3A_207, %mul3A_209 : i32
        %add3A_211 = arith.constant 128 : i32
        %add3A_212 = arith.addi %mul3A_210, %add3A_211 : i32
        %add3A_213 = arith.constant 256 : i32
        %add3A_214 = arith.addi %mul3A_210, %add3A_213 : i32
        %dma_start3A_215 = arith.constant 0 : i32
        %dma_start3A_216 = arith.constant 0 : i32
        %dma_start3A_217 = tpu.memref_slice %arg11[%sub3A_208, %dma_start3A_215, %dma_start3A_216] : memref<2x320x128xf32, #tpu.memory_space<vmem>> -> memref<1x128x128xf32, #tpu.memory_space<vmem>>
        %dma_start3A_218 = tpu.memref_squeeze %dma_start3A_217 : memref<1x128x128xf32, #tpu.memory_space<vmem>> -> memref<128x128xf32, #tpu.memory_space<vmem>>
        %dma_start3A_219 = tpu.memref_slice %arg9[%mul3A_210] : memref<2560xi32, #tpu.memory_space<vmem>> -> memref<128xi32, #tpu.memory_space<vmem>>
        %dma_start3A_220 = arith.constant 0 : i32
        %dma_start3A_221 = arith.constant 0 : i32
        %dma_start3A_222 = tpu.memref_slice %arg4[%dma_start3A_220, %dma_start3A_221] : memref<250000x128xf32, #tpu.memory_space<hbm>> -> memref<250000x128xf32, #tpu.memory_space<hbm>>
        tpu.enqueue_indirect_dma source(%dma_start3A_222 : memref<250000x128xf32, #tpu.memory_space<hbm>>) target(%dma_start3A_218 : memref<128x128xf32, #tpu.memory_space<vmem>>) offsets(%dma_start3A_219 : memref<128xi32, #tpu.memory_space<vmem>>) semaphore(%arg14 : memref<!tpu.dma_semaphore, #tpu.memory_space<semaphore_mem>>)
        %dma_start3A_223 = arith.constant 128 : i32
        %dma_start3A_224 = arith.constant 0 : i32
        %dma_start3A_225 = tpu.memref_slice %arg11[%sub3A_208, %dma_start3A_223, %dma_start3A_224] : memref<2x320x128xf32, #tpu.memory_space<vmem>> -> memref<1x128x128xf32, #tpu.memory_space<vmem>>
        %dma_start3A_226 = tpu.memref_squeeze %dma_start3A_225 : memref<1x128x128xf32, #tpu.memory_space<vmem>> -> memref<128x128xf32, #tpu.memory_space<vmem>>
        %dma_start3A_227 = tpu.memref_slice %arg9[%add3A_212] : memref<2560xi32, #tpu.memory_space<vmem>> -> memref<128xi32, #tpu.memory_space<vmem>>
        %dma_start3A_228 = arith.constant 0 : i32
        %dma_start3A_229 = arith.constant 0 : i32
        %dma_start3A_230 = tpu.memref_slice %arg4[%dma_start3A_228, %dma_start3A_229] : memref<250000x128xf32, #tpu.memory_space<hbm>> -> memref<250000x128xf32, #tpu.memory_space<hbm>>
        tpu.enqueue_indirect_dma source(%dma_start3A_230 : memref<250000x128xf32, #tpu.memory_space<hbm>>) target(%dma_start3A_226 : memref<128x128xf32, #tpu.memory_space<vmem>>) offsets(%dma_start3A_227 : memref<128xi32, #tpu.memory_space<vmem>>) semaphore(%arg14 : memref<!tpu.dma_semaphore, #tpu.memory_space<semaphore_mem>>)
        %dma_start3A_231 = arith.constant 256 : i32
        %dma_start3A_232 = arith.constant 0 : i32
        %dma_start3A_233 = tpu.memref_slice %arg11[%sub3A_208, %dma_start3A_231, %dma_start3A_232] : memref<2x320x128xf32, #tpu.memory_space<vmem>> -> memref<1x64x128xf32, #tpu.memory_space<vmem>>
        %dma_start3A_234 = tpu.memref_squeeze %dma_start3A_233 : memref<1x64x128xf32, #tpu.memory_space<vmem>> -> memref<64x128xf32, #tpu.memory_space<vmem>>
        %dma_start3A_235 = tpu.memref_slice %arg9[%add3A_214] : memref<2560xi32, #tpu.memory_space<vmem>> -> memref<64xi32, #tpu.memory_space<vmem>>
        %dma_start3A_236 = arith.constant 0 : i32
        %dma_start3A_237 = arith.constant 0 : i32
        %dma_start3A_238 = tpu.memref_slice %arg4[%dma_start3A_236, %dma_start3A_237] : memref<250000x128xf32, #tpu.memory_space<hbm>> -> memref<250000x128xf32, #tpu.memory_space<hbm>>
        tpu.enqueue_indirect_dma source(%dma_start3A_238 : memref<250000x128xf32, #tpu.memory_space<hbm>>) target(%dma_start3A_234 : memref<64x128xf32, #tpu.memory_space<vmem>>) offsets(%dma_start3A_235 : memref<64xi32, #tpu.memory_space<vmem>>) semaphore(%arg14 : memref<!tpu.dma_semaphore, #tpu.memory_space<semaphore_mem>>)
      } else {
      }
      %ge3A = arith.constant 2 : i32
      %ge3A_112 = arith.cmpi sge, %scan3A_68, %ge3A : i32
      %convert_element_type3A_113 = arith.extui %ge3A_112 : i1 to i32
      %cond3A_114 = arith.constant 0 : i32
      %cond3A_115 = arith.cmpi ne, %convert_element_type3A_113, %cond3A_114 : i32
      scf.if %cond3A_115 {
        %sub3A = arith.constant 2 : i32
        %sub3A_206 = arith.subi %scan3A_68, %sub3A : i32
        %mul3A_207 = arith.constant 16 : i32
        %mul3A_208 = arith.muli %sub3A_206, %mul3A_207 : i32
        %add3A_209 = arith.addi %mul3A_2, %mul3A_208 : i32
        %dma_wait3A_210 = arith.constant 0 : i32
        %dma_wait3A_211 = arith.constant 0 : i32
        %dma_wait3A_212 = arith.constant 0 : i32
        %dma_wait3A_213 = tpu.memref_slice %arg12[%select_n3A_77, %dma_wait3A_210, %dma_wait3A_211, %dma_wait3A_212] : memref<2x5x16x128xf32, #tpu.memory_space<vmem>> -> memref<1x1x16x128xf32, #tpu.memory_space<vmem>>
        %dma_wait3A_214 = tpu.memref_squeeze %dma_wait3A_213 : memref<1x1x16x128xf32, #tpu.memory_space<vmem>> -> memref<16x128xf32, #tpu.memory_space<vmem>>
        %dma_wait3A_215 = arith.constant 0 : i32
        %dma_wait3A_216 = tpu.memref_slice %arg5[%add3A_209, %dma_wait3A_215] : memref<4096x640xf32, #tpu.memory_space<hbm>> -> memref<16x128xf32, #tpu.memory_space<hbm>>
        %dma_wait3A_217 = arith.constant 0 : i32
        %dma_wait3A_218 = tpu.memref_slice %arg5[%add3A_209, %dma_wait3A_217] : memref<4096x640xf32, #tpu.memory_space<hbm>> -> memref<16x128xf32, #tpu.memory_space<hbm>>
        %dma_wait3A_219 = arith.constant 0 : i32
        %dma_wait3A_220 = arith.constant 0 : i32
        %dma_wait3A_221 = tpu.memref_slice %arg12[%select_n3A_77, %dma_wait3A_210, %dma_wait3A_219, %dma_wait3A_220] : memref<2x5x16x128xf32, #tpu.memory_space<vmem>> -> memref<1x1x16x128xf32, #tpu.memory_space<vmem>>
        %dma_wait3A_222 = tpu.memref_squeeze %dma_wait3A_221 : memref<1x1x16x128xf32, #tpu.memory_space<vmem>> -> memref<16x128xf32, #tpu.memory_space<vmem>>
        tpu.wait_dma2 semaphore(%arg15 : memref<!tpu.dma_semaphore, #tpu.memory_space<semaphore_mem>>) src(%dma_wait3A_222 : memref<16x128xf32, #tpu.memory_space<vmem>>) dst(%dma_wait3A_218 : memref<16x128xf32, #tpu.memory_space<hbm>>)
        %sub3A_223 = arith.constant 2 : i32
        %sub3A_224 = arith.subi %scan3A_68, %sub3A_223 : i32
        %mul3A_225 = arith.constant 16 : i32
        %mul3A_226 = arith.muli %sub3A_224, %mul3A_225 : i32
        %add3A_227 = arith.addi %mul3A_2, %mul3A_226 : i32
        %dma_wait3A_228 = arith.constant 1 : i32
        %dma_wait3A_229 = arith.constant 0 : i32
        %dma_wait3A_230 = arith.constant 0 : i32
        %dma_wait3A_231 = tpu.memref_slice %arg12[%select_n3A_77, %dma_wait3A_228, %dma_wait3A_229, %dma_wait3A_230] : memref<2x5x16x128xf32, #tpu.memory_space<vmem>> -> memref<1x1x16x128xf32, #tpu.memory_space<vmem>>
        %dma_wait3A_232 = tpu.memref_squeeze %dma_wait3A_231 : memref<1x1x16x128xf32, #tpu.memory_space<vmem>> -> memref<16x128xf32, #tpu.memory_space<vmem>>
        %dma_wait3A_233 = arith.constant 128 : i32
        %dma_wait3A_234 = tpu.memref_slice %arg5[%add3A_227, %dma_wait3A_233] : memref<4096x640xf32, #tpu.memory_space<hbm>> -> memref<16x128xf32, #tpu.memory_space<hbm>>
        %dma_wait3A_235 = arith.constant 128 : i32
        %dma_wait3A_236 = tpu.memref_slice %arg5[%add3A_227, %dma_wait3A_235] : memref<4096x640xf32, #tpu.memory_space<hbm>> -> memref<16x128xf32, #tpu.memory_space<hbm>>
        %dma_wait3A_237 = arith.constant 0 : i32
        %dma_wait3A_238 = arith.constant 0 : i32
        %dma_wait3A_239 = tpu.memref_slice %arg12[%select_n3A_77, %dma_wait3A_228, %dma_wait3A_237, %dma_wait3A_238] : memref<2x5x16x128xf32, #tpu.memory_space<vmem>> -> memref<1x1x16x128xf32, #tpu.memory_space<vmem>>
        %dma_wait3A_240 = tpu.memref_squeeze %dma_wait3A_239 : memref<1x1x16x128xf32, #tpu.memory_space<vmem>> -> memref<16x128xf32, #tpu.memory_space<vmem>>
        tpu.wait_dma2 semaphore(%arg15 : memref<!tpu.dma_semaphore, #tpu.memory_space<semaphore_mem>>) src(%dma_wait3A_240 : memref<16x128xf32, #tpu.memory_space<vmem>>) dst(%dma_wait3A_236 : memref<16x128xf32, #tpu.memory_space<hbm>>)
        %sub3A_241 = arith.constant 2 : i32
        %sub3A_242 = arith.subi %scan3A_68, %sub3A_241 : i32
        %mul3A_243 = arith.constant 16 : i32
        %mul3A_244 = arith.muli %sub3A_242, %mul3A_243 : i32
        %add3A_245 = arith.addi %mul3A_2, %mul3A_244 : i32
        %dma_wait3A_246 = arith.constant 2 : i32
        %dma_wait3A_247 = arith.constant 0 : i32
        %dma_wait3A_248 = arith.constant 0 : i32
        %dma_wait3A_249 = tpu.memref_slice %arg12[%select_n3A_77, %dma_wait3A_246, %dma_wait3A_247, %dma_wait3A_248] : memref<2x5x16x128xf32, #tpu.memory_space<vmem>> -> memref<1x1x16x128xf32, #tpu.memory_space<vmem>>
        %dma_wait3A_250 = tpu.memref_squeeze %dma_wait3A_249 : memref<1x1x16x128xf32, #tpu.memory_space<vmem>> -> memref<16x128xf32, #tpu.memory_space<vmem>>
        %dma_wait3A_251 = arith.constant 256 : i32
        %dma_wait3A_252 = tpu.memref_slice %arg5[%add3A_245, %dma_wait3A_251] : memref<4096x640xf32, #tpu.memory_space<hbm>> -> memref<16x128xf32, #tpu.memory_space<hbm>>
        %dma_wait3A_253 = arith.constant 256 : i32
        %dma_wait3A_254 = tpu.memref_slice %arg5[%add3A_245, %dma_wait3A_253] : memref<4096x640xf32, #tpu.memory_space<hbm>> -> memref<16x128xf32, #tpu.memory_space<hbm>>
        %dma_wait3A_255 = arith.constant 0 : i32
        %dma_wait3A_256 = arith.constant 0 : i32
        %dma_wait3A_257 = tpu.memref_slice %arg12[%select_n3A_77, %dma_wait3A_246, %dma_wait3A_255, %dma_wait3A_256] : memref<2x5x16x128xf32, #tpu.memory_space<vmem>> -> memref<1x1x16x128xf32, #tpu.memory_space<vmem>>
        %dma_wait3A_258 = tpu.memref_squeeze %dma_wait3A_257 : memref<1x1x16x128xf32, #tpu.memory_space<vmem>> -> memref<16x128xf32, #tpu.memory_space<vmem>>
        tpu.wait_dma2 semaphore(%arg15 : memref<!tpu.dma_semaphore, #tpu.memory_space<semaphore_mem>>) src(%dma_wait3A_258 : memref<16x128xf32, #tpu.memory_space<vmem>>) dst(%dma_wait3A_254 : memref<16x128xf32, #tpu.memory_space<hbm>>)
        %sub3A_259 = arith.constant 2 : i32
        %sub3A_260 = arith.subi %scan3A_68, %sub3A_259 : i32
        %mul3A_261 = arith.constant 16 : i32
        %mul3A_262 = arith.muli %sub3A_260, %mul3A_261 : i32
        %add3A_263 = arith.addi %mul3A_2, %mul3A_262 : i32
        %dma_wait3A_264 = arith.constant 3 : i32
        %dma_wait3A_265 = arith.constant 0 : i32
        %dma_wait3A_266 = arith.constant 0 : i32
        %dma_wait3A_267 = tpu.memref_slice %arg12[%select_n3A_77, %dma_wait3A_264, %dma_wait3A_265, %dma_wait3A_266] : memref<2x5x16x128xf32, #tpu.memory_space<vmem>> -> memref<1x1x16x128xf32, #tpu.memory_space<vmem>>
        %dma_wait3A_268 = tpu.memref_squeeze %dma_wait3A_267 : memref<1x1x16x128xf32, #tpu.memory_space<vmem>> -> memref<16x128xf32, #tpu.memory_space<vmem>>
        %dma_wait3A_269 = arith.constant 384 : i32
        %dma_wait3A_270 = tpu.memref_slice %arg5[%add3A_263, %dma_wait3A_269] : memref<4096x640xf32, #tpu.memory_space<hbm>> -> memref<16x128xf32, #tpu.memory_space<hbm>>
        %dma_wait3A_271 = arith.constant 384 : i32
        %dma_wait3A_272 = tpu.memref_slice %arg5[%add3A_263, %dma_wait3A_271] : memref<4096x640xf32, #tpu.memory_space<hbm>> -> memref<16x128xf32, #tpu.memory_space<hbm>>
        %dma_wait3A_273 = arith.constant 0 : i32
        %dma_wait3A_274 = arith.constant 0 : i32
        %dma_wait3A_275 = tpu.memref_slice %arg12[%select_n3A_77, %dma_wait3A_264, %dma_wait3A_273, %dma_wait3A_274] : memref<2x5x16x128xf32, #tpu.memory_space<vmem>> -> memref<1x1x16x128xf32, #tpu.memory_space<vmem>>
        %dma_wait3A_276 = tpu.memref_squeeze %dma_wait3A_275 : memref<1x1x16x128xf32, #tpu.memory_space<vmem>> -> memref<16x128xf32, #tpu.memory_space<vmem>>
        tpu.wait_dma2 semaphore(%arg15 : memref<!tpu.dma_semaphore, #tpu.memory_space<semaphore_mem>>) src(%dma_wait3A_276 : memref<16x128xf32, #tpu.memory_space<vmem>>) dst(%dma_wait3A_272 : memref<16x128xf32, #tpu.memory_space<hbm>>)
        %sub3A_277 = arith.constant 2 : i32
        %sub3A_278 = arith.subi %scan3A_68, %sub3A_277 : i32
        %mul3A_279 = arith.constant 16 : i32
        %mul3A_280 = arith.muli %sub3A_278, %mul3A_279 : i32
        %add3A_281 = arith.addi %mul3A_2, %mul3A_280 : i32
        %dma_wait3A_282 = arith.constant 4 : i32
        %dma_wait3A_283 = arith.constant 0 : i32
        %dma_wait3A_284 = arith.constant 0 : i32
        %dma_wait3A_285 = tpu.memref_slice %arg12[%select_n3A_77, %dma_wait3A_282, %dma_wait3A_283, %dma_wait3A_284] : memref<2x5x16x128xf32, #tpu.memory_space<vmem>> -> memref<1x1x16x128xf32, #tpu.memory_space<vmem>>
        %dma_wait3A_286 = tpu.memref_squeeze %dma_wait3A_285 : memref<1x1x16x128xf32, #tpu.memory_space<vmem>> -> memref<16x128xf32, #tpu.memory_space<vmem>>
        %dma_wait3A_287 = arith.constant 512 : i32
        %dma_wait3A_288 = tpu.memref_slice %arg5[%add3A_281, %dma_wait3A_287] : memref<4096x640xf32, #tpu.memory_space<hbm>> -> memref<16x128xf32, #tpu.memory_space<hbm>>
        %dma_wait3A_289 = arith.constant 512 : i32
        %dma_wait3A_290 = tpu.memref_slice %arg5[%add3A_281, %dma_wait3A_289] : memref<4096x640xf32, #tpu.memory_space<hbm>> -> memref<16x128xf32, #tpu.memory_space<hbm>>
        %dma_wait3A_291 = arith.constant 0 : i32
        %dma_wait3A_292 = arith.constant 0 : i32
        %dma_wait3A_293 = tpu.memref_slice %arg12[%select_n3A_77, %dma_wait3A_282, %dma_wait3A_291, %dma_wait3A_292] : memref<2x5x16x128xf32, #tpu.memory_space<vmem>> -> memref<1x1x16x128xf32, #tpu.memory_space<vmem>>
        %dma_wait3A_294 = tpu.memref_squeeze %dma_wait3A_293 : memref<1x1x16x128xf32, #tpu.memory_space<vmem>> -> memref<16x128xf32, #tpu.memory_space<vmem>>
        tpu.wait_dma2 semaphore(%arg15 : memref<!tpu.dma_semaphore, #tpu.memory_space<semaphore_mem>>) src(%dma_wait3A_294 : memref<16x128xf32, #tpu.memory_space<vmem>>) dst(%dma_wait3A_290 : memref<16x128xf32, #tpu.memory_space<hbm>>)
      } else {
      }
      %mul3A_116 = arith.constant 320 : i32
      %mul3A_117 = arith.muli %scan3A_68, %mul3A_116 : i32
      %broadcast_in_dim3A_118 = arith.constant 0 : i32
      %broadcast_in_dim3A_119 = vector.broadcast %broadcast_in_dim3A_118 : i32 to vector<16xi32>
      %scan3A_120 = arith.constant 0 : i32
      %scan3A_121 = arith.constant 20 : i32
      %scan3A_122 = arith.addi %scan3A_120, %scan3A_121 : i32
      %scan3A_123 = arith.constant 1 : i32
      %scan3A_124:2 = scf.for %scan3A_206 = %scan3A_120 to %scan3A_122 step %scan3A_123 iter_args(%scan3A_207 = %broadcast_in_dim3A_119, %scan3A_208 = %iota3A) -> (vector<16xi32>, vector<16xi32>)  : i32 {
        %mul3A_209 = arith.constant 16 : i32
        %mul3A_210 = arith.muli %scan3A_206, %mul3A_209 : i32
        %add3A_211 = vector.broadcast %mul3A_210 : i32 to vector<16xi32>
        %add3A_212 = arith.addi %add3A_211, %iota3A : vector<16xi32>
        %mul3A_213 = arith.constant 16 : i32
        %mul3A_214 = arith.muli %scan3A_206, %mul3A_213 : i32
        %add3A_215 = arith.addi %mul3A_117, %mul3A_214 : i32
        %get3A = arith.index_cast %add3A_215 : i32 to index
        %get3A_216 = tpu.vector_load %arg8[%get3A] {strides = array<i32>} : memref<2560xf32, #tpu.memory_space<vmem>>, vector<16xf32>,
        %mul3A_217 = arith.constant 16 : i32
        %mul3A_218 = arith.muli %scan3A_206, %mul3A_217 : i32
        %add3A_219 = arith.addi %mul3A_117, %mul3A_218 : i32
        %get3A_220 = arith.index_cast %add3A_219 : i32 to index
        %get3A_221 = tpu.vector_load %arg10[%get3A_220] {strides = array<i32>} : memref<2560xi32, #tpu.memory_space<vmem>>, vector<16xi32>,
        %shift_right_logical3A = arith.constant 2 : i32
        %shift_right_logical3A_222 = vector.broadcast %shift_right_logical3A : i32 to vector<16xi32>
        %shift_right_logical3A_223 = arith.shrui %scan3A_208, %shift_right_logical3A_222 : vector<16xi32>
        %and3A_224 = arith.constant 3 : i32
        %and3A_225 = vector.broadcast %and3A_224 : i32 to vector<16xi32>
        %and3A_226 = arith.andi %scan3A_208, %and3A_225 : vector<16xi32>
        %shift_left3A = arith.constant 5 : i32
        %shift_left3A_227 = vector.broadcast %shift_left3A : i32 to vector<16xi32>
        %shift_left3A_228 = arith.shli %and3A_226, %shift_left3A_227 : vector<16xi32>
        %broadcast_in_dim3A_229 = vector.broadcast %select_n3A_77 : i32 to vector<16xi32>
        %add3A_230 = arith.constant 0 : i32
        %add3A_231 = vector.broadcast %add3A_230 : i32 to vector<16xi32>
        %add3A_232 = arith.addi %get3A_221, %add3A_231 : vector<16xi32>
        %gather3A = tpu.vector_load_idx %arg11[%broadcast_in_dim3A_229, %add3A_212, %add3A_232] : memref<2x320x128xf32, #tpu.memory_space<vmem>>[vector<16xi32>, vector<16xi32>, vector<16xi32>], vector<16xf32>,
        %add3A_233 = arith.constant 0 : i32
        %add3A_234 = vector.broadcast %add3A_233 : i32 to vector<16xi32>
        %add3A_235 = arith.addi %shift_left3A_228, %add3A_234 : vector<16xi32>
        %mul3A_236 = arith.mulf %gather3A, %get3A_216 : vector<16xf32>
        tpu.vector_store_idx %arg12[%broadcast_in_dim3A_229, %shift_right_logical3A_223, %scan3A_207, %add3A_235], %mul3A_236 : memref<2x5x16x128xf32, #tpu.memory_space<vmem>>[vector<16xi32>, vector<16xi32>, vector<16xi32>, vector<16xi32>], vector<16xf32>,
        %add3A_237 = arith.constant 1 : i32
        %add3A_238 = vector.broadcast %add3A_237 : i32 to vector<16xi32>
        %add3A_239 = arith.addi %get3A_221, %add3A_238 : vector<16xi32>
        %gather3A_240 = tpu.vector_load_idx %arg11[%broadcast_in_dim3A_229, %add3A_212, %add3A_239] : memref<2x320x128xf32, #tpu.memory_space<vmem>>[vector<16xi32>, vector<16xi32>, vector<16xi32>], vector<16xf32>,
        %add3A_241 = arith.constant 1 : i32
        %add3A_242 = vector.broadcast %add3A_241 : i32 to vector<16xi32>
        %add3A_243 = arith.addi %shift_left3A_228, %add3A_242 : vector<16xi32>
        %mul3A_244 = arith.mulf %gather3A_240, %get3A_216 : vector<16xf32>
        tpu.vector_store_idx %arg12[%broadcast_in_dim3A_229, %shift_right_logical3A_223, %scan3A_207, %add3A_243], %mul3A_244 : memref<2x5x16x128xf32, #tpu.memory_space<vmem>>[vector<16xi32>, vector<16xi32>, vector<16xi32>, vector<16xi32>], vector<16xf32>,
        %add3A_245 = arith.constant 2 : i32
        %add3A_246 = vector.broadcast %add3A_245 : i32 to vector<16xi32>
        %add3A_247 = arith.addi %get3A_221, %add3A_246 : vector<16xi32>
        %gather3A_248 = tpu.vector_load_idx %arg11[%broadcast_in_dim3A_229, %add3A_212, %add3A_247] : memref<2x320x128xf32, #tpu.memory_space<vmem>>[vector<16xi32>, vector<16xi32>, vector<16xi32>], vector<16xf32>,
        %add3A_249 = arith.constant 2 : i32
        %add3A_250 = vector.broadcast %add3A_249 : i32 to vector<16xi32>
        %add3A_251 = arith.addi %shift_left3A_228, %add3A_250 : vector<16xi32>
        %mul3A_252 = arith.mulf %gather3A_248, %get3A_216 : vector<16xf32>
        tpu.vector_store_idx %arg12[%broadcast_in_dim3A_229, %shift_right_logical3A_223, %scan3A_207, %add3A_251], %mul3A_252 : memref<2x5x16x128xf32, #tpu.memory_space<vmem>>[vector<16xi32>, vector<16xi32>, vector<16xi32>, vector<16xi32>], vector<16xf32>,
        %add3A_253 = arith.constant 3 : i32
        %add3A_254 = vector.broadcast %add3A_253 : i32 to vector<16xi32>
        %add3A_255 = arith.addi %get3A_221, %add3A_254 : vector<16xi32>
        %gather3A_256 = tpu.vector_load_idx %arg11[%broadcast_in_dim3A_229, %add3A_212, %add3A_255] : memref<2x320x128xf32, #tpu.memory_space<vmem>>[vector<16xi32>, vector<16xi32>, vector<16xi32>], vector<16xf32>,
        %add3A_257 = arith.constant 3 : i32
        %add3A_258 = vector.broadcast %add3A_257 : i32 to vector<16xi32>
        %add3A_259 = arith.addi %shift_left3A_228, %add3A_258 : vector<16xi32>
        %mul3A_260 = arith.mulf %gather3A_256, %get3A_216 : vector<16xf32>
        tpu.vector_store_idx %arg12[%broadcast_in_dim3A_229, %shift_right_logical3A_223, %scan3A_207, %add3A_259], %mul3A_260 : memref<2x5x16x128xf32, #tpu.memory_space<vmem>>[vector<16xi32>, vector<16xi32>, vector<16xi32>, vector<16xi32>], vector<16xf32>,
        %add3A_261 = arith.constant 4 : i32
        %add3A_262 = vector.broadcast %add3A_261 : i32 to vector<16xi32>
        %add3A_263 = arith.addi %get3A_221, %add3A_262 : vector<16xi32>
        %gather3A_264 = tpu.vector_load_idx %arg11[%broadcast_in_dim3A_229, %add3A_212, %add3A_263] : memref<2x320x128xf32, #tpu.memory_space<vmem>>[vector<16xi32>, vector<16xi32>, vector<16xi32>], vector<16xf32>,
        %add3A_265 = arith.constant 4 : i32
        %add3A_266 = vector.broadcast %add3A_265 : i32 to vector<16xi32>
        %add3A_267 = arith.addi %shift_left3A_228, %add3A_266 : vector<16xi32>
        %mul3A_268 = arith.mulf %gather3A_264, %get3A_216 : vector<16xf32>
        tpu.vector_store_idx %arg12[%broadcast_in_dim3A_229, %shift_right_logical3A_223, %scan3A_207, %add3A_267], %mul3A_268 : memref<2x5x16x128xf32, #tpu.memory_space<vmem>>[vector<16xi32>, vector<16xi32>, vector<16xi32>, vector<16xi32>], vector<16xf32>,
        %add3A_269 = arith.constant 5 : i32
        %add3A_270 = vector.broadcast %add3A_269 : i32 to vector<16xi32>
        %add3A_271 = arith.addi %get3A_221, %add3A_270 : vector<16xi32>
        %gather3A_272 = tpu.vector_load_idx %arg11[%broadcast_in_dim3A_229, %add3A_212, %add3A_271] : memref<2x320x128xf32, #tpu.memory_space<vmem>>[vector<16xi32>, vector<16xi32>, vector<16xi32>], vector<16xf32>,
        %add3A_273 = arith.constant 5 : i32
        %add3A_274 = vector.broadcast %add3A_273 : i32 to vector<16xi32>
        %add3A_275 = arith.addi %shift_left3A_228, %add3A_274 : vector<16xi32>
        %mul3A_276 = arith.mulf %gather3A_272, %get3A_216 : vector<16xf32>
        tpu.vector_store_idx %arg12[%broadcast_in_dim3A_229, %shift_right_logical3A_223, %scan3A_207, %add3A_275], %mul3A_276 : memref<2x5x16x128xf32, #tpu.memory_space<vmem>>[vector<16xi32>, vector<16xi32>, vector<16xi32>, vector<16xi32>], vector<16xf32>,
        %add3A_277 = arith.constant 6 : i32
        %add3A_278 = vector.broadcast %add3A_277 : i32 to vector<16xi32>
        %add3A_279 = arith.addi %get3A_221, %add3A_278 : vector<16xi32>
        %gather3A_280 = tpu.vector_load_idx %arg11[%broadcast_in_dim3A_229, %add3A_212, %add3A_279] : memref<2x320x128xf32, #tpu.memory_space<vmem>>[vector<16xi32>, vector<16xi32>, vector<16xi32>], vector<16xf32>,
        %add3A_281 = arith.constant 6 : i32
        %add3A_282 = vector.broadcast %add3A_281 : i32 to vector<16xi32>
        %add3A_283 = arith.addi %shift_left3A_228, %add3A_282 : vector<16xi32>
        %mul3A_284 = arith.mulf %gather3A_280, %get3A_216 : vector<16xf32>
        tpu.vector_store_idx %arg12[%broadcast_in_dim3A_229, %shift_right_logical3A_223, %scan3A_207, %add3A_283], %mul3A_284 : memref<2x5x16x128xf32, #tpu.memory_space<vmem>>[vector<16xi32>, vector<16xi32>, vector<16xi32>, vector<16xi32>], vector<16xf32>,
        %add3A_285 = arith.constant 7 : i32
        %add3A_286 = vector.broadcast %add3A_285 : i32 to vector<16xi32>
        %add3A_287 = arith.addi %get3A_221, %add3A_286 : vector<16xi32>
        %gather3A_288 = tpu.vector_load_idx %arg11[%broadcast_in_dim3A_229, %add3A_212, %add3A_287] : memref<2x320x128xf32, #tpu.memory_space<vmem>>[vector<16xi32>, vector<16xi32>, vector<16xi32>], vector<16xf32>,
        %add3A_289 = arith.constant 7 : i32
        %add3A_290 = vector.broadcast %add3A_289 : i32 to vector<16xi32>
        %add3A_291 = arith.addi %shift_left3A_228, %add3A_290 : vector<16xi32>
        %mul3A_292 = arith.mulf %gather3A_288, %get3A_216 : vector<16xf32>
        tpu.vector_store_idx %arg12[%broadcast_in_dim3A_229, %shift_right_logical3A_223, %scan3A_207, %add3A_291], %mul3A_292 : memref<2x5x16x128xf32, #tpu.memory_space<vmem>>[vector<16xi32>, vector<16xi32>, vector<16xi32>, vector<16xi32>], vector<16xf32>,
        %add3A_293 = arith.constant 8 : i32
        %add3A_294 = vector.broadcast %add3A_293 : i32 to vector<16xi32>
        %add3A_295 = arith.addi %get3A_221, %add3A_294 : vector<16xi32>
        %gather3A_296 = tpu.vector_load_idx %arg11[%broadcast_in_dim3A_229, %add3A_212, %add3A_295] : memref<2x320x128xf32, #tpu.memory_space<vmem>>[vector<16xi32>, vector<16xi32>, vector<16xi32>], vector<16xf32>,
        %add3A_297 = arith.constant 8 : i32
        %add3A_298 = vector.broadcast %add3A_297 : i32 to vector<16xi32>
        %add3A_299 = arith.addi %shift_left3A_228, %add3A_298 : vector<16xi32>
        %mul3A_300 = arith.mulf %gather3A_296, %get3A_216 : vector<16xf32>
        tpu.vector_store_idx %arg12[%broadcast_in_dim3A_229, %shift_right_logical3A_223, %scan3A_207, %add3A_299], %mul3A_300 : memref<2x5x16x128xf32, #tpu.memory_space<vmem>>[vector<16xi32>, vector<16xi32>, vector<16xi32>, vector<16xi32>], vector<16xf32>,
        %add3A_301 = arith.constant 9 : i32
        %add3A_302 = vector.broadcast %add3A_301 : i32 to vector<16xi32>
        %add3A_303 = arith.addi %get3A_221, %add3A_302 : vector<16xi32>
        %gather3A_304 = tpu.vector_load_idx %arg11[%broadcast_in_dim3A_229, %add3A_212, %add3A_303] : memref<2x320x128xf32, #tpu.memory_space<vmem>>[vector<16xi32>, vector<16xi32>, vector<16xi32>], vector<16xf32>,
        %add3A_305 = arith.constant 9 : i32
        %add3A_306 = vector.broadcast %add3A_305 : i32 to vector<16xi32>
        %add3A_307 = arith.addi %shift_left3A_228, %add3A_306 : vector<16xi32>
        %mul3A_308 = arith.mulf %gather3A_304, %get3A_216 : vector<16xf32>
        tpu.vector_store_idx %arg12[%broadcast_in_dim3A_229, %shift_right_logical3A_223, %scan3A_207, %add3A_307], %mul3A_308 : memref<2x5x16x128xf32, #tpu.memory_space<vmem>>[vector<16xi32>, vector<16xi32>, vector<16xi32>, vector<16xi32>], vector<16xf32>,
        %add3A_309 = arith.constant 10 : i32
        %add3A_310 = vector.broadcast %add3A_309 : i32 to vector<16xi32>
        %add3A_311 = arith.addi %get3A_221, %add3A_310 : vector<16xi32>
        %gather3A_312 = tpu.vector_load_idx %arg11[%broadcast_in_dim3A_229, %add3A_212, %add3A_311] : memref<2x320x128xf32, #tpu.memory_space<vmem>>[vector<16xi32>, vector<16xi32>, vector<16xi32>], vector<16xf32>,
        %add3A_313 = arith.constant 10 : i32
        %add3A_314 = vector.broadcast %add3A_313 : i32 to vector<16xi32>
        %add3A_315 = arith.addi %shift_left3A_228, %add3A_314 : vector<16xi32>
        %mul3A_316 = arith.mulf %gather3A_312, %get3A_216 : vector<16xf32>
        tpu.vector_store_idx %arg12[%broadcast_in_dim3A_229, %shift_right_logical3A_223, %scan3A_207, %add3A_315], %mul3A_316 : memref<2x5x16x128xf32, #tpu.memory_space<vmem>>[vector<16xi32>, vector<16xi32>, vector<16xi32>, vector<16xi32>], vector<16xf32>,
        %add3A_317 = arith.constant 11 : i32
        %add3A_318 = vector.broadcast %add3A_317 : i32 to vector<16xi32>
        %add3A_319 = arith.addi %get3A_221, %add3A_318 : vector<16xi32>
        %gather3A_320 = tpu.vector_load_idx %arg11[%broadcast_in_dim3A_229, %add3A_212, %add3A_319] : memref<2x320x128xf32, #tpu.memory_space<vmem>>[vector<16xi32>, vector<16xi32>, vector<16xi32>], vector<16xf32>,
        %add3A_321 = arith.constant 11 : i32
        %add3A_322 = vector.broadcast %add3A_321 : i32 to vector<16xi32>
        %add3A_323 = arith.addi %shift_left3A_228, %add3A_322 : vector<16xi32>
        %mul3A_324 = arith.mulf %gather3A_320, %get3A_216 : vector<16xf32>
        tpu.vector_store_idx %arg12[%broadcast_in_dim3A_229, %shift_right_logical3A_223, %scan3A_207, %add3A_323], %mul3A_324 : memref<2x5x16x128xf32, #tpu.memory_space<vmem>>[vector<16xi32>, vector<16xi32>, vector<16xi32>, vector<16xi32>], vector<16xf32>,
        %add3A_325 = arith.constant 12 : i32
        %add3A_326 = vector.broadcast %add3A_325 : i32 to vector<16xi32>
        %add3A_327 = arith.addi %get3A_221, %add3A_326 : vector<16xi32>
        %gather3A_328 = tpu.vector_load_idx %arg11[%broadcast_in_dim3A_229, %add3A_212, %add3A_327] : memref<2x320x128xf32, #tpu.memory_space<vmem>>[vector<16xi32>, vector<16xi32>, vector<16xi32>], vector<16xf32>,
        %add3A_329 = arith.constant 12 : i32
        %add3A_330 = vector.broadcast %add3A_329 : i32 to vector<16xi32>
        %add3A_331 = arith.addi %shift_left3A_228, %add3A_330 : vector<16xi32>
        %mul3A_332 = arith.mulf %gather3A_328, %get3A_216 : vector<16xf32>
        tpu.vector_store_idx %arg12[%broadcast_in_dim3A_229, %shift_right_logical3A_223, %scan3A_207, %add3A_331], %mul3A_332 : memref<2x5x16x128xf32, #tpu.memory_space<vmem>>[vector<16xi32>, vector<16xi32>, vector<16xi32>, vector<16xi32>], vector<16xf32>,
        %add3A_333 = arith.constant 13 : i32
        %add3A_334 = vector.broadcast %add3A_333 : i32 to vector<16xi32>
        %add3A_335 = arith.addi %get3A_221, %add3A_334 : vector<16xi32>
        %gather3A_336 = tpu.vector_load_idx %arg11[%broadcast_in_dim3A_229, %add3A_212, %add3A_335] : memref<2x320x128xf32, #tpu.memory_space<vmem>>[vector<16xi32>, vector<16xi32>, vector<16xi32>], vector<16xf32>,
        %add3A_337 = arith.constant 13 : i32
        %add3A_338 = vector.broadcast %add3A_337 : i32 to vector<16xi32>
        %add3A_339 = arith.addi %shift_left3A_228, %add3A_338 : vector<16xi32>
        %mul3A_340 = arith.mulf %gather3A_336, %get3A_216 : vector<16xf32>
        tpu.vector_store_idx %arg12[%broadcast_in_dim3A_229, %shift_right_logical3A_223, %scan3A_207, %add3A_339], %mul3A_340 : memref<2x5x16x128xf32, #tpu.memory_space<vmem>>[vector<16xi32>, vector<16xi32>, vector<16xi32>, vector<16xi32>], vector<16xf32>,
        %add3A_341 = arith.constant 14 : i32
        %add3A_342 = vector.broadcast %add3A_341 : i32 to vector<16xi32>
        %add3A_343 = arith.addi %get3A_221, %add3A_342 : vector<16xi32>
        %gather3A_344 = tpu.vector_load_idx %arg11[%broadcast_in_dim3A_229, %add3A_212, %add3A_343] : memref<2x320x128xf32, #tpu.memory_space<vmem>>[vector<16xi32>, vector<16xi32>, vector<16xi32>], vector<16xf32>,
        %add3A_345 = arith.constant 14 : i32
        %add3A_346 = vector.broadcast %add3A_345 : i32 to vector<16xi32>
        %add3A_347 = arith.addi %shift_left3A_228, %add3A_346 : vector<16xi32>
        %mul3A_348 = arith.mulf %gather3A_344, %get3A_216 : vector<16xf32>
        tpu.vector_store_idx %arg12[%broadcast_in_dim3A_229, %shift_right_logical3A_223, %scan3A_207, %add3A_347], %mul3A_348 : memref<2x5x16x128xf32, #tpu.memory_space<vmem>>[vector<16xi32>, vector<16xi32>, vector<16xi32>, vector<16xi32>], vector<16xf32>,
        %add3A_349 = arith.constant 15 : i32
        %add3A_350 = vector.broadcast %add3A_349 : i32 to vector<16xi32>
        %add3A_351 = arith.addi %get3A_221, %add3A_350 : vector<16xi32>
        %gather3A_352 = tpu.vector_load_idx %arg11[%broadcast_in_dim3A_229, %add3A_212, %add3A_351] : memref<2x320x128xf32, #tpu.memory_space<vmem>>[vector<16xi32>, vector<16xi32>, vector<16xi32>], vector<16xf32>,
        %add3A_353 = arith.constant 15 : i32
        %add3A_354 = vector.broadcast %add3A_353 : i32 to vector<16xi32>
        %add3A_355 = arith.addi %shift_left3A_228, %add3A_354 : vector<16xi32>
        %mul3A_356 = arith.mulf %gather3A_352, %get3A_216 : vector<16xf32>
        tpu.vector_store_idx %arg12[%broadcast_in_dim3A_229, %shift_right_logical3A_223, %scan3A_207, %add3A_355], %mul3A_356 : memref<2x5x16x128xf32, #tpu.memory_space<vmem>>[vector<16xi32>, vector<16xi32>, vector<16xi32>, vector<16xi32>], vector<16xf32>,
        %add3A_357 = arith.constant 16 : i32
        %add3A_358 = vector.broadcast %add3A_357 : i32 to vector<16xi32>
        %add3A_359 = arith.addi %get3A_221, %add3A_358 : vector<16xi32>
        %gather3A_360 = tpu.vector_load_idx %arg11[%broadcast_in_dim3A_229, %add3A_212, %add3A_359] : memref<2x320x128xf32, #tpu.memory_space<vmem>>[vector<16xi32>, vector<16xi32>, vector<16xi32>], vector<16xf32>,
        %add3A_361 = arith.constant 16 : i32
        %add3A_362 = vector.broadcast %add3A_361 : i32 to vector<16xi32>
        %add3A_363 = arith.addi %shift_left3A_228, %add3A_362 : vector<16xi32>
        %mul3A_364 = arith.mulf %gather3A_360, %get3A_216 : vector<16xf32>
        tpu.vector_store_idx %arg12[%broadcast_in_dim3A_229, %shift_right_logical3A_223, %scan3A_207, %add3A_363], %mul3A_364 : memref<2x5x16x128xf32, #tpu.memory_space<vmem>>[vector<16xi32>, vector<16xi32>, vector<16xi32>, vector<16xi32>], vector<16xf32>,
        %add3A_365 = arith.constant 17 : i32
        %add3A_366 = vector.broadcast %add3A_365 : i32 to vector<16xi32>
        %add3A_367 = arith.addi %get3A_221, %add3A_366 : vector<16xi32>
        %gather3A_368 = tpu.vector_load_idx %arg11[%broadcast_in_dim3A_229, %add3A_212, %add3A_367] : memref<2x320x128xf32, #tpu.memory_space<vmem>>[vector<16xi32>, vector<16xi32>, vector<16xi32>], vector<16xf32>,
        %add3A_369 = arith.constant 17 : i32
        %add3A_370 = vector.broadcast %add3A_369 : i32 to vector<16xi32>
        %add3A_371 = arith.addi %shift_left3A_228, %add3A_370 : vector<16xi32>
        %mul3A_372 = arith.mulf %gather3A_368, %get3A_216 : vector<16xf32>
        tpu.vector_store_idx %arg12[%broadcast_in_dim3A_229, %shift_right_logical3A_223, %scan3A_207, %add3A_371], %mul3A_372 : memref<2x5x16x128xf32, #tpu.memory_space<vmem>>[vector<16xi32>, vector<16xi32>, vector<16xi32>, vector<16xi32>], vector<16xf32>,
        %add3A_373 = arith.constant 18 : i32
        %add3A_374 = vector.broadcast %add3A_373 : i32 to vector<16xi32>
        %add3A_375 = arith.addi %get3A_221, %add3A_374 : vector<16xi32>
        %gather3A_376 = tpu.vector_load_idx %arg11[%broadcast_in_dim3A_229, %add3A_212, %add3A_375] : memref<2x320x128xf32, #tpu.memory_space<vmem>>[vector<16xi32>, vector<16xi32>, vector<16xi32>], vector<16xf32>,
        %add3A_377 = arith.constant 18 : i32
        %add3A_378 = vector.broadcast %add3A_377 : i32 to vector<16xi32>
        %add3A_379 = arith.addi %shift_left3A_228, %add3A_378 : vector<16xi32>
        %mul3A_380 = arith.mulf %gather3A_376, %get3A_216 : vector<16xf32>
        tpu.vector_store_idx %arg12[%broadcast_in_dim3A_229, %shift_right_logical3A_223, %scan3A_207, %add3A_379], %mul3A_380 : memref<2x5x16x128xf32, #tpu.memory_space<vmem>>[vector<16xi32>, vector<16xi32>, vector<16xi32>, vector<16xi32>], vector<16xf32>,
        %add3A_381 = arith.constant 19 : i32
        %add3A_382 = vector.broadcast %add3A_381 : i32 to vector<16xi32>
        %add3A_383 = arith.addi %get3A_221, %add3A_382 : vector<16xi32>
        %gather3A_384 = tpu.vector_load_idx %arg11[%broadcast_in_dim3A_229, %add3A_212, %add3A_383] : memref<2x320x128xf32, #tpu.memory_space<vmem>>[vector<16xi32>, vector<16xi32>, vector<16xi32>], vector<16xf32>,
        %add3A_385 = arith.constant 19 : i32
        %add3A_386 = vector.broadcast %add3A_385 : i32 to vector<16xi32>
        %add3A_387 = arith.addi %shift_left3A_228, %add3A_386 : vector<16xi32>
        %mul3A_388 = arith.mulf %gather3A_384, %get3A_216 : vector<16xf32>
        tpu.vector_store_idx %arg12[%broadcast_in_dim3A_229, %shift_right_logical3A_223, %scan3A_207, %add3A_387], %mul3A_388 : memref<2x5x16x128xf32, #tpu.memory_space<vmem>>[vector<16xi32>, vector<16xi32>, vector<16xi32>, vector<16xi32>], vector<16xf32>,
        %add3A_389 = arith.constant 20 : i32
        %add3A_390 = vector.broadcast %add3A_389 : i32 to vector<16xi32>
        %add3A_391 = arith.addi %get3A_221, %add3A_390 : vector<16xi32>
        %gather3A_392 = tpu.vector_load_idx %arg11[%broadcast_in_dim3A_229, %add3A_212, %add3A_391] : memref<2x320x128xf32, #tpu.memory_space<vmem>>[vector<16xi32>, vector<16xi32>, vector<16xi32>], vector<16xf32>,
        %add3A_393 = arith.constant 20 : i32
        %add3A_394 = vector.broadcast %add3A_393 : i32 to vector<16xi32>
        %add3A_395 = arith.addi %shift_left3A_228, %add3A_394 : vector<16xi32>
        %mul3A_396 = arith.mulf %gather3A_392, %get3A_216 : vector<16xf32>
        tpu.vector_store_idx %arg12[%broadcast_in_dim3A_229, %shift_right_logical3A_223, %scan3A_207, %add3A_395], %mul3A_396 : memref<2x5x16x128xf32, #tpu.memory_space<vmem>>[vector<16xi32>, vector<16xi32>, vector<16xi32>, vector<16xi32>], vector<16xf32>,
        %add3A_397 = arith.constant 21 : i32
        %add3A_398 = vector.broadcast %add3A_397 : i32 to vector<16xi32>
        %add3A_399 = arith.addi %get3A_221, %add3A_398 : vector<16xi32>
        %gather3A_400 = tpu.vector_load_idx %arg11[%broadcast_in_dim3A_229, %add3A_212, %add3A_399] : memref<2x320x128xf32, #tpu.memory_space<vmem>>[vector<16xi32>, vector<16xi32>, vector<16xi32>], vector<16xf32>,
        %add3A_401 = arith.constant 21 : i32
        %add3A_402 = vector.broadcast %add3A_401 : i32 to vector<16xi32>
        %add3A_403 = arith.addi %shift_left3A_228, %add3A_402 : vector<16xi32>
        %mul3A_404 = arith.mulf %gather3A_400, %get3A_216 : vector<16xf32>
        tpu.vector_store_idx %arg12[%broadcast_in_dim3A_229, %shift_right_logical3A_223, %scan3A_207, %add3A_403], %mul3A_404 : memref<2x5x16x128xf32, #tpu.memory_space<vmem>>[vector<16xi32>, vector<16xi32>, vector<16xi32>, vector<16xi32>], vector<16xf32>,
        %add3A_405 = arith.constant 22 : i32
        %add3A_406 = vector.broadcast %add3A_405 : i32 to vector<16xi32>
        %add3A_407 = arith.addi %get3A_221, %add3A_406 : vector<16xi32>
        %gather3A_408 = tpu.vector_load_idx %arg11[%broadcast_in_dim3A_229, %add3A_212, %add3A_407] : memref<2x320x128xf32, #tpu.memory_space<vmem>>[vector<16xi32>, vector<16xi32>, vector<16xi32>], vector<16xf32>,
        %add3A_409 = arith.constant 22 : i32
        %add3A_410 = vector.broadcast %add3A_409 : i32 to vector<16xi32>
        %add3A_411 = arith.addi %shift_left3A_228, %add3A_410 : vector<16xi32>
        %mul3A_412 = arith.mulf %gather3A_408, %get3A_216 : vector<16xf32>
        tpu.vector_store_idx %arg12[%broadcast_in_dim3A_229, %shift_right_logical3A_223, %scan3A_207, %add3A_411], %mul3A_412 : memref<2x5x16x128xf32, #tpu.memory_space<vmem>>[vector<16xi32>, vector<16xi32>, vector<16xi32>, vector<16xi32>], vector<16xf32>,
        %add3A_413 = arith.constant 23 : i32
        %add3A_414 = vector.broadcast %add3A_413 : i32 to vector<16xi32>
        %add3A_415 = arith.addi %get3A_221, %add3A_414 : vector<16xi32>
        %gather3A_416 = tpu.vector_load_idx %arg11[%broadcast_in_dim3A_229, %add3A_212, %add3A_415] : memref<2x320x128xf32, #tpu.memory_space<vmem>>[vector<16xi32>, vector<16xi32>, vector<16xi32>], vector<16xf32>,
        %add3A_417 = arith.constant 23 : i32
        %add3A_418 = vector.broadcast %add3A_417 : i32 to vector<16xi32>
        %add3A_419 = arith.addi %shift_left3A_228, %add3A_418 : vector<16xi32>
        %mul3A_420 = arith.mulf %gather3A_416, %get3A_216 : vector<16xf32>
        tpu.vector_store_idx %arg12[%broadcast_in_dim3A_229, %shift_right_logical3A_223, %scan3A_207, %add3A_419], %mul3A_420 : memref<2x5x16x128xf32, #tpu.memory_space<vmem>>[vector<16xi32>, vector<16xi32>, vector<16xi32>, vector<16xi32>], vector<16xf32>,
        %add3A_421 = arith.constant 24 : i32
        %add3A_422 = vector.broadcast %add3A_421 : i32 to vector<16xi32>
        %add3A_423 = arith.addi %get3A_221, %add3A_422 : vector<16xi32>
        %gather3A_424 = tpu.vector_load_idx %arg11[%broadcast_in_dim3A_229, %add3A_212, %add3A_423] : memref<2x320x128xf32, #tpu.memory_space<vmem>>[vector<16xi32>, vector<16xi32>, vector<16xi32>], vector<16xf32>,
        %add3A_425 = arith.constant 24 : i32
        %add3A_426 = vector.broadcast %add3A_425 : i32 to vector<16xi32>
        %add3A_427 = arith.addi %shift_left3A_228, %add3A_426 : vector<16xi32>
        %mul3A_428 = arith.mulf %gather3A_424, %get3A_216 : vector<16xf32>
        tpu.vector_store_idx %arg12[%broadcast_in_dim3A_229, %shift_right_logical3A_223, %scan3A_207, %add3A_427], %mul3A_428 : memref<2x5x16x128xf32, #tpu.memory_space<vmem>>[vector<16xi32>, vector<16xi32>, vector<16xi32>, vector<16xi32>], vector<16xf32>,
        %add3A_429 = arith.constant 25 : i32
        %add3A_430 = vector.broadcast %add3A_429 : i32 to vector<16xi32>
        %add3A_431 = arith.addi %get3A_221, %add3A_430 : vector<16xi32>
        %gather3A_432 = tpu.vector_load_idx %arg11[%broadcast_in_dim3A_229, %add3A_212, %add3A_431] : memref<2x320x128xf32, #tpu.memory_space<vmem>>[vector<16xi32>, vector<16xi32>, vector<16xi32>], vector<16xf32>,
        %add3A_433 = arith.constant 25 : i32
        %add3A_434 = vector.broadcast %add3A_433 : i32 to vector<16xi32>
        %add3A_435 = arith.addi %shift_left3A_228, %add3A_434 : vector<16xi32>
        %mul3A_436 = arith.mulf %gather3A_432, %get3A_216 : vector<16xf32>
        tpu.vector_store_idx %arg12[%broadcast_in_dim3A_229, %shift_right_logical3A_223, %scan3A_207, %add3A_435], %mul3A_436 : memref<2x5x16x128xf32, #tpu.memory_space<vmem>>[vector<16xi32>, vector<16xi32>, vector<16xi32>, vector<16xi32>], vector<16xf32>,
        %add3A_437 = arith.constant 26 : i32
        %add3A_438 = vector.broadcast %add3A_437 : i32 to vector<16xi32>
        %add3A_439 = arith.addi %get3A_221, %add3A_438 : vector<16xi32>
        %gather3A_440 = tpu.vector_load_idx %arg11[%broadcast_in_dim3A_229, %add3A_212, %add3A_439] : memref<2x320x128xf32, #tpu.memory_space<vmem>>[vector<16xi32>, vector<16xi32>, vector<16xi32>], vector<16xf32>,
        %add3A_441 = arith.constant 26 : i32
        %add3A_442 = vector.broadcast %add3A_441 : i32 to vector<16xi32>
        %add3A_443 = arith.addi %shift_left3A_228, %add3A_442 : vector<16xi32>
        %mul3A_444 = arith.mulf %gather3A_440, %get3A_216 : vector<16xf32>
        tpu.vector_store_idx %arg12[%broadcast_in_dim3A_229, %shift_right_logical3A_223, %scan3A_207, %add3A_443], %mul3A_444 : memref<2x5x16x128xf32, #tpu.memory_space<vmem>>[vector<16xi32>, vector<16xi32>, vector<16xi32>, vector<16xi32>], vector<16xf32>,
        %add3A_445 = arith.constant 27 : i32
        %add3A_446 = vector.broadcast %add3A_445 : i32 to vector<16xi32>
        %add3A_447 = arith.addi %get3A_221, %add3A_446 : vector<16xi32>
        %gather3A_448 = tpu.vector_load_idx %arg11[%broadcast_in_dim3A_229, %add3A_212, %add3A_447] : memref<2x320x128xf32, #tpu.memory_space<vmem>>[vector<16xi32>, vector<16xi32>, vector<16xi32>], vector<16xf32>,
        %add3A_449 = arith.constant 27 : i32
        %add3A_450 = vector.broadcast %add3A_449 : i32 to vector<16xi32>
        %add3A_451 = arith.addi %shift_left3A_228, %add3A_450 : vector<16xi32>
        %mul3A_452 = arith.mulf %gather3A_448, %get3A_216 : vector<16xf32>
        tpu.vector_store_idx %arg12[%broadcast_in_dim3A_229, %shift_right_logical3A_223, %scan3A_207, %add3A_451], %mul3A_452 : memref<2x5x16x128xf32, #tpu.memory_space<vmem>>[vector<16xi32>, vector<16xi32>, vector<16xi32>, vector<16xi32>], vector<16xf32>,
        %add3A_453 = arith.constant 28 : i32
        %add3A_454 = vector.broadcast %add3A_453 : i32 to vector<16xi32>
        %add3A_455 = arith.addi %get3A_221, %add3A_454 : vector<16xi32>
        %gather3A_456 = tpu.vector_load_idx %arg11[%broadcast_in_dim3A_229, %add3A_212, %add3A_455] : memref<2x320x128xf32, #tpu.memory_space<vmem>>[vector<16xi32>, vector<16xi32>, vector<16xi32>], vector<16xf32>,
        %add3A_457 = arith.constant 28 : i32
        %add3A_458 = vector.broadcast %add3A_457 : i32 to vector<16xi32>
        %add3A_459 = arith.addi %shift_left3A_228, %add3A_458 : vector<16xi32>
        %mul3A_460 = arith.mulf %gather3A_456, %get3A_216 : vector<16xf32>
        tpu.vector_store_idx %arg12[%broadcast_in_dim3A_229, %shift_right_logical3A_223, %scan3A_207, %add3A_459], %mul3A_460 : memref<2x5x16x128xf32, #tpu.memory_space<vmem>>[vector<16xi32>, vector<16xi32>, vector<16xi32>, vector<16xi32>], vector<16xf32>,
        %add3A_461 = arith.constant 29 : i32
        %add3A_462 = vector.broadcast %add3A_461 : i32 to vector<16xi32>
        %add3A_463 = arith.addi %get3A_221, %add3A_462 : vector<16xi32>
        %gather3A_464 = tpu.vector_load_idx %arg11[%broadcast_in_dim3A_229, %add3A_212, %add3A_463] : memref<2x320x128xf32, #tpu.memory_space<vmem>>[vector<16xi32>, vector<16xi32>, vector<16xi32>], vector<16xf32>,
        %add3A_465 = arith.constant 29 : i32
        %add3A_466 = vector.broadcast %add3A_465 : i32 to vector<16xi32>
        %add3A_467 = arith.addi %shift_left3A_228, %add3A_466 : vector<16xi32>
        %mul3A_468 = arith.mulf %gather3A_464, %get3A_216 : vector<16xf32>
        tpu.vector_store_idx %arg12[%broadcast_in_dim3A_229, %shift_right_logical3A_223, %scan3A_207, %add3A_467], %mul3A_468 : memref<2x5x16x128xf32, #tpu.memory_space<vmem>>[vector<16xi32>, vector<16xi32>, vector<16xi32>, vector<16xi32>], vector<16xf32>,
        %add3A_469 = arith.constant 30 : i32
        %add3A_470 = vector.broadcast %add3A_469 : i32 to vector<16xi32>
        %add3A_471 = arith.addi %get3A_221, %add3A_470 : vector<16xi32>
        %gather3A_472 = tpu.vector_load_idx %arg11[%broadcast_in_dim3A_229, %add3A_212, %add3A_471] : memref<2x320x128xf32, #tpu.memory_space<vmem>>[vector<16xi32>, vector<16xi32>, vector<16xi32>], vector<16xf32>,
        %add3A_473 = arith.constant 30 : i32
        %add3A_474 = vector.broadcast %add3A_473 : i32 to vector<16xi32>
        %add3A_475 = arith.addi %shift_left3A_228, %add3A_474 : vector<16xi32>
        %mul3A_476 = arith.mulf %gather3A_472, %get3A_216 : vector<16xf32>
        tpu.vector_store_idx %arg12[%broadcast_in_dim3A_229, %shift_right_logical3A_223, %scan3A_207, %add3A_475], %mul3A_476 : memref<2x5x16x128xf32, #tpu.memory_space<vmem>>[vector<16xi32>, vector<16xi32>, vector<16xi32>, vector<16xi32>], vector<16xf32>,
        %add3A_477 = arith.constant 31 : i32
        %add3A_478 = vector.broadcast %add3A_477 : i32 to vector<16xi32>
        %add3A_479 = arith.addi %get3A_221, %add3A_478 : vector<16xi32>
        %gather3A_480 = tpu.vector_load_idx %arg11[%broadcast_in_dim3A_229, %add3A_212, %add3A_479] : memref<2x320x128xf32, #tpu.memory_space<vmem>>[vector<16xi32>, vector<16xi32>, vector<16xi32>], vector<16xf32>,
        %add3A_481 = arith.constant 31 : i32
        %add3A_482 = vector.broadcast %add3A_481 : i32 to vector<16xi32>
        %add3A_483 = arith.addi %shift_left3A_228, %add3A_482 : vector<16xi32>
        %mul3A_484 = arith.mulf %gather3A_480, %get3A_216 : vector<16xf32>
        tpu.vector_store_idx %arg12[%broadcast_in_dim3A_229, %shift_right_logical3A_223, %scan3A_207, %add3A_483], %mul3A_484 : memref<2x5x16x128xf32, #tpu.memory_space<vmem>>[vector<16xi32>, vector<16xi32>, vector<16xi32>, vector<16xi32>], vector<16xf32>,
        %add3A_485 = arith.constant 16 : i32
        %add3A_486 = vector.broadcast %add3A_485 : i32 to vector<16xi32>
        %add3A_487 = arith.addi %scan3A_208, %add3A_486 : vector<16xi32>
        %ge3A_488 = arith.constant 20 : i32
        %ge3A_489 = vector.broadcast %ge3A_488 : i32 to vector<16xi32>
        %ge3A_490 = arith.cmpi sge, %add3A_487, %ge3A_489 : vector<16xi32>
        %sub3A = arith.constant 20 : i32
        %sub3A_491 = vector.broadcast %sub3A : i32 to vector<16xi32>
        %sub3A_492 = arith.subi %add3A_487, %sub3A_491 : vector<16xi32>
        %select_n3A_493 = arith.select %ge3A_490, %sub3A_492, %add3A_487 : vector<16xi1>, vector<16xi32>
        %jit3A_494 = arith.constant 1 : i32
        %jit3A_495 = arith.constant 0 : i32
        %broadcast_in_dim3A_496 = vector.broadcast %jit3A_494 : i32 to vector<16xi32>
        %broadcast_in_dim3A_497 = vector.broadcast %jit3A_495 : i32 to vector<16xi32>
        %select_n3A_498 = arith.select %ge3A_490, %broadcast_in_dim3A_496, %broadcast_in_dim3A_497 : vector<16xi1>, vector<16xi32>
        %add3A_499 = arith.addi %scan3A_207, %select_n3A_498 : vector<16xi32>
        scf.yield %add3A_499, %select_n3A_493 : vector<16xi32>, vector<16xi32>
      }
      %scan3A_125 = arith.constant 20 : i32
      %mul3A_126 = arith.constant 16 : i32
      %mul3A_127 = arith.muli %scan3A_68, %mul3A_126 : i32
      %add3A_128 = arith.addi %mul3A_2, %mul3A_127 : i32
      %dma_start3A_129 = arith.constant 0 : i32
      %dma_start3A_130 = arith.constant 0 : i32
      %dma_start3A_131 = arith.constant 0 : i32
      %dma_start3A_132 = tpu.memref_slice %arg12[%select_n3A_77, %dma_start3A_129, %dma_start3A_130, %dma_start3A_131] : memref<2x5x16x128xf32, #tpu.memory_space<vmem>> -> memref<1x1x16x128xf32, #tpu.memory_space<vmem>>
      %dma_start3A_133 = tpu.memref_squeeze %dma_start3A_132 : memref<1x1x16x128xf32, #tpu.memory_space<vmem>> -> memref<16x128xf32, #tpu.memory_space<vmem>>
      %dma_start3A_134 = arith.constant 0 : i32
      %dma_start3A_135 = tpu.memref_slice %arg5[%add3A_128, %dma_start3A_134] : memref<4096x640xf32, #tpu.memory_space<hbm>> -> memref<16x128xf32, #tpu.memory_space<hbm>>
      %dma_start3A_136 = arith.constant 0 : i32
      %dma_start3A_137 = tpu.memref_slice %arg5[%add3A_128, %dma_start3A_136] : memref<4096x640xf32, #tpu.memory_space<hbm>> -> memref<16x128xf32, #tpu.memory_space<hbm>>
      %dma_start3A_138 = arith.constant 0 : i32
      %dma_start3A_139 = arith.constant 0 : i32
      %dma_start3A_140 = tpu.memref_slice %arg12[%select_n3A_77, %dma_start3A_129, %dma_start3A_138, %dma_start3A_139] : memref<2x5x16x128xf32, #tpu.memory_space<vmem>> -> memref<1x1x16x128xf32, #tpu.memory_space<vmem>>
      %dma_start3A_141 = tpu.memref_squeeze %dma_start3A_140 : memref<1x1x16x128xf32, #tpu.memory_space<vmem>> -> memref<16x128xf32, #tpu.memory_space<vmem>>
      tpu.enqueue_dma source(%dma_start3A_141 : memref<16x128xf32, #tpu.memory_space<vmem>>) target(%dma_start3A_137 : memref<16x128xf32, #tpu.memory_space<hbm>>) target_semaphore(%arg15 : memref<!tpu.dma_semaphore, #tpu.memory_space<semaphore_mem>>)
      %mul3A_142 = arith.constant 16 : i32
      %mul3A_143 = arith.muli %scan3A_68, %mul3A_142 : i32
      %add3A_144 = arith.addi %mul3A_2, %mul3A_143 : i32
      %dma_start3A_145 = arith.constant 1 : i32
      %dma_start3A_146 = arith.constant 0 : i32
      %dma_start3A_147 = arith.constant 0 : i32
      %dma_start3A_148 = tpu.memref_slice %arg12[%select_n3A_77, %dma_start3A_145, %dma_start3A_146, %dma_start3A_147] : memref<2x5x16x128xf32, #tpu.memory_space<vmem>> -> memref<1x1x16x128xf32, #tpu.memory_space<vmem>>
      %dma_start3A_149 = tpu.memref_squeeze %dma_start3A_148 : memref<1x1x16x128xf32, #tpu.memory_space<vmem>> -> memref<16x128xf32, #tpu.memory_space<vmem>>
      %dma_start3A_150 = arith.constant 128 : i32
      %dma_start3A_151 = tpu.memref_slice %arg5[%add3A_144, %dma_start3A_150] : memref<4096x640xf32, #tpu.memory_space<hbm>> -> memref<16x128xf32, #tpu.memory_space<hbm>>
      %dma_start3A_152 = arith.constant 128 : i32
      %dma_start3A_153 = tpu.memref_slice %arg5[%add3A_144, %dma_start3A_152] : memref<4096x640xf32, #tpu.memory_space<hbm>> -> memref<16x128xf32, #tpu.memory_space<hbm>>
      %dma_start3A_154 = arith.constant 0 : i32
      %dma_start3A_155 = arith.constant 0 : i32
      %dma_start3A_156 = tpu.memref_slice %arg12[%select_n3A_77, %dma_start3A_145, %dma_start3A_154, %dma_start3A_155] : memref<2x5x16x128xf32, #tpu.memory_space<vmem>> -> memref<1x1x16x128xf32, #tpu.memory_space<vmem>>
      %dma_start3A_157 = tpu.memref_squeeze %dma_start3A_156 : memref<1x1x16x128xf32, #tpu.memory_space<vmem>> -> memref<16x128xf32, #tpu.memory_space<vmem>>
      tpu.enqueue_dma source(%dma_start3A_157 : memref<16x128xf32, #tpu.memory_space<vmem>>) target(%dma_start3A_153 : memref<16x128xf32, #tpu.memory_space<hbm>>) target_semaphore(%arg15 : memref<!tpu.dma_semaphore, #tpu.memory_space<semaphore_mem>>)
      %mul3A_158 = arith.constant 16 : i32
      %mul3A_159 = arith.muli %scan3A_68, %mul3A_158 : i32
      %add3A_160 = arith.addi %mul3A_2, %mul3A_159 : i32
      %dma_start3A_161 = arith.constant 2 : i32
      %dma_start3A_162 = arith.constant 0 : i32
      %dma_start3A_163 = arith.constant 0 : i32
      %dma_start3A_164 = tpu.memref_slice %arg12[%select_n3A_77, %dma_start3A_161, %dma_start3A_162, %dma_start3A_163] : memref<2x5x16x128xf32, #tpu.memory_space<vmem>> -> memref<1x1x16x128xf32, #tpu.memory_space<vmem>>
      %dma_start3A_165 = tpu.memref_squeeze %dma_start3A_164 : memref<1x1x16x128xf32, #tpu.memory_space<vmem>> -> memref<16x128xf32, #tpu.memory_space<vmem>>
      %dma_start3A_166 = arith.constant 256 : i32
      %dma_start3A_167 = tpu.memref_slice %arg5[%add3A_160, %dma_start3A_166] : memref<4096x640xf32, #tpu.memory_space<hbm>> -> memref<16x128xf32, #tpu.memory_space<hbm>>
      %dma_start3A_168 = arith.constant 256 : i32
      %dma_start3A_169 = tpu.memref_slice %arg5[%add3A_160, %dma_start3A_168] : memref<4096x640xf32, #tpu.memory_space<hbm>> -> memref<16x128xf32, #tpu.memory_space<hbm>>
      %dma_start3A_170 = arith.constant 0 : i32
      %dma_start3A_171 = arith.constant 0 : i32
      %dma_start3A_172 = tpu.memref_slice %arg12[%select_n3A_77, %dma_start3A_161, %dma_start3A_170, %dma_start3A_171] : memref<2x5x16x128xf32, #tpu.memory_space<vmem>> -> memref<1x1x16x128xf32, #tpu.memory_space<vmem>>
      %dma_start3A_173 = tpu.memref_squeeze %dma_start3A_172 : memref<1x1x16x128xf32, #tpu.memory_space<vmem>> -> memref<16x128xf32, #tpu.memory_space<vmem>>
      tpu.enqueue_dma source(%dma_start3A_173 : memref<16x128xf32, #tpu.memory_space<vmem>>) target(%dma_start3A_169 : memref<16x128xf32, #tpu.memory_space<hbm>>) target_semaphore(%arg15 : memref<!tpu.dma_semaphore, #tpu.memory_space<semaphore_mem>>)
      %mul3A_174 = arith.constant 16 : i32
      %mul3A_175 = arith.muli %scan3A_68, %mul3A_174 : i32
      %add3A_176 = arith.addi %mul3A_2, %mul3A_175 : i32
      %dma_start3A_177 = arith.constant 3 : i32
      %dma_start3A_178 = arith.constant 0 : i32
      %dma_start3A_179 = arith.constant 0 : i32
      %dma_start3A_180 = tpu.memref_slice %arg12[%select_n3A_77, %dma_start3A_177, %dma_start3A_178, %dma_start3A_179] : memref<2x5x16x128xf32, #tpu.memory_space<vmem>> -> memref<1x1x16x128xf32, #tpu.memory_space<vmem>>
      %dma_start3A_181 = tpu.memref_squeeze %dma_start3A_180 : memref<1x1x16x128xf32, #tpu.memory_space<vmem>> -> memref<16x128xf32, #tpu.memory_space<vmem>>
      %dma_start3A_182 = arith.constant 384 : i32
      %dma_start3A_183 = tpu.memref_slice %arg5[%add3A_176, %dma_start3A_182] : memref<4096x640xf32, #tpu.memory_space<hbm>> -> memref<16x128xf32, #tpu.memory_space<hbm>>
      %dma_start3A_184 = arith.constant 384 : i32
      %dma_start3A_185 = tpu.memref_slice %arg5[%add3A_176, %dma_start3A_184] : memref<4096x640xf32, #tpu.memory_space<hbm>> -> memref<16x128xf32, #tpu.memory_space<hbm>>
      %dma_start3A_186 = arith.constant 0 : i32
      %dma_start3A_187 = arith.constant 0 : i32
      %dma_start3A_188 = tpu.memref_slice %arg12[%select_n3A_77, %dma_start3A_177, %dma_start3A_186, %dma_start3A_187] : memref<2x5x16x128xf32, #tpu.memory_space<vmem>> -> memref<1x1x16x128xf32, #tpu.memory_space<vmem>>
      %dma_start3A_189 = tpu.memref_squeeze %dma_start3A_188 : memref<1x1x16x128xf32, #tpu.memory_space<vmem>> -> memref<16x128xf32, #tpu.memory_space<vmem>>
      tpu.enqueue_dma source(%dma_start3A_189 : memref<16x128xf32, #tpu.memory_space<vmem>>) target(%dma_start3A_185 : memref<16x128xf32, #tpu.memory_space<hbm>>) target_semaphore(%arg15 : memref<!tpu.dma_semaphore, #tpu.memory_space<semaphore_mem>>)
      %mul3A_190 = arith.constant 16 : i32
      %mul3A_191 = arith.muli %scan3A_68, %mul3A_190 : i32
      %add3A_192 = arith.addi %mul3A_2, %mul3A_191 : i32
      %dma_start3A_193 = arith.constant 4 : i32
      %dma_start3A_194 = arith.constant 0 : i32
      %dma_start3A_195 = arith.constant 0 : i32
      %dma_start3A_196 = tpu.memref_slice %arg12[%select_n3A_77, %dma_start3A_193, %dma_start3A_194, %dma_start3A_195] : memref<2x5x16x128xf32, #tpu.memory_space<vmem>> -> memref<1x1x16x128xf32, #tpu.memory_space<vmem>>
      %dma_start3A_197 = tpu.memref_squeeze %dma_start3A_196 : memref<1x1x16x128xf32, #tpu.memory_space<vmem>> -> memref<16x128xf32, #tpu.memory_space<vmem>>
      %dma_start3A_198 = arith.constant 512 : i32
      %dma_start3A_199 = tpu.memref_slice %arg5[%add3A_192, %dma_start3A_198] : memref<4096x640xf32, #tpu.memory_space<hbm>> -> memref<16x128xf32, #tpu.memory_space<hbm>>
      %dma_start3A_200 = arith.constant 512 : i32
      %dma_start3A_201 = tpu.memref_slice %arg5[%add3A_192, %dma_start3A_200] : memref<4096x640xf32, #tpu.memory_space<hbm>> -> memref<16x128xf32, #tpu.memory_space<hbm>>
      %dma_start3A_202 = arith.constant 0 : i32
      %dma_start3A_203 = arith.constant 0 : i32
      %dma_start3A_204 = tpu.memref_slice %arg12[%select_n3A_77, %dma_start3A_193, %dma_start3A_202, %dma_start3A_203] : memref<2x5x16x128xf32, #tpu.memory_space<vmem>> -> memref<1x1x16x128xf32, #tpu.memory_space<vmem>>
      %dma_start3A_205 = tpu.memref_squeeze %dma_start3A_204 : memref<1x1x16x128xf32, #tpu.memory_space<vmem>> -> memref<16x128xf32, #tpu.memory_space<vmem>>
      tpu.enqueue_dma source(%dma_start3A_205 : memref<16x128xf32, #tpu.memory_space<vmem>>) target(%dma_start3A_201 : memref<16x128xf32, #tpu.memory_space<hbm>>) target_semaphore(%arg15 : memref<!tpu.dma_semaphore, #tpu.memory_space<semaphore_mem>>)
    }
    %scan3A_61 = arith.constant 8 : i32
    %scan3A_62 = arith.constant 0 : i32
    %scan3A_63 = arith.constant 6 : i32
    %scan3A_64 = arith.constant 2 : i32
    %scan3A_65 = arith.addi %scan3A_63, %scan3A_64 : i32
    %scan3A_66 = arith.constant 1 : i32
    scf.for %scan3A_68 = %scan3A_63 to %scan3A_65 step %scan3A_66  : i32 {
      %jit3A = arith.constant 2 : i32
      %eq3A = arith.constant 0 : i32
      %eq3A_69 = arith.cmpi eq, %jit3A, %eq3A : i32
      %jit3A_70 = arith.constant 1 : i32
      %select_n3A = arith.select %eq3A_69, %jit3A_70, %jit3A : i32
      %rem3A = arith.remsi %scan3A_68, %select_n3A : i32
      %ne3A = arith.constant 0 : i32
      %ne3A_71 = arith.cmpi ne, %rem3A, %ne3A : i32
      %lt3A = arith.constant 0 : i32
      %lt3A_72 = arith.cmpi slt, %rem3A, %lt3A : i32
      %lt3A_73 = arith.constant 0 : i32
      %lt3A_74 = arith.cmpi slt, %select_n3A, %lt3A_73 : i32
      %ne3A_75 = arith.xori %lt3A_72, %lt3A_74 : i1
      %and3A = arith.andi %ne3A_75, %ne3A_71 : i1
      %add3A_76 = arith.addi %rem3A, %select_n3A : i32
      %select_n3A_77 = arith.select %and3A, %add3A_76, %rem3A : i32
      %mul3A_78 = arith.constant 16 : i32
      %mul3A_79 = arith.muli %scan3A_68, %mul3A_78 : i32
      %add3A_80 = arith.addi %mul3A_2, %mul3A_79 : i32
      %dma_wait3A = arith.constant 0 : i32
      %dma_wait3A_81 = arith.constant 0 : i32
      %dma_wait3A_82 = arith.constant 0 : i32
      %dma_wait3A_83 = tpu.memref_slice %arg12[%select_n3A_77, %dma_wait3A, %dma_wait3A_81, %dma_wait3A_82] : memref<2x5x16x128xf32, #tpu.memory_space<vmem>> -> memref<1x1x16x128xf32, #tpu.memory_space<vmem>>
      %dma_wait3A_84 = tpu.memref_squeeze %dma_wait3A_83 : memref<1x1x16x128xf32, #tpu.memory_space<vmem>> -> memref<16x128xf32, #tpu.memory_space<vmem>>
      %dma_wait3A_85 = arith.constant 0 : i32
      %dma_wait3A_86 = tpu.memref_slice %arg5[%add3A_80, %dma_wait3A_85] : memref<4096x640xf32, #tpu.memory_space<hbm>> -> memref<16x128xf32, #tpu.memory_space<hbm>>
      %dma_wait3A_87 = arith.constant 0 : i32
      %dma_wait3A_88 = tpu.memref_slice %arg5[%add3A_80, %dma_wait3A_87] : memref<4096x640xf32, #tpu.memory_space<hbm>> -> memref<16x128xf32, #tpu.memory_space<hbm>>
      %dma_wait3A_89 = arith.constant 0 : i32
      %dma_wait3A_90 = arith.constant 0 : i32
      %dma_wait3A_91 = tpu.memref_slice %arg12[%select_n3A_77, %dma_wait3A, %dma_wait3A_89, %dma_wait3A_90] : memref<2x5x16x128xf32, #tpu.memory_space<vmem>> -> memref<1x1x16x128xf32, #tpu.memory_space<vmem>>
      %dma_wait3A_92 = tpu.memref_squeeze %dma_wait3A_91 : memref<1x1x16x128xf32, #tpu.memory_space<vmem>> -> memref<16x128xf32, #tpu.memory_space<vmem>>
      tpu.wait_dma2 semaphore(%arg15 : memref<!tpu.dma_semaphore, #tpu.memory_space<semaphore_mem>>) src(%dma_wait3A_92 : memref<16x128xf32, #tpu.memory_space<vmem>>) dst(%dma_wait3A_88 : memref<16x128xf32, #tpu.memory_space<hbm>>)
      %jit3A_93 = arith.constant 2 : i32
      %eq3A_94 = arith.constant 0 : i32
      %eq3A_95 = arith.cmpi eq, %jit3A_93, %eq3A_94 : i32
      %jit3A_96 = arith.constant 1 : i32
      %select_n3A_97 = arith.select %eq3A_95, %jit3A_96, %jit3A_93 : i32
      %rem3A_98 = arith.remsi %scan3A_68, %select_n3A_97 : i32
      %ne3A_99 = arith.constant 0 : i32
      %ne3A_100 = arith.cmpi ne, %rem3A_98, %ne3A_99 : i32
      %lt3A_101 = arith.constant 0 : i32
      %lt3A_102 = arith.cmpi slt, %rem3A_98, %lt3A_101 : i32
      %lt3A_103 = arith.constant 0 : i32
      %lt3A_104 = arith.cmpi slt, %select_n3A_97, %lt3A_103 : i32
      %ne3A_105 = arith.xori %lt3A_102, %lt3A_104 : i1
      %and3A_106 = arith.andi %ne3A_105, %ne3A_100 : i1
      %add3A_107 = arith.addi %rem3A_98, %select_n3A_97 : i32
      %select_n3A_108 = arith.select %and3A_106, %add3A_107, %rem3A_98 : i32
      %mul3A_109 = arith.constant 16 : i32
      %mul3A_110 = arith.muli %scan3A_68, %mul3A_109 : i32
      %add3A_111 = arith.addi %mul3A_2, %mul3A_110 : i32
      %dma_wait3A_112 = arith.constant 1 : i32
      %dma_wait3A_113 = arith.constant 0 : i32
      %dma_wait3A_114 = arith.constant 0 : i32
      %dma_wait3A_115 = tpu.memref_slice %arg12[%select_n3A_108, %dma_wait3A_112, %dma_wait3A_113, %dma_wait3A_114] : memref<2x5x16x128xf32, #tpu.memory_space<vmem>> -> memref<1x1x16x128xf32, #tpu.memory_space<vmem>>
      %dma_wait3A_116 = tpu.memref_squeeze %dma_wait3A_115 : memref<1x1x16x128xf32, #tpu.memory_space<vmem>> -> memref<16x128xf32, #tpu.memory_space<vmem>>
      %dma_wait3A_117 = arith.constant 128 : i32
      %dma_wait3A_118 = tpu.memref_slice %arg5[%add3A_111, %dma_wait3A_117] : memref<4096x640xf32, #tpu.memory_space<hbm>> -> memref<16x128xf32, #tpu.memory_space<hbm>>
      %dma_wait3A_119 = arith.constant 128 : i32
      %dma_wait3A_120 = tpu.memref_slice %arg5[%add3A_111, %dma_wait3A_119] : memref<4096x640xf32, #tpu.memory_space<hbm>> -> memref<16x128xf32, #tpu.memory_space<hbm>>
      %dma_wait3A_121 = arith.constant 0 : i32
      %dma_wait3A_122 = arith.constant 0 : i32
      %dma_wait3A_123 = tpu.memref_slice %arg12[%select_n3A_108, %dma_wait3A_112, %dma_wait3A_121, %dma_wait3A_122] : memref<2x5x16x128xf32, #tpu.memory_space<vmem>> -> memref<1x1x16x128xf32, #tpu.memory_space<vmem>>
      %dma_wait3A_124 = tpu.memref_squeeze %dma_wait3A_123 : memref<1x1x16x128xf32, #tpu.memory_space<vmem>> -> memref<16x128xf32, #tpu.memory_space<vmem>>
      tpu.wait_dma2 semaphore(%arg15 : memref<!tpu.dma_semaphore, #tpu.memory_space<semaphore_mem>>) src(%dma_wait3A_124 : memref<16x128xf32, #tpu.memory_space<vmem>>) dst(%dma_wait3A_120 : memref<16x128xf32, #tpu.memory_space<hbm>>)
      %jit3A_125 = arith.constant 2 : i32
      %eq3A_126 = arith.constant 0 : i32
      %eq3A_127 = arith.cmpi eq, %jit3A_125, %eq3A_126 : i32
      %jit3A_128 = arith.constant 1 : i32
      %select_n3A_129 = arith.select %eq3A_127, %jit3A_128, %jit3A_125 : i32
      %rem3A_130 = arith.remsi %scan3A_68, %select_n3A_129 : i32
      %ne3A_131 = arith.constant 0 : i32
      %ne3A_132 = arith.cmpi ne, %rem3A_130, %ne3A_131 : i32
      %lt3A_133 = arith.constant 0 : i32
      %lt3A_134 = arith.cmpi slt, %rem3A_130, %lt3A_133 : i32
      %lt3A_135 = arith.constant 0 : i32
      %lt3A_136 = arith.cmpi slt, %select_n3A_129, %lt3A_135 : i32
      %ne3A_137 = arith.xori %lt3A_134, %lt3A_136 : i1
      %and3A_138 = arith.andi %ne3A_137, %ne3A_132 : i1
      %add3A_139 = arith.addi %rem3A_130, %select_n3A_129 : i32
      %select_n3A_140 = arith.select %and3A_138, %add3A_139, %rem3A_130 : i32
      %mul3A_141 = arith.constant 16 : i32
      %mul3A_142 = arith.muli %scan3A_68, %mul3A_141 : i32
      %add3A_143 = arith.addi %mul3A_2, %mul3A_142 : i32
      %dma_wait3A_144 = arith.constant 2 : i32
      %dma_wait3A_145 = arith.constant 0 : i32
      %dma_wait3A_146 = arith.constant 0 : i32
      %dma_wait3A_147 = tpu.memref_slice %arg12[%select_n3A_140, %dma_wait3A_144, %dma_wait3A_145, %dma_wait3A_146] : memref<2x5x16x128xf32, #tpu.memory_space<vmem>> -> memref<1x1x16x128xf32, #tpu.memory_space<vmem>>
      %dma_wait3A_148 = tpu.memref_squeeze %dma_wait3A_147 : memref<1x1x16x128xf32, #tpu.memory_space<vmem>> -> memref<16x128xf32, #tpu.memory_space<vmem>>
      %dma_wait3A_149 = arith.constant 256 : i32
      %dma_wait3A_150 = tpu.memref_slice %arg5[%add3A_143, %dma_wait3A_149] : memref<4096x640xf32, #tpu.memory_space<hbm>> -> memref<16x128xf32, #tpu.memory_space<hbm>>
      %dma_wait3A_151 = arith.constant 256 : i32
      %dma_wait3A_152 = tpu.memref_slice %arg5[%add3A_143, %dma_wait3A_151] : memref<4096x640xf32, #tpu.memory_space<hbm>> -> memref<16x128xf32, #tpu.memory_space<hbm>>
      %dma_wait3A_153 = arith.constant 0 : i32
      %dma_wait3A_154 = arith.constant 0 : i32
      %dma_wait3A_155 = tpu.memref_slice %arg12[%select_n3A_140, %dma_wait3A_144, %dma_wait3A_153, %dma_wait3A_154] : memref<2x5x16x128xf32, #tpu.memory_space<vmem>> -> memref<1x1x16x128xf32, #tpu.memory_space<vmem>>
      %dma_wait3A_156 = tpu.memref_squeeze %dma_wait3A_155 : memref<1x1x16x128xf32, #tpu.memory_space<vmem>> -> memref<16x128xf32, #tpu.memory_space<vmem>>
      tpu.wait_dma2 semaphore(%arg15 : memref<!tpu.dma_semaphore, #tpu.memory_space<semaphore_mem>>) src(%dma_wait3A_156 : memref<16x128xf32, #tpu.memory_space<vmem>>) dst(%dma_wait3A_152 : memref<16x128xf32, #tpu.memory_space<hbm>>)
      %jit3A_157 = arith.constant 2 : i32
      %eq3A_158 = arith.constant 0 : i32
      %eq3A_159 = arith.cmpi eq, %jit3A_157, %eq3A_158 : i32
      %jit3A_160 = arith.constant 1 : i32
      %select_n3A_161 = arith.select %eq3A_159, %jit3A_160, %jit3A_157 : i32
      %rem3A_162 = arith.remsi %scan3A_68, %select_n3A_161 : i32
      %ne3A_163 = arith.constant 0 : i32
      %ne3A_164 = arith.cmpi ne, %rem3A_162, %ne3A_163 : i32
      %lt3A_165 = arith.constant 0 : i32
      %lt3A_166 = arith.cmpi slt, %rem3A_162, %lt3A_165 : i32
      %lt3A_167 = arith.constant 0 : i32
      %lt3A_168 = arith.cmpi slt, %select_n3A_161, %lt3A_167 : i32
      %ne3A_169 = arith.xori %lt3A_166, %lt3A_168 : i1
      %and3A_170 = arith.andi %ne3A_169, %ne3A_164 : i1
      %add3A_171 = arith.addi %rem3A_162, %select_n3A_161 : i32
      %select_n3A_172 = arith.select %and3A_170, %add3A_171, %rem3A_162 : i32
      %mul3A_173 = arith.constant 16 : i32
      %mul3A_174 = arith.muli %scan3A_68, %mul3A_173 : i32
      %add3A_175 = arith.addi %mul3A_2, %mul3A_174 : i32
      %dma_wait3A_176 = arith.constant 3 : i32
      %dma_wait3A_177 = arith.constant 0 : i32
      %dma_wait3A_178 = arith.constant 0 : i32
      %dma_wait3A_179 = tpu.memref_slice %arg12[%select_n3A_172, %dma_wait3A_176, %dma_wait3A_177, %dma_wait3A_178] : memref<2x5x16x128xf32, #tpu.memory_space<vmem>> -> memref<1x1x16x128xf32, #tpu.memory_space<vmem>>
      %dma_wait3A_180 = tpu.memref_squeeze %dma_wait3A_179 : memref<1x1x16x128xf32, #tpu.memory_space<vmem>> -> memref<16x128xf32, #tpu.memory_space<vmem>>
      %dma_wait3A_181 = arith.constant 384 : i32
      %dma_wait3A_182 = tpu.memref_slice %arg5[%add3A_175, %dma_wait3A_181] : memref<4096x640xf32, #tpu.memory_space<hbm>> -> memref<16x128xf32, #tpu.memory_space<hbm>>
      %dma_wait3A_183 = arith.constant 384 : i32
      %dma_wait3A_184 = tpu.memref_slice %arg5[%add3A_175, %dma_wait3A_183] : memref<4096x640xf32, #tpu.memory_space<hbm>> -> memref<16x128xf32, #tpu.memory_space<hbm>>
      %dma_wait3A_185 = arith.constant 0 : i32
      %dma_wait3A_186 = arith.constant 0 : i32
      %dma_wait3A_187 = tpu.memref_slice %arg12[%select_n3A_172, %dma_wait3A_176, %dma_wait3A_185, %dma_wait3A_186] : memref<2x5x16x128xf32, #tpu.memory_space<vmem>> -> memref<1x1x16x128xf32, #tpu.memory_space<vmem>>
      %dma_wait3A_188 = tpu.memref_squeeze %dma_wait3A_187 : memref<1x1x16x128xf32, #tpu.memory_space<vmem>> -> memref<16x128xf32, #tpu.memory_space<vmem>>
      tpu.wait_dma2 semaphore(%arg15 : memref<!tpu.dma_semaphore, #tpu.memory_space<semaphore_mem>>) src(%dma_wait3A_188 : memref<16x128xf32, #tpu.memory_space<vmem>>) dst(%dma_wait3A_184 : memref<16x128xf32, #tpu.memory_space<hbm>>)
      %jit3A_189 = arith.constant 2 : i32
      %eq3A_190 = arith.constant 0 : i32
      %eq3A_191 = arith.cmpi eq, %jit3A_189, %eq3A_190 : i32
      %jit3A_192 = arith.constant 1 : i32
      %select_n3A_193 = arith.select %eq3A_191, %jit3A_192, %jit3A_189 : i32
      %rem3A_194 = arith.remsi %scan3A_68, %select_n3A_193 : i32
      %ne3A_195 = arith.constant 0 : i32
      %ne3A_196 = arith.cmpi ne, %rem3A_194, %ne3A_195 : i32
      %lt3A_197 = arith.constant 0 : i32
      %lt3A_198 = arith.cmpi slt, %rem3A_194, %lt3A_197 : i32
      %lt3A_199 = arith.constant 0 : i32
      %lt3A_200 = arith.cmpi slt, %select_n3A_193, %lt3A_199 : i32
      %ne3A_201 = arith.xori %lt3A_198, %lt3A_200 : i1
      %and3A_202 = arith.andi %ne3A_201, %ne3A_196 : i1
      %add3A_203 = arith.addi %rem3A_194, %select_n3A_193 : i32
      %select_n3A_204 = arith.select %and3A_202, %add3A_203, %rem3A_194 : i32
      %mul3A_205 = arith.constant 16 : i32
      %mul3A_206 = arith.muli %scan3A_68, %mul3A_205 : i32
      %add3A_207 = arith.addi %mul3A_2, %mul3A_206 : i32
      %dma_wait3A_208 = arith.constant 4 : i32
      %dma_wait3A_209 = arith.constant 0 : i32
      %dma_wait3A_210 = arith.constant 0 : i32
      %dma_wait3A_211 = tpu.memref_slice %arg12[%select_n3A_204, %dma_wait3A_208, %dma_wait3A_209, %dma_wait3A_210] : memref<2x5x16x128xf32, #tpu.memory_space<vmem>> -> memref<1x1x16x128xf32, #tpu.memory_space<vmem>>
      %dma_wait3A_212 = tpu.memref_squeeze %dma_wait3A_211 : memref<1x1x16x128xf32, #tpu.memory_space<vmem>> -> memref<16x128xf32, #tpu.memory_space<vmem>>
      %dma_wait3A_213 = arith.constant 512 : i32
      %dma_wait3A_214 = tpu.memref_slice %arg5[%add3A_207, %dma_wait3A_213] : memref<4096x640xf32, #tpu.memory_space<hbm>> -> memref<16x128xf32, #tpu.memory_space<hbm>>
      %dma_wait3A_215 = arith.constant 512 : i32
      %dma_wait3A_216 = tpu.memref_slice %arg5[%add3A_207, %dma_wait3A_215] : memref<4096x640xf32, #tpu.memory_space<hbm>> -> memref<16x128xf32, #tpu.memory_space<hbm>>
      %dma_wait3A_217 = arith.constant 0 : i32
      %dma_wait3A_218 = arith.constant 0 : i32
      %dma_wait3A_219 = tpu.memref_slice %arg12[%select_n3A_204, %dma_wait3A_208, %dma_wait3A_217, %dma_wait3A_218] : memref<2x5x16x128xf32, #tpu.memory_space<vmem>> -> memref<1x1x16x128xf32, #tpu.memory_space<vmem>>
      %dma_wait3A_220 = tpu.memref_squeeze %dma_wait3A_219 : memref<1x1x16x128xf32, #tpu.memory_space<vmem>> -> memref<16x128xf32, #tpu.memory_space<vmem>>
      tpu.wait_dma2 semaphore(%arg15 : memref<!tpu.dma_semaphore, #tpu.memory_space<semaphore_mem>>) src(%dma_wait3A_220 : memref<16x128xf32, #tpu.memory_space<vmem>>) dst(%dma_wait3A_216 : memref<16x128xf32, #tpu.memory_space<hbm>>)
    }
    %scan3A_67 = arith.constant 2 : i32
    return
  }
}

#map = affine_map<(d0, d1) -> (0)>
#map1 = affine_map<(d0, d1) -> (0, 0)>
module attributes {stable_mosaic.version = 14 : i64} {
  func.func @_sc_body(%arg0: i32, %arg1: i32, %arg2: memref<40960xi32, #tpu.memory_space<hbm>>, %arg3: memref<4097xi32, #tpu.memory_space<hbm>>, %arg4: memref<250000x128xf32, #tpu.memory_space<hbm>>, %arg5: memref<4096x640xf32, #tpu.memory_space<hbm>>, %arg6: memref<4224xi32, #tpu.memory_space<vmem>>, %arg7: memref<2560xi32, #tpu.memory_space<vmem>>, %arg8: memref<2560xf32, #tpu.memory_space<vmem>>, %arg9: memref<2560xi32, #tpu.memory_space<vmem>>, %arg10: memref<2560xi32, #tpu.memory_space<vmem>>, %arg11: memref<2x320x128xf32, #tpu.memory_space<vmem>>, %arg12: memref<2x5x16x128xf32, #tpu.memory_space<vmem>>, %arg13: memref<!tpu.dma_semaphore, #tpu.memory_space<semaphore_mem>>, %arg14: memref<!tpu.dma_semaphore, #tpu.memory_space<semaphore_mem>>, %arg15: memref<!tpu.dma_semaphore, #tpu.memory_space<semaphore_mem>>) attributes {dimension_semantics = [#tpu.dimension_semantics<core_parallel>, #tpu.dimension_semantics<subcore_parallel>], iteration_bounds = array<i64: 2, 16>, scalar_prefetch = 0 : i64, scratch_operands = 10 : i64, tpu.core_type = #tpu.core_type<sc_vector_subcore>, window_params = [{transform_indices = #map}, {transform_indices = #map}, {transform_indices = #map1}, {transform_indices = #map1}]} {
    %mul3A = arith.constant 2 : i32
    %mul3A_0 = arith.muli %arg1, %mul3A : i32
    %add3A = arith.addi %mul3A_0, %arg0 : i32
    %mul3A_1 = arith.constant 128 : i32
    %mul3A_2 = arith.muli %add3A, %mul3A_1 : i32
    %iota3A = tpu.iota {dimensions = array<i32: 0>} : vector<16xi32>
    "tpu.region"() ({
      %run_scoped3A = tpu.sem_alloc : memref<!tpu.dma_semaphore, #tpu.memory_space<semaphore_mem>>
      %dma_start3A_68 = arith.constant 0 : i32
      %dma_start3A_69 = tpu.memref_slice %arg6[%dma_start3A_68] : memref<4224xi32, #tpu.memory_space<vmem>> -> memref<4097xi32, #tpu.memory_space<vmem>>
      %dma_start3A_70 = arith.constant 0 : i32
      %dma_start3A_71 = tpu.memref_slice %arg6[%dma_start3A_70] : memref<4224xi32, #tpu.memory_space<vmem>> -> memref<4097xi32, #tpu.memory_space<vmem>>
      tpu.enqueue_dma source(%arg3 : memref<4097xi32, #tpu.memory_space<hbm>>) target(%dma_start3A_71 : memref<4097xi32, #tpu.memory_space<vmem>>) target_semaphore(%run_scoped3A : memref<!tpu.dma_semaphore, #tpu.memory_space<semaphore_mem>>)
      %dma_wait3A = arith.constant 0 : i32
      %dma_wait3A_72 = tpu.memref_slice %arg6[%dma_wait3A] : memref<4224xi32, #tpu.memory_space<vmem>> -> memref<4097xi32, #tpu.memory_space<vmem>>
      %dma_wait3A_73 = arith.constant 0 : i32
      %dma_wait3A_74 = tpu.memref_slice %arg6[%dma_wait3A_73] : memref<4224xi32, #tpu.memory_space<vmem>> -> memref<4097xi32, #tpu.memory_space<vmem>>
      tpu.wait_dma2 semaphore(%run_scoped3A : memref<!tpu.dma_semaphore, #tpu.memory_space<semaphore_mem>>) src(%arg3 : memref<4097xi32, #tpu.memory_space<hbm>>) dst(%dma_wait3A_74 : memref<4097xi32, #tpu.memory_space<vmem>>)
      tpu.yield
    }) : () -> ()
    %broadcast_in_dim3A = arith.constant 0 : i32
    %broadcast_in_dim3A_3 = vector.broadcast %broadcast_in_dim3A : i32 to vector<16xi32>
    %scan3A = arith.constant 0 : i32
    %scan3A_4 = arith.constant 160 : i32
    %scan3A_5 = arith.addi %scan3A, %scan3A_4 : i32
    %scan3A_6 = arith.constant 1 : i32
    %scan3A_7:2 = scf.for %scan3A_68 = %scan3A to %scan3A_5 step %scan3A_6 iter_args(%scan3A_69 = %broadcast_in_dim3A_3, %scan3A_70 = %iota3A) -> (vector<16xi32>, vector<16xi32>)  : i32 {
      %add3A_71 = vector.broadcast %mul3A_2 : i32 to vector<16xi32>
      %add3A_72 = arith.addi %add3A_71, %scan3A_69 : vector<16xi32>
      %gather3A = tpu.vector_load_idx %arg6[%add3A_72] : memref<4224xi32, #tpu.memory_space<vmem>>[vector<16xi32>], vector<16xi32>,
      %add3A_73 = vector.broadcast %mul3A_2 : i32 to vector<16xi32>
      %add3A_74 = arith.addi %add3A_73, %scan3A_69 : vector<16xi32>
      %add3A_75 = arith.constant 1 : i32
      %add3A_76 = vector.broadcast %add3A_75 : i32 to vector<16xi32>
      %add3A_77 = arith.addi %add3A_74, %add3A_76 : vector<16xi32>
      %gather3A_78 = tpu.vector_load_idx %arg6[%add3A_77] : memref<4224xi32, #tpu.memory_space<vmem>>[vector<16xi32>], vector<16xi32>,
      %add3A_79 = arith.addi %gather3A, %scan3A_70 : vector<16xi32>
      %lt3A = arith.cmpi slt, %add3A_79, %gather3A_78 : vector<16xi32>
      %min3A = arith.constant 40959 : i32
      %min3A_80 = vector.broadcast %min3A : i32 to vector<16xi32>
      %min3A_81 = arith.minsi %add3A_79, %min3A_80 : vector<16xi32>
      %mul3A_82 = arith.constant 16 : i32
      %mul3A_83 = arith.muli %scan3A_68, %mul3A_82 : i32
      %swap3A = arith.index_cast %mul3A_83 : i32 to index
      %swap3A_84 = tpu.vector_load %arg7[%swap3A] {strides = array<i32>} : memref<2560xi32, #tpu.memory_space<vmem>>, vector<16xi32>,
      tpu.vector_store %arg7[%swap3A], %min3A_81 {strides = array<i32>} : memref<2560xi32, #tpu.memory_space<vmem>>, vector<16xi32>,
      %jit3A = arith.constant 1.000000e+00 : f32
      %jit3A_85 = arith.constant 0.000000e+00 : f32
      %broadcast_in_dim3A_86 = vector.broadcast %jit3A : f32 to vector<16xf32>
      %broadcast_in_dim3A_87 = vector.broadcast %jit3A_85 : f32 to vector<16xf32>
      %select_n3A = arith.select %lt3A, %broadcast_in_dim3A_86, %broadcast_in_dim3A_87 : vector<16xi1>, vector<16xf32>
      %mul3A_88 = arith.constant 16 : i32
      %mul3A_89 = arith.muli %scan3A_68, %mul3A_88 : i32
      %swap3A_90 = arith.index_cast %mul3A_89 : i32 to index
      %swap3A_91 = tpu.vector_load %arg8[%swap3A_90] {strides = array<i32>} : memref<2560xf32, #tpu.memory_space<vmem>>, vector<16xf32>,
      tpu.vector_store %arg8[%swap3A_90], %select_n3A {strides = array<i32>} : memref<2560xf32, #tpu.memory_space<vmem>>, vector<16xf32>,
      %add3A_92 = arith.constant 16 : i32
      %add3A_93 = vector.broadcast %add3A_92 : i32 to vector<16xi32>
      %add3A_94 = arith.addi %scan3A_70, %add3A_93 : vector<16xi32>
      %ge3A = arith.constant 20 : i32
      %ge3A_95 = vector.broadcast %ge3A : i32 to vector<16xi32>
      %ge3A_96 = arith.cmpi sge, %add3A_94, %ge3A_95 : vector<16xi32>
      %sub3A = arith.constant 20 : i32
      %sub3A_97 = vector.broadcast %sub3A : i32 to vector<16xi32>
      %sub3A_98 = arith.subi %add3A_94, %sub3A_97 : vector<16xi32>
      %select_n3A_99 = arith.select %ge3A_96, %sub3A_98, %add3A_94 : vector<16xi1>, vector<16xi32>
      %jit3A_100 = arith.constant 1 : i32
      %jit3A_101 = arith.constant 0 : i32
      %broadcast_in_dim3A_102 = vector.broadcast %jit3A_100 : i32 to vector<16xi32>
      %broadcast_in_dim3A_103 = vector.broadcast %jit3A_101 : i32 to vector<16xi32>
      %select_n3A_104 = arith.select %ge3A_96, %broadcast_in_dim3A_102, %broadcast_in_dim3A_103 : vector<16xi1>, vector<16xi32>
      %add3A_105 = arith.addi %scan3A_69, %select_n3A_104 : vector<16xi32>
      scf.yield %add3A_105, %select_n3A_99 : vector<16xi32>, vector<16xi32>
    }
    %scan3A_8 = arith.constant 160 : i32
    %scan3A_9 = arith.constant 0 : i32
    %scan3A_10 = arith.constant 0 : i32
    %scan3A_11 = arith.constant 20 : i32
    %scan3A_12 = arith.addi %scan3A_10, %scan3A_11 : i32
    %scan3A_13 = arith.constant 1 : i32
    scf.for %scan3A_68 = %scan3A_10 to %scan3A_12 step %scan3A_13  : i32 {
      %mul3A_69 = arith.constant 128 : i32
      %mul3A_70 = arith.muli %scan3A_68, %mul3A_69 : i32
      %mul3A_71 = arith.constant 128 : i32
      %mul3A_72 = arith.muli %scan3A_68, %mul3A_71 : i32
      %dma_start3A_73 = tpu.memref_slice %arg9[%mul3A_72] : memref<2560xi32, #tpu.memory_space<vmem>> -> memref<128xi32, #tpu.memory_space<vmem>>
      %dma_start3A_74 = tpu.memref_slice %arg7[%mul3A_70] : memref<2560xi32, #tpu.memory_space<vmem>> -> memref<128xi32, #tpu.memory_space<vmem>>
      %dma_start3A_75 = arith.constant 0 : i32
      %dma_start3A_76 = tpu.memref_slice %arg2[%dma_start3A_75] : memref<40960xi32, #tpu.memory_space<hbm>> -> memref<40960xi32, #tpu.memory_space<hbm>>
      tpu.enqueue_indirect_dma source(%dma_start3A_76 : memref<40960xi32, #tpu.memory_space<hbm>>) target(%dma_start3A_73 : memref<128xi32, #tpu.memory_space<vmem>>) offsets(%dma_start3A_74 : memref<128xi32, #tpu.memory_space<vmem>>) semaphore(%arg13 : memref<!tpu.dma_semaphore, #tpu.memory_space<semaphore_mem>>)
    }
    %scan3A_14 = arith.constant 20 : i32
    %scan3A_15 = arith.constant 0 : i32
    %scan3A_16 = arith.constant 0 : i32
    %scan3A_17 = arith.constant 20 : i32
    %scan3A_18 = arith.addi %scan3A_16, %scan3A_17 : i32
    %scan3A_19 = arith.constant 1 : i32
    scf.for %scan3A_68 = %scan3A_16 to %scan3A_18 step %scan3A_19  : i32 {
      %mul3A_69 = arith.constant 128 : i32
      %mul3A_70 = arith.muli %scan3A_68, %mul3A_69 : i32
      %mul3A_71 = arith.constant 128 : i32
      %mul3A_72 = arith.muli %scan3A_68, %mul3A_71 : i32
      %dma_wait3A = tpu.memref_slice %arg9[%mul3A_72] : memref<2560xi32, #tpu.memory_space<vmem>> -> memref<128xi32, #tpu.memory_space<vmem>>
      %dma_wait3A_73 = tpu.memref_slice %arg7[%mul3A_70] : memref<2560xi32, #tpu.memory_space<vmem>> -> memref<128xi32, #tpu.memory_space<vmem>>
      %dma_wait3A_74 = arith.constant 0 : i32
      %dma_wait3A_75 = tpu.memref_slice %arg2[%dma_wait3A_74] : memref<40960xi32, #tpu.memory_space<hbm>> -> memref<40960xi32, #tpu.memory_space<hbm>>
      tpu.wait_indirect_dma semaphore(%arg13 : memref<!tpu.dma_semaphore, #tpu.memory_space<semaphore_mem>>) src(%dma_wait3A_75 : memref<40960xi32, #tpu.memory_space<hbm>>) dst(%dma_wait3A : memref<128xi32, #tpu.memory_space<vmem>>)
    }
    %scan3A_20 = arith.constant 20 : i32
    %scan3A_21 = arith.constant 0 : i32
    %scan3A_22 = arith.constant 0 : i32
    %scan3A_23 = arith.constant 160 : i32
    %scan3A_24 = arith.addi %scan3A_22, %scan3A_23 : i32
    %scan3A_25 = arith.constant 1 : i32
    scf.for %scan3A_68 = %scan3A_22 to %scan3A_24 step %scan3A_25  : i32 {
      %mul3A_69 = arith.constant 16 : i32
      %mul3A_70 = arith.muli %scan3A_68, %mul3A_69 : i32
      %get3A = arith.index_cast %mul3A_70 : i32 to index
      %get3A_71 = tpu.vector_load %arg9[%get3A] {strides = array<i32>} : memref<2560xi32, #tpu.memory_space<vmem>>, vector<16xi32>,
      %shift_right_logical3A = arith.constant 2 : i32
      %shift_right_logical3A_72 = vector.broadcast %shift_right_logical3A : i32 to vector<16xi32>
      %shift_right_logical3A_73 = arith.shrui %get3A_71, %shift_right_logical3A_72 : vector<16xi32>
      %mul3A_74 = arith.constant 16 : i32
      %mul3A_75 = arith.muli %scan3A_68, %mul3A_74 : i32
      %swap3A = arith.index_cast %mul3A_75 : i32 to index
      %swap3A_76 = tpu.vector_load %arg9[%swap3A] {strides = array<i32>} : memref<2560xi32, #tpu.memory_space<vmem>>, vector<16xi32>,
      tpu.vector_store %arg9[%swap3A], %shift_right_logical3A_73 {strides = array<i32>} : memref<2560xi32, #tpu.memory_space<vmem>>, vector<16xi32>,
      %and3A = arith.constant 3 : i32
      %and3A_77 = vector.broadcast %and3A : i32 to vector<16xi32>
      %and3A_78 = arith.andi %get3A_71, %and3A_77 : vector<16xi32>
      %shift_left3A = arith.constant 5 : i32
      %shift_left3A_79 = vector.broadcast %shift_left3A : i32 to vector<16xi32>
      %shift_left3A_80 = arith.shli %and3A_78, %shift_left3A_79 : vector<16xi32>
      %mul3A_81 = arith.constant 16 : i32
      %mul3A_82 = arith.muli %scan3A_68, %mul3A_81 : i32
      %swap3A_83 = arith.index_cast %mul3A_82 : i32 to index
      %swap3A_84 = tpu.vector_load %arg10[%swap3A_83] {strides = array<i32>} : memref<2560xi32, #tpu.memory_space<vmem>>, vector<16xi32>,
      tpu.vector_store %arg10[%swap3A_83], %shift_left3A_80 {strides = array<i32>} : memref<2560xi32, #tpu.memory_space<vmem>>, vector<16xi32>,
    }
    %scan3A_26 = arith.constant 160 : i32
    %dma_start3A = arith.constant 0 : i32
    %dma_start3A_27 = arith.constant 0 : i32
    %dma_start3A_28 = arith.constant 0 : i32
    %dma_start3A_29 = tpu.memref_slice %arg11[%dma_start3A, %dma_start3A_27, %dma_start3A_28] : memref<2x320x128xf32, #tpu.memory_space<vmem>> -> memref<1x128x128xf32, #tpu.memory_space<vmem>>
    %dma_start3A_30 = tpu.memref_squeeze %dma_start3A_29 : memref<1x128x128xf32, #tpu.memory_space<vmem>> -> memref<128x128xf32, #tpu.memory_space<vmem>>
    %dma_start3A_31 = arith.constant 0 : i32
    %dma_start3A_32 = tpu.memref_slice %arg9[%dma_start3A_31] : memref<2560xi32, #tpu.memory_space<vmem>> -> memref<128xi32, #tpu.memory_space<vmem>>
    %dma_start3A_33 = arith.constant 0 : i32
    %dma_start3A_34 = arith.constant 0 : i32
    %dma_start3A_35 = tpu.memref_slice %arg4[%dma_start3A_33, %dma_start3A_34] : memref<250000x128xf32, #tpu.memory_space<hbm>> -> memref<250000x128xf32, #tpu.memory_space<hbm>>
    tpu.enqueue_indirect_dma source(%dma_start3A_35 : memref<250000x128xf32, #tpu.memory_space<hbm>>) target(%dma_start3A_30 : memref<128x128xf32, #tpu.memory_space<vmem>>) offsets(%dma_start3A_32 : memref<128xi32, #tpu.memory_space<vmem>>) semaphore(%arg14 : memref<!tpu.dma_semaphore, #tpu.memory_space<semaphore_mem>>)
    %dma_start3A_36 = arith.constant 0 : i32
    %dma_start3A_37 = arith.constant 128 : i32
    %dma_start3A_38 = arith.constant 0 : i32
    %dma_start3A_39 = tpu.memref_slice %arg11[%dma_start3A_36, %dma_start3A_37, %dma_start3A_38] : memref<2x320x128xf32, #tpu.memory_space<vmem>> -> memref<1x128x128xf32, #tpu.memory_space<vmem>>
    %dma_start3A_40 = tpu.memref_squeeze %dma_start3A_39 : memref<1x128x128xf32, #tpu.memory_space<vmem>> -> memref<128x128xf32, #tpu.memory_space<vmem>>
    %dma_start3A_41 = arith.constant 128 : i32
    %dma_start3A_42 = tpu.memref_slice %arg9[%dma_start3A_41] : memref<2560xi32, #tpu.memory_space<vmem>> -> memref<128xi32, #tpu.memory_space<vmem>>
    %dma_start3A_43 = arith.constant 0 : i32
    %dma_start3A_44 = arith.constant 0 : i32
    %dma_start3A_45 = tpu.memref_slice %arg4[%dma_start3A_43, %dma_start3A_44] : memref<250000x128xf32, #tpu.memory_space<hbm>> -> memref<250000x128xf32, #tpu.memory_space<hbm>>
    tpu.enqueue_indirect_dma source(%dma_start3A_45 : memref<250000x128xf32, #tpu.memory_space<hbm>>) target(%dma_start3A_40 : memref<128x128xf32, #tpu.memory_space<vmem>>) offsets(%dma_start3A_42 : memref<128xi32, #tpu.memory_space<vmem>>) semaphore(%arg14 : memref<!tpu.dma_semaphore, #tpu.memory_space<semaphore_mem>>)
    %dma_start3A_46 = arith.constant 0 : i32
    %dma_start3A_47 = arith.constant 256 : i32
    %dma_start3A_48 = arith.constant 0 : i32
    %dma_start3A_49 = tpu.memref_slice %arg11[%dma_start3A_46, %dma_start3A_47, %dma_start3A_48] : memref<2x320x128xf32, #tpu.memory_space<vmem>> -> memref<1x64x128xf32, #tpu.memory_space<vmem>>
    %dma_start3A_50 = tpu.memref_squeeze %dma_start3A_49 : memref<1x64x128xf32, #tpu.memory_space<vmem>> -> memref<64x128xf32, #tpu.memory_space<vmem>>
    %dma_start3A_51 = arith.constant 256 : i32
    %dma_start3A_52 = tpu.memref_slice %arg9[%dma_start3A_51] : memref<2560xi32, #tpu.memory_space<vmem>> -> memref<64xi32, #tpu.memory_space<vmem>>
    %dma_start3A_53 = arith.constant 0 : i32
    %dma_start3A_54 = arith.constant 0 : i32
    %dma_start3A_55 = tpu.memref_slice %arg4[%dma_start3A_53, %dma_start3A_54] : memref<250000x128xf32, #tpu.memory_space<hbm>> -> memref<250000x128xf32, #tpu.memory_space<hbm>>
    tpu.enqueue_indirect_dma source(%dma_start3A_55 : memref<250000x128xf32, #tpu.memory_space<hbm>>) target(%dma_start3A_50 : memref<64x128xf32, #tpu.memory_space<vmem>>) offsets(%dma_start3A_52 : memref<64xi32, #tpu.memory_space<vmem>>) semaphore(%arg14 : memref<!tpu.dma_semaphore, #tpu.memory_space<semaphore_mem>>)
    %scan3A_56 = arith.constant 0 : i32
    %scan3A_57 = arith.constant 0 : i32
    %scan3A_58 = arith.constant 8 : i32
    %scan3A_59 = arith.addi %scan3A_57, %scan3A_58 : i32
    %scan3A_60 = arith.constant 1 : i32
    scf.for %scan3A_68 = %scan3A_57 to %scan3A_59 step %scan3A_60  : i32 {
      %jit3A = arith.constant 2 : i32
      %eq3A = arith.constant 0 : i32
      %eq3A_69 = arith.cmpi eq, %jit3A, %eq3A : i32
      %jit3A_70 = arith.constant 1 : i32
      %select_n3A = arith.select %eq3A_69, %jit3A_70, %jit3A : i32
      %rem3A = arith.remsi %scan3A_68, %select_n3A : i32
      %ne3A = arith.constant 0 : i32
      %ne3A_71 = arith.cmpi ne, %rem3A, %ne3A : i32
      %lt3A = arith.constant 0 : i32
      %lt3A_72 = arith.cmpi slt, %rem3A, %lt3A : i32
      %lt3A_73 = arith.constant 0 : i32
      %lt3A_74 = arith.cmpi slt, %select_n3A, %lt3A_73 : i32
      %ne3A_75 = arith.xori %lt3A_72, %lt3A_74 : i1
      %and3A = arith.andi %ne3A_75, %ne3A_71 : i1
      %add3A_76 = arith.addi %rem3A, %select_n3A : i32
      %select_n3A_77 = arith.select %and3A, %add3A_76, %rem3A : i32
      %mul3A_78 = arith.constant 320 : i32
      %mul3A_79 = arith.muli %scan3A_68, %mul3A_78 : i32
      %add3A_80 = arith.constant 128 : i32
      %add3A_81 = arith.addi %mul3A_79, %add3A_80 : i32
      %add3A_82 = arith.constant 256 : i32
      %add3A_83 = arith.addi %mul3A_79, %add3A_82 : i32
      %dma_wait3A = arith.constant 0 : i32
      %dma_wait3A_84 = arith.constant 0 : i32
      %dma_wait3A_85 = tpu.memref_slice %arg11[%select_n3A_77, %dma_wait3A, %dma_wait3A_84] : memref<2x320x128xf32, #tpu.memory_space<vmem>> -> memref<1x128x128xf32, #tpu.memory_space<vmem>>
      %dma_wait3A_86 = tpu.memref_squeeze %dma_wait3A_85 : memref<1x128x128xf32, #tpu.memory_space<vmem>> -> memref<128x128xf32, #tpu.memory_space<vmem>>
      %dma_wait3A_87 = tpu.memref_slice %arg9[%mul3A_79] : memref<2560xi32, #tpu.memory_space<vmem>> -> memref<128xi32, #tpu.memory_space<vmem>>
      %dma_wait3A_88 = arith.constant 0 : i32
      %dma_wait3A_89 = arith.constant 0 : i32
      %dma_wait3A_90 = tpu.memref_slice %arg4[%dma_wait3A_88, %dma_wait3A_89] : memref<250000x128xf32, #tpu.memory_space<hbm>> -> memref<250000x128xf32, #tpu.memory_space<hbm>>
      tpu.wait_indirect_dma semaphore(%arg14 : memref<!tpu.dma_semaphore, #tpu.memory_space<semaphore_mem>>) src(%dma_wait3A_90 : memref<250000x128xf32, #tpu.memory_space<hbm>>) dst(%dma_wait3A_86 : memref<128x128xf32, #tpu.memory_space<vmem>>)
      %dma_wait3A_91 = arith.constant 128 : i32
      %dma_wait3A_92 = arith.constant 0 : i32
      %dma_wait3A_93 = tpu.memref_slice %arg11[%select_n3A_77, %dma_wait3A_91, %dma_wait3A_92] : memref<2x320x128xf32, #tpu.memory_space<vmem>> -> memref<1x128x128xf32, #tpu.memory_space<vmem>>
      %dma_wait3A_94 = tpu.memref_squeeze %dma_wait3A_93 : memref<1x128x128xf32, #tpu.memory_space<vmem>> -> memref<128x128xf32, #tpu.memory_space<vmem>>
      %dma_wait3A_95 = tpu.memref_slice %arg9[%add3A_81] : memref<2560xi32, #tpu.memory_space<vmem>> -> memref<128xi32, #tpu.memory_space<vmem>>
      %dma_wait3A_96 = arith.constant 0 : i32
      %dma_wait3A_97 = arith.constant 0 : i32
      %dma_wait3A_98 = tpu.memref_slice %arg4[%dma_wait3A_96, %dma_wait3A_97] : memref<250000x128xf32, #tpu.memory_space<hbm>> -> memref<250000x128xf32, #tpu.memory_space<hbm>>
      tpu.wait_indirect_dma semaphore(%arg14 : memref<!tpu.dma_semaphore, #tpu.memory_space<semaphore_mem>>) src(%dma_wait3A_98 : memref<250000x128xf32, #tpu.memory_space<hbm>>) dst(%dma_wait3A_94 : memref<128x128xf32, #tpu.memory_space<vmem>>)
      %dma_wait3A_99 = arith.constant 256 : i32
      %dma_wait3A_100 = arith.constant 0 : i32
      %dma_wait3A_101 = tpu.memref_slice %arg11[%select_n3A_77, %dma_wait3A_99, %dma_wait3A_100] : memref<2x320x128xf32, #tpu.memory_space<vmem>> -> memref<1x64x128xf32, #tpu.memory_space<vmem>>
      %dma_wait3A_102 = tpu.memref_squeeze %dma_wait3A_101 : memref<1x64x128xf32, #tpu.memory_space<vmem>> -> memref<64x128xf32, #tpu.memory_space<vmem>>
      %dma_wait3A_103 = tpu.memref_slice %arg9[%add3A_83] : memref<2560xi32, #tpu.memory_space<vmem>> -> memref<64xi32, #tpu.memory_space<vmem>>
      %dma_wait3A_104 = arith.constant 0 : i32
      %dma_wait3A_105 = arith.constant 0 : i32
      %dma_wait3A_106 = tpu.memref_slice %arg4[%dma_wait3A_104, %dma_wait3A_105] : memref<250000x128xf32, #tpu.memory_space<hbm>> -> memref<250000x128xf32, #tpu.memory_space<hbm>>
      tpu.wait_indirect_dma semaphore(%arg14 : memref<!tpu.dma_semaphore, #tpu.memory_space<semaphore_mem>>) src(%dma_wait3A_106 : memref<250000x128xf32, #tpu.memory_space<hbm>>) dst(%dma_wait3A_102 : memref<64x128xf32, #tpu.memory_space<vmem>>)
      %add3A_107 = arith.constant 1 : i32
      %add3A_108 = arith.addi %scan3A_68, %add3A_107 : i32
      %lt3A_109 = arith.constant 8 : i32
      %lt3A_110 = arith.cmpi slt, %add3A_108, %lt3A_109 : i32
      %convert_element_type3A = arith.extui %lt3A_110 : i1 to i32
      %cond3A = arith.constant 0 : i32
      %cond3A_111 = arith.cmpi ne, %convert_element_type3A, %cond3A : i32
      scf.if %cond3A_111 {
        %add3A_206 = arith.constant 1 : i32
        %add3A_207 = arith.addi %scan3A_68, %add3A_206 : i32
        %sub3A = arith.constant 1 : i32
        %sub3A_208 = arith.subi %sub3A, %select_n3A_77 : i32
        %mul3A_209 = arith.constant 320 : i32
        %mul3A_210 = arith.muli %add3A_207, %mul3A_209 : i32
        %add3A_211 = arith.constant 128 : i32
        %add3A_212 = arith.addi %mul3A_210, %add3A_211 : i32
        %add3A_213 = arith.constant 256 : i32
        %add3A_214 = arith.addi %mul3A_210, %add3A_213 : i32
        %dma_start3A_215 = arith.constant 0 : i32
        %dma_start3A_216 = arith.constant 0 : i32
        %dma_start3A_217 = tpu.memref_slice %arg11[%sub3A_208, %dma_start3A_215, %dma_start3A_216] : memref<2x320x128xf32, #tpu.memory_space<vmem>> -> memref<1x128x128xf32, #tpu.memory_space<vmem>>
        %dma_start3A_218 = tpu.memref_squeeze %dma_start3A_217 : memref<1x128x128xf32, #tpu.memory_space<vmem>> -> memref<128x128xf32, #tpu.memory_space<vmem>>
        %dma_start3A_219 = tpu.memref_slice %arg9[%mul3A_210] : memref<2560xi32, #tpu.memory_space<vmem>> -> memref<128xi32, #tpu.memory_space<vmem>>
        %dma_start3A_220 = arith.constant 0 : i32
        %dma_start3A_221 = arith.constant 0 : i32
        %dma_start3A_222 = tpu.memref_slice %arg4[%dma_start3A_220, %dma_start3A_221] : memref<250000x128xf32, #tpu.memory_space<hbm>> -> memref<250000x128xf32, #tpu.memory_space<hbm>>
        tpu.enqueue_indirect_dma source(%dma_start3A_222 : memref<250000x128xf32, #tpu.memory_space<hbm>>) target(%dma_start3A_218 : memref<128x128xf32, #tpu.memory_space<vmem>>) offsets(%dma_start3A_219 : memref<128xi32, #tpu.memory_space<vmem>>) semaphore(%arg14 : memref<!tpu.dma_semaphore, #tpu.memory_space<semaphore_mem>>)
        %dma_start3A_223 = arith.constant 128 : i32
        %dma_start3A_224 = arith.constant 0 : i32
        %dma_start3A_225 = tpu.memref_slice %arg11[%sub3A_208, %dma_start3A_223, %dma_start3A_224] : memref<2x320x128xf32, #tpu.memory_space<vmem>> -> memref<1x128x128xf32, #tpu.memory_space<vmem>>
        %dma_start3A_226 = tpu.memref_squeeze %dma_start3A_225 : memref<1x128x128xf32, #tpu.memory_space<vmem>> -> memref<128x128xf32, #tpu.memory_space<vmem>>
        %dma_start3A_227 = tpu.memref_slice %arg9[%add3A_212] : memref<2560xi32, #tpu.memory_space<vmem>> -> memref<128xi32, #tpu.memory_space<vmem>>
        %dma_start3A_228 = arith.constant 0 : i32
        %dma_start3A_229 = arith.constant 0 : i32
        %dma_start3A_230 = tpu.memref_slice %arg4[%dma_start3A_228, %dma_start3A_229] : memref<250000x128xf32, #tpu.memory_space<hbm>> -> memref<250000x128xf32, #tpu.memory_space<hbm>>
        tpu.enqueue_indirect_dma source(%dma_start3A_230 : memref<250000x128xf32, #tpu.memory_space<hbm>>) target(%dma_start3A_226 : memref<128x128xf32, #tpu.memory_space<vmem>>) offsets(%dma_start3A_227 : memref<128xi32, #tpu.memory_space<vmem>>) semaphore(%arg14 : memref<!tpu.dma_semaphore, #tpu.memory_space<semaphore_mem>>)
        %dma_start3A_231 = arith.constant 256 : i32
        %dma_start3A_232 = arith.constant 0 : i32
        %dma_start3A_233 = tpu.memref_slice %arg11[%sub3A_208, %dma_start3A_231, %dma_start3A_232] : memref<2x320x128xf32, #tpu.memory_space<vmem>> -> memref<1x64x128xf32, #tpu.memory_space<vmem>>
        %dma_start3A_234 = tpu.memref_squeeze %dma_start3A_233 : memref<1x64x128xf32, #tpu.memory_space<vmem>> -> memref<64x128xf32, #tpu.memory_space<vmem>>
        %dma_start3A_235 = tpu.memref_slice %arg9[%add3A_214] : memref<2560xi32, #tpu.memory_space<vmem>> -> memref<64xi32, #tpu.memory_space<vmem>>
        %dma_start3A_236 = arith.constant 0 : i32
        %dma_start3A_237 = arith.constant 0 : i32
        %dma_start3A_238 = tpu.memref_slice %arg4[%dma_start3A_236, %dma_start3A_237] : memref<250000x128xf32, #tpu.memory_space<hbm>> -> memref<250000x128xf32, #tpu.memory_space<hbm>>
        tpu.enqueue_indirect_dma source(%dma_start3A_238 : memref<250000x128xf32, #tpu.memory_space<hbm>>) target(%dma_start3A_234 : memref<64x128xf32, #tpu.memory_space<vmem>>) offsets(%dma_start3A_235 : memref<64xi32, #tpu.memory_space<vmem>>) semaphore(%arg14 : memref<!tpu.dma_semaphore, #tpu.memory_space<semaphore_mem>>)
      } else {
      }
      %ge3A = arith.constant 2 : i32
      %ge3A_112 = arith.cmpi sge, %scan3A_68, %ge3A : i32
      %convert_element_type3A_113 = arith.extui %ge3A_112 : i1 to i32
      %cond3A_114 = arith.constant 0 : i32
      %cond3A_115 = arith.cmpi ne, %convert_element_type3A_113, %cond3A_114 : i32
      scf.if %cond3A_115 {
        %sub3A = arith.constant 2 : i32
        %sub3A_206 = arith.subi %scan3A_68, %sub3A : i32
        %mul3A_207 = arith.constant 16 : i32
        %mul3A_208 = arith.muli %sub3A_206, %mul3A_207 : i32
        %add3A_209 = arith.addi %mul3A_2, %mul3A_208 : i32
        %dma_wait3A_210 = arith.constant 0 : i32
        %dma_wait3A_211 = arith.constant 0 : i32
        %dma_wait3A_212 = arith.constant 0 : i32
        %dma_wait3A_213 = tpu.memref_slice %arg12[%select_n3A_77, %dma_wait3A_210, %dma_wait3A_211, %dma_wait3A_212] : memref<2x5x16x128xf32, #tpu.memory_space<vmem>> -> memref<1x1x16x128xf32, #tpu.memory_space<vmem>>
        %dma_wait3A_214 = tpu.memref_squeeze %dma_wait3A_213 : memref<1x1x16x128xf32, #tpu.memory_space<vmem>> -> memref<16x128xf32, #tpu.memory_space<vmem>>
        %dma_wait3A_215 = arith.constant 0 : i32
        %dma_wait3A_216 = tpu.memref_slice %arg5[%add3A_209, %dma_wait3A_215] : memref<4096x640xf32, #tpu.memory_space<hbm>> -> memref<16x128xf32, #tpu.memory_space<hbm>>
        %dma_wait3A_217 = arith.constant 0 : i32
        %dma_wait3A_218 = tpu.memref_slice %arg5[%add3A_209, %dma_wait3A_217] : memref<4096x640xf32, #tpu.memory_space<hbm>> -> memref<16x128xf32, #tpu.memory_space<hbm>>
        %dma_wait3A_219 = arith.constant 0 : i32
        %dma_wait3A_220 = arith.constant 0 : i32
        %dma_wait3A_221 = tpu.memref_slice %arg12[%select_n3A_77, %dma_wait3A_210, %dma_wait3A_219, %dma_wait3A_220] : memref<2x5x16x128xf32, #tpu.memory_space<vmem>> -> memref<1x1x16x128xf32, #tpu.memory_space<vmem>>
        %dma_wait3A_222 = tpu.memref_squeeze %dma_wait3A_221 : memref<1x1x16x128xf32, #tpu.memory_space<vmem>> -> memref<16x128xf32, #tpu.memory_space<vmem>>
        tpu.wait_dma2 semaphore(%arg15 : memref<!tpu.dma_semaphore, #tpu.memory_space<semaphore_mem>>) src(%dma_wait3A_222 : memref<16x128xf32, #tpu.memory_space<vmem>>) dst(%dma_wait3A_218 : memref<16x128xf32, #tpu.memory_space<hbm>>)
        %sub3A_223 = arith.constant 2 : i32
        %sub3A_224 = arith.subi %scan3A_68, %sub3A_223 : i32
        %mul3A_225 = arith.constant 16 : i32
        %mul3A_226 = arith.muli %sub3A_224, %mul3A_225 : i32
        %add3A_227 = arith.addi %mul3A_2, %mul3A_226 : i32
        %dma_wait3A_228 = arith.constant 1 : i32
        %dma_wait3A_229 = arith.constant 0 : i32
        %dma_wait3A_230 = arith.constant 0 : i32
        %dma_wait3A_231 = tpu.memref_slice %arg12[%select_n3A_77, %dma_wait3A_228, %dma_wait3A_229, %dma_wait3A_230] : memref<2x5x16x128xf32, #tpu.memory_space<vmem>> -> memref<1x1x16x128xf32, #tpu.memory_space<vmem>>
        %dma_wait3A_232 = tpu.memref_squeeze %dma_wait3A_231 : memref<1x1x16x128xf32, #tpu.memory_space<vmem>> -> memref<16x128xf32, #tpu.memory_space<vmem>>
        %dma_wait3A_233 = arith.constant 128 : i32
        %dma_wait3A_234 = tpu.memref_slice %arg5[%add3A_227, %dma_wait3A_233] : memref<4096x640xf32, #tpu.memory_space<hbm>> -> memref<16x128xf32, #tpu.memory_space<hbm>>
        %dma_wait3A_235 = arith.constant 128 : i32
        %dma_wait3A_236 = tpu.memref_slice %arg5[%add3A_227, %dma_wait3A_235] : memref<4096x640xf32, #tpu.memory_space<hbm>> -> memref<16x128xf32, #tpu.memory_space<hbm>>
        %dma_wait3A_237 = arith.constant 0 : i32
        %dma_wait3A_238 = arith.constant 0 : i32
        %dma_wait3A_239 = tpu.memref_slice %arg12[%select_n3A_77, %dma_wait3A_228, %dma_wait3A_237, %dma_wait3A_238] : memref<2x5x16x128xf32, #tpu.memory_space<vmem>> -> memref<1x1x16x128xf32, #tpu.memory_space<vmem>>
        %dma_wait3A_240 = tpu.memref_squeeze %dma_wait3A_239 : memref<1x1x16x128xf32, #tpu.memory_space<vmem>> -> memref<16x128xf32, #tpu.memory_space<vmem>>
        tpu.wait_dma2 semaphore(%arg15 : memref<!tpu.dma_semaphore, #tpu.memory_space<semaphore_mem>>) src(%dma_wait3A_240 : memref<16x128xf32, #tpu.memory_space<vmem>>) dst(%dma_wait3A_236 : memref<16x128xf32, #tpu.memory_space<hbm>>)
        %sub3A_241 = arith.constant 2 : i32
        %sub3A_242 = arith.subi %scan3A_68, %sub3A_241 : i32
        %mul3A_243 = arith.constant 16 : i32
        %mul3A_244 = arith.muli %sub3A_242, %mul3A_243 : i32
        %add3A_245 = arith.addi %mul3A_2, %mul3A_244 : i32
        %dma_wait3A_246 = arith.constant 2 : i32
        %dma_wait3A_247 = arith.constant 0 : i32
        %dma_wait3A_248 = arith.constant 0 : i32
        %dma_wait3A_249 = tpu.memref_slice %arg12[%select_n3A_77, %dma_wait3A_246, %dma_wait3A_247, %dma_wait3A_248] : memref<2x5x16x128xf32, #tpu.memory_space<vmem>> -> memref<1x1x16x128xf32, #tpu.memory_space<vmem>>
        %dma_wait3A_250 = tpu.memref_squeeze %dma_wait3A_249 : memref<1x1x16x128xf32, #tpu.memory_space<vmem>> -> memref<16x128xf32, #tpu.memory_space<vmem>>
        %dma_wait3A_251 = arith.constant 256 : i32
        %dma_wait3A_252 = tpu.memref_slice %arg5[%add3A_245, %dma_wait3A_251] : memref<4096x640xf32, #tpu.memory_space<hbm>> -> memref<16x128xf32, #tpu.memory_space<hbm>>
        %dma_wait3A_253 = arith.constant 256 : i32
        %dma_wait3A_254 = tpu.memref_slice %arg5[%add3A_245, %dma_wait3A_253] : memref<4096x640xf32, #tpu.memory_space<hbm>> -> memref<16x128xf32, #tpu.memory_space<hbm>>
        %dma_wait3A_255 = arith.constant 0 : i32
        %dma_wait3A_256 = arith.constant 0 : i32
        %dma_wait3A_257 = tpu.memref_slice %arg12[%select_n3A_77, %dma_wait3A_246, %dma_wait3A_255, %dma_wait3A_256] : memref<2x5x16x128xf32, #tpu.memory_space<vmem>> -> memref<1x1x16x128xf32, #tpu.memory_space<vmem>>
        %dma_wait3A_258 = tpu.memref_squeeze %dma_wait3A_257 : memref<1x1x16x128xf32, #tpu.memory_space<vmem>> -> memref<16x128xf32, #tpu.memory_space<vmem>>
        tpu.wait_dma2 semaphore(%arg15 : memref<!tpu.dma_semaphore, #tpu.memory_space<semaphore_mem>>) src(%dma_wait3A_258 : memref<16x128xf32, #tpu.memory_space<vmem>>) dst(%dma_wait3A_254 : memref<16x128xf32, #tpu.memory_space<hbm>>)
        %sub3A_259 = arith.constant 2 : i32
        %sub3A_260 = arith.subi %scan3A_68, %sub3A_259 : i32
        %mul3A_261 = arith.constant 16 : i32
        %mul3A_262 = arith.muli %sub3A_260, %mul3A_261 : i32
        %add3A_263 = arith.addi %mul3A_2, %mul3A_262 : i32
        %dma_wait3A_264 = arith.constant 3 : i32
        %dma_wait3A_265 = arith.constant 0 : i32
        %dma_wait3A_266 = arith.constant 0 : i32
        %dma_wait3A_267 = tpu.memref_slice %arg12[%select_n3A_77, %dma_wait3A_264, %dma_wait3A_265, %dma_wait3A_266] : memref<2x5x16x128xf32, #tpu.memory_space<vmem>> -> memref<1x1x16x128xf32, #tpu.memory_space<vmem>>
        %dma_wait3A_268 = tpu.memref_squeeze %dma_wait3A_267 : memref<1x1x16x128xf32, #tpu.memory_space<vmem>> -> memref<16x128xf32, #tpu.memory_space<vmem>>
        %dma_wait3A_269 = arith.constant 384 : i32
        %dma_wait3A_270 = tpu.memref_slice %arg5[%add3A_263, %dma_wait3A_269] : memref<4096x640xf32, #tpu.memory_space<hbm>> -> memref<16x128xf32, #tpu.memory_space<hbm>>
        %dma_wait3A_271 = arith.constant 384 : i32
        %dma_wait3A_272 = tpu.memref_slice %arg5[%add3A_263, %dma_wait3A_271] : memref<4096x640xf32, #tpu.memory_space<hbm>> -> memref<16x128xf32, #tpu.memory_space<hbm>>
        %dma_wait3A_273 = arith.constant 0 : i32
        %dma_wait3A_274 = arith.constant 0 : i32
        %dma_wait3A_275 = tpu.memref_slice %arg12[%select_n3A_77, %dma_wait3A_264, %dma_wait3A_273, %dma_wait3A_274] : memref<2x5x16x128xf32, #tpu.memory_space<vmem>> -> memref<1x1x16x128xf32, #tpu.memory_space<vmem>>
        %dma_wait3A_276 = tpu.memref_squeeze %dma_wait3A_275 : memref<1x1x16x128xf32, #tpu.memory_space<vmem>> -> memref<16x128xf32, #tpu.memory_space<vmem>>
        tpu.wait_dma2 semaphore(%arg15 : memref<!tpu.dma_semaphore, #tpu.memory_space<semaphore_mem>>) src(%dma_wait3A_276 : memref<16x128xf32, #tpu.memory_space<vmem>>) dst(%dma_wait3A_272 : memref<16x128xf32, #tpu.memory_space<hbm>>)
        %sub3A_277 = arith.constant 2 : i32
        %sub3A_278 = arith.subi %scan3A_68, %sub3A_277 : i32
        %mul3A_279 = arith.constant 16 : i32
        %mul3A_280 = arith.muli %sub3A_278, %mul3A_279 : i32
        %add3A_281 = arith.addi %mul3A_2, %mul3A_280 : i32
        %dma_wait3A_282 = arith.constant 4 : i32
        %dma_wait3A_283 = arith.constant 0 : i32
        %dma_wait3A_284 = arith.constant 0 : i32
        %dma_wait3A_285 = tpu.memref_slice %arg12[%select_n3A_77, %dma_wait3A_282, %dma_wait3A_283, %dma_wait3A_284] : memref<2x5x16x128xf32, #tpu.memory_space<vmem>> -> memref<1x1x16x128xf32, #tpu.memory_space<vmem>>
        %dma_wait3A_286 = tpu.memref_squeeze %dma_wait3A_285 : memref<1x1x16x128xf32, #tpu.memory_space<vmem>> -> memref<16x128xf32, #tpu.memory_space<vmem>>
        %dma_wait3A_287 = arith.constant 512 : i32
        %dma_wait3A_288 = tpu.memref_slice %arg5[%add3A_281, %dma_wait3A_287] : memref<4096x640xf32, #tpu.memory_space<hbm>> -> memref<16x128xf32, #tpu.memory_space<hbm>>
        %dma_wait3A_289 = arith.constant 512 : i32
        %dma_wait3A_290 = tpu.memref_slice %arg5[%add3A_281, %dma_wait3A_289] : memref<4096x640xf32, #tpu.memory_space<hbm>> -> memref<16x128xf32, #tpu.memory_space<hbm>>
        %dma_wait3A_291 = arith.constant 0 : i32
        %dma_wait3A_292 = arith.constant 0 : i32
        %dma_wait3A_293 = tpu.memref_slice %arg12[%select_n3A_77, %dma_wait3A_282, %dma_wait3A_291, %dma_wait3A_292] : memref<2x5x16x128xf32, #tpu.memory_space<vmem>> -> memref<1x1x16x128xf32, #tpu.memory_space<vmem>>
        %dma_wait3A_294 = tpu.memref_squeeze %dma_wait3A_293 : memref<1x1x16x128xf32, #tpu.memory_space<vmem>> -> memref<16x128xf32, #tpu.memory_space<vmem>>
        tpu.wait_dma2 semaphore(%arg15 : memref<!tpu.dma_semaphore, #tpu.memory_space<semaphore_mem>>) src(%dma_wait3A_294 : memref<16x128xf32, #tpu.memory_space<vmem>>) dst(%dma_wait3A_290 : memref<16x128xf32, #tpu.memory_space<hbm>>)
      } else {
      }
      %mul3A_116 = arith.constant 320 : i32
      %mul3A_117 = arith.muli %scan3A_68, %mul3A_116 : i32
      %broadcast_in_dim3A_118 = arith.constant 0 : i32
      %broadcast_in_dim3A_119 = vector.broadcast %broadcast_in_dim3A_118 : i32 to vector<16xi32>
      %scan3A_120 = arith.constant 0 : i32
      %scan3A_121 = arith.constant 20 : i32
      %scan3A_122 = arith.addi %scan3A_120, %scan3A_121 : i32
      %scan3A_123 = arith.constant 1 : i32
      %scan3A_124:2 = scf.for %scan3A_206 = %scan3A_120 to %scan3A_122 step %scan3A_123 iter_args(%scan3A_207 = %broadcast_in_dim3A_119, %scan3A_208 = %iota3A) -> (vector<16xi32>, vector<16xi32>)  : i32 {
        %mul3A_209 = arith.constant 16 : i32
        %mul3A_210 = arith.muli %scan3A_206, %mul3A_209 : i32
        %add3A_211 = vector.broadcast %mul3A_210 : i32 to vector<16xi32>
        %add3A_212 = arith.addi %add3A_211, %iota3A : vector<16xi32>
        %mul3A_213 = arith.constant 16 : i32
        %mul3A_214 = arith.muli %scan3A_206, %mul3A_213 : i32
        %add3A_215 = arith.addi %mul3A_117, %mul3A_214 : i32
        %get3A = arith.index_cast %add3A_215 : i32 to index
        %get3A_216 = tpu.vector_load %arg8[%get3A] {strides = array<i32>} : memref<2560xf32, #tpu.memory_space<vmem>>, vector<16xf32>,
        %mul3A_217 = arith.constant 16 : i32
        %mul3A_218 = arith.muli %scan3A_206, %mul3A_217 : i32
        %add3A_219 = arith.addi %mul3A_117, %mul3A_218 : i32
        %get3A_220 = arith.index_cast %add3A_219 : i32 to index
        %get3A_221 = tpu.vector_load %arg10[%get3A_220] {strides = array<i32>} : memref<2560xi32, #tpu.memory_space<vmem>>, vector<16xi32>,
        %shift_right_logical3A = arith.constant 2 : i32
        %shift_right_logical3A_222 = vector.broadcast %shift_right_logical3A : i32 to vector<16xi32>
        %shift_right_logical3A_223 = arith.shrui %scan3A_208, %shift_right_logical3A_222 : vector<16xi32>
        %and3A_224 = arith.constant 3 : i32
        %and3A_225 = vector.broadcast %and3A_224 : i32 to vector<16xi32>
        %and3A_226 = arith.andi %scan3A_208, %and3A_225 : vector<16xi32>
        %shift_left3A = arith.constant 5 : i32
        %shift_left3A_227 = vector.broadcast %shift_left3A : i32 to vector<16xi32>
        %shift_left3A_228 = arith.shli %and3A_226, %shift_left3A_227 : vector<16xi32>
        %broadcast_in_dim3A_229 = vector.broadcast %select_n3A_77 : i32 to vector<16xi32>
        %add3A_230 = arith.constant 0 : i32
        %add3A_231 = vector.broadcast %add3A_230 : i32 to vector<16xi32>
        %add3A_232 = arith.addi %get3A_221, %add3A_231 : vector<16xi32>
        %gather3A = tpu.vector_load_idx %arg11[%broadcast_in_dim3A_229, %add3A_212, %add3A_232] : memref<2x320x128xf32, #tpu.memory_space<vmem>>[vector<16xi32>, vector<16xi32>, vector<16xi32>], vector<16xf32>,
        %add3A_233 = arith.constant 0 : i32
        %add3A_234 = vector.broadcast %add3A_233 : i32 to vector<16xi32>
        %add3A_235 = arith.addi %shift_left3A_228, %add3A_234 : vector<16xi32>
        %mul3A_236 = arith.mulf %gather3A, %get3A_216 : vector<16xf32>
        tpu.vector_store_idx %arg12[%broadcast_in_dim3A_229, %shift_right_logical3A_223, %scan3A_207, %add3A_235], %mul3A_236 : memref<2x5x16x128xf32, #tpu.memory_space<vmem>>[vector<16xi32>, vector<16xi32>, vector<16xi32>, vector<16xi32>], vector<16xf32>,
        %add3A_237 = arith.constant 1 : i32
        %add3A_238 = vector.broadcast %add3A_237 : i32 to vector<16xi32>
        %add3A_239 = arith.addi %get3A_221, %add3A_238 : vector<16xi32>
        %gather3A_240 = tpu.vector_load_idx %arg11[%broadcast_in_dim3A_229, %add3A_212, %add3A_239] : memref<2x320x128xf32, #tpu.memory_space<vmem>>[vector<16xi32>, vector<16xi32>, vector<16xi32>], vector<16xf32>,
        %add3A_241 = arith.constant 1 : i32
        %add3A_242 = vector.broadcast %add3A_241 : i32 to vector<16xi32>
        %add3A_243 = arith.addi %shift_left3A_228, %add3A_242 : vector<16xi32>
        %mul3A_244 = arith.mulf %gather3A_240, %get3A_216 : vector<16xf32>
        tpu.vector_store_idx %arg12[%broadcast_in_dim3A_229, %shift_right_logical3A_223, %scan3A_207, %add3A_243], %mul3A_244 : memref<2x5x16x128xf32, #tpu.memory_space<vmem>>[vector<16xi32>, vector<16xi32>, vector<16xi32>, vector<16xi32>], vector<16xf32>,
        %add3A_245 = arith.constant 2 : i32
        %add3A_246 = vector.broadcast %add3A_245 : i32 to vector<16xi32>
        %add3A_247 = arith.addi %get3A_221, %add3A_246 : vector<16xi32>
        %gather3A_248 = tpu.vector_load_idx %arg11[%broadcast_in_dim3A_229, %add3A_212, %add3A_247] : memref<2x320x128xf32, #tpu.memory_space<vmem>>[vector<16xi32>, vector<16xi32>, vector<16xi32>], vector<16xf32>,
        %add3A_249 = arith.constant 2 : i32
        %add3A_250 = vector.broadcast %add3A_249 : i32 to vector<16xi32>
        %add3A_251 = arith.addi %shift_left3A_228, %add3A_250 : vector<16xi32>
        %mul3A_252 = arith.mulf %gather3A_248, %get3A_216 : vector<16xf32>
        tpu.vector_store_idx %arg12[%broadcast_in_dim3A_229, %shift_right_logical3A_223, %scan3A_207, %add3A_251], %mul3A_252 : memref<2x5x16x128xf32, #tpu.memory_space<vmem>>[vector<16xi32>, vector<16xi32>, vector<16xi32>, vector<16xi32>], vector<16xf32>,
        %add3A_253 = arith.constant 3 : i32
        %add3A_254 = vector.broadcast %add3A_253 : i32 to vector<16xi32>
        %add3A_255 = arith.addi %get3A_221, %add3A_254 : vector<16xi32>
        %gather3A_256 = tpu.vector_load_idx %arg11[%broadcast_in_dim3A_229, %add3A_212, %add3A_255] : memref<2x320x128xf32, #tpu.memory_space<vmem>>[vector<16xi32>, vector<16xi32>, vector<16xi32>], vector<16xf32>,
        %add3A_257 = arith.constant 3 : i32
        %add3A_258 = vector.broadcast %add3A_257 : i32 to vector<16xi32>
        %add3A_259 = arith.addi %shift_left3A_228, %add3A_258 : vector<16xi32>
        %mul3A_260 = arith.mulf %gather3A_256, %get3A_216 : vector<16xf32>
        tpu.vector_store_idx %arg12[%broadcast_in_dim3A_229, %shift_right_logical3A_223, %scan3A_207, %add3A_259], %mul3A_260 : memref<2x5x16x128xf32, #tpu.memory_space<vmem>>[vector<16xi32>, vector<16xi32>, vector<16xi32>, vector<16xi32>], vector<16xf32>,
        %add3A_261 = arith.constant 4 : i32
        %add3A_262 = vector.broadcast %add3A_261 : i32 to vector<16xi32>
        %add3A_263 = arith.addi %get3A_221, %add3A_262 : vector<16xi32>
        %gather3A_264 = tpu.vector_load_idx %arg11[%broadcast_in_dim3A_229, %add3A_212, %add3A_263] : memref<2x320x128xf32, #tpu.memory_space<vmem>>[vector<16xi32>, vector<16xi32>, vector<16xi32>], vector<16xf32>,
        %add3A_265 = arith.constant 4 : i32
        %add3A_266 = vector.broadcast %add3A_265 : i32 to vector<16xi32>
        %add3A_267 = arith.addi %shift_left3A_228, %add3A_266 : vector<16xi32>
        %mul3A_268 = arith.mulf %gather3A_264, %get3A_216 : vector<16xf32>
        tpu.vector_store_idx %arg12[%broadcast_in_dim3A_229, %shift_right_logical3A_223, %scan3A_207, %add3A_267], %mul3A_268 : memref<2x5x16x128xf32, #tpu.memory_space<vmem>>[vector<16xi32>, vector<16xi32>, vector<16xi32>, vector<16xi32>], vector<16xf32>,
        %add3A_269 = arith.constant 5 : i32
        %add3A_270 = vector.broadcast %add3A_269 : i32 to vector<16xi32>
        %add3A_271 = arith.addi %get3A_221, %add3A_270 : vector<16xi32>
        %gather3A_272 = tpu.vector_load_idx %arg11[%broadcast_in_dim3A_229, %add3A_212, %add3A_271] : memref<2x320x128xf32, #tpu.memory_space<vmem>>[vector<16xi32>, vector<16xi32>, vector<16xi32>], vector<16xf32>,
        %add3A_273 = arith.constant 5 : i32
        %add3A_274 = vector.broadcast %add3A_273 : i32 to vector<16xi32>
        %add3A_275 = arith.addi %shift_left3A_228, %add3A_274 : vector<16xi32>
        %mul3A_276 = arith.mulf %gather3A_272, %get3A_216 : vector<16xf32>
        tpu.vector_store_idx %arg12[%broadcast_in_dim3A_229, %shift_right_logical3A_223, %scan3A_207, %add3A_275], %mul3A_276 : memref<2x5x16x128xf32, #tpu.memory_space<vmem>>[vector<16xi32>, vector<16xi32>, vector<16xi32>, vector<16xi32>], vector<16xf32>,
        %add3A_277 = arith.constant 6 : i32
        %add3A_278 = vector.broadcast %add3A_277 : i32 to vector<16xi32>
        %add3A_279 = arith.addi %get3A_221, %add3A_278 : vector<16xi32>
        %gather3A_280 = tpu.vector_load_idx %arg11[%broadcast_in_dim3A_229, %add3A_212, %add3A_279] : memref<2x320x128xf32, #tpu.memory_space<vmem>>[vector<16xi32>, vector<16xi32>, vector<16xi32>], vector<16xf32>,
        %add3A_281 = arith.constant 6 : i32
        %add3A_282 = vector.broadcast %add3A_281 : i32 to vector<16xi32>
        %add3A_283 = arith.addi %shift_left3A_228, %add3A_282 : vector<16xi32>
        %mul3A_284 = arith.mulf %gather3A_280, %get3A_216 : vector<16xf32>
        tpu.vector_store_idx %arg12[%broadcast_in_dim3A_229, %shift_right_logical3A_223, %scan3A_207, %add3A_283], %mul3A_284 : memref<2x5x16x128xf32, #tpu.memory_space<vmem>>[vector<16xi32>, vector<16xi32>, vector<16xi32>, vector<16xi32>], vector<16xf32>,
        %add3A_285 = arith.constant 7 : i32
        %add3A_286 = vector.broadcast %add3A_285 : i32 to vector<16xi32>
        %add3A_287 = arith.addi %get3A_221, %add3A_286 : vector<16xi32>
        %gather3A_288 = tpu.vector_load_idx %arg11[%broadcast_in_dim3A_229, %add3A_212, %add3A_287] : memref<2x320x128xf32, #tpu.memory_space<vmem>>[vector<16xi32>, vector<16xi32>, vector<16xi32>], vector<16xf32>,
        %add3A_289 = arith.constant 7 : i32
        %add3A_290 = vector.broadcast %add3A_289 : i32 to vector<16xi32>
        %add3A_291 = arith.addi %shift_left3A_228, %add3A_290 : vector<16xi32>
        %mul3A_292 = arith.mulf %gather3A_288, %get3A_216 : vector<16xf32>
        tpu.vector_store_idx %arg12[%broadcast_in_dim3A_229, %shift_right_logical3A_223, %scan3A_207, %add3A_291], %mul3A_292 : memref<2x5x16x128xf32, #tpu.memory_space<vmem>>[vector<16xi32>, vector<16xi32>, vector<16xi32>, vector<16xi32>], vector<16xf32>,
        %add3A_293 = arith.constant 8 : i32
        %add3A_294 = vector.broadcast %add3A_293 : i32 to vector<16xi32>
        %add3A_295 = arith.addi %get3A_221, %add3A_294 : vector<16xi32>
        %gather3A_296 = tpu.vector_load_idx %arg11[%broadcast_in_dim3A_229, %add3A_212, %add3A_295] : memref<2x320x128xf32, #tpu.memory_space<vmem>>[vector<16xi32>, vector<16xi32>, vector<16xi32>], vector<16xf32>,
        %add3A_297 = arith.constant 8 : i32
        %add3A_298 = vector.broadcast %add3A_297 : i32 to vector<16xi32>
        %add3A_299 = arith.addi %shift_left3A_228, %add3A_298 : vector<16xi32>
        %mul3A_300 = arith.mulf %gather3A_296, %get3A_216 : vector<16xf32>
        tpu.vector_store_idx %arg12[%broadcast_in_dim3A_229, %shift_right_logical3A_223, %scan3A_207, %add3A_299], %mul3A_300 : memref<2x5x16x128xf32, #tpu.memory_space<vmem>>[vector<16xi32>, vector<16xi32>, vector<16xi32>, vector<16xi32>], vector<16xf32>,
        %add3A_301 = arith.constant 9 : i32
        %add3A_302 = vector.broadcast %add3A_301 : i32 to vector<16xi32>
        %add3A_303 = arith.addi %get3A_221, %add3A_302 : vector<16xi32>
        %gather3A_304 = tpu.vector_load_idx %arg11[%broadcast_in_dim3A_229, %add3A_212, %add3A_303] : memref<2x320x128xf32, #tpu.memory_space<vmem>>[vector<16xi32>, vector<16xi32>, vector<16xi32>], vector<16xf32>,
        %add3A_305 = arith.constant 9 : i32
        %add3A_306 = vector.broadcast %add3A_305 : i32 to vector<16xi32>
        %add3A_307 = arith.addi %shift_left3A_228, %add3A_306 : vector<16xi32>
        %mul3A_308 = arith.mulf %gather3A_304, %get3A_216 : vector<16xf32>
        tpu.vector_store_idx %arg12[%broadcast_in_dim3A_229, %shift_right_logical3A_223, %scan3A_207, %add3A_307], %mul3A_308 : memref<2x5x16x128xf32, #tpu.memory_space<vmem>>[vector<16xi32>, vector<16xi32>, vector<16xi32>, vector<16xi32>], vector<16xf32>,
        %add3A_309 = arith.constant 10 : i32
        %add3A_310 = vector.broadcast %add3A_309 : i32 to vector<16xi32>
        %add3A_311 = arith.addi %get3A_221, %add3A_310 : vector<16xi32>
        %gather3A_312 = tpu.vector_load_idx %arg11[%broadcast_in_dim3A_229, %add3A_212, %add3A_311] : memref<2x320x128xf32, #tpu.memory_space<vmem>>[vector<16xi32>, vector<16xi32>, vector<16xi32>], vector<16xf32>,
        %add3A_313 = arith.constant 10 : i32
        %add3A_314 = vector.broadcast %add3A_313 : i32 to vector<16xi32>
        %add3A_315 = arith.addi %shift_left3A_228, %add3A_314 : vector<16xi32>
        %mul3A_316 = arith.mulf %gather3A_312, %get3A_216 : vector<16xf32>
        tpu.vector_store_idx %arg12[%broadcast_in_dim3A_229, %shift_right_logical3A_223, %scan3A_207, %add3A_315], %mul3A_316 : memref<2x5x16x128xf32, #tpu.memory_space<vmem>>[vector<16xi32>, vector<16xi32>, vector<16xi32>, vector<16xi32>], vector<16xf32>,
        %add3A_317 = arith.constant 11 : i32
        %add3A_318 = vector.broadcast %add3A_317 : i32 to vector<16xi32>
        %add3A_319 = arith.addi %get3A_221, %add3A_318 : vector<16xi32>
        %gather3A_320 = tpu.vector_load_idx %arg11[%broadcast_in_dim3A_229, %add3A_212, %add3A_319] : memref<2x320x128xf32, #tpu.memory_space<vmem>>[vector<16xi32>, vector<16xi32>, vector<16xi32>], vector<16xf32>,
        %add3A_321 = arith.constant 11 : i32
        %add3A_322 = vector.broadcast %add3A_321 : i32 to vector<16xi32>
        %add3A_323 = arith.addi %shift_left3A_228, %add3A_322 : vector<16xi32>
        %mul3A_324 = arith.mulf %gather3A_320, %get3A_216 : vector<16xf32>
        tpu.vector_store_idx %arg12[%broadcast_in_dim3A_229, %shift_right_logical3A_223, %scan3A_207, %add3A_323], %mul3A_324 : memref<2x5x16x128xf32, #tpu.memory_space<vmem>>[vector<16xi32>, vector<16xi32>, vector<16xi32>, vector<16xi32>], vector<16xf32>,
        %add3A_325 = arith.constant 12 : i32
        %add3A_326 = vector.broadcast %add3A_325 : i32 to vector<16xi32>
        %add3A_327 = arith.addi %get3A_221, %add3A_326 : vector<16xi32>
        %gather3A_328 = tpu.vector_load_idx %arg11[%broadcast_in_dim3A_229, %add3A_212, %add3A_327] : memref<2x320x128xf32, #tpu.memory_space<vmem>>[vector<16xi32>, vector<16xi32>, vector<16xi32>], vector<16xf32>,
        %add3A_329 = arith.constant 12 : i32
        %add3A_330 = vector.broadcast %add3A_329 : i32 to vector<16xi32>
        %add3A_331 = arith.addi %shift_left3A_228, %add3A_330 : vector<16xi32>
        %mul3A_332 = arith.mulf %gather3A_328, %get3A_216 : vector<16xf32>
        tpu.vector_store_idx %arg12[%broadcast_in_dim3A_229, %shift_right_logical3A_223, %scan3A_207, %add3A_331], %mul3A_332 : memref<2x5x16x128xf32, #tpu.memory_space<vmem>>[vector<16xi32>, vector<16xi32>, vector<16xi32>, vector<16xi32>], vector<16xf32>,
        %add3A_333 = arith.constant 13 : i32
        %add3A_334 = vector.broadcast %add3A_333 : i32 to vector<16xi32>
        %add3A_335 = arith.addi %get3A_221, %add3A_334 : vector<16xi32>
        %gather3A_336 = tpu.vector_load_idx %arg11[%broadcast_in_dim3A_229, %add3A_212, %add3A_335] : memref<2x320x128xf32, #tpu.memory_space<vmem>>[vector<16xi32>, vector<16xi32>, vector<16xi32>], vector<16xf32>,
        %add3A_337 = arith.constant 13 : i32
        %add3A_338 = vector.broadcast %add3A_337 : i32 to vector<16xi32>
        %add3A_339 = arith.addi %shift_left3A_228, %add3A_338 : vector<16xi32>
        %mul3A_340 = arith.mulf %gather3A_336, %get3A_216 : vector<16xf32>
        tpu.vector_store_idx %arg12[%broadcast_in_dim3A_229, %shift_right_logical3A_223, %scan3A_207, %add3A_339], %mul3A_340 : memref<2x5x16x128xf32, #tpu.memory_space<vmem>>[vector<16xi32>, vector<16xi32>, vector<16xi32>, vector<16xi32>], vector<16xf32>,
        %add3A_341 = arith.constant 14 : i32
        %add3A_342 = vector.broadcast %add3A_341 : i32 to vector<16xi32>
        %add3A_343 = arith.addi %get3A_221, %add3A_342 : vector<16xi32>
        %gather3A_344 = tpu.vector_load_idx %arg11[%broadcast_in_dim3A_229, %add3A_212, %add3A_343] : memref<2x320x128xf32, #tpu.memory_space<vmem>>[vector<16xi32>, vector<16xi32>, vector<16xi32>], vector<16xf32>,
        %add3A_345 = arith.constant 14 : i32
        %add3A_346 = vector.broadcast %add3A_345 : i32 to vector<16xi32>
        %add3A_347 = arith.addi %shift_left3A_228, %add3A_346 : vector<16xi32>
        %mul3A_348 = arith.mulf %gather3A_344, %get3A_216 : vector<16xf32>
        tpu.vector_store_idx %arg12[%broadcast_in_dim3A_229, %shift_right_logical3A_223, %scan3A_207, %add3A_347], %mul3A_348 : memref<2x5x16x128xf32, #tpu.memory_space<vmem>>[vector<16xi32>, vector<16xi32>, vector<16xi32>, vector<16xi32>], vector<16xf32>,
        %add3A_349 = arith.constant 15 : i32
        %add3A_350 = vector.broadcast %add3A_349 : i32 to vector<16xi32>
        %add3A_351 = arith.addi %get3A_221, %add3A_350 : vector<16xi32>
        %gather3A_352 = tpu.vector_load_idx %arg11[%broadcast_in_dim3A_229, %add3A_212, %add3A_351] : memref<2x320x128xf32, #tpu.memory_space<vmem>>[vector<16xi32>, vector<16xi32>, vector<16xi32>], vector<16xf32>,
        %add3A_353 = arith.constant 15 : i32
        %add3A_354 = vector.broadcast %add3A_353 : i32 to vector<16xi32>
        %add3A_355 = arith.addi %shift_left3A_228, %add3A_354 : vector<16xi32>
        %mul3A_356 = arith.mulf %gather3A_352, %get3A_216 : vector<16xf32>
        tpu.vector_store_idx %arg12[%broadcast_in_dim3A_229, %shift_right_logical3A_223, %scan3A_207, %add3A_355], %mul3A_356 : memref<2x5x16x128xf32, #tpu.memory_space<vmem>>[vector<16xi32>, vector<16xi32>, vector<16xi32>, vector<16xi32>], vector<16xf32>,
        %add3A_357 = arith.constant 16 : i32
        %add3A_358 = vector.broadcast %add3A_357 : i32 to vector<16xi32>
        %add3A_359 = arith.addi %get3A_221, %add3A_358 : vector<16xi32>
        %gather3A_360 = tpu.vector_load_idx %arg11[%broadcast_in_dim3A_229, %add3A_212, %add3A_359] : memref<2x320x128xf32, #tpu.memory_space<vmem>>[vector<16xi32>, vector<16xi32>, vector<16xi32>], vector<16xf32>,
        %add3A_361 = arith.constant 16 : i32
        %add3A_362 = vector.broadcast %add3A_361 : i32 to vector<16xi32>
        %add3A_363 = arith.addi %shift_left3A_228, %add3A_362 : vector<16xi32>
        %mul3A_364 = arith.mulf %gather3A_360, %get3A_216 : vector<16xf32>
        tpu.vector_store_idx %arg12[%broadcast_in_dim3A_229, %shift_right_logical3A_223, %scan3A_207, %add3A_363], %mul3A_364 : memref<2x5x16x128xf32, #tpu.memory_space<vmem>>[vector<16xi32>, vector<16xi32>, vector<16xi32>, vector<16xi32>], vector<16xf32>,
        %add3A_365 = arith.constant 17 : i32
        %add3A_366 = vector.broadcast %add3A_365 : i32 to vector<16xi32>
        %add3A_367 = arith.addi %get3A_221, %add3A_366 : vector<16xi32>
        %gather3A_368 = tpu.vector_load_idx %arg11[%broadcast_in_dim3A_229, %add3A_212, %add3A_367] : memref<2x320x128xf32, #tpu.memory_space<vmem>>[vector<16xi32>, vector<16xi32>, vector<16xi32>], vector<16xf32>,
        %add3A_369 = arith.constant 17 : i32
        %add3A_370 = vector.broadcast %add3A_369 : i32 to vector<16xi32>
        %add3A_371 = arith.addi %shift_left3A_228, %add3A_370 : vector<16xi32>
        %mul3A_372 = arith.mulf %gather3A_368, %get3A_216 : vector<16xf32>
        tpu.vector_store_idx %arg12[%broadcast_in_dim3A_229, %shift_right_logical3A_223, %scan3A_207, %add3A_371], %mul3A_372 : memref<2x5x16x128xf32, #tpu.memory_space<vmem>>[vector<16xi32>, vector<16xi32>, vector<16xi32>, vector<16xi32>], vector<16xf32>,
        %add3A_373 = arith.constant 18 : i32
        %add3A_374 = vector.broadcast %add3A_373 : i32 to vector<16xi32>
        %add3A_375 = arith.addi %get3A_221, %add3A_374 : vector<16xi32>
        %gather3A_376 = tpu.vector_load_idx %arg11[%broadcast_in_dim3A_229, %add3A_212, %add3A_375] : memref<2x320x128xf32, #tpu.memory_space<vmem>>[vector<16xi32>, vector<16xi32>, vector<16xi32>], vector<16xf32>,
        %add3A_377 = arith.constant 18 : i32
        %add3A_378 = vector.broadcast %add3A_377 : i32 to vector<16xi32>
        %add3A_379 = arith.addi %shift_left3A_228, %add3A_378 : vector<16xi32>
        %mul3A_380 = arith.mulf %gather3A_376, %get3A_216 : vector<16xf32>
        tpu.vector_store_idx %arg12[%broadcast_in_dim3A_229, %shift_right_logical3A_223, %scan3A_207, %add3A_379], %mul3A_380 : memref<2x5x16x128xf32, #tpu.memory_space<vmem>>[vector<16xi32>, vector<16xi32>, vector<16xi32>, vector<16xi32>], vector<16xf32>,
        %add3A_381 = arith.constant 19 : i32
        %add3A_382 = vector.broadcast %add3A_381 : i32 to vector<16xi32>
        %add3A_383 = arith.addi %get3A_221, %add3A_382 : vector<16xi32>
        %gather3A_384 = tpu.vector_load_idx %arg11[%broadcast_in_dim3A_229, %add3A_212, %add3A_383] : memref<2x320x128xf32, #tpu.memory_space<vmem>>[vector<16xi32>, vector<16xi32>, vector<16xi32>], vector<16xf32>,
        %add3A_385 = arith.constant 19 : i32
        %add3A_386 = vector.broadcast %add3A_385 : i32 to vector<16xi32>
        %add3A_387 = arith.addi %shift_left3A_228, %add3A_386 : vector<16xi32>
        %mul3A_388 = arith.mulf %gather3A_384, %get3A_216 : vector<16xf32>
        tpu.vector_store_idx %arg12[%broadcast_in_dim3A_229, %shift_right_logical3A_223, %scan3A_207, %add3A_387], %mul3A_388 : memref<2x5x16x128xf32, #tpu.memory_space<vmem>>[vector<16xi32>, vector<16xi32>, vector<16xi32>, vector<16xi32>], vector<16xf32>,
        %add3A_389 = arith.constant 20 : i32
        %add3A_390 = vector.broadcast %add3A_389 : i32 to vector<16xi32>
        %add3A_391 = arith.addi %get3A_221, %add3A_390 : vector<16xi32>
        %gather3A_392 = tpu.vector_load_idx %arg11[%broadcast_in_dim3A_229, %add3A_212, %add3A_391] : memref<2x320x128xf32, #tpu.memory_space<vmem>>[vector<16xi32>, vector<16xi32>, vector<16xi32>], vector<16xf32>,
        %add3A_393 = arith.constant 20 : i32
        %add3A_394 = vector.broadcast %add3A_393 : i32 to vector<16xi32>
        %add3A_395 = arith.addi %shift_left3A_228, %add3A_394 : vector<16xi32>
        %mul3A_396 = arith.mulf %gather3A_392, %get3A_216 : vector<16xf32>
        tpu.vector_store_idx %arg12[%broadcast_in_dim3A_229, %shift_right_logical3A_223, %scan3A_207, %add3A_395], %mul3A_396 : memref<2x5x16x128xf32, #tpu.memory_space<vmem>>[vector<16xi32>, vector<16xi32>, vector<16xi32>, vector<16xi32>], vector<16xf32>,
        %add3A_397 = arith.constant 21 : i32
        %add3A_398 = vector.broadcast %add3A_397 : i32 to vector<16xi32>
        %add3A_399 = arith.addi %get3A_221, %add3A_398 : vector<16xi32>
        %gather3A_400 = tpu.vector_load_idx %arg11[%broadcast_in_dim3A_229, %add3A_212, %add3A_399] : memref<2x320x128xf32, #tpu.memory_space<vmem>>[vector<16xi32>, vector<16xi32>, vector<16xi32>], vector<16xf32>,
        %add3A_401 = arith.constant 21 : i32
        %add3A_402 = vector.broadcast %add3A_401 : i32 to vector<16xi32>
        %add3A_403 = arith.addi %shift_left3A_228, %add3A_402 : vector<16xi32>
        %mul3A_404 = arith.mulf %gather3A_400, %get3A_216 : vector<16xf32>
        tpu.vector_store_idx %arg12[%broadcast_in_dim3A_229, %shift_right_logical3A_223, %scan3A_207, %add3A_403], %mul3A_404 : memref<2x5x16x128xf32, #tpu.memory_space<vmem>>[vector<16xi32>, vector<16xi32>, vector<16xi32>, vector<16xi32>], vector<16xf32>,
        %add3A_405 = arith.constant 22 : i32
        %add3A_406 = vector.broadcast %add3A_405 : i32 to vector<16xi32>
        %add3A_407 = arith.addi %get3A_221, %add3A_406 : vector<16xi32>
        %gather3A_408 = tpu.vector_load_idx %arg11[%broadcast_in_dim3A_229, %add3A_212, %add3A_407] : memref<2x320x128xf32, #tpu.memory_space<vmem>>[vector<16xi32>, vector<16xi32>, vector<16xi32>], vector<16xf32>,
        %add3A_409 = arith.constant 22 : i32
        %add3A_410 = vector.broadcast %add3A_409 : i32 to vector<16xi32>
        %add3A_411 = arith.addi %shift_left3A_228, %add3A_410 : vector<16xi32>
        %mul3A_412 = arith.mulf %gather3A_408, %get3A_216 : vector<16xf32>
        tpu.vector_store_idx %arg12[%broadcast_in_dim3A_229, %shift_right_logical3A_223, %scan3A_207, %add3A_411], %mul3A_412 : memref<2x5x16x128xf32, #tpu.memory_space<vmem>>[vector<16xi32>, vector<16xi32>, vector<16xi32>, vector<16xi32>], vector<16xf32>,
        %add3A_413 = arith.constant 23 : i32
        %add3A_414 = vector.broadcast %add3A_413 : i32 to vector<16xi32>
        %add3A_415 = arith.addi %get3A_221, %add3A_414 : vector<16xi32>
        %gather3A_416 = tpu.vector_load_idx %arg11[%broadcast_in_dim3A_229, %add3A_212, %add3A_415] : memref<2x320x128xf32, #tpu.memory_space<vmem>>[vector<16xi32>, vector<16xi32>, vector<16xi32>], vector<16xf32>,
        %add3A_417 = arith.constant 23 : i32
        %add3A_418 = vector.broadcast %add3A_417 : i32 to vector<16xi32>
        %add3A_419 = arith.addi %shift_left3A_228, %add3A_418 : vector<16xi32>
        %mul3A_420 = arith.mulf %gather3A_416, %get3A_216 : vector<16xf32>
        tpu.vector_store_idx %arg12[%broadcast_in_dim3A_229, %shift_right_logical3A_223, %scan3A_207, %add3A_419], %mul3A_420 : memref<2x5x16x128xf32, #tpu.memory_space<vmem>>[vector<16xi32>, vector<16xi32>, vector<16xi32>, vector<16xi32>], vector<16xf32>,
        %add3A_421 = arith.constant 24 : i32
        %add3A_422 = vector.broadcast %add3A_421 : i32 to vector<16xi32>
        %add3A_423 = arith.addi %get3A_221, %add3A_422 : vector<16xi32>
        %gather3A_424 = tpu.vector_load_idx %arg11[%broadcast_in_dim3A_229, %add3A_212, %add3A_423] : memref<2x320x128xf32, #tpu.memory_space<vmem>>[vector<16xi32>, vector<16xi32>, vector<16xi32>], vector<16xf32>,
        %add3A_425 = arith.constant 24 : i32
        %add3A_426 = vector.broadcast %add3A_425 : i32 to vector<16xi32>
        %add3A_427 = arith.addi %shift_left3A_228, %add3A_426 : vector<16xi32>
        %mul3A_428 = arith.mulf %gather3A_424, %get3A_216 : vector<16xf32>
        tpu.vector_store_idx %arg12[%broadcast_in_dim3A_229, %shift_right_logical3A_223, %scan3A_207, %add3A_427], %mul3A_428 : memref<2x5x16x128xf32, #tpu.memory_space<vmem>>[vector<16xi32>, vector<16xi32>, vector<16xi32>, vector<16xi32>], vector<16xf32>,
        %add3A_429 = arith.constant 25 : i32
        %add3A_430 = vector.broadcast %add3A_429 : i32 to vector<16xi32>
        %add3A_431 = arith.addi %get3A_221, %add3A_430 : vector<16xi32>
        %gather3A_432 = tpu.vector_load_idx %arg11[%broadcast_in_dim3A_229, %add3A_212, %add3A_431] : memref<2x320x128xf32, #tpu.memory_space<vmem>>[vector<16xi32>, vector<16xi32>, vector<16xi32>], vector<16xf32>,
        %add3A_433 = arith.constant 25 : i32
        %add3A_434 = vector.broadcast %add3A_433 : i32 to vector<16xi32>
        %add3A_435 = arith.addi %shift_left3A_228, %add3A_434 : vector<16xi32>
        %mul3A_436 = arith.mulf %gather3A_432, %get3A_216 : vector<16xf32>
        tpu.vector_store_idx %arg12[%broadcast_in_dim3A_229, %shift_right_logical3A_223, %scan3A_207, %add3A_435], %mul3A_436 : memref<2x5x16x128xf32, #tpu.memory_space<vmem>>[vector<16xi32>, vector<16xi32>, vector<16xi32>, vector<16xi32>], vector<16xf32>,
        %add3A_437 = arith.constant 26 : i32
        %add3A_438 = vector.broadcast %add3A_437 : i32 to vector<16xi32>
        %add3A_439 = arith.addi %get3A_221, %add3A_438 : vector<16xi32>
        %gather3A_440 = tpu.vector_load_idx %arg11[%broadcast_in_dim3A_229, %add3A_212, %add3A_439] : memref<2x320x128xf32, #tpu.memory_space<vmem>>[vector<16xi32>, vector<16xi32>, vector<16xi32>], vector<16xf32>,
        %add3A_441 = arith.constant 26 : i32
        %add3A_442 = vector.broadcast %add3A_441 : i32 to vector<16xi32>
        %add3A_443 = arith.addi %shift_left3A_228, %add3A_442 : vector<16xi32>
        %mul3A_444 = arith.mulf %gather3A_440, %get3A_216 : vector<16xf32>
        tpu.vector_store_idx %arg12[%broadcast_in_dim3A_229, %shift_right_logical3A_223, %scan3A_207, %add3A_443], %mul3A_444 : memref<2x5x16x128xf32, #tpu.memory_space<vmem>>[vector<16xi32>, vector<16xi32>, vector<16xi32>, vector<16xi32>], vector<16xf32>,
        %add3A_445 = arith.constant 27 : i32
        %add3A_446 = vector.broadcast %add3A_445 : i32 to vector<16xi32>
        %add3A_447 = arith.addi %get3A_221, %add3A_446 : vector<16xi32>
        %gather3A_448 = tpu.vector_load_idx %arg11[%broadcast_in_dim3A_229, %add3A_212, %add3A_447] : memref<2x320x128xf32, #tpu.memory_space<vmem>>[vector<16xi32>, vector<16xi32>, vector<16xi32>], vector<16xf32>,
        %add3A_449 = arith.constant 27 : i32
        %add3A_450 = vector.broadcast %add3A_449 : i32 to vector<16xi32>
        %add3A_451 = arith.addi %shift_left3A_228, %add3A_450 : vector<16xi32>
        %mul3A_452 = arith.mulf %gather3A_448, %get3A_216 : vector<16xf32>
        tpu.vector_store_idx %arg12[%broadcast_in_dim3A_229, %shift_right_logical3A_223, %scan3A_207, %add3A_451], %mul3A_452 : memref<2x5x16x128xf32, #tpu.memory_space<vmem>>[vector<16xi32>, vector<16xi32>, vector<16xi32>, vector<16xi32>], vector<16xf32>,
        %add3A_453 = arith.constant 28 : i32
        %add3A_454 = vector.broadcast %add3A_453 : i32 to vector<16xi32>
        %add3A_455 = arith.addi %get3A_221, %add3A_454 : vector<16xi32>
        %gather3A_456 = tpu.vector_load_idx %arg11[%broadcast_in_dim3A_229, %add3A_212, %add3A_455] : memref<2x320x128xf32, #tpu.memory_space<vmem>>[vector<16xi32>, vector<16xi32>, vector<16xi32>], vector<16xf32>,
        %add3A_457 = arith.constant 28 : i32
        %add3A_458 = vector.broadcast %add3A_457 : i32 to vector<16xi32>
        %add3A_459 = arith.addi %shift_left3A_228, %add3A_458 : vector<16xi32>
        %mul3A_460 = arith.mulf %gather3A_456, %get3A_216 : vector<16xf32>
        tpu.vector_store_idx %arg12[%broadcast_in_dim3A_229, %shift_right_logical3A_223, %scan3A_207, %add3A_459], %mul3A_460 : memref<2x5x16x128xf32, #tpu.memory_space<vmem>>[vector<16xi32>, vector<16xi32>, vector<16xi32>, vector<16xi32>], vector<16xf32>,
        %add3A_461 = arith.constant 29 : i32
        %add3A_462 = vector.broadcast %add3A_461 : i32 to vector<16xi32>
        %add3A_463 = arith.addi %get3A_221, %add3A_462 : vector<16xi32>
        %gather3A_464 = tpu.vector_load_idx %arg11[%broadcast_in_dim3A_229, %add3A_212, %add3A_463] : memref<2x320x128xf32, #tpu.memory_space<vmem>>[vector<16xi32>, vector<16xi32>, vector<16xi32>], vector<16xf32>,
        %add3A_465 = arith.constant 29 : i32
        %add3A_466 = vector.broadcast %add3A_465 : i32 to vector<16xi32>
        %add3A_467 = arith.addi %shift_left3A_228, %add3A_466 : vector<16xi32>
        %mul3A_468 = arith.mulf %gather3A_464, %get3A_216 : vector<16xf32>
        tpu.vector_store_idx %arg12[%broadcast_in_dim3A_229, %shift_right_logical3A_223, %scan3A_207, %add3A_467], %mul3A_468 : memref<2x5x16x128xf32, #tpu.memory_space<vmem>>[vector<16xi32>, vector<16xi32>, vector<16xi32>, vector<16xi32>], vector<16xf32>,
        %add3A_469 = arith.constant 30 : i32
        %add3A_470 = vector.broadcast %add3A_469 : i32 to vector<16xi32>
        %add3A_471 = arith.addi %get3A_221, %add3A_470 : vector<16xi32>
        %gather3A_472 = tpu.vector_load_idx %arg11[%broadcast_in_dim3A_229, %add3A_212, %add3A_471] : memref<2x320x128xf32, #tpu.memory_space<vmem>>[vector<16xi32>, vector<16xi32>, vector<16xi32>], vector<16xf32>,
        %add3A_473 = arith.constant 30 : i32
        %add3A_474 = vector.broadcast %add3A_473 : i32 to vector<16xi32>
        %add3A_475 = arith.addi %shift_left3A_228, %add3A_474 : vector<16xi32>
        %mul3A_476 = arith.mulf %gather3A_472, %get3A_216 : vector<16xf32>
        tpu.vector_store_idx %arg12[%broadcast_in_dim3A_229, %shift_right_logical3A_223, %scan3A_207, %add3A_475], %mul3A_476 : memref<2x5x16x128xf32, #tpu.memory_space<vmem>>[vector<16xi32>, vector<16xi32>, vector<16xi32>, vector<16xi32>], vector<16xf32>,
        %add3A_477 = arith.constant 31 : i32
        %add3A_478 = vector.broadcast %add3A_477 : i32 to vector<16xi32>
        %add3A_479 = arith.addi %get3A_221, %add3A_478 : vector<16xi32>
        %gather3A_480 = tpu.vector_load_idx %arg11[%broadcast_in_dim3A_229, %add3A_212, %add3A_479] : memref<2x320x128xf32, #tpu.memory_space<vmem>>[vector<16xi32>, vector<16xi32>, vector<16xi32>], vector<16xf32>,
        %add3A_481 = arith.constant 31 : i32
        %add3A_482 = vector.broadcast %add3A_481 : i32 to vector<16xi32>
        %add3A_483 = arith.addi %shift_left3A_228, %add3A_482 : vector<16xi32>
        %mul3A_484 = arith.mulf %gather3A_480, %get3A_216 : vector<16xf32>
        tpu.vector_store_idx %arg12[%broadcast_in_dim3A_229, %shift_right_logical3A_223, %scan3A_207, %add3A_483], %mul3A_484 : memref<2x5x16x128xf32, #tpu.memory_space<vmem>>[vector<16xi32>, vector<16xi32>, vector<16xi32>, vector<16xi32>], vector<16xf32>,
        %add3A_485 = arith.constant 16 : i32
        %add3A_486 = vector.broadcast %add3A_485 : i32 to vector<16xi32>
        %add3A_487 = arith.addi %scan3A_208, %add3A_486 : vector<16xi32>
        %ge3A_488 = arith.constant 20 : i32
        %ge3A_489 = vector.broadcast %ge3A_488 : i32 to vector<16xi32>
        %ge3A_490 = arith.cmpi sge, %add3A_487, %ge3A_489 : vector<16xi32>
        %sub3A = arith.constant 20 : i32
        %sub3A_491 = vector.broadcast %sub3A : i32 to vector<16xi32>
        %sub3A_492 = arith.subi %add3A_487, %sub3A_491 : vector<16xi32>
        %select_n3A_493 = arith.select %ge3A_490, %sub3A_492, %add3A_487 : vector<16xi1>, vector<16xi32>
        %jit3A_494 = arith.constant 1 : i32
        %jit3A_495 = arith.constant 0 : i32
        %broadcast_in_dim3A_496 = vector.broadcast %jit3A_494 : i32 to vector<16xi32>
        %broadcast_in_dim3A_497 = vector.broadcast %jit3A_495 : i32 to vector<16xi32>
        %select_n3A_498 = arith.select %ge3A_490, %broadcast_in_dim3A_496, %broadcast_in_dim3A_497 : vector<16xi1>, vector<16xi32>
        %add3A_499 = arith.addi %scan3A_207, %select_n3A_498 : vector<16xi32>
        scf.yield %add3A_499, %select_n3A_493 : vector<16xi32>, vector<16xi32>
      }
      %scan3A_125 = arith.constant 20 : i32
      %mul3A_126 = arith.constant 16 : i32
      %mul3A_127 = arith.muli %scan3A_68, %mul3A_126 : i32
      %add3A_128 = arith.addi %mul3A_2, %mul3A_127 : i32
      %dma_start3A_129 = arith.constant 0 : i32
      %dma_start3A_130 = arith.constant 0 : i32
      %dma_start3A_131 = arith.constant 0 : i32
      %dma_start3A_132 = tpu.memref_slice %arg12[%select_n3A_77, %dma_start3A_129, %dma_start3A_130, %dma_start3A_131] : memref<2x5x16x128xf32, #tpu.memory_space<vmem>> -> memref<1x1x16x128xf32, #tpu.memory_space<vmem>>
      %dma_start3A_133 = tpu.memref_squeeze %dma_start3A_132 : memref<1x1x16x128xf32, #tpu.memory_space<vmem>> -> memref<16x128xf32, #tpu.memory_space<vmem>>
      %dma_start3A_134 = arith.constant 0 : i32
      %dma_start3A_135 = tpu.memref_slice %arg5[%add3A_128, %dma_start3A_134] : memref<4096x640xf32, #tpu.memory_space<hbm>> -> memref<16x128xf32, #tpu.memory_space<hbm>>
      %dma_start3A_136 = arith.constant 0 : i32
      %dma_start3A_137 = tpu.memref_slice %arg5[%add3A_128, %dma_start3A_136] : memref<4096x640xf32, #tpu.memory_space<hbm>> -> memref<16x128xf32, #tpu.memory_space<hbm>>
      %dma_start3A_138 = arith.constant 0 : i32
      %dma_start3A_139 = arith.constant 0 : i32
      %dma_start3A_140 = tpu.memref_slice %arg12[%select_n3A_77, %dma_start3A_129, %dma_start3A_138, %dma_start3A_139] : memref<2x5x16x128xf32, #tpu.memory_space<vmem>> -> memref<1x1x16x128xf32, #tpu.memory_space<vmem>>
      %dma_start3A_141 = tpu.memref_squeeze %dma_start3A_140 : memref<1x1x16x128xf32, #tpu.memory_space<vmem>> -> memref<16x128xf32, #tpu.memory_space<vmem>>
      tpu.enqueue_dma source(%dma_start3A_141 : memref<16x128xf32, #tpu.memory_space<vmem>>) target(%dma_start3A_137 : memref<16x128xf32, #tpu.memory_space<hbm>>) target_semaphore(%arg15 : memref<!tpu.dma_semaphore, #tpu.memory_space<semaphore_mem>>)
      %mul3A_142 = arith.constant 16 : i32
      %mul3A_143 = arith.muli %scan3A_68, %mul3A_142 : i32
      %add3A_144 = arith.addi %mul3A_2, %mul3A_143 : i32
      %dma_start3A_145 = arith.constant 1 : i32
      %dma_start3A_146 = arith.constant 0 : i32
      %dma_start3A_147 = arith.constant 0 : i32
      %dma_start3A_148 = tpu.memref_slice %arg12[%select_n3A_77, %dma_start3A_145, %dma_start3A_146, %dma_start3A_147] : memref<2x5x16x128xf32, #tpu.memory_space<vmem>> -> memref<1x1x16x128xf32, #tpu.memory_space<vmem>>
      %dma_start3A_149 = tpu.memref_squeeze %dma_start3A_148 : memref<1x1x16x128xf32, #tpu.memory_space<vmem>> -> memref<16x128xf32, #tpu.memory_space<vmem>>
      %dma_start3A_150 = arith.constant 128 : i32
      %dma_start3A_151 = tpu.memref_slice %arg5[%add3A_144, %dma_start3A_150] : memref<4096x640xf32, #tpu.memory_space<hbm>> -> memref<16x128xf32, #tpu.memory_space<hbm>>
      %dma_start3A_152 = arith.constant 128 : i32
      %dma_start3A_153 = tpu.memref_slice %arg5[%add3A_144, %dma_start3A_152] : memref<4096x640xf32, #tpu.memory_space<hbm>> -> memref<16x128xf32, #tpu.memory_space<hbm>>
      %dma_start3A_154 = arith.constant 0 : i32
      %dma_start3A_155 = arith.constant 0 : i32
      %dma_start3A_156 = tpu.memref_slice %arg12[%select_n3A_77, %dma_start3A_145, %dma_start3A_154, %dma_start3A_155] : memref<2x5x16x128xf32, #tpu.memory_space<vmem>> -> memref<1x1x16x128xf32, #tpu.memory_space<vmem>>
      %dma_start3A_157 = tpu.memref_squeeze %dma_start3A_156 : memref<1x1x16x128xf32, #tpu.memory_space<vmem>> -> memref<16x128xf32, #tpu.memory_space<vmem>>
      tpu.enqueue_dma source(%dma_start3A_157 : memref<16x128xf32, #tpu.memory_space<vmem>>) target(%dma_start3A_153 : memref<16x128xf32, #tpu.memory_space<hbm>>) target_semaphore(%arg15 : memref<!tpu.dma_semaphore, #tpu.memory_space<semaphore_mem>>)
      %mul3A_158 = arith.constant 16 : i32
      %mul3A_159 = arith.muli %scan3A_68, %mul3A_158 : i32
      %add3A_160 = arith.addi %mul3A_2, %mul3A_159 : i32
      %dma_start3A_161 = arith.constant 2 : i32
      %dma_start3A_162 = arith.constant 0 : i32
      %dma_start3A_163 = arith.constant 0 : i32
      %dma_start3A_164 = tpu.memref_slice %arg12[%select_n3A_77, %dma_start3A_161, %dma_start3A_162, %dma_start3A_163] : memref<2x5x16x128xf32, #tpu.memory_space<vmem>> -> memref<1x1x16x128xf32, #tpu.memory_space<vmem>>
      %dma_start3A_165 = tpu.memref_squeeze %dma_start3A_164 : memref<1x1x16x128xf32, #tpu.memory_space<vmem>> -> memref<16x128xf32, #tpu.memory_space<vmem>>
      %dma_start3A_166 = arith.constant 256 : i32
      %dma_start3A_167 = tpu.memref_slice %arg5[%add3A_160, %dma_start3A_166] : memref<4096x640xf32, #tpu.memory_space<hbm>> -> memref<16x128xf32, #tpu.memory_space<hbm>>
      %dma_start3A_168 = arith.constant 256 : i32
      %dma_start3A_169 = tpu.memref_slice %arg5[%add3A_160, %dma_start3A_168] : memref<4096x640xf32, #tpu.memory_space<hbm>> -> memref<16x128xf32, #tpu.memory_space<hbm>>
      %dma_start3A_170 = arith.constant 0 : i32
      %dma_start3A_171 = arith.constant 0 : i32
      %dma_start3A_172 = tpu.memref_slice %arg12[%select_n3A_77, %dma_start3A_161, %dma_start3A_170, %dma_start3A_171] : memref<2x5x16x128xf32, #tpu.memory_space<vmem>> -> memref<1x1x16x128xf32, #tpu.memory_space<vmem>>
      %dma_start3A_173 = tpu.memref_squeeze %dma_start3A_172 : memref<1x1x16x128xf32, #tpu.memory_space<vmem>> -> memref<16x128xf32, #tpu.memory_space<vmem>>
      tpu.enqueue_dma source(%dma_start3A_173 : memref<16x128xf32, #tpu.memory_space<vmem>>) target(%dma_start3A_169 : memref<16x128xf32, #tpu.memory_space<hbm>>) target_semaphore(%arg15 : memref<!tpu.dma_semaphore, #tpu.memory_space<semaphore_mem>>)
      %mul3A_174 = arith.constant 16 : i32
      %mul3A_175 = arith.muli %scan3A_68, %mul3A_174 : i32
      %add3A_176 = arith.addi %mul3A_2, %mul3A_175 : i32
      %dma_start3A_177 = arith.constant 3 : i32
      %dma_start3A_178 = arith.constant 0 : i32
      %dma_start3A_179 = arith.constant 0 : i32
      %dma_start3A_180 = tpu.memref_slice %arg12[%select_n3A_77, %dma_start3A_177, %dma_start3A_178, %dma_start3A_179] : memref<2x5x16x128xf32, #tpu.memory_space<vmem>> -> memref<1x1x16x128xf32, #tpu.memory_space<vmem>>
      %dma_start3A_181 = tpu.memref_squeeze %dma_start3A_180 : memref<1x1x16x128xf32, #tpu.memory_space<vmem>> -> memref<16x128xf32, #tpu.memory_space<vmem>>
      %dma_start3A_182 = arith.constant 384 : i32
      %dma_start3A_183 = tpu.memref_slice %arg5[%add3A_176, %dma_start3A_182] : memref<4096x640xf32, #tpu.memory_space<hbm>> -> memref<16x128xf32, #tpu.memory_space<hbm>>
      %dma_start3A_184 = arith.constant 384 : i32
      %dma_start3A_185 = tpu.memref_slice %arg5[%add3A_176, %dma_start3A_184] : memref<4096x640xf32, #tpu.memory_space<hbm>> -> memref<16x128xf32, #tpu.memory_space<hbm>>
      %dma_start3A_186 = arith.constant 0 : i32
      %dma_start3A_187 = arith.constant 0 : i32
      %dma_start3A_188 = tpu.memref_slice %arg12[%select_n3A_77, %dma_start3A_177, %dma_start3A_186, %dma_start3A_187] : memref<2x5x16x128xf32, #tpu.memory_space<vmem>> -> memref<1x1x16x128xf32, #tpu.memory_space<vmem>>
      %dma_start3A_189 = tpu.memref_squeeze %dma_start3A_188 : memref<1x1x16x128xf32, #tpu.memory_space<vmem>> -> memref<16x128xf32, #tpu.memory_space<vmem>>
      tpu.enqueue_dma source(%dma_start3A_189 : memref<16x128xf32, #tpu.memory_space<vmem>>) target(%dma_start3A_185 : memref<16x128xf32, #tpu.memory_space<hbm>>) target_semaphore(%arg15 : memref<!tpu.dma_semaphore, #tpu.memory_space<semaphore_mem>>)
      %mul3A_190 = arith.constant 16 : i32
      %mul3A_191 = arith.muli %scan3A_68, %mul3A_190 : i32
      %add3A_192 = arith.addi %mul3A_2, %mul3A_191 : i32
      %dma_start3A_193 = arith.constant 4 : i32
      %dma_start3A_194 = arith.constant 0 : i32
      %dma_start3A_195 = arith.constant 0 : i32
      %dma_start3A_196 = tpu.memref_slice %arg12[%select_n3A_77, %dma_start3A_193, %dma_start3A_194, %dma_start3A_195] : memref<2x5x16x128xf32, #tpu.memory_space<vmem>> -> memref<1x1x16x128xf32, #tpu.memory_space<vmem>>
      %dma_start3A_197 = tpu.memref_squeeze %dma_start3A_196 : memref<1x1x16x128xf32, #tpu.memory_space<vmem>> -> memref<16x128xf32, #tpu.memory_space<vmem>>
      %dma_start3A_198 = arith.constant 512 : i32
      %dma_start3A_199 = tpu.memref_slice %arg5[%add3A_192, %dma_start3A_198] : memref<4096x640xf32, #tpu.memory_space<hbm>> -> memref<16x128xf32, #tpu.memory_space<hbm>>
      %dma_start3A_200 = arith.constant 512 : i32
      %dma_start3A_201 = tpu.memref_slice %arg5[%add3A_192, %dma_start3A_200] : memref<4096x640xf32, #tpu.memory_space<hbm>> -> memref<16x128xf32, #tpu.memory_space<hbm>>
      %dma_start3A_202 = arith.constant 0 : i32
      %dma_start3A_203 = arith.constant 0 : i32
      %dma_start3A_204 = tpu.memref_slice %arg12[%select_n3A_77, %dma_start3A_193, %dma_start3A_202, %dma_start3A_203] : memref<2x5x16x128xf32, #tpu.memory_space<vmem>> -> memref<1x1x16x128xf32, #tpu.memory_space<vmem>>
      %dma_start3A_205 = tpu.memref_squeeze %dma_start3A_204 : memref<1x1x16x128xf32, #tpu.memory_space<vmem>> -> memref<16x128xf32, #tpu.memory_space<vmem>>
      tpu.enqueue_dma source(%dma_start3A_205 : memref<16x128xf32, #tpu.memory_space<vmem>>) target(%dma_start3A_201 : memref<16x128xf32, #tpu.memory_space<hbm>>) target_semaphore(%arg15 : memref<!tpu.dma_semaphore, #tpu.memory_space<semaphore_mem>>)
    }
    %scan3A_61 = arith.constant 8 : i32
    %scan3A_62 = arith.constant 0 : i32
    %scan3A_63 = arith.constant 6 : i32
    %scan3A_64 = arith.constant 2 : i32
    %scan3A_65 = arith.addi %scan3A_63, %scan3A_64 : i32
    %scan3A_66 = arith.constant 1 : i32
    scf.for %scan3A_68 = %scan3A_63 to %scan3A_65 step %scan3A_66  : i32 {
      %jit3A = arith.constant 2 : i32
      %eq3A = arith.constant 0 : i32
      %eq3A_69 = arith.cmpi eq, %jit3A, %eq3A : i32
      %jit3A_70 = arith.constant 1 : i32
      %select_n3A = arith.select %eq3A_69, %jit3A_70, %jit3A : i32
      %rem3A = arith.remsi %scan3A_68, %select_n3A : i32
      %ne3A = arith.constant 0 : i32
      %ne3A_71 = arith.cmpi ne, %rem3A, %ne3A : i32
      %lt3A = arith.constant 0 : i32
      %lt3A_72 = arith.cmpi slt, %rem3A, %lt3A : i32
      %lt3A_73 = arith.constant 0 : i32
      %lt3A_74 = arith.cmpi slt, %select_n3A, %lt3A_73 : i32
      %ne3A_75 = arith.xori %lt3A_72, %lt3A_74 : i1
      %and3A = arith.andi %ne3A_75, %ne3A_71 : i1
      %add3A_76 = arith.addi %rem3A, %select_n3A : i32
      %select_n3A_77 = arith.select %and3A, %add3A_76, %rem3A : i32
      %mul3A_78 = arith.constant 16 : i32
      %mul3A_79 = arith.muli %scan3A_68, %mul3A_78 : i32
      %add3A_80 = arith.addi %mul3A_2, %mul3A_79 : i32
      %dma_wait3A = arith.constant 0 : i32
      %dma_wait3A_81 = arith.constant 0 : i32
      %dma_wait3A_82 = arith.constant 0 : i32
      %dma_wait3A_83 = tpu.memref_slice %arg12[%select_n3A_77, %dma_wait3A, %dma_wait3A_81, %dma_wait3A_82] : memref<2x5x16x128xf32, #tpu.memory_space<vmem>> -> memref<1x1x16x128xf32, #tpu.memory_space<vmem>>
      %dma_wait3A_84 = tpu.memref_squeeze %dma_wait3A_83 : memref<1x1x16x128xf32, #tpu.memory_space<vmem>> -> memref<16x128xf32, #tpu.memory_space<vmem>>
      %dma_wait3A_85 = arith.constant 0 : i32
      %dma_wait3A_86 = tpu.memref_slice %arg5[%add3A_80, %dma_wait3A_85] : memref<4096x640xf32, #tpu.memory_space<hbm>> -> memref<16x128xf32, #tpu.memory_space<hbm>>
      %dma_wait3A_87 = arith.constant 0 : i32
      %dma_wait3A_88 = tpu.memref_slice %arg5[%add3A_80, %dma_wait3A_87] : memref<4096x640xf32, #tpu.memory_space<hbm>> -> memref<16x128xf32, #tpu.memory_space<hbm>>
      %dma_wait3A_89 = arith.constant 0 : i32
      %dma_wait3A_90 = arith.constant 0 : i32
      %dma_wait3A_91 = tpu.memref_slice %arg12[%select_n3A_77, %dma_wait3A, %dma_wait3A_89, %dma_wait3A_90] : memref<2x5x16x128xf32, #tpu.memory_space<vmem>> -> memref<1x1x16x128xf32, #tpu.memory_space<vmem>>
      %dma_wait3A_92 = tpu.memref_squeeze %dma_wait3A_91 : memref<1x1x16x128xf32, #tpu.memory_space<vmem>> -> memref<16x128xf32, #tpu.memory_space<vmem>>
      tpu.wait_dma2 semaphore(%arg15 : memref<!tpu.dma_semaphore, #tpu.memory_space<semaphore_mem>>) src(%dma_wait3A_92 : memref<16x128xf32, #tpu.memory_space<vmem>>) dst(%dma_wait3A_88 : memref<16x128xf32, #tpu.memory_space<hbm>>)
      %jit3A_93 = arith.constant 2 : i32
      %eq3A_94 = arith.constant 0 : i32
      %eq3A_95 = arith.cmpi eq, %jit3A_93, %eq3A_94 : i32
      %jit3A_96 = arith.constant 1 : i32
      %select_n3A_97 = arith.select %eq3A_95, %jit3A_96, %jit3A_93 : i32
      %rem3A_98 = arith.remsi %scan3A_68, %select_n3A_97 : i32
      %ne3A_99 = arith.constant 0 : i32
      %ne3A_100 = arith.cmpi ne, %rem3A_98, %ne3A_99 : i32
      %lt3A_101 = arith.constant 0 : i32
      %lt3A_102 = arith.cmpi slt, %rem3A_98, %lt3A_101 : i32
      %lt3A_103 = arith.constant 0 : i32
      %lt3A_104 = arith.cmpi slt, %select_n3A_97, %lt3A_103 : i32
      %ne3A_105 = arith.xori %lt3A_102, %lt3A_104 : i1
      %and3A_106 = arith.andi %ne3A_105, %ne3A_100 : i1
      %add3A_107 = arith.addi %rem3A_98, %select_n3A_97 : i32
      %select_n3A_108 = arith.select %and3A_106, %add3A_107, %rem3A_98 : i32
      %mul3A_109 = arith.constant 16 : i32
      %mul3A_110 = arith.muli %scan3A_68, %mul3A_109 : i32
      %add3A_111 = arith.addi %mul3A_2, %mul3A_110 : i32
      %dma_wait3A_112 = arith.constant 1 : i32
      %dma_wait3A_113 = arith.constant 0 : i32
      %dma_wait3A_114 = arith.constant 0 : i32
      %dma_wait3A_115 = tpu.memref_slice %arg12[%select_n3A_108, %dma_wait3A_112, %dma_wait3A_113, %dma_wait3A_114] : memref<2x5x16x128xf32, #tpu.memory_space<vmem>> -> memref<1x1x16x128xf32, #tpu.memory_space<vmem>>
      %dma_wait3A_116 = tpu.memref_squeeze %dma_wait3A_115 : memref<1x1x16x128xf32, #tpu.memory_space<vmem>> -> memref<16x128xf32, #tpu.memory_space<vmem>>
      %dma_wait3A_117 = arith.constant 128 : i32
      %dma_wait3A_118 = tpu.memref_slice %arg5[%add3A_111, %dma_wait3A_117] : memref<4096x640xf32, #tpu.memory_space<hbm>> -> memref<16x128xf32, #tpu.memory_space<hbm>>
      %dma_wait3A_119 = arith.constant 128 : i32
      %dma_wait3A_120 = tpu.memref_slice %arg5[%add3A_111, %dma_wait3A_119] : memref<4096x640xf32, #tpu.memory_space<hbm>> -> memref<16x128xf32, #tpu.memory_space<hbm>>
      %dma_wait3A_121 = arith.constant 0 : i32
      %dma_wait3A_122 = arith.constant 0 : i32
      %dma_wait3A_123 = tpu.memref_slice %arg12[%select_n3A_108, %dma_wait3A_112, %dma_wait3A_121, %dma_wait3A_122] : memref<2x5x16x128xf32, #tpu.memory_space<vmem>> -> memref<1x1x16x128xf32, #tpu.memory_space<vmem>>
      %dma_wait3A_124 = tpu.memref_squeeze %dma_wait3A_123 : memref<1x1x16x128xf32, #tpu.memory_space<vmem>> -> memref<16x128xf32, #tpu.memory_space<vmem>>
      tpu.wait_dma2 semaphore(%arg15 : memref<!tpu.dma_semaphore, #tpu.memory_space<semaphore_mem>>) src(%dma_wait3A_124 : memref<16x128xf32, #tpu.memory_space<vmem>>) dst(%dma_wait3A_120 : memref<16x128xf32, #tpu.memory_space<hbm>>)
      %jit3A_125 = arith.constant 2 : i32
      %eq3A_126 = arith.constant 0 : i32
      %eq3A_127 = arith.cmpi eq, %jit3A_125, %eq3A_126 : i32
      %jit3A_128 = arith.constant 1 : i32
      %select_n3A_129 = arith.select %eq3A_127, %jit3A_128, %jit3A_125 : i32
      %rem3A_130 = arith.remsi %scan3A_68, %select_n3A_129 : i32
      %ne3A_131 = arith.constant 0 : i32
      %ne3A_132 = arith.cmpi ne, %rem3A_130, %ne3A_131 : i32
      %lt3A_133 = arith.constant 0 : i32
      %lt3A_134 = arith.cmpi slt, %rem3A_130, %lt3A_133 : i32
      %lt3A_135 = arith.constant 0 : i32
      %lt3A_136 = arith.cmpi slt, %select_n3A_129, %lt3A_135 : i32
      %ne3A_137 = arith.xori %lt3A_134, %lt3A_136 : i1
      %and3A_138 = arith.andi %ne3A_137, %ne3A_132 : i1
      %add3A_139 = arith.addi %rem3A_130, %select_n3A_129 : i32
      %select_n3A_140 = arith.select %and3A_138, %add3A_139, %rem3A_130 : i32
      %mul3A_141 = arith.constant 16 : i32
      %mul3A_142 = arith.muli %scan3A_68, %mul3A_141 : i32
      %add3A_143 = arith.addi %mul3A_2, %mul3A_142 : i32
      %dma_wait3A_144 = arith.constant 2 : i32
      %dma_wait3A_145 = arith.constant 0 : i32
      %dma_wait3A_146 = arith.constant 0 : i32
      %dma_wait3A_147 = tpu.memref_slice %arg12[%select_n3A_140, %dma_wait3A_144, %dma_wait3A_145, %dma_wait3A_146] : memref<2x5x16x128xf32, #tpu.memory_space<vmem>> -> memref<1x1x16x128xf32, #tpu.memory_space<vmem>>
      %dma_wait3A_148 = tpu.memref_squeeze %dma_wait3A_147 : memref<1x1x16x128xf32, #tpu.memory_space<vmem>> -> memref<16x128xf32, #tpu.memory_space<vmem>>
      %dma_wait3A_149 = arith.constant 256 : i32
      %dma_wait3A_150 = tpu.memref_slice %arg5[%add3A_143, %dma_wait3A_149] : memref<4096x640xf32, #tpu.memory_space<hbm>> -> memref<16x128xf32, #tpu.memory_space<hbm>>
      %dma_wait3A_151 = arith.constant 256 : i32
      %dma_wait3A_152 = tpu.memref_slice %arg5[%add3A_143, %dma_wait3A_151] : memref<4096x640xf32, #tpu.memory_space<hbm>> -> memref<16x128xf32, #tpu.memory_space<hbm>>
      %dma_wait3A_153 = arith.constant 0 : i32
      %dma_wait3A_154 = arith.constant 0 : i32
      %dma_wait3A_155 = tpu.memref_slice %arg12[%select_n3A_140, %dma_wait3A_144, %dma_wait3A_153, %dma_wait3A_154] : memref<2x5x16x128xf32, #tpu.memory_space<vmem>> -> memref<1x1x16x128xf32, #tpu.memory_space<vmem>>
      %dma_wait3A_156 = tpu.memref_squeeze %dma_wait3A_155 : memref<1x1x16x128xf32, #tpu.memory_space<vmem>> -> memref<16x128xf32, #tpu.memory_space<vmem>>
      tpu.wait_dma2 semaphore(%arg15 : memref<!tpu.dma_semaphore, #tpu.memory_space<semaphore_mem>>) src(%dma_wait3A_156 : memref<16x128xf32, #tpu.memory_space<vmem>>) dst(%dma_wait3A_152 : memref<16x128xf32, #tpu.memory_space<hbm>>)
      %jit3A_157 = arith.constant 2 : i32
      %eq3A_158 = arith.constant 0 : i32
      %eq3A_159 = arith.cmpi eq, %jit3A_157, %eq3A_158 : i32
      %jit3A_160 = arith.constant 1 : i32
      %select_n3A_161 = arith.select %eq3A_159, %jit3A_160, %jit3A_157 : i32
      %rem3A_162 = arith.remsi %scan3A_68, %select_n3A_161 : i32
      %ne3A_163 = arith.constant 0 : i32
      %ne3A_164 = arith.cmpi ne, %rem3A_162, %ne3A_163 : i32
      %lt3A_165 = arith.constant 0 : i32
      %lt3A_166 = arith.cmpi slt, %rem3A_162, %lt3A_165 : i32
      %lt3A_167 = arith.constant 0 : i32
      %lt3A_168 = arith.cmpi slt, %select_n3A_161, %lt3A_167 : i32
      %ne3A_169 = arith.xori %lt3A_166, %lt3A_168 : i1
      %and3A_170 = arith.andi %ne3A_169, %ne3A_164 : i1
      %add3A_171 = arith.addi %rem3A_162, %select_n3A_161 : i32
      %select_n3A_172 = arith.select %and3A_170, %add3A_171, %rem3A_162 : i32
      %mul3A_173 = arith.constant 16 : i32
      %mul3A_174 = arith.muli %scan3A_68, %mul3A_173 : i32
      %add3A_175 = arith.addi %mul3A_2, %mul3A_174 : i32
      %dma_wait3A_176 = arith.constant 3 : i32
      %dma_wait3A_177 = arith.constant 0 : i32
      %dma_wait3A_178 = arith.constant 0 : i32
      %dma_wait3A_179 = tpu.memref_slice %arg12[%select_n3A_172, %dma_wait3A_176, %dma_wait3A_177, %dma_wait3A_178] : memref<2x5x16x128xf32, #tpu.memory_space<vmem>> -> memref<1x1x16x128xf32, #tpu.memory_space<vmem>>
      %dma_wait3A_180 = tpu.memref_squeeze %dma_wait3A_179 : memref<1x1x16x128xf32, #tpu.memory_space<vmem>> -> memref<16x128xf32, #tpu.memory_space<vmem>>
      %dma_wait3A_181 = arith.constant 384 : i32
      %dma_wait3A_182 = tpu.memref_slice %arg5[%add3A_175, %dma_wait3A_181] : memref<4096x640xf32, #tpu.memory_space<hbm>> -> memref<16x128xf32, #tpu.memory_space<hbm>>
      %dma_wait3A_183 = arith.constant 384 : i32
      %dma_wait3A_184 = tpu.memref_slice %arg5[%add3A_175, %dma_wait3A_183] : memref<4096x640xf32, #tpu.memory_space<hbm>> -> memref<16x128xf32, #tpu.memory_space<hbm>>
      %dma_wait3A_185 = arith.constant 0 : i32
      %dma_wait3A_186 = arith.constant 0 : i32
      %dma_wait3A_187 = tpu.memref_slice %arg12[%select_n3A_172, %dma_wait3A_176, %dma_wait3A_185, %dma_wait3A_186] : memref<2x5x16x128xf32, #tpu.memory_space<vmem>> -> memref<1x1x16x128xf32, #tpu.memory_space<vmem>>
      %dma_wait3A_188 = tpu.memref_squeeze %dma_wait3A_187 : memref<1x1x16x128xf32, #tpu.memory_space<vmem>> -> memref<16x128xf32, #tpu.memory_space<vmem>>
      tpu.wait_dma2 semaphore(%arg15 : memref<!tpu.dma_semaphore, #tpu.memory_space<semaphore_mem>>) src(%dma_wait3A_188 : memref<16x128xf32, #tpu.memory_space<vmem>>) dst(%dma_wait3A_184 : memref<16x128xf32, #tpu.memory_space<hbm>>)
      %jit3A_189 = arith.constant 2 : i32
      %eq3A_190 = arith.constant 0 : i32
      %eq3A_191 = arith.cmpi eq, %jit3A_189, %eq3A_190 : i32
      %jit3A_192 = arith.constant 1 : i32
      %select_n3A_193 = arith.select %eq3A_191, %jit3A_192, %jit3A_189 : i32
      %rem3A_194 = arith.remsi %scan3A_68, %select_n3A_193 : i32
      %ne3A_195 = arith.constant 0 : i32
      %ne3A_196 = arith.cmpi ne, %rem3A_194, %ne3A_195 : i32
      %lt3A_197 = arith.constant 0 : i32
      %lt3A_198 = arith.cmpi slt, %rem3A_194, %lt3A_197 : i32
      %lt3A_199 = arith.constant 0 : i32
      %lt3A_200 = arith.cmpi slt, %select_n3A_193, %lt3A_199 : i32
      %ne3A_201 = arith.xori %lt3A_198, %lt3A_200 : i1
      %and3A_202 = arith.andi %ne3A_201, %ne3A_196 : i1
      %add3A_203 = arith.addi %rem3A_194, %select_n3A_193 : i32
      %select_n3A_204 = arith.select %and3A_202, %add3A_203, %rem3A_194 : i32
      %mul3A_205 = arith.constant 16 : i32
      %mul3A_206 = arith.muli %scan3A_68, %mul3A_205 : i32
      %add3A_207 = arith.addi %mul3A_2, %mul3A_206 : i32
      %dma_wait3A_208 = arith.constant 4 : i32
      %dma_wait3A_209 = arith.constant 0 : i32
      %dma_wait3A_210 = arith.constant 0 : i32
      %dma_wait3A_211 = tpu.memref_slice %arg12[%select_n3A_204, %dma_wait3A_208, %dma_wait3A_209, %dma_wait3A_210] : memref<2x5x16x128xf32, #tpu.memory_space<vmem>> -> memref<1x1x16x128xf32, #tpu.memory_space<vmem>>
      %dma_wait3A_212 = tpu.memref_squeeze %dma_wait3A_211 : memref<1x1x16x128xf32, #tpu.memory_space<vmem>> -> memref<16x128xf32, #tpu.memory_space<vmem>>
      %dma_wait3A_213 = arith.constant 512 : i32
      %dma_wait3A_214 = tpu.memref_slice %arg5[%add3A_207, %dma_wait3A_213] : memref<4096x640xf32, #tpu.memory_space<hbm>> -> memref<16x128xf32, #tpu.memory_space<hbm>>
      %dma_wait3A_215 = arith.constant 512 : i32
      %dma_wait3A_216 = tpu.memref_slice %arg5[%add3A_207, %dma_wait3A_215] : memref<4096x640xf32, #tpu.memory_space<hbm>> -> memref<16x128xf32, #tpu.memory_space<hbm>>
      %dma_wait3A_217 = arith.constant 0 : i32
      %dma_wait3A_218 = arith.constant 0 : i32
      %dma_wait3A_219 = tpu.memref_slice %arg12[%select_n3A_204, %dma_wait3A_208, %dma_wait3A_217, %dma_wait3A_218] : memref<2x5x16x128xf32, #tpu.memory_space<vmem>> -> memref<1x1x16x128xf32, #tpu.memory_space<vmem>>
      %dma_wait3A_220 = tpu.memref_squeeze %dma_wait3A_219 : memref<1x1x16x128xf32, #tpu.memory_space<vmem>> -> memref<16x128xf32, #tpu.memory_space<vmem>>
      tpu.wait_dma2 semaphore(%arg15 : memref<!tpu.dma_semaphore, #tpu.memory_space<semaphore_mem>>) src(%dma_wait3A_220 : memref<16x128xf32, #tpu.memory_space<vmem>>) dst(%dma_wait3A_216 : memref<16x128xf32, #tpu.memory_space<hbm>>)
    }
    %scan3A_67 = arith.constant 2 : i32
    return
  }
}

</mosaic_0001>

<sc_bundles>
// kernel: kernel.4.cloned.1.call-start
scs
__scs_entry_jumppad:
0x0: {  	(pc) =	sbr.rel $0x88, $3  }
0x1: {  	(tag) =	ssettag $0x0;
	lr =	simm.s32 $0x1  }
0x2: {  	[smem:$0x3F9B] =	sst lr;
	_ =	strace $0xD0000000  }
0x3: {  	_ = 	snop  }
0x4: {  	_ = 	snop  }
0x5: {  	_ = 	snop  }
0x6: {  	_ = 	snop  }
0x7: {  	_ = 	snop  }
__scs_overlays_trampoline_lowered:
0x8: {  	[smem:$0x3FAA] =	sst s0  }
0x9: {  	[smem:$0x3FAB] =	sst s1  }
0xa: {  	[smem:$0x3FAC] =	sst s2  }
0xb: {  	[smem:$0x3FAD] =	sst s3  }
0xc: {  	[smem:$0x3FAE] =	sst s4  }
0xd: {  	[smem:$0x3FAF] =	sst s5  }
0xe: {  	[smem:$0x3FB0] =	sst s6  }
0xf: {  	[smem:$0x3FB1] =	sst s7  }
0x10: {  	[smem:$0x3FB2] =	sst s8  }
0x11: {  	[smem:$0x3FB3] =	sst s9;
	s0 =	simm.s32 @!p0 $0x0  }
0x12: {  	s1 =	sld [smem:$0x3F99];
	s0 =	simm.s32 @p0 $0x1  }
0x13: {  	[smem:$0x3FB4] =	sst s0;
	s0 =	simm.s32 @!p1 $0x0  }
0x14: {  	s2 =	sld [smem:$0x3F98];
	s0 =	simm.s32 @p1 $0x1  }
0x15: {  	[smem:$0x3FB5] =	sst s0;
	s0 =	simm.s32 @!p2 $0x0  }
0x16: {  	s3 =	sld [smem:$0x3FDB];
	s0 =	simm.s32 @p2 $0x1  }
0x17: {  	s4 =	simm.s32 $0x1BF5;
	[smem:$0x3FB7] =	sst s0  }
0x18: {  	s0 =	sld [smem:$0x3F9A];
	_ =	swait.ge [sflag:s4], $0x0  }
0x19: {  	s7 =	sld [smem:$0x3F9B]  }
0x1a: {  	s8 =	sadd.s32 $0xFFFFE003, lr  }
0x1b: {  	s9 =	sadd.s32 $0xFFFFFEF7, lr;
	s5 =	simm.s32 $0xFFFFFFFF;
	p2 =	slt.u32 s8, $0xFFFFF086  }
0x1c: {  	p1 =	slt.u32 s9, $0xF7A;
	s5 =	simm.s32 @!p2 $0x0  }
0x1d: {  	s5 =	simm.s32 @p1 $0x1;
	p0 =	seq.s32 s7, s2  }
0x1e: {  	s7 =	smul.u32 @!p0 $0xF7A, s2;
	p2 =	seq.s32 @!p0 s5, $0x0  }
0x1f: {  	s9 =	smul.u32 $0xF7A, s1;
	s8 =	simm.s32 @!p0 $0x1BF5;
	p2 =	por !p2, p0  }
0x20: {  	[sflag:s8] =	ssyncset.s32 @!p0 $0xFFFFF086;
	s6 =	sadd.s32 @!p0 s3, s7;
	s7 =	simm.s32 @!p0 $0x108  }
0x21: {  	s3 =	sadd.s32 s3, s9;
	s6 =	sadd.s32 @!p0 $0x88, s6;
	s7 =	simm.s32 @p2 $0x1082  }
0x22: {  	[simem:s7], [sflag:s8] =	dma.local @!p0 [hbm:s6], $0xF7A  }
0x23: {  	s9 =	sor.u32 $0xD0000000, s2;
	s6 =	simm.s32 $0x108;
	_ =	swait.ge @!p0 [sflag:s8], $0x0  }
0x24: {  	s3 =	sadd.s32 $0x88, s3;
	s6 =	simm.s32 @!p1 $0x1082;
	[sflag:s4] =	ssyncset.s32 $0xFFFFF086  }
0x25: {  	[simem:s6], [sflag:s4] =	dma.local [hbm:s3], $0xF7A  }
0x26: {  	[smem:$0x3F9B] =	sst s1;
	(tag) =	ssettag s2;
	_ =	strace s9  }
0x27: {  	s1 =	sld [smem:$0x3FAB]  }
0x28: {  	s2 =	sld [smem:$0x3FAC]  }
0x29: {  	s4 =	sld [smem:$0x3FAE]  }
0x2a: {  	p0 =	seq.s32 s5, $0x0;
	s5 =	sld [smem:$0x3FAF]  }
0x2b: {  	s6 =	sld [smem:$0x3FB0]  }
0x2c: {  	s7 =	sld [smem:$0x3FB1]  }
0x2d: {  	s3 =	simm.s32 $0x108;
	s8 =	sld [smem:$0x3FB2]  }
0x2e: {  	s3 =	simm.s32 @!p0 $0x1082;
	s9 =	sld [smem:$0x3FB3]  }
0x2f: {  	lr =	sadd.s32 s0, s3;
	s0 =	sld [smem:$0x3FAA]  }
0x30: {  	s3 =	sld [smem:$0x3FAD]  }
0x31: {  	[smem:$0x3FB6] =	sst s10  }
0x32: {  	s10 =	sld [smem:$0x3FB4];
	_ =	sdelay $0x3  }
0x33: {  	p0 =	seq.s32 s10, $0x1;
	s10 =	sld [smem:$0x3FB6];
	_ =	sdelay $0x3  }
0x34: {  	[smem:$0x3FB6] =	sst s10  }
0x35: {  	s10 =	sld [smem:$0x3FB5];
	_ =	sdelay $0x3  }
0x36: {  	p1 =	seq.s32 s10, $0x1;
	s10 =	sld [smem:$0x3FB6];
	_ =	sdelay $0x3  }
0x37: {  	[smem:$0x3FB6] =	sst s10  }
0x38: {  	s10 =	sld [smem:$0x3FB7]  }
0x39: {  	_ = 	snop;
	(pc) =	sbr.ind lr, $3  }
0x3a: {  	_ = 	snop  }
0x3b: {  	_ = 	snop  }
0x3c: {  	p2 =	seq.s32 s10, $0x1;
	s10 =	sld [smem:$0x3FB6]  }
0x3d: {  	_ =	shalt  }
0x3e: {  	_ =	shalt  }
0x3f: {  	_ =	shalt  }
0x40: {  	_ =	shalt  }
0x41: {  	_ =	shalt  }
0x42: {  	_ =	shalt  }
0x43: {  	_ =	shalt  }
0x44: {  	_ =	shalt  }
0x45: {  	_ =	shalt  }
0x46: {  	_ =	shalt  }
0x47: {  	_ =	shalt  }
0x48: {  	_ =	shalt  }
0x49: {  	_ =	shalt  }
0x4a: {  	_ =	shalt  }
0x4b: {  	_ =	shalt  }
0x4c: {  	_ =	shalt  }
0x4d: {  	_ =	shalt  }
0x4e: {  	_ =	shalt  }
0x4f: {  	_ =	shalt  }
0x50: {  	_ =	shalt  }
0x51: {  	_ =	shalt  }
0x52: {  	_ =	shalt  }
0x53: {  	_ =	shalt  }
0x54: {  	_ =	shalt  }
0x55: {  	_ =	shalt  }
0x56: {  	_ =	shalt  }
0x57: {  	_ =	shalt  }
0x58: {  	_ =	shalt  }
0x59: {  	_ =	shalt  }
0x5a: {  	_ =	shalt  }
0x5b: {  	_ =	shalt  }
0x5c: {  	_ =	shalt  }
0x5d: {  	_ =	shalt  }
0x5e: {  	_ =	shalt  }
0x5f: {  	_ =	shalt  }
0x60: {  	_ =	shalt  }
0x61: {  	_ =	shalt  }
0x62: {  	_ =	shalt  }
0x63: {  	_ =	shalt  }
0x64: {  	_ =	shalt  }
0x65: {  	_ =	shalt  }
0x66: {  	_ =	shalt  }
0x67: {  	_ =	shalt  }
0x68: {  	_ =	shalt  }
0x69: {  	_ =	shalt  }
0x6a: {  	_ =	shalt  }
0x6b: {  	_ =	shalt  }
0x6c: {  	_ =	shalt  }
0x6d: {  	_ =	shalt  }
0x6e: {  	_ =	shalt  }
0x6f: {  	_ =	shalt  }
0x70: {  	_ =	shalt  }
0x71: {  	_ =	shalt  }
0x72: {  	_ =	shalt  }
0x73: {  	_ =	shalt  }
0x74: {  	_ =	shalt  }
0x75: {  	_ =	shalt  }
0x76: {  	_ =	shalt  }
0x77: {  	_ =	shalt  }
0x78: {  	_ =	shalt  }
0x79: {  	_ =	shalt  }
0x7a: {  	_ =	shalt  }
0x7b: {  	_ =	shalt  }
0x7c: {  	_ =	shalt  }
0x7d: {  	_ =	shalt  }
0x7e: {  	_ =	shalt  }
0x7f: {  	_ =	shalt  }
0x80: {  	_ =	shalt  }
0x81: {  	_ =	shalt  }
0x82: {  	_ =	shalt  }
0x83: {  	_ =	shalt  }
0x84: {  	_ =	shalt  }
0x85: {  	_ =	shalt  }
0x86: {  	_ =	shalt  }
0x87: {  	_ =	shalt  }
.Lfunc_end0:
.L_simem_size_0:
called_computation_lowered:
.L_overlay_start_0:
0x88: {  	s2 =	sld [smem:$0x3FD9]  }
0x89: {  	s3 =	sld [smem:$0x3FFE];
	_ =	sdelay $0x1  }
0x8a: {  	s1 =	srdreg.scid  }
0x8b: {  	s0 =	sand.u32 $0x1, s1  }
0x8c: {  	s17 =	sshll.u32 s0, $0xA;
	s2 =	sadd.s32 s3, s2  }
0x8d: {  	s2 =	sadd.s32 s2, s17  }
0x8e: {  	[smem:$0x3FC2] =	sst s2  }
0x8f: {  	_ = 	snop  }
0x90: {  	s2 =	sld [smem:$0x3FC9]  }
0x91: {  	s18 =	sld [smem:$0x3FC8];
	(tm) =	ssettm $0x1  }
0x92: {  	s4 =	sld [smem:$0x3FFB];
	_ =	sdelay $0x3  }
0x93: {  	_ =	strace s4  }
0x94: {  	s4 =	sld [smem:$0x3FFC];
	_ =	sdelay $0x3  }
0x95: {  	_ =	strace s4  }
0x96: {  	s4 =	sld [smem:$0x3FFD];
	_ =	sdelay $0x3  }
0x97: {  	_ =	strace s4  }
0x98: {  	_ =	strace $0x8FFFFFFF  }
0x99: {  	s19 =	sld [smem:$0x3FDB];
	_ =	sdelay $0x1  }
0x9a: {  	s5 =	simm.s32 $_scs_section_size  }
0x9b: {  	s6 =	simm.s32 $_size__tile_overlayer_lowered;
	s7 =	simm.s32 $_tile_overlayer_lowered  }
0x9c: {  	s22 =	simm.s32 $0x1BFF;
	s21 =	sshll.u32 s7, $0x1;
	s4 =	sadd.s32 s5, s19  }
0x9d: {  	s8 =	simm.s32 $0x0;
	s20 =	sshll.u32 s6, $0x1;
	s6 =	sadd.s32 s21, s4  }
0x9e: {  	[timem:s8], [sflag:s22] =	dma.local [hbm:s6], s20  }
0x9f: {  	_ =	swait.ge [sflag:s22], s20  }
0xa0: {  	s5 =	ssub.s32 $0x0, s20;
	[sflag:s22] =	ssyncset.done $0x0  }
0xa1: {  	[sflag:s22] =	ssyncadd.s32 s5;
	_ =	sdelay $0x1  }
0xa2: {  	s23 =	simm.s32 $0x1B8B  }
0xa3: {  	_ =	swait.ge [sflag:s23], $0x1  }
0xa4: {  	[sflag:s23] =	ssyncset.done $0x0  }
0xa5: {  	s25 =	simm.s32 $0x1B8E;
	s24 =	sld [smem:$0x3FFE];
	[sflag:s23] =	ssyncadd.s32 $0xFFFFFFFF  }
0xa6: {  	s26 =	simm.s32 $execute0_lowered;
	[smem:$0x3FD2] =	sst s25  }
0xa7: {  	s6 =	sshll.u32 s26, $0x1;
	_ =	strace $0x80000046;
	[dreg:$0x1] =	wrdreg $0xFFFFFFFF  }
0xa8: {  	s28 =	simm.s32 $_size_execute0_lowered;
	s4 =	sadd.s32 s4, s6;
	[dreg:$0x0] =	wrdreg $0x0  }
0xa9: {  	s6 =	sshll.u32 s28, $0x1;
	[dreg:$0x2] =	wrdreg s4  }
0xaa: {  	[dreg:$0x3] =	wrdreg s6  }
0xab: {  	[dreg:$0x4] =	wrdreg $0xC0  }
0xac: {  	_ =	task [dreg:s8], $0x5FFFF  }
0xad: {  	[dreg:$0x1] =	wrdreg $0xFFFFFFFF  }
0xae: {  	[dreg:$0x0] =	wrdreg $0x60  }
0xaf: {  	[dreg:$0x2] =	wrdreg s2  }
0xb0: {  	[dreg:$0x3] =	wrdreg s18  }
0xb1: {  	[dreg:$0x4] =	wrdreg s24  }
0xb2: {  	[dreg:$0x5] =	wrdreg $0x9  }
0xb3: {  	_ =	task.clear_ibuf [dreg:s8], $0x6FFFF;
	_ =	strace $0x90000046  }
0xb4: {  	s29 =	simm.s32 $0x9;
	_ =	strace $0x80000048  }
0xb5: {  	_ =	swait.ge [sflag:s29], $0x1  }
0xb6: {  	[sflag:s29] =	ssyncadd.s32 $0xFFFFFFFF  }
0xb7: {  	_ =	strace $0x90000048  }
0xb8: {  	_ =	sfence  }
0xb9: {  	s30 =	sld [smem:$0x0];
	_ =	sdelay $0x2  }
0xba: {  	s31 =	sshll.u32 s1, $0xD;
	s1 =	sshrl.u32 s1, $0x2  }
0xbb: {  	s3 =	sand.u32 $0x4000, s31;
	s1 =	sadd.s32 s1, s30  }
0xbc: {  	s0 =	sor.u32 s3, s0;
	s1 =	sshll.u32 s1, $0x11  }
0xbd: {  	s0 =	sor.u32 s1, s0  }
0xbe: {  	s0 =	sadd.s32 $0x8F2B, s0  }
0xbf: {  	[sflag:s0] =	ssyncadd.remote.s32 $0x1  }
0xc0: {  	_ =	sfence.sel $0xFFFF  }
0xc1: {  	[dreg:$0x0] =	wrdreg $0xFFFFFFFF;
	(pc) =	sbr.abs _section_cstart, $3  }
0xc2: {  	[dreg:$0x1] =	wrdreg $0xFFFFFFFF  }
0xc3: {  	_ =	task.clear_ibuf [dreg:s8], $0x2FFFF;
	_ =	strace $0x9FFFFFFF  }
0xc4: {  	(tm) =	ssettm $0x7FFFFFFF  }
0xc5: {  	_ =	shalt  }
tec
execute0_lowered:
.L_overlay_start_1:
0x0: {  	(tag) =	ssettag $0x1  }
0x1: {  	s1 =	rddreg [dreg:$0x0]  }
0x2: {  	s0 =	rddreg [dreg:$0x2]  }
0x3: {  	s3 =	simm.s32 $0x0;
	s2 =	srdreg.scid;
	s6 =	stileid.u32  }
0x4: {  	s10 =	simm.s32 $0x4;
	s11 =	simm.s32 $0x80;
	s13 =	simm.s32 $0x2480  }
0x5: {  	s15 =	simm.s32 $0x2500;
	s17 =	simm.s32 $0x2580;
	s26 =	simm.s32 $0x1400  }
0x6: {  	s12 =	simm.s32 $0x1;
	s14 =	simm.s32 $0x3880;
	s2 =	sand.u32 $0x1, s2  }
0x7: {  	s19 =	simm.s32 $0xB880;
	s20 =	simm.s32 $0x2;
	s4 =	ssub.s32 $0x2, s2  }
0x8: {  	s8 =	sshll.u32 s6, $0x8;
	s2 =	sshll.u32 s2, $0x7;
	s7 =	sshrl.u32 s4, $0x1  }
0x9: {  	s21 =	simm.s32 $0x3;
	s4 =	ssub.s32 s4, s7;
	s7 =	sor.u32 s2, s8  }
0xa: {  	s22 =	simm.s32 $0x17880;
	s23 =	simm.s32 $0x400;
	[smem:$0x7FF] =	sst s3;
	v1 =	vmov s7  }
0xb: {  	v0 =	vlaneseq.u32;
	s24 =	simm.s32 $0x0;
	s5 =	sadd.s32 $0xF42C00, s0;
	_ =	strace $0x80000047;
	v4 =	vor.u32 $0x1, v1;
	[tilespmem:$0x1FFE0] =	vst v1  }
0xc: {  	v10 =	vimm.f32 $0.0e+00;
	v16 =	vimm.s32 $0x0;
	s6 =	sadd.s32 $0x800, s0;
	v17 =	vmul.u32 $0x80, v0;
	s8 =	sadd.s32 $0x880, s0;
	s9 =	smax.u32 s4, $0x1;
	[tilespmem:$0x1FFF0] =	vst v4  }
.LBB2_1:
0xd: {  	v0 =	vadd.s32 v1, v16;
	s0 =	rddreg [dreg:$0x1]  }
0xe: {  	[tilespmem:s3], [sflag:$0x4] =	stream.linear.gather [hbm4b:s0+s3], $0x1001, $0x38;
	[tilespmem:$0x1C880] =	vst v63  }
0xf: {  	v2 =	vadd.s32 v4, v16;
	_ =	swait.ge [sflag:s10], $0x1001  }
0x10: {  	[sflag:s10] =	ssyncset.done $0x0  }
0x11: {  	[sflag:s10] =	ssyncadd.s32 $0xFFFFEFFF  }
0x12: {  	v3 =	vld.idx.msk [tilespmem:v0+s3+$0x0], $0xffff  }
0x13: {  	v5 =	vlaneseq.u32  }
0x14: {  	v7 =	vld.idx.msk [tilespmem:v2+s3+$0x0], $0xffff;
	v0 =	vadd.s32 $0x10, v5  }
0x15: {  	vm0 =	vgt.s32 v0, $0x13  }
0x16: {  	v2 =	vadd.s32 $0xFFFFFFFC, v5;
	v6 =	vsel vm0, $0x1, v16  }
0x17: {  	v2 =	vsel vm0, v2, v0;
	v0 =	vadd.s32 v6, v16;
	v3 =	vadd.s32 v5, v3  }
0x18: {  	v6 =	vadd.s32 v1, v0  }
0x19: {  	vm15 =	vlt.s32 v3, v7;
	vm1 =	vlt.s32 v3, $0x9FFF;
	v7 =	vadd.s32 v4, v0  }
0x1a: {  	s2 =	simm.s32 $0x80;
	s4 =	simm.s32 $0x0;
	s0 =	simm.s32 $0x40;
	v9 =	vnsel vm1, $0x9FFF, v3;
	v8 =	vsel vm15, $0x3F800000, v10;
	v3 =	vmov v2  }
.LBB2_2:
0x1b: {  	p0 =	sne.s32 s2, $0x27C0;
	[tilespmem:s4+$0x1080] =	vst v9;
	s25 =	smov.u32 s2;
	s2 =	sadd.s32 $0x40, s2  }
0x1c: {  	[tilespmem:s4+$0x1A80] =	vst v8  }
0x1d: {  	v8 =	vld.idx.msk [tilespmem:v6+s3+$0x0], $0xffff  }
0x1e: {  	v9 =	vld.idx.msk [tilespmem:v7+s3+$0x0], $0xffff  }
0x1f: {  	v6 =	vadd.s32 $0x10, v2  }
0x20: {  	v2 =	vadd.s32 $0xFFFFFFFC, v2;
	vm0 =	vgt.s32 v6, $0x13  }
.Ltmp0:
0x21: {  	v2 =	vsel vm0, v2, v6;
	v6 =	vsel vm0, $0x1, v16;
	(pc) =	sbr.rel @p0 .LBB2_2-.Ltmp0, $4  }
0x22: {  	v0 =	vadd.s32 v6, v0  }
0x23: {  	v6 =	vadd.s32 v1, v0;
	v8 =	vadd.s32 v3, v8;
	v3 =	vmov v2  }
0x24: {  	v7 =	vadd.s32 v4, v0;
	vm0 =	vlt.s32 v8, v9;
	vm1 =	vlt.s32 v8, $0x9FFF  }
0x25: {  	s4 =	sshra.s32 s0, $0x2;
	s0 =	smov.u32 s25;
	v9 =	vnsel vm1, $0x9FFF, v8;
	v8 =	vsel vm0, $0x3F800000, v10  }
0x26: {  	_ =	sdelay $0x1  }
0x27: {  	[tilespmem:s4+$0x1080] =	vst v9  }
0x28: {  	[tilespmem:s4+$0x1A80] =	vst v8  }
0x29: {  	v0 =	vld.idx.msk [tilespmem:v6+s3+$0x0], $0xffff;
	_ =	sdelay $0x1  }
0x2a: {  	v2 =	vld.idx.msk [tilespmem:v7+s3+$0x0], $0xffff;
	_ =	sdelay $0x2  }
0x2b: {  	v0 =	vadd.s32 v3, v0  }
0x2c: {  	vm0 =	vlt.s32 v0, $0x9FFF  }
0x2d: {  	s0 =	sshra.s32 s0, $0x2;
	vm1 =	vlt.s32 v0, v2;
	v0 =	vnsel vm0, $0x9FFF, v0  }
0x2e: {  	v2 =	vsel vm1, $0x3F800000, v10;
	[tilespmem:s0+$0x1080] =	vst v0  }
0x2f: {  	s31 =	simm.s32 $0x1080;
	[tilespmem:s0+$0x1A80] =	vst v2  }
0x30: {  	[tilespmem:s13], [sflag:$0x1] =	stream.indirect.gather [hbm4b:s1+s11], $0x1, s31, s11, $0xb8;
	[tilespmem:$0x1C880] =	vst v63  }
0x31: {  	s2 =	simm.s32 $0x1100  }
0x32: {  	[tilespmem:s15], [sflag:$0x1] =	stream.indirect.gather [hbm4b:s1+s11], $0x1, s2, s11, $0xb8;
	[tilespmem:$0x1C880] =	vst v63  }
0x33: {  	s4 =	simm.s32 $0x1180  }
0x34: {  	[tilespmem:s17], [sflag:$0x1] =	stream.indirect.gather [hbm4b:s1+s11], $0x1, s4, s11, $0xb8;
	[tilespmem:$0x1C880] =	vst v63  }
0x35: {  	s16 =	simm.s32 $0x1200;
	s2 =	simm.s32 $0x2600  }
0x36: {  	[tilespmem:s2], [sflag:$0x1] =	stream.indirect.gather [hbm4b:s1+s11], $0x1, s16, s11, $0xb8;
	[tilespmem:$0x1C880] =	vst v63  }
0x37: {  	s18 =	simm.s32 $0x1280;
	s25 =	simm.s32 $0x2680  }
0x38: {  	[tilespmem:s25], [sflag:$0x1] =	stream.indirect.gather [hbm4b:s1+s11], $0x1, s18, s11, $0xb8;
	[tilespmem:$0x1C880] =	vst v63  }
0x39: {  	s28 =	simm.s32 $0x1300;
	s29 =	simm.s32 $0x2700  }
0x3a: {  	[tilespmem:s29], [sflag:$0x1] =	stream.indirect.gather [hbm4b:s1+s11], $0x1, s28, s11, $0xb8;
	[tilespmem:$0x1C880] =	vst v63  }
0x3b: {  	s30 =	simm.s32 $0x1380;
	s31 =	simm.s32 $0x2780  }
0x3c: {  	[tilespmem:s31], [sflag:$0x1] =	stream.indirect.gather [hbm4b:s1+s11], $0x1, s30, s11, $0xb8;
	[tilespmem:$0x1C880] =	vst v63  }
0x3d: {  	s2 =	simm.s32 $0x2800  }
0x3e: {  	[tilespmem:s2], [sflag:$0x1] =	stream.indirect.gather [hbm4b:s1+s11], $0x1, s26, s11, $0xb8;
	[tilespmem:$0x1C880] =	vst v63  }
0x3f: {  	s4 =	simm.s32 $0x1480;
	s16 =	simm.s32 $0x2880  }
0x40: {  	[tilespmem:s16], [sflag:$0x1] =	stream.indirect.gather [hbm4b:s1+s11], $0x1, s4, s11, $0xb8;
	[tilespmem:$0x1C880] =	vst v63  }
0x41: {  	s18 =	simm.s32 $0x1500;
	s25 =	simm.s32 $0x2900  }
0x42: {  	[tilespmem:s25], [sflag:$0x1] =	stream.indirect.gather [hbm4b:s1+s11], $0x1, s18, s11, $0xb8;
	[tilespmem:$0x1C880] =	vst v63  }
0x43: {  	s28 =	simm.s32 $0x1580;
	s29 =	simm.s32 $0x2980  }
0x44: {  	[tilespmem:s29], [sflag:$0x1] =	stream.indirect.gather [hbm4b:s1+s11], $0x1, s28, s11, $0xb8;
	[tilespmem:$0x1C880] =	vst v63  }
0x45: {  	s30 =	simm.s32 $0x1600;
	s31 =	simm.s32 $0x2A00  }
0x46: {  	[tilespmem:s31], [sflag:$0x1] =	stream.indirect.gather [hbm4b:s1+s11], $0x1, s30, s11, $0xb8;
	[tilespmem:$0x1C880] =	vst v63  }
0x47: {  	s4 =	simm.s32 $0x1680;
	s16 =	simm.s32 $0x2A80  }
0x48: {  	[tilespmem:s16], [sflag:$0x1] =	stream.indirect.gather [hbm4b:s1+s11], $0x1, s4, s11, $0xb8;
	[tilespmem:$0x1C880] =	vst v63  }
0x49: {  	s18 =	simm.s32 $0x1700;
	s25 =	simm.s32 $0x2B00  }
0x4a: {  	[tilespmem:s25], [sflag:$0x1] =	stream.indirect.gather [hbm4b:s1+s11], $0x1, s18, s11, $0xb8;
	[tilespmem:$0x1C880] =	vst v63  }
0x4b: {  	s28 =	simm.s32 $0x1780;
	s29 =	simm.s32 $0x2B80  }
0x4c: {  	[tilespmem:s29], [sflag:$0x1] =	stream.indirect.gather [hbm4b:s1+s11], $0x1, s28, s11, $0xb8;
	[tilespmem:$0x1C880] =	vst v63  }
0x4d: {  	s30 =	simm.s32 $0x1800;
	s31 =	simm.s32 $0x2C00  }
0x4e: {  	[tilespmem:s31], [sflag:$0x1] =	stream.indirect.gather [hbm4b:s1+s11], $0x1, s30, s11, $0xb8;
	[tilespmem:$0x1C880] =	vst v63  }
0x4f: {  	s4 =	simm.s32 $0x1880;
	s16 =	simm.s32 $0x2C80  }
0x50: {  	[tilespmem:s16], [sflag:$0x1] =	stream.indirect.gather [hbm4b:s1+s11], $0x1, s4, s11, $0xb8;
	[tilespmem:$0x1C880] =	vst v63  }
0x51: {  	s18 =	simm.s32 $0x1900;
	s25 =	simm.s32 $0x2D00  }
0x52: {  	[tilespmem:s25], [sflag:$0x1] =	stream.indirect.gather [hbm4b:s1+s11], $0x1, s18, s11, $0xb8;
	[tilespmem:$0x1C880] =	vst v63  }
0x53: {  	s28 =	simm.s32 $0x1980;
	s29 =	simm.s32 $0x2D80  }
0x54: {  	[tilespmem:s29], [sflag:$0x1] =	stream.indirect.gather [hbm4b:s1+s11], $0x1, s28, s11, $0xb8;
	[tilespmem:$0x1C880] =	vst v63  }
0x55: {  	s30 =	simm.s32 $0x1A00;
	s31 =	simm.s32 $0x2E00  }
0x56: {  	[tilespmem:s31], [sflag:$0x1] =	stream.indirect.gather [hbm4b:s1+s11], $0x1, s30, s11, $0xb8;
	[tilespmem:$0x1C880] =	vst v63  }
0x57: {  	_ =	swait.ge [sflag:s12], $0x80  }
0x58: {  	[sflag:s12] =	ssyncset.done $0x0  }
0x59: {  	[sflag:s12] =	ssyncadd.s32 $0xFFFFFF80  }
0x5a: {  	_ =	swait.ge [sflag:s12], $0x80  }
0x5b: {  	[sflag:s12] =	ssyncset.done $0x0  }
0x5c: {  	[sflag:s12] =	ssyncadd.s32 $0xFFFFFF80  }
0x5d: {  	_ =	swait.ge [sflag:s12], $0x80  }
0x5e: {  	[sflag:s12] =	ssyncset.done $0x0  }
0x5f: {  	[sflag:s12] =	ssyncadd.s32 $0xFFFFFF80  }
0x60: {  	_ =	swait.ge [sflag:s12], $0x80  }
0x61: {  	[sflag:s12] =	ssyncset.done $0x0  }
0x62: {  	[sflag:s12] =	ssyncadd.s32 $0xFFFFFF80  }
0x63: {  	_ =	swait.ge [sflag:s12], $0x80  }
0x64: {  	[sflag:s12] =	ssyncset.done $0x0  }
0x65: {  	[sflag:s12] =	ssyncadd.s32 $0xFFFFFF80  }
0x66: {  	_ =	swait.ge [sflag:s12], $0x80  }
0x67: {  	[sflag:s12] =	ssyncset.done $0x0  }
0x68: {  	[sflag:s12] =	ssyncadd.s32 $0xFFFFFF80  }
0x69: {  	_ =	swait.ge [sflag:s12], $0x80  }
0x6a: {  	[sflag:s12] =	ssyncset.done $0x0  }
0x6b: {  	[sflag:s12] =	ssyncadd.s32 $0xFFFFFF80  }
0x6c: {  	_ =	swait.ge [sflag:s12], $0x80  }
0x6d: {  	[sflag:s12] =	ssyncset.done $0x0  }
0x6e: {  	[sflag:s12] =	ssyncadd.s32 $0xFFFFFF80  }
0x6f: {  	_ =	swait.ge [sflag:s12], $0x80  }
0x70: {  	[sflag:s12] =	ssyncset.done $0x0  }
0x71: {  	[sflag:s12] =	ssyncadd.s32 $0xFFFFFF80  }
0x72: {  	_ =	swait.ge [sflag:s12], $0x80  }
0x73: {  	[sflag:s12] =	ssyncset.done $0x0  }
0x74: {  	[sflag:s12] =	ssyncadd.s32 $0xFFFFFF80  }
0x75: {  	_ =	swait.ge [sflag:s12], $0x80  }
0x76: {  	[sflag:s12] =	ssyncset.done $0x0  }
0x77: {  	[sflag:s12] =	ssyncadd.s32 $0xFFFFFF80  }
0x78: {  	_ =	swait.ge [sflag:s12], $0x80  }
0x79: {  	[sflag:s12] =	ssyncset.done $0x0  }
0x7a: {  	[sflag:s12] =	ssyncadd.s32 $0xFFFFFF80  }
0x7b: {  	_ =	swait.ge [sflag:s12], $0x80  }
0x7c: {  	[sflag:s12] =	ssyncset.done $0x0  }
0x7d: {  	[sflag:s12] =	ssyncadd.s32 $0xFFFFFF80  }
0x7e: {  	_ =	swait.ge [sflag:s12], $0x80  }
0x7f: {  	[sflag:s12] =	ssyncset.done $0x0  }
0x80: {  	[sflag:s12] =	ssyncadd.s32 $0xFFFFFF80  }
0x81: {  	_ =	swait.ge [sflag:s12], $0x80  }
0x82: {  	[sflag:s12] =	ssyncset.done $0x0  }
0x83: {  	[sflag:s12] =	ssyncadd.s32 $0xFFFFFF80  }
0x84: {  	_ =	swait.ge [sflag:s12], $0x80  }
0x85: {  	[sflag:s12] =	ssyncset.done $0x0  }
0x86: {  	[sflag:s12] =	ssyncadd.s32 $0xFFFFFF80  }
0x87: {  	_ =	swait.ge [sflag:s12], $0x80  }
0x88: {  	[sflag:s12] =	ssyncset.done $0x0  }
0x89: {  	[sflag:s12] =	ssyncadd.s32 $0xFFFFFF80  }
0x8a: {  	_ =	swait.ge [sflag:s12], $0x80  }
0x8b: {  	[sflag:s12] =	ssyncset.done $0x0  }
0x8c: {  	[sflag:s12] =	ssyncadd.s32 $0xFFFFFF80  }
0x8d: {  	_ =	swait.ge [sflag:s12], $0x80  }
0x8e: {  	[sflag:s12] =	ssyncset.done $0x0  }
0x8f: {  	[sflag:s12] =	ssyncadd.s32 $0xFFFFFF80  }
0x90: {  	_ =	swait.ge [sflag:s12], $0x80  }
0x91: {  	[sflag:s12] =	ssyncset.done $0x0  }
0x92: {  	s0 =	simm.s32 $0x0;
	[sflag:s12] =	ssyncadd.s32 $0xFFFFFF80  }
0x93: {  	v0 =	vld [tilespmem:s0+$0x2480];
	_ =	sdelay $0x4  }
0x94: {  	s2 =	simm.s32 $0x80;
	s4 =	simm.s32 $0x40;
	v2 =	vshrl.u32 v0, $0x2;
	v0 =	vshll.u32 v0, $0x5  }
.LBB2_4:
0x95: {  	p0 =	sne.s32 s2, $0x27C0;
	s25 =	sshra.s32 s4, $0x2;
	[tilespmem:s0+$0x2480] =	vst v2;
	v0 =	vand.u32 $0x60, v0;
	s4 =	smov.u32 s2  }
0x96: {  	v3 =	vld [tilespmem:s25+$0x2480];
	[tilespmem:s0+$0x2E80] =	vst v0;
	s0 =	smov.u32 s25  }
.Ltmp1:
0x97: {  	(pc) =	sbr.rel @p0 .LBB2_4-.Ltmp1, $2  }
0x98: {  	_ =	sdelay $0x2  }
0x99: {  	s2 =	sadd.s32 $0x40, s2;
	v2 =	vshrl.u32 v3, $0x2;
	v0 =	vshll.u32 v3, $0x5  }
0x9a: {  	s2 =	sshra.s32 s4, $0x2;
	[tilespmem:s0+$0x2480] =	vst v2  }
0x9b: {  	v2 =	vld [tilespmem:s2+$0x2480];
	_ =	sdelay $0x3  }
0x9c: {  	v0 =	vand.u32 $0x60, v0  }
0x9d: {  	[tilespmem:s0+$0x2E80] =	vst v0;
	v62 =	vshrl.u32 v2, $0x2;
	v2 =	vshll.u32 v2, $0x5  }
0x9e: {  	[tilespmem:s2+$0x2480] =	vst v62;
	v63 =	vand.u32 $0x60, v2  }
0x9f: {  	[tilespmem:s2+$0x2E80] =	vst v63  }
0xa0: {  	[tilespmem:s14], [sflag:$0x2] =	stream.indirect.gather [hbm4b:s5+s11], $0x80, s13, s11, $0xb8;
	[tilespmem:$0x1C880] =	vst v63  }
0xa1: {  	s30 =	simm.s32 $0x7880;
	s31 =	simm.s32 $0x40  }
0xa2: {  	[tilespmem:s30], [sflag:$0x2] =	stream.indirect.gather [hbm4b:s5+s11], $0x80, s15, s11, $0xb8;
	[tilespmem:$0x1C880] =	vst v63  }
0xa3: {  	s29 =	simm.s32 $0x0;
	s4 =	simm.s32 $0x1A80;
	s2 =	simm.s32 $0x2E80  }
0xa4: {  	[tilespmem:s19], [sflag:$0x2] =	stream.indirect.gather [hbm4b:s5+s31], $0x80, s17, s31, $0xb8;
	[tilespmem:$0x1C880] =	vst v63  }
.LBB2_6:
0xa5: {  	_ =	swait.ge [sflag:s20], $0x4000  }
0xa6: {  	[sflag:s20] =	ssyncset.done $0x0  }
0xa7: {  	s31 =	sand.u32 $0x1, s29;
	[sflag:s20] =	ssyncadd.s32 $0xFFFFC000  }
0xa8: {  	p0 =	seq.s32 s29, $0x7;
	s30 =	sadd.s32 $0x1, s29;
	_ =	swait.ge [sflag:s20], $0x4000  }
0xa9: {  	s0 =	sxor.u32 @!p0 $0x1, s31;
	s25 =	smul.u32 @!p0 $0x500, s30;
	[sflag:s20] =	ssyncset.done $0x0  }
0xaa: {  	s0 =	smul.u32 @!p0 $0x28000, s0;
	[sflag:s20] =	ssyncadd.s32 $0xFFFFC000  }
0xab: {  	s18 =	simm.s32 @!p0 $0x80;
	_ =	swait.ge [sflag:s20], $0x2000  }
0xac: {  	s25 =	sshra.s32 @!p0 s25, $0x2;
	s0 =	sshrl.u32 @!p0 s0, $0x2;
	[sflag:s20] =	ssyncset.done $0x0  }
0xad: {  	s16 =	sadd.s32 @!p0 $0x2480, s25;
	s28 =	sadd.s32 @!p0 $0x3880, s0;
	[sflag:s20] =	ssyncadd.s32 $0xFFFFE000  }
0xae: {  	[tilespmem:s28], [sflag:$0x2] =	stream.indirect.gather @!p0 [hbm4b:s5+s18], $0x80, s16, s18, $0xb8;
	[tilespmem:$0x1C880] =	vst v63  }
0xaf: {  	p1 =	slt.u32 @!p0 s29, $0x2;
	s16 =	sadd.s32 @!p0 $0x7880, s0;
	s28 =	sadd.s32 @!p0 $0x2500, s25  }
0xb0: {  	[tilespmem:s16], [sflag:$0x2] =	stream.indirect.gather @!p0 [hbm4b:s5+s18], $0x80, s28, s18, $0xb8;
	[tilespmem:$0x1C880] =	vst v63  }
0xb1: {  	s0 =	sadd.s32 @!p0 $0xB880, s0;
	s16 =	sadd.s32 @!p0 $0x2580, s25;
	s18 =	simm.s32 @!p0 $0x40  }
0xb2: {  	[tilespmem:s0], [sflag:$0x2] =	stream.indirect.gather @!p0 [hbm4b:s5+s18], $0x80, s16, s18, $0xb8;
	[tilespmem:$0x1C880] =	vst v63  }
0xb3: {  	p0 =	por p0, !p1  }
0xb4: {  	_ =	swait.ge @p0 [sflag:s21], $0x800  }
0xb5: {  	[sflag:s21] =	ssyncset.done @p0 $0x0  }
0xb6: {  	[sflag:s21] =	ssyncadd.s32 @p0 $0xFFFFF800  }
0xb7: {  	_ =	swait.ge @p0 [sflag:s21], $0x800  }
0xb8: {  	[sflag:s21] =	ssyncset.done @p0 $0x0  }
0xb9: {  	[sflag:s21] =	ssyncadd.s32 @p0 $0xFFFFF800  }
0xba: {  	_ =	swait.ge @p0 [sflag:s21], $0x800  }
0xbb: {  	[sflag:s21] =	ssyncset.done @p0 $0x0  }
0xbc: {  	[sflag:s21] =	ssyncadd.s32 @p0 $0xFFFFF800  }
0xbd: {  	_ =	swait.ge @p0 [sflag:s21], $0x800  }
0xbe: {  	[sflag:s21] =	ssyncset.done @p0 $0x0  }
0xbf: {  	[sflag:s21] =	ssyncadd.s32 @p0 $0xFFFFF800  }
0xc0: {  	_ =	swait.ge @p0 [sflag:s21], $0x800  }
0xc1: {  	[sflag:s21] =	ssyncset.done @p0 $0x0  }
0xc2: {  	[sflag:s21] =	ssyncadd.s32 @p0 $0xFFFFF800  }
0xc3: {  	v9 =	vld [tilespmem:s2+$0x0]  }
0xc4: {  	s25 =	simm.s32 $0x0  }
0xc5: {  	v0 =	vmov s31;
	v2 =	vmov s25  }
0xc6: {  	v1 =	vmul.u32 $0xA000, v0;
	v2 =	vshll.u32 v2, $0x7  }
0xc7: {  	v2 =	vor.u32 v17, v2  }
0xc8: {  	v11 =	vadd.s32 v1, v2;
	v3 =	vand.u32 $0xFFFFFF80, v9  }
0xc9: {  	v2 =	vand.u32 $0x7F, v9;
	v3 =	vadd.s32 v11, v3  }
0xca: {  	v2 =	vor.u32 v2, v3;
	_ =	sdelay $0x2  }
0xcb: {  	v8 =	vimm.s32 $0x0;
	v10 =	vlaneseq.u32;
	[tilespmem:$0x1FFD0] =	vst v1;
	v1 =	vmul.u32 $0x2800, v0  }
0xcc: {  	v13 =	vshll.u32 v8, $0x7;
	v14 =	vshll.u32 v10, $0x5;
	v12 =	vld [tilespmem:s4+$0x0];
	v3 =	vshll.u32 v10, $0x9  }
0xcd: {  	v13 =	vadd.s32 v1, v13;
	v0 =	vadd.s32 $0x1, v9;
	v3 =	vand.u32 $0xFFFFF800, v3;
	v2 =	vld.idx.msk [tilespmem:v2+s14+$0x0], $0xffff  }
0xce: {  	v14 =	vand.u32 $0x60, v14;
	v34 =	vand.u32 $0xFFFFFF80, v0;
	v3 =	vadd.s32 v3, v13  }
0xcf: {  	v0 =	vand.u32 $0x7F, v0;
	v15 =	vadd.s32 v11, v34;
	v35 =	vor.u32 v14, v3  }
0xd0: {  	v0 =	vor.u32 v0, v15;
	_ =	sdelay $0x1  }
0xd1: {  	v2 =	vmul.f32 v2, v12;
	_ =	sdelay $0x1  }
0xd2: {  	[tilespmem:v35+s22+$0x0] =	vst.idx.msk $0xffff, v2  }
0xd3: {  	v2 =	vadd.s32 $0x2, v9;
	v0 =	vld.idx.msk [tilespmem:v0+s14+$0x0], $0xffff  }
0xd4: {  	v3 =	vand.u32 $0xFFFFFF80, v2  }
0xd5: {  	v14 =	vor.u32 $0x1, v35;
	v2 =	vand.u32 $0x7F, v2;
	v3 =	vadd.s32 v11, v3  }
0xd6: {  	v2 =	vor.u32 v2, v3;
	_ =	sdelay $0x1  }
0xd7: {  	v0 =	vmul.f32 v0, v12;
	_ =	sdelay $0x1  }
0xd8: {  	[tilespmem:v14+s22+$0x0] =	vst.idx.msk $0xffff, v0  }
0xd9: {  	v0 =	vadd.s32 $0x3, v9;
	v2 =	vld.idx.msk [tilespmem:v2+s14+$0x0], $0xffff  }
0xda: {  	v3 =	vand.u32 $0xFFFFFF80, v0  }
0xdb: {  	v36 =	vor.u32 $0x2, v35;
	v0 =	vand.u32 $0x7F, v0;
	v3 =	vadd.s32 v11, v3  }
0xdc: {  	v0 =	vor.u32 v0, v3;
	_ =	sdelay $0x1  }
0xdd: {  	v2 =	vmul.f32 v2, v12;
	_ =	sdelay $0x1  }
0xde: {  	[tilespmem:v36+s22+$0x0] =	vst.idx.msk $0xffff, v2  }
0xdf: {  	v2 =	vadd.s32 $0x4, v9;
	v0 =	vld.idx.msk [tilespmem:v0+s14+$0x0], $0xffff  }
0xe0: {  	v3 =	vand.u32 $0xFFFFFF80, v2  }
0xe1: {  	v37 =	vor.u32 $0x3, v35;
	v2 =	vand.u32 $0x7F, v2;
	v3 =	vadd.s32 v11, v3  }
0xe2: {  	v2 =	vor.u32 v2, v3;
	_ =	sdelay $0x1  }
0xe3: {  	v0 =	vmul.f32 v0, v12;
	_ =	sdelay $0x1  }
0xe4: {  	[tilespmem:v37+s22+$0x0] =	vst.idx.msk $0xffff, v0  }
0xe5: {  	v0 =	vadd.s32 $0x5, v9;
	v2 =	vld.idx.msk [tilespmem:v2+s14+$0x0], $0xffff  }
0xe6: {  	v3 =	vand.u32 $0xFFFFFF80, v0  }
0xe7: {  	v38 =	vor.u32 $0x4, v35;
	v0 =	vand.u32 $0x7F, v0;
	v3 =	vadd.s32 v11, v3  }
0xe8: {  	v0 =	vor.u32 v0, v3;
	_ =	sdelay $0x1  }
0xe9: {  	v2 =	vmul.f32 v2, v12;
	_ =	sdelay $0x1  }
0xea: {  	[tilespmem:v38+s22+$0x0] =	vst.idx.msk $0xffff, v2  }
0xeb: {  	v2 =	vadd.s32 $0x6, v9;
	v0 =	vld.idx.msk [tilespmem:v0+s14+$0x0], $0xffff  }
0xec: {  	v3 =	vand.u32 $0xFFFFFF80, v2  }
0xed: {  	v39 =	vor.u32 $0x5, v35;
	v2 =	vand.u32 $0x7F, v2;
	v3 =	vadd.s32 v11, v3  }
0xee: {  	v2 =	vor.u32 v2, v3;
	_ =	sdelay $0x1  }
0xef: {  	v0 =	vmul.f32 v0, v12;
	_ =	sdelay $0x1  }
0xf0: {  	[tilespmem:v39+s22+$0x0] =	vst.idx.msk $0xffff, v0  }
0xf1: {  	v0 =	vadd.s32 $0x7, v9;
	v2 =	vld.idx.msk [tilespmem:v2+s14+$0x0], $0xffff  }
0xf2: {  	v3 =	vand.u32 $0xFFFFFF80, v0  }
0xf3: {  	v40 =	vor.u32 $0x6, v35;
	v0 =	vand.u32 $0x7F, v0;
	v3 =	vadd.s32 v11, v3  }
0xf4: {  	v0 =	vor.u32 v0, v3;
	_ =	sdelay $0x1  }
0xf5: {  	v2 =	vmul.f32 v2, v12;
	_ =	sdelay $0x1  }
0xf6: {  	[tilespmem:v40+s22+$0x0] =	vst.idx.msk $0xffff, v2  }
0xf7: {  	v2 =	vadd.s32 $0x8, v9;
	v0 =	vld.idx.msk [tilespmem:v0+s14+$0x0], $0xffff  }
0xf8: {  	v3 =	vand.u32 $0xFFFFFF80, v2  }
0xf9: {  	v41 =	vor.u32 $0x7, v35;
	v2 =	vand.u32 $0x7F, v2;
	v3 =	vadd.s32 v11, v3  }
0xfa: {  	v2 =	vor.u32 v2, v3;
	_ =	sdelay $0x1  }
0xfb: {  	v0 =	vmul.f32 v0, v12;
	_ =	sdelay $0x1  }
0xfc: {  	[tilespmem:v41+s22+$0x0] =	vst.idx.msk $0xffff, v0  }
0xfd: {  	v0 =	vadd.s32 $0x9, v9;
	v2 =	vld.idx.msk [tilespmem:v2+s14+$0x0], $0xffff  }
0xfe: {  	v3 =	vand.u32 $0xFFFFFF80, v0  }
0xff: {  	v42 =	vor.u32 $0x8, v35;
	v0 =	vand.u32 $0x7F, v0;
	v3 =	vadd.s32 v11, v3  }
0x100: {  	v0 =	vor.u32 v0, v3;
	_ =	sdelay $0x1  }
0x101: {  	v2 =	vmul.f32 v2, v12;
	_ =	sdelay $0x1  }
0x102: {  	[tilespmem:v42+s22+$0x0] =	vst.idx.msk $0xffff, v2  }
0x103: {  	v2 =	vadd.s32 $0xA, v9;
	v0 =	vld.idx.msk [tilespmem:v0+s14+$0x0], $0xffff  }
0x104: {  	v3 =	vand.u32 $0xFFFFFF80, v2  }
0x105: {  	v43 =	vor.u32 $0x9, v35;
	v2 =	vand.u32 $0x7F, v2;
	v3 =	vadd.s32 v11, v3  }
0x106: {  	v2 =	vor.u32 v2, v3;
	_ =	sdelay $0x1  }
0x107: {  	v0 =	vmul.f32 v0, v12;
	_ =	sdelay $0x1  }
0x108: {  	[tilespmem:v43+s22+$0x0] =	vst.idx.msk $0xffff, v0  }
0x109: {  	v0 =	vadd.s32 $0xB, v9;
	v2 =	vld.idx.msk [tilespmem:v2+s14+$0x0], $0xffff  }
0x10a: {  	v3 =	vand.u32 $0xFFFFFF80, v0  }
0x10b: {  	v44 =	vor.u32 $0xA, v35;
	v0 =	vand.u32 $0x7F, v0;
	v3 =	vadd.s32 v11, v3  }
0x10c: {  	v0 =	vor.u32 v0, v3;
	_ =	sdelay $0x1  }
0x10d: {  	v2 =	vmul.f32 v2, v12;
	_ =	sdelay $0x1  }
0x10e: {  	[tilespmem:v44+s22+$0x0] =	vst.idx.msk $0xffff, v2  }
0x10f: {  	v2 =	vadd.s32 $0xC, v9;
	v0 =	vld.idx.msk [tilespmem:v0+s14+$0x0], $0xffff  }
0x110: {  	v3 =	vand.u32 $0xFFFFFF80, v2  }
0x111: {  	v45 =	vor.u32 $0xB, v35;
	v2 =	vand.u32 $0x7F, v2;
	v3 =	vadd.s32 v11, v3  }
0x112: {  	v2 =	vor.u32 v2, v3;
	_ =	sdelay $0x1  }
0x113: {  	v0 =	vmul.f32 v0, v12;
	_ =	sdelay $0x1  }
0x114: {  	[tilespmem:v45+s22+$0x0] =	vst.idx.msk $0xffff, v0  }
0x115: {  	v0 =	vadd.s32 $0xD, v9;
	v2 =	vld.idx.msk [tilespmem:v2+s14+$0x0], $0xffff  }
0x116: {  	v3 =	vand.u32 $0xFFFFFF80, v0  }
0x117: {  	v46 =	vor.u32 $0xC, v35;
	v0 =	vand.u32 $0x7F, v0;
	v3 =	vadd.s32 v11, v3  }
0x118: {  	v0 =	vor.u32 v0, v3;
	_ =	sdelay $0x1  }
0x119: {  	v2 =	vmul.f32 v2, v12;
	_ =	sdelay $0x1  }
0x11a: {  	[tilespmem:v46+s22+$0x0] =	vst.idx.msk $0xffff, v2  }
0x11b: {  	v2 =	vadd.s32 $0xE, v9;
	v0 =	vld.idx.msk [tilespmem:v0+s14+$0x0], $0xffff  }
0x11c: {  	v3 =	vand.u32 $0xFFFFFF80, v2  }
0x11d: {  	v47 =	vor.u32 $0xD, v35;
	v2 =	vand.u32 $0x7F, v2;
	v3 =	vadd.s32 v11, v3  }
0x11e: {  	v2 =	vor.u32 v2, v3;
	_ =	sdelay $0x1  }
0x11f: {  	v0 =	vmul.f32 v0, v12;
	_ =	sdelay $0x1  }
0x120: {  	[tilespmem:v47+s22+$0x0] =	vst.idx.msk $0xffff, v0  }
0x121: {  	v0 =	vadd.s32 $0xF, v9;
	v2 =	vld.idx.msk [tilespmem:v2+s14+$0x0], $0xffff  }
0x122: {  	v3 =	vand.u32 $0xFFFFFF80, v0  }
0x123: {  	v48 =	vor.u32 $0xE, v35;
	v0 =	vand.u32 $0x7F, v0;
	v3 =	vadd.s32 v11, v3  }
0x124: {  	v0 =	vor.u32 v0, v3;
	_ =	sdelay $0x1  }
0x125: {  	v2 =	vmul.f32 v2, v12;
	_ =	sdelay $0x1  }
0x126: {  	[tilespmem:v48+s22+$0x0] =	vst.idx.msk $0xffff, v2  }
0x127: {  	v2 =	vadd.s32 $0x10, v9;
	v0 =	vld.idx.msk [tilespmem:v0+s14+$0x0], $0xffff  }
0x128: {  	v3 =	vand.u32 $0xFFFFFF80, v2  }
0x129: {  	v49 =	vor.u32 $0xF, v35;
	v2 =	vand.u32 $0x7F, v2;
	v3 =	vadd.s32 v11, v3  }
0x12a: {  	v2 =	vor.u32 v2, v3;
	_ =	sdelay $0x1  }
0x12b: {  	v0 =	vmul.f32 v0, v12;
	_ =	sdelay $0x1  }
0x12c: {  	[tilespmem:v49+s22+$0x0] =	vst.idx.msk $0xffff, v0  }
0x12d: {  	v0 =	vadd.s32 $0x11, v9;
	v2 =	vld.idx.msk [tilespmem:v2+s14+$0x0], $0xffff  }
0x12e: {  	v3 =	vand.u32 $0xFFFFFF80, v0  }
0x12f: {  	v50 =	vor.u32 $0x10, v35;
	v0 =	vand.u32 $0x7F, v0;
	v3 =	vadd.s32 v11, v3  }
0x130: {  	v0 =	vor.u32 v0, v3;
	_ =	sdelay $0x1  }
0x131: {  	v2 =	vmul.f32 v2, v12;
	_ =	sdelay $0x1  }
0x132: {  	[tilespmem:v50+s22+$0x0] =	vst.idx.msk $0xffff, v2  }
0x133: {  	v2 =	vadd.s32 $0x12, v9;
	v0 =	vld.idx.msk [tilespmem:v0+s14+$0x0], $0xffff  }
0x134: {  	v3 =	vand.u32 $0xFFFFFF80, v2  }
0x135: {  	v51 =	vor.u32 $0x11, v35;
	v2 =	vand.u32 $0x7F, v2;
	v3 =	vadd.s32 v11, v3  }
0x136: {  	v2 =	vor.u32 v2, v3;
	_ =	sdelay $0x1  }
0x137: {  	v0 =	vmul.f32 v0, v12;
	_ =	sdelay $0x1  }
0x138: {  	[tilespmem:v51+s22+$0x0] =	vst.idx.msk $0xffff, v0  }
0x139: {  	v0 =	vadd.s32 $0x13, v9;
	v2 =	vld.idx.msk [tilespmem:v2+s14+$0x0], $0xffff  }
0x13a: {  	v3 =	vand.u32 $0xFFFFFF80, v0  }
0x13b: {  	v52 =	vor.u32 $0x12, v35;
	v0 =	vand.u32 $0x7F, v0;
	v3 =	vadd.s32 v11, v3  }
0x13c: {  	v0 =	vor.u32 v0, v3;
	_ =	sdelay $0x1  }
0x13d: {  	v2 =	vmul.f32 v2, v12;
	_ =	sdelay $0x1  }
0x13e: {  	[tilespmem:v52+s22+$0x0] =	vst.idx.msk $0xffff, v2  }
0x13f: {  	v2 =	vadd.s32 $0x14, v9;
	v0 =	vld.idx.msk [tilespmem:v0+s14+$0x0], $0xffff  }
0x140: {  	v3 =	vand.u32 $0xFFFFFF80, v2  }
0x141: {  	v53 =	vor.u32 $0x13, v35;
	v2 =	vand.u32 $0x7F, v2;
	v3 =	vadd.s32 v11, v3  }
0x142: {  	v2 =	vor.u32 v2, v3;
	_ =	sdelay $0x1  }
0x143: {  	v0 =	vmul.f32 v0, v12;
	_ =	sdelay $0x1  }
0x144: {  	[tilespmem:v53+s22+$0x0] =	vst.idx.msk $0xffff, v0  }
0x145: {  	v0 =	vadd.s32 $0x15, v9;
	v2 =	vld.idx.msk [tilespmem:v2+s14+$0x0], $0xffff  }
0x146: {  	v3 =	vand.u32 $0xFFFFFF80, v0  }
0x147: {  	v54 =	vor.u32 $0x14, v35;
	v0 =	vand.u32 $0x7F, v0;
	v3 =	vadd.s32 v11, v3  }
0x148: {  	v0 =	vor.u32 v0, v3;
	_ =	sdelay $0x1  }
0x149: {  	v2 =	vmul.f32 v2, v12;
	_ =	sdelay $0x1  }
0x14a: {  	[tilespmem:v54+s22+$0x0] =	vst.idx.msk $0xffff, v2  }
0x14b: {  	v2 =	vadd.s32 $0x16, v9;
	v0 =	vld.idx.msk [tilespmem:v0+s14+$0x0], $0xffff  }
0x14c: {  	v3 =	vand.u32 $0xFFFFFF80, v2  }
0x14d: {  	v55 =	vor.u32 $0x15, v35;
	v2 =	vand.u32 $0x7F, v2;
	v3 =	vadd.s32 v11, v3  }
0x14e: {  	v2 =	vor.u32 v2, v3;
	_ =	sdelay $0x1  }
0x14f: {  	v0 =	vmul.f32 v0, v12;
	_ =	sdelay $0x1  }
0x150: {  	[tilespmem:v55+s22+$0x0] =	vst.idx.msk $0xffff, v0  }
0x151: {  	v0 =	vadd.s32 $0x17, v9;
	v2 =	vld.idx.msk [tilespmem:v2+s14+$0x0], $0xffff  }
0x152: {  	v3 =	vand.u32 $0xFFFFFF80, v0  }
0x153: {  	v56 =	vor.u32 $0x16, v35;
	v0 =	vand.u32 $0x7F, v0;
	v3 =	vadd.s32 v11, v3  }
0x154: {  	v0 =	vor.u32 v0, v3;
	_ =	sdelay $0x1  }
0x155: {  	v2 =	vmul.f32 v2, v12;
	_ =	sdelay $0x1  }
0x156: {  	[tilespmem:v56+s22+$0x0] =	vst.idx.msk $0xffff, v2  }
0x157: {  	v2 =	vadd.s32 $0x18, v9;
	v0 =	vld.idx.msk [tilespmem:v0+s14+$0x0], $0xffff  }
0x158: {  	v3 =	vand.u32 $0xFFFFFF80, v2  }
0x159: {  	v57 =	vor.u32 $0x17, v35;
	v2 =	vand.u32 $0x7F, v2;
	v3 =	vadd.s32 v11, v3  }
0x15a: {  	v2 =	vor.u32 v2, v3;
	_ =	sdelay $0x1  }
0x15b: {  	v0 =	vmul.f32 v0, v12;
	_ =	sdelay $0x1  }
0x15c: {  	[tilespmem:v57+s22+$0x0] =	vst.idx.msk $0xffff, v0  }
0x15d: {  	v0 =	vadd.s32 $0x19, v9;
	v2 =	vld.idx.msk [tilespmem:v2+s14+$0x0], $0xffff  }
0x15e: {  	v3 =	vand.u32 $0xFFFFFF80, v0  }
0x15f: {  	v58 =	vor.u32 $0x18, v35;
	v0 =	vand.u32 $0x7F, v0;
	v3 =	vadd.s32 v11, v3  }
0x160: {  	v0 =	vor.u32 v0, v3;
	_ =	sdelay $0x1  }
0x161: {  	v2 =	vmul.f32 v2, v12;
	_ =	sdelay $0x1  }
0x162: {  	[tilespmem:v58+s22+$0x0] =	vst.idx.msk $0xffff, v2  }
0x163: {  	v2 =	vadd.s32 $0x1A, v9;
	v0 =	vld.idx.msk [tilespmem:v0+s14+$0x0], $0xffff  }
0x164: {  	v3 =	vand.u32 $0xFFFFFF80, v2  }
0x165: {  	v59 =	vor.u32 $0x19, v35;
	v2 =	vand.u32 $0x7F, v2;
	v3 =	vadd.s32 v11, v3  }
0x166: {  	v2 =	vor.u32 v2, v3;
	_ =	sdelay $0x1  }
0x167: {  	v0 =	vmul.f32 v0, v12;
	_ =	sdelay $0x1  }
0x168: {  	[tilespmem:v59+s22+$0x0] =	vst.idx.msk $0xffff, v0  }
0x169: {  	v0 =	vadd.s32 $0x1B, v9;
	v2 =	vld.idx.msk [tilespmem:v2+s14+$0x0], $0xffff  }
0x16a: {  	v3 =	vand.u32 $0xFFFFFF80, v0  }
0x16b: {  	v60 =	vor.u32 $0x1A, v35;
	v0 =	vand.u32 $0x7F, v0;
	v3 =	vadd.s32 v11, v3  }
0x16c: {  	v0 =	vor.u32 v0, v3;
	_ =	sdelay $0x1  }
0x16d: {  	v2 =	vmul.f32 v2, v12;
	_ =	sdelay $0x1  }
0x16e: {  	[tilespmem:v60+s22+$0x0] =	vst.idx.msk $0xffff, v2  }
0x16f: {  	v2 =	vadd.s32 $0x1C, v9;
	v0 =	vld.idx.msk [tilespmem:v0+s14+$0x0], $0xffff  }
0x170: {  	v3 =	vand.u32 $0xFFFFFF80, v2  }
0x171: {  	v61 =	vor.u32 $0x1B, v35;
	v2 =	vand.u32 $0x7F, v2;
	v3 =	vadd.s32 v11, v3  }
0x172: {  	v2 =	vor.u32 v2, v3;
	_ =	sdelay $0x1  }
0x173: {  	v0 =	vmul.f32 v0, v12;
	_ =	sdelay $0x1  }
0x174: {  	[tilespmem:v61+s22+$0x0] =	vst.idx.msk $0xffff, v0  }
0x175: {  	v0 =	vadd.s32 $0x1D, v9;
	v2 =	vld.idx.msk [tilespmem:v2+s14+$0x0], $0xffff  }
0x176: {  	v3 =	vand.u32 $0xFFFFFF80, v0  }
0x177: {  	v62 =	vor.u32 $0x1C, v35;
	v0 =	vand.u32 $0x7F, v0;
	v3 =	vadd.s32 v11, v3  }
0x178: {  	v0 =	vor.u32 v0, v3;
	_ =	sdelay $0x1  }
0x179: {  	v2 =	vmul.f32 v2, v12;
	_ =	sdelay $0x1  }
0x17a: {  	[tilespmem:v62+s22+$0x0] =	vst.idx.msk $0xffff, v2  }
0x17b: {  	v2 =	vadd.s32 $0x1E, v9;
	v0 =	vld.idx.msk [tilespmem:v0+s14+$0x0], $0xffff  }
0x17c: {  	v3 =	vand.u32 $0xFFFFFF80, v2  }
0x17d: {  	v63 =	vor.u32 $0x1D, v35;
	v2 =	vand.u32 $0x7F, v2;
	v3 =	vadd.s32 v11, v3  }
0x17e: {  	v2 =	vor.u32 v2, v3;
	_ =	sdelay $0x1  }
0x17f: {  	v0 =	vmul.f32 v0, v12;
	_ =	sdelay $0x1  }
0x180: {  	[tilespmem:v63+s22+$0x0] =	vst.idx.msk $0xffff, v0  }
0x181: {  	v0 =	vadd.s32 $0x1F, v9;
	v2 =	vld.idx.msk [tilespmem:v2+s14+$0x0], $0xffff  }
0x182: {  	v3 =	vand.u32 $0xFFFFFF80, v0  }
0x183: {  	v9 =	vor.u32 $0x1E, v35;
	v0 =	vand.u32 $0x7F, v0;
	v3 =	vadd.s32 v11, v3  }
0x184: {  	v0 =	vor.u32 v0, v3;
	_ =	sdelay $0x1  }
0x185: {  	v2 =	vmul.f32 v2, v12;
	_ =	sdelay $0x1  }
0x186: {  	[tilespmem:v9+s22+$0x0] =	vst.idx.msk $0xffff, v2  }
0x187: {  	v0 =	vld.idx.msk [tilespmem:v0+s14+$0x0], $0xffff;
	_ =	sdelay $0x1  }
0x188: {  	v3 =	vadd.s32 $0x10, v10  }
0x189: {  	vm0 =	vgt.s32 v3, $0x13;
	v9 =	vadd.s32 $0xFFFFFFFC, v10  }
0x18a: {  	v9 =	vsel vm0, v9, v3  }
0x18b: {  	s28 =	smov.u32 s2;
	s25 =	smov.u32 s4;
	s0 =	simm.s32 $0x10;
	v7 =	vmovc v1;
	v3 =	vsel vm0, $0x1, v16;
	v2 =	vmul.f32 v0, v12;
	v0 =	vor.u32 $0x1F, v35  }
.LBB2_7:
0x18c: {  	_ =	sdelay $0x3  }
0x18d: {  	[tilespmem:v0+s22+$0x0] =	vst.idx.msk $0xffff, v2;
	s28 =	sadd.s32 $0x10, s28;
	v1 =	vld [tilespmem:$0x1FFD0]  }
0x18e: {  	v12 =	vld [tilespmem:s28+$0x0]  }
0x18f: {  	s16 =	smov.u32 s0  }
0x190: {  	v0 =	vmov s16  }
0x191: {  	v0 =	vshll.u32 v0, $0x7  }
0x192: {  	v0 =	vor.u32 v17, v0  }
0x193: {  	v13 =	vadd.s32 v1, v0;
	v2 =	vand.u32 $0xFFFFFF80, v12  }
0x194: {  	v0 =	vand.u32 $0x7F, v12;
	v2 =	vadd.s32 v13, v2  }
0x195: {  	v2 =	vor.u32 v0, v2;
	_ =	sdelay $0x3  }
0x196: {  	v8 =	vadd.s32 v3, v8  }
0x197: {  	s25 =	sadd.s32 $0x10, s25;
	v22 =	vshll.u32 v9, $0x5;
	v11 =	vshll.u32 v8, $0x7;
	v21 =	vld.idx.msk [tilespmem:v2+s14+$0x0], $0xffff;
	v2 =	vshll.u32 v9, $0x9  }
0x198: {  	v10 =	vld [tilespmem:s25+$0x0];
	v11 =	vadd.s32 v7, v11;
	v14 =	vadd.s32 $0x1, v12;
	v2 =	vand.u32 $0xFFFFF800, v2  }
0x199: {  	v22 =	vand.u32 $0x60, v22;
	v3 =	vand.u32 $0xFFFFFF80, v14;
	v2 =	vadd.s32 v2, v11  }
0x19a: {  	v14 =	vand.u32 $0x7F, v14;
	v16 =	vadd.s32 v13, v3;
	v11 =	vor.u32 v22, v2  }
0x19b: {  	v6 =	vmovc v17;
	v17 =	vadd.s32 $0x2, v12;
	v57 =	vadd.s32 $0x7, v12;
	v14 =	vor.u32 v14, v16  }
0x19c: {  	v59 =	vadd.s32 $0x8, v12;
	v56 =	vadd.s32 $0x9, v12;
	v54 =	vadd.s32 $0xA, v12  }
0x19d: {  	v49 =	vadd.s32 $0xC, v12;
	v16 =	vand.u32 $0xFFFFFF80, v57;
	v21 =	vmul.f32 v21, v10  }
0x19e: {  	v48 =	vadd.s32 $0xD, v12;
	v62 =	vadd.s32 v13, v16;
	v16 =	vand.u32 $0xFFFFFF80, v59  }
0x19f: {  	v0 =	vand.u32 $0xFFFFFF80, v17;
	v60 =	vadd.s32 v13, v16;
	v16 =	vand.u32 $0xFFFFFF80, v56;
	[tilespmem:v11+s22+$0x0] =	vst.idx.msk $0xffff, v21  }
0x1a0: {  	v17 =	vand.u32 $0x7F, v17;
	v58 =	vadd.s32 v13, v16;
	v16 =	vand.u32 $0xFFFFFF80, v54;
	v14 =	vld.idx.msk [tilespmem:v14+s14+$0x0], $0xffff  }
0x1a1: {  	v19 =	vadd.s32 v13, v0;
	v55 =	vadd.s32 v13, v16;
	v16 =	vand.u32 $0xFFFFFF80, v49  }
0x1a2: {  	v51 =	vadd.s32 v13, v16;
	v16 =	vand.u32 $0xFFFFFF80, v48;
	v22 =	vor.u32 $0x1, v11  }
0x1a3: {  	v50 =	vadd.s32 v13, v16;
	v16 =	vor.u32 v17, v19;
	_ =	sdelay $0x1  }
0x1a4: {  	v14 =	vmul.f32 v14, v10  }
0x1a5: {  	v18 =	vadd.s32 $0x3, v12;
	v43 =	vadd.s32 $0xF, v12  }
0x1a6: {  	v42 =	vadd.s32 $0x10, v12;
	v33 =	vadd.s32 $0x14, v12;
	v17 =	vand.u32 $0xFFFFFF80, v43;
	[tilespmem:v22+s22+$0x0] =	vst.idx.msk $0xffff, v14  }
0x1a7: {  	v0 =	vand.u32 $0xFFFFFF80, v18;
	v45 =	vadd.s32 v13, v17;
	v17 =	vand.u32 $0xFFFFFF80, v42;
	v16 =	vld.idx.msk [tilespmem:v16+s14+$0x0], $0xffff  }
0x1a8: {  	v18 =	vand.u32 $0x7F, v18;
	v44 =	vadd.s32 v13, v17;
	v17 =	vand.u32 $0xFFFFFF80, v33  }
0x1a9: {  	v20 =	vadd.s32 v13, v0;
	v35 =	vadd.s32 v13, v17;
	v17 =	vor.u32 $0x2, v11  }
0x1aa: {  	v14 =	vor.u32 v18, v20;
	_ =	sdelay $0x1  }
0x1ab: {  	v16 =	vmul.f32 v16, v10;
	_ =	sdelay $0x1  }
0x1ac: {  	[tilespmem:v17+s22+$0x0] =	vst.idx.msk $0xffff, v16  }
0x1ad: {  	v15 =	vadd.s32 $0x4, v12;
	v1 =	vld.idx.msk [tilespmem:v14+s14+$0x0], $0xffff  }
0x1ae: {  	v3 =	vand.u32 $0xFFFFFF80, v15  }
0x1af: {  	v15 =	vand.u32 $0x7F, v15;
	v0 =	vadd.s32 v13, v3;
	v4 =	vor.u32 $0x3, v11  }
0x1b0: {  	v0 =	vor.u32 v15, v0;
	_ =	sdelay $0x1  }
0x1b1: {  	v1 =	vmul.f32 v1, v10;
	_ =	sdelay $0x1  }
0x1b2: {  	[tilespmem:v4+s22+$0x0] =	vst.idx.msk $0xffff, v1  }
0x1b3: {  	v63 =	vadd.s32 $0x5, v12;
	v0 =	vld.idx.msk [tilespmem:v0+s14+$0x0], $0xffff  }
0x1b4: {  	v3 =	vand.u32 $0xFFFFFF80, v63  }
0x1b5: {  	v3 =	vadd.s32 v13, v3;
	v1 =	vor.u32 $0x4, v11;
	v4 =	vand.u32 $0x7F, v63  }
0x1b6: {  	v3 =	vor.u32 v4, v3;
	_ =	sdelay $0x1  }
0x1b7: {  	v0 =	vmul.f32 v0, v10;
	_ =	sdelay $0x1  }
0x1b8: {  	[tilespmem:v1+s22+$0x0] =	vst.idx.msk $0xffff, v0  }
0x1b9: {  	v61 =	vadd.s32 $0x6, v12;
	v0 =	vld.idx.msk [tilespmem:v3+s14+$0x0], $0xffff  }
0x1ba: {  	v23 =	vand.u32 $0xFFFFFF80, v61  }
0x1bb: {  	v2 =	vadd.s32 v13, v23;
	v1 =	vor.u32 $0x5, v11;
	v3 =	vand.u32 $0x7F, v61  }
0x1bc: {  	v2 =	vor.u32 v3, v2;
	_ =	sdelay $0x1  }
0x1bd: {  	v0 =	vmul.f32 v0, v10;
	_ =	sdelay $0x1  }
0x1be: {  	[tilespmem:v1+s22+$0x0] =	vst.idx.msk $0xffff, v0  }
0x1bf: {  	v0 =	vld.idx.msk [tilespmem:v2+s14+$0x0], $0xffff;
	_ =	sdelay $0x1  }
0x1c0: {  	v1 =	vor.u32 $0x6, v11;
	v2 =	vand.u32 $0x7F, v57  }
0x1c1: {  	v2 =	vor.u32 v2, v62;
	_ =	sdelay $0x1  }
0x1c2: {  	v0 =	vmul.f32 v0, v10;
	_ =	sdelay $0x1  }
0x1c3: {  	[tilespmem:v1+s22+$0x0] =	vst.idx.msk $0xffff, v0  }
0x1c4: {  	v0 =	vld.idx.msk [tilespmem:v2+s14+$0x0], $0xffff;
	_ =	sdelay $0x1  }
0x1c5: {  	v1 =	vor.u32 $0x7, v11;
	v2 =	vand.u32 $0x7F, v59  }
0x1c6: {  	v2 =	vor.u32 v2, v60;
	_ =	sdelay $0x1  }
0x1c7: {  	v0 =	vmul.f32 v0, v10;
	_ =	sdelay $0x1  }
0x1c8: {  	[tilespmem:v1+s22+$0x0] =	vst.idx.msk $0xffff, v0  }
0x1c9: {  	v0 =	vld.idx.msk [tilespmem:v2+s14+$0x0], $0xffff;
	_ =	sdelay $0x1  }
0x1ca: {  	v1 =	vor.u32 $0x8, v11;
	v2 =	vand.u32 $0x7F, v56  }
0x1cb: {  	v2 =	vor.u32 v2, v58;
	_ =	sdelay $0x1  }
0x1cc: {  	v0 =	vmul.f32 v0, v10;
	_ =	sdelay $0x1  }
0x1cd: {  	[tilespmem:v1+s22+$0x0] =	vst.idx.msk $0xffff, v0  }
0x1ce: {  	v0 =	vld.idx.msk [tilespmem:v2+s14+$0x0], $0xffff;
	_ =	sdelay $0x1  }
0x1cf: {  	v1 =	vor.u32 $0x9, v11;
	v2 =	vand.u32 $0x7F, v54  }
0x1d0: {  	v2 =	vor.u32 v2, v55;
	_ =	sdelay $0x1  }
0x1d1: {  	v0 =	vmul.f32 v0, v10;
	_ =	sdelay $0x1  }
0x1d2: {  	[tilespmem:v1+s22+$0x0] =	vst.idx.msk $0xffff, v0  }
0x1d3: {  	v52 =	vadd.s32 $0xB, v12;
	v0 =	vld.idx.msk [tilespmem:v2+s14+$0x0], $0xffff  }
0x1d4: {  	v29 =	vand.u32 $0xFFFFFF80, v52  }
0x1d5: {  	v53 =	vadd.s32 v13, v29;
	v1 =	vor.u32 $0xA, v11;
	v2 =	vand.u32 $0x7F, v52  }
0x1d6: {  	v2 =	vor.u32 v2, v53;
	_ =	sdelay $0x1  }
0x1d7: {  	v0 =	vmul.f32 v0, v10;
	_ =	sdelay $0x1  }
0x1d8: {  	[tilespmem:v1+s22+$0x0] =	vst.idx.msk $0xffff, v0  }
0x1d9: {  	v0 =	vld.idx.msk [tilespmem:v2+s14+$0x0], $0xffff;
	_ =	sdelay $0x1  }
0x1da: {  	v1 =	vor.u32 $0xB, v11;
	v2 =	vand.u32 $0x7F, v49  }
0x1db: {  	v2 =	vor.u32 v2, v51;
	_ =	sdelay $0x1  }
0x1dc: {  	v0 =	vmul.f32 v0, v10;
	_ =	sdelay $0x1  }
0x1dd: {  	[tilespmem:v1+s22+$0x0] =	vst.idx.msk $0xffff, v0  }
0x1de: {  	v0 =	vld.idx.msk [tilespmem:v2+s14+$0x0], $0xffff;
	_ =	sdelay $0x1  }
0x1df: {  	v1 =	vor.u32 $0xC, v11;
	v2 =	vand.u32 $0x7F, v48  }
0x1e0: {  	v2 =	vor.u32 v2, v50;
	_ =	sdelay $0x1  }
0x1e1: {  	v0 =	vmul.f32 v0, v10;
	_ =	sdelay $0x1  }
0x1e2: {  	[tilespmem:v1+s22+$0x0] =	vst.idx.msk $0xffff, v0  }
0x1e3: {  	v46 =	vadd.s32 $0xE, v12;
	v0 =	vld.idx.msk [tilespmem:v2+s14+$0x0], $0xffff  }
0x1e4: {  	v30 =	vand.u32 $0xFFFFFF80, v46  }
0x1e5: {  	v47 =	vadd.s32 v13, v30;
	v1 =	vor.u32 $0xD, v11;
	v2 =	vand.u32 $0x7F, v46  }
0x1e6: {  	v2 =	vor.u32 v2, v47;
	_ =	sdelay $0x1  }
0x1e7: {  	v0 =	vmul.f32 v0, v10;
	_ =	sdelay $0x1  }
0x1e8: {  	[tilespmem:v1+s22+$0x0] =	vst.idx.msk $0xffff, v0  }
0x1e9: {  	v0 =	vld.idx.msk [tilespmem:v2+s14+$0x0], $0xffff;
	_ =	sdelay $0x1  }
0x1ea: {  	v1 =	vor.u32 $0xE, v11;
	v2 =	vand.u32 $0x7F, v43  }
0x1eb: {  	v2 =	vor.u32 v2, v45;
	_ =	sdelay $0x1  }
0x1ec: {  	v0 =	vmul.f32 v0, v10;
	_ =	sdelay $0x1  }
0x1ed: {  	[tilespmem:v1+s22+$0x0] =	vst.idx.msk $0xffff, v0  }
0x1ee: {  	v0 =	vld.idx.msk [tilespmem:v2+s14+$0x0], $0xffff;
	_ =	sdelay $0x1  }
0x1ef: {  	v1 =	vor.u32 $0xF, v11;
	v2 =	vand.u32 $0x7F, v42  }
0x1f0: {  	v2 =	vor.u32 v2, v44;
	_ =	sdelay $0x1  }
0x1f1: {  	v0 =	vmul.f32 v0, v10;
	_ =	sdelay $0x1  }
0x1f2: {  	[tilespmem:v1+s22+$0x0] =	vst.idx.msk $0xffff, v0  }
0x1f3: {  	v40 =	vadd.s32 $0x11, v12;
	v0 =	vld.idx.msk [tilespmem:v2+s14+$0x0], $0xffff  }
0x1f4: {  	v19 =	vand.u32 $0xFFFFFF80, v40  }
0x1f5: {  	v41 =	vadd.s32 v13, v19;
	v1 =	vor.u32 $0x10, v11;
	v2 =	vand.u32 $0x7F, v40  }
0x1f6: {  	v2 =	vor.u32 v2, v41;
	_ =	sdelay $0x1  }
0x1f7: {  	v0 =	vmul.f32 v0, v10;
	_ =	sdelay $0x1  }
0x1f8: {  	[tilespmem:v1+s22+$0x0] =	vst.idx.msk $0xffff, v0  }
0x1f9: {  	v38 =	vadd.s32 $0x12, v12;
	v0 =	vld.idx.msk [tilespmem:v2+s14+$0x0], $0xffff  }
0x1fa: {  	v31 =	vand.u32 $0xFFFFFF80, v38  }
0x1fb: {  	v39 =	vadd.s32 v13, v31;
	v1 =	vor.u32 $0x11, v11;
	v2 =	vand.u32 $0x7F, v38  }
0x1fc: {  	v2 =	vor.u32 v2, v39;
	_ =	sdelay $0x1  }
0x1fd: {  	v0 =	vmul.f32 v0, v10;
	_ =	sdelay $0x1  }
0x1fe: {  	[tilespmem:v1+s22+$0x0] =	vst.idx.msk $0xffff, v0  }
0x1ff: {  	v36 =	vadd.s32 $0x13, v12;
	v0 =	vld.idx.msk [tilespmem:v2+s14+$0x0], $0xffff  }
0x200: {  	v32 =	vand.u32 $0xFFFFFF80, v36  }
0x201: {  	v37 =	vadd.s32 v13, v32;
	v1 =	vor.u32 $0x12, v11;
	v2 =	vand.u32 $0x7F, v36  }
0x202: {  	v2 =	vor.u32 v2, v37;
	_ =	sdelay $0x1  }
0x203: {  	v0 =	vmul.f32 v0, v10;
	_ =	sdelay $0x1  }
0x204: {  	[tilespmem:v1+s22+$0x0] =	vst.idx.msk $0xffff, v0  }
0x205: {  	v0 =	vld.idx.msk [tilespmem:v2+s14+$0x0], $0xffff;
	_ =	sdelay $0x1  }
0x206: {  	v1 =	vor.u32 $0x13, v11;
	v2 =	vand.u32 $0x7F, v33  }
0x207: {  	v2 =	vor.u32 v2, v35;
	_ =	sdelay $0x1  }
0x208: {  	v0 =	vmul.f32 v0, v10;
	_ =	sdelay $0x1  }
0x209: {  	[tilespmem:v1+s22+$0x0] =	vst.idx.msk $0xffff, v0  }
0x20a: {  	v32 =	vadd.s32 $0x15, v12;
	v0 =	vld.idx.msk [tilespmem:v2+s14+$0x0], $0xffff  }
0x20b: {  	v34 =	vand.u32 $0xFFFFFF80, v32  }
0x20c: {  	v34 =	vadd.s32 v13, v34;
	v1 =	vor.u32 $0x14, v11;
	v2 =	vand.u32 $0x7F, v32  }
0x20d: {  	v2 =	vor.u32 v2, v34;
	_ =	sdelay $0x1  }
0x20e: {  	v0 =	vmul.f32 v0, v10;
	_ =	sdelay $0x1  }
0x20f: {  	[tilespmem:v1+s22+$0x0] =	vst.idx.msk $0xffff, v0  }
0x210: {  	v30 =	vadd.s32 $0x16, v12;
	v0 =	vld.idx.msk [tilespmem:v2+s14+$0x0], $0xffff  }
0x211: {  	v18 =	vand.u32 $0xFFFFFF80, v30  }
0x212: {  	v31 =	vadd.s32 v13, v18;
	v1 =	vor.u32 $0x15, v11;
	v2 =	vand.u32 $0x7F, v30  }
0x213: {  	v2 =	vor.u32 v2, v31;
	_ =	sdelay $0x1  }
0x214: {  	v0 =	vmul.f32 v0, v10;
	_ =	sdelay $0x1  }
0x215: {  	[tilespmem:v1+s22+$0x0] =	vst.idx.msk $0xffff, v0  }
0x216: {  	v27 =	vadd.s32 $0x17, v12;
	v0 =	vld.idx.msk [tilespmem:v2+s14+$0x0], $0xffff  }
0x217: {  	v19 =	vand.u32 $0xFFFFFF80, v27  }
0x218: {  	v29 =	vadd.s32 v13, v19;
	v1 =	vor.u32 $0x16, v11;
	v2 =	vand.u32 $0x7F, v27  }
0x219: {  	v2 =	vor.u32 v2, v29;
	_ =	sdelay $0x1  }
0x21a: {  	v0 =	vmul.f32 v0, v10;
	_ =	sdelay $0x1  }
0x21b: {  	[tilespmem:v1+s22+$0x0] =	vst.idx.msk $0xffff, v0  }
0x21c: {  	v26 =	vadd.s32 $0x18, v12;
	v0 =	vld.idx.msk [tilespmem:v2+s14+$0x0], $0xffff  }
0x21d: {  	v18 =	vand.u32 $0xFFFFFF80, v26  }
0x21e: {  	v28 =	vadd.s32 v13, v18;
	v1 =	vor.u32 $0x17, v11;
	v2 =	vand.u32 $0x7F, v26  }
0x21f: {  	v2 =	vor.u32 v2, v28;
	_ =	sdelay $0x1  }
0x220: {  	v0 =	vmul.f32 v0, v10;
	_ =	sdelay $0x1  }
0x221: {  	[tilespmem:v1+s22+$0x0] =	vst.idx.msk $0xffff, v0  }
0x222: {  	v24 =	vadd.s32 $0x19, v12;
	v0 =	vld.idx.msk [tilespmem:v2+s14+$0x0], $0xffff  }
0x223: {  	v18 =	vand.u32 $0xFFFFFF80, v24  }
0x224: {  	v25 =	vadd.s32 v13, v18;
	v1 =	vor.u32 $0x18, v11;
	v2 =	vand.u32 $0x7F, v24  }
0x225: {  	v2 =	vor.u32 v2, v25;
	_ =	sdelay $0x1  }
0x226: {  	v0 =	vmul.f32 v0, v10;
	_ =	sdelay $0x1  }
0x227: {  	[tilespmem:v1+s22+$0x0] =	vst.idx.msk $0xffff, v0  }
0x228: {  	v22 =	vadd.s32 $0x1A, v12;
	v0 =	vld.idx.msk [tilespmem:v2+s14+$0x0], $0xffff  }
0x229: {  	v16 =	vand.u32 $0xFFFFFF80, v22  }
0x22a: {  	v23 =	vadd.s32 v13, v16;
	v1 =	vor.u32 $0x19, v11;
	v2 =	vand.u32 $0x7F, v22  }
0x22b: {  	v2 =	vor.u32 v2, v23;
	_ =	sdelay $0x1  }
0x22c: {  	v0 =	vmul.f32 v0, v10;
	_ =	sdelay $0x1  }
0x22d: {  	[tilespmem:v1+s22+$0x0] =	vst.idx.msk $0xffff, v0  }
0x22e: {  	v20 =	vadd.s32 $0x1B, v12;
	v0 =	vld.idx.msk [tilespmem:v2+s14+$0x0], $0xffff  }
0x22f: {  	v21 =	vand.u32 $0xFFFFFF80, v20  }
0x230: {  	v21 =	vadd.s32 v13, v21;
	v1 =	vor.u32 $0x1A, v11;
	v2 =	vand.u32 $0x7F, v20  }
0x231: {  	v2 =	vor.u32 v2, v21;
	_ =	sdelay $0x1  }
0x232: {  	v0 =	vmul.f32 v0, v10;
	_ =	sdelay $0x1  }
0x233: {  	[tilespmem:v1+s22+$0x0] =	vst.idx.msk $0xffff, v0  }
0x234: {  	v18 =	vadd.s32 $0x1C, v12;
	v0 =	vld.idx.msk [tilespmem:v2+s14+$0x0], $0xffff  }
0x235: {  	v14 =	vand.u32 $0xFFFFFF80, v18  }
0x236: {  	v19 =	vadd.s32 v13, v14;
	v1 =	vor.u32 $0x1B, v11;
	v2 =	vand.u32 $0x7F, v18  }
0x237: {  	v2 =	vor.u32 v2, v19;
	_ =	sdelay $0x1  }
0x238: {  	v0 =	vmul.f32 v0, v10;
	_ =	sdelay $0x1  }
0x239: {  	[tilespmem:v1+s22+$0x0] =	vst.idx.msk $0xffff, v0  }
0x23a: {  	v16 =	vadd.s32 $0x1D, v12;
	v0 =	vld.idx.msk [tilespmem:v2+s14+$0x0], $0xffff  }
0x23b: {  	v17 =	vand.u32 $0xFFFFFF80, v16  }
0x23c: {  	v17 =	vadd.s32 v13, v17;
	v1 =	vor.u32 $0x1C, v11;
	v2 =	vand.u32 $0x7F, v16  }
0x23d: {  	v2 =	vor.u32 v2, v17;
	_ =	sdelay $0x1  }
0x23e: {  	v0 =	vmul.f32 v0, v10;
	_ =	sdelay $0x1  }
0x23f: {  	[tilespmem:v1+s22+$0x0] =	vst.idx.msk $0xffff, v0  }
0x240: {  	v14 =	vadd.s32 $0x1E, v12;
	v0 =	vld.idx.msk [tilespmem:v2+s14+$0x0], $0xffff  }
0x241: {  	v15 =	vand.u32 $0xFFFFFF80, v14  }
0x242: {  	v15 =	vadd.s32 v13, v15;
	v1 =	vor.u32 $0x1D, v11;
	v2 =	vand.u32 $0x7F, v14  }
0x243: {  	v2 =	vor.u32 v2, v15;
	_ =	sdelay $0x1  }
0x244: {  	v0 =	vmul.f32 v0, v10;
	_ =	sdelay $0x1  }
0x245: {  	[tilespmem:v1+s22+$0x0] =	vst.idx.msk $0xffff, v0  }
0x246: {  	v12 =	vadd.s32 $0x1F, v12;
	v0 =	vld.idx.msk [tilespmem:v2+s14+$0x0], $0xffff  }
0x247: {  	v5 =	vand.u32 $0xFFFFFF80, v12  }
0x248: {  	v13 =	vadd.s32 v13, v5;
	v1 =	vor.u32 $0x1E, v11;
	v2 =	vand.u32 $0x7F, v12  }
0x249: {  	v2 =	vor.u32 v2, v13;
	_ =	sdelay $0x1  }
0x24a: {  	v0 =	vmul.f32 v0, v10;
	_ =	sdelay $0x1  }
0x24b: {  	[tilespmem:v1+s22+$0x0] =	vst.idx.msk $0xffff, v0  }
0x24c: {  	v1 =	vld.idx.msk [tilespmem:v2+s14+$0x0], $0xffff  }
0x24d: {  	p0 =	sne.s32 s0, $0x130  }
.Ltmp2:
0x24e: {  	_ = 	snop;
	(pc) =	sbr.rel @p0 .LBB2_7-.Ltmp2, $4  }
0x24f: {  	v3 =	vadd.s32 $0x10, v9  }
0x250: {  	vm0 =	vgt.s32 v3, $0x13  }
0x251: {  	v16 =	vimm.s32 $0x0;
	v2 =	vmul.f32 v1, v10;
	v1 =	vadd.s32 $0xFFFFFFFC, v9  }
0x252: {  	s0 =	sadd.s32 $0x10, s0;
	v17 =	vmovc v6;
	v0 =	vor.u32 $0x1F, v11;
	v9 =	vsel vm0, v1, v3;
	v3 =	vsel vm0, $0x1, v16  }
0x253: {  	s0 =	sshll.u32 s29, $0x4  }
0x254: {  	s0 =	sadd.s32 s7, s0  }
0x255: {  	s16 =	smul.u32 $0xA000, s31;
	s0 =	sshrl.u32 s0, $0x3  }
0x256: {  	s0 =	smul.u32 $0x1400, s0;
	_ =	sdelay $0x1  }
0x257: {  	s16 =	sshrl.u32 s16, $0x2;
	s0 =	sshrl.u32 s0, $0x3  }
0x258: {  	[tilespmem:v0+s22+$0x0] =	vst.idx.msk $0xffff, v2;
	s18 =	sadd.s32 $0x17880, s16;
	s25 =	sadd.s32 s6, s0  }
0x259: {  	[hbm4b:s25+s23] =	stream.strided.scatter [tilespmem:s18], [sflag:$0x3], $0x800, s26, s23, $0x38;
	[tilespmem:$0x1C880] =	vst v63  }
0x25a: {  	s31 =	sor.u32 $0x18080, s16;
	s0 =	sadd.s32 s0, s8  }
0x25b: {  	[hbm4b:s0+s23] =	stream.strided.scatter [tilespmem:s31], [sflag:$0x3], $0x800, s26, s23, $0x38;
	[tilespmem:$0x1C880] =	vst v63  }
0x25c: {  	p0 =	sne.s32 s30, $0x8;
	s28 =	sadd.s32 $0x18880, s16;
	s31 =	sadd.s32 $0x100, s25  }
0x25d: {  	[hbm4b:s31+s23] =	stream.strided.scatter [tilespmem:s28], [sflag:$0x3], $0x800, s26, s23, $0x38;
	[tilespmem:$0x1C880] =	vst v63  }
.Ltmp3:
0x25e: {  	s4 =	sadd.s32 $0x140, s4;
	(pc) =	sbr.rel @p0 .LBB2_6-.Ltmp3, $4  }
0x25f: {  	s2 =	sadd.s32 $0x140, s2;
	s28 =	sadd.s32 $0x19080, s16;
	s31 =	sadd.s32 $0x180, s25  }
0x260: {  	[hbm4b:s31+s23] =	stream.strided.scatter [tilespmem:s28], [sflag:$0x3], $0x800, s26, s23, $0x38;
	[tilespmem:$0x1C880] =	vst v63  }
0x261: {  	s29 =	smov.u32 s30;
	s28 =	sadd.s32 $0x19880, s16;
	s31 =	sadd.s32 $0x200, s25  }
0x262: {  	[hbm4b:s31+s23] =	stream.strided.scatter [tilespmem:s28], [sflag:$0x3], $0x800, s26, s23, $0x38;
	[tilespmem:$0x1C880] =	vst v63  }
0x263: {  	_ =	swait.ge [sflag:s21], $0x800  }
0x264: {  	[sflag:s21] =	ssyncset.done $0x0  }
0x265: {  	[sflag:s21] =	ssyncadd.s32 $0xFFFFF800  }
0x266: {  	_ =	swait.ge [sflag:s21], $0x800  }
0x267: {  	[sflag:s21] =	ssyncset.done $0x0  }
0x268: {  	[sflag:s21] =	ssyncadd.s32 $0xFFFFF800  }
0x269: {  	_ =	swait.ge [sflag:s21], $0x800  }
0x26a: {  	[sflag:s21] =	ssyncset.done $0x0  }
0x26b: {  	[sflag:s21] =	ssyncadd.s32 $0xFFFFF800  }
0x26c: {  	_ =	swait.ge [sflag:s21], $0x800  }
0x26d: {  	[sflag:s21] =	ssyncset.done $0x0  }
0x26e: {  	[sflag:s21] =	ssyncadd.s32 $0xFFFFF800  }
0x26f: {  	_ =	swait.ge [sflag:s21], $0x800  }
0x270: {  	[sflag:s21] =	ssyncset.done $0x0  }
0x271: {  	[sflag:s21] =	ssyncadd.s32 $0xFFFFF800  }
0x272: {  	_ =	swait.ge [sflag:s21], $0x800  }
0x273: {  	[sflag:s21] =	ssyncset.done $0x0  }
0x274: {  	[sflag:s21] =	ssyncadd.s32 $0xFFFFF800  }
0x275: {  	_ =	swait.ge [sflag:s21], $0x800  }
0x276: {  	[sflag:s21] =	ssyncset.done $0x0  }
0x277: {  	[sflag:s21] =	ssyncadd.s32 $0xFFFFF800  }
0x278: {  	_ =	swait.ge [sflag:s21], $0x800  }
0x279: {  	[sflag:s21] =	ssyncset.done $0x0  }
0x27a: {  	[sflag:s21] =	ssyncadd.s32 $0xFFFFF800  }
0x27b: {  	_ =	swait.ge [sflag:s21], $0x800  }
0x27c: {  	[sflag:s21] =	ssyncset.done $0x0  }
0x27d: {  	s24 =	sadd.s32 $0x1, s24;
	[sflag:s21] =	ssyncadd.s32 $0xFFFFF800  }
0x27e: {  	p0 =	sne.s32 s24, s9;
	_ =	swait.ge [sflag:s21], $0x800  }
.Ltmp4:
0x27f: {  	v1 =	vld [tilespmem:$0x1FFE0];
	(pc) =	sbr.rel @p0 .LBB2_1-.Ltmp4, $4  }
0x280: {  	_ = 	snop  }
0x281: {  	v4 =	vld [tilespmem:$0x1FFF0]  }
0x282: {  	[sflag:s21] =	ssyncset.done $0x0  }
0x283: {  	v10 =	vimm.f32 $0.0e+00;
	[sflag:s21] =	ssyncadd.s32 $0xFFFFF800  }
0x284: {  	_ =	sfence.sel $0x180000  }
0x285: {  	[bflag:$0x0] =	sbarrier.arrive $0xFFFF  }
0x286: {  	_ =	strace $0x90000047  }
0x287: {  	s0 =	stileid.u32;
	[bflag:$0x2] =	sbarrier.arrive $0xFFFF  }
0x288: {  	p0 =	sne.s32 s0, $0x0;
	s0 =	rddreg [dreg:$0x3]  }
0x289: {  	s0 =	sadd.s32 @!p0 $0x100000, s0  }
0x28a: {  	[sflag:s0] =	ssyncadd.tile.s32 @!p0 $0x1;
	_ =	shalt  }
.Lfunc_end2:
_tile_overlayer_lowered:
.L_overlay_start_2:
0x28b: {  	(tag) =	ssettag $0x2  }
0x28c: {  	s0 =	rddreg [dreg:$0x0];
	s2 =	stileid.u32  }
0x28d: {  	s1 =	rddreg [dreg:$0x1];
	p0 =	sne.s32 s2, $0x0  }
0x28e: {  	s3 =	rddreg [dreg:$0x2];
	[bflag:$0x3] =	sbarrier.arrive $0xFFFF;
	s2 =	simm.s32 @!p0 $0x1C04  }
0x28f: {  	[timem:s3], [sflag:s2] =	dma.local @!p0 [hbm:s0], s1  }
0x290: {  	s0 =	simm.s32 @!p0 $0x4  }
0x291: {  	_ =	swait.ge @!p0 [sflag:s0], s1  }
0x292: {  	s1 =	ssub.s32 @!p0 $0x0, s1;
	[sflag:s0] =	ssyncset.done @!p0 $0x0  }
0x293: {  	[sflag:s0] =	ssyncadd.s32 @!p0 s1  }
0x294: {  	[bflag:$0x3] =	sbarrier.arrive $0xFFFF  }
0x295: {  	_ =	shalt  }

// kernel: kernel.7.cloned.1.call-start
scs
__scs_entry_jumppad:
0x0: {  	(pc) =	sbr.rel $0x88, $3  }
0x1: {  	(tag) =	ssettag $0x0;
	lr =	simm.s32 $0x1  }
0x2: {  	[smem:$0x3F9B] =	sst lr;
	_ =	strace $0xD0000000  }
0x3: {  	_ = 	snop  }
0x4: {  	_ = 	snop  }
0x5: {  	_ = 	snop  }
0x6: {  	_ = 	snop  }
0x7: {  	_ = 	snop  }
__scs_overlays_trampoline_lowered:
0x8: {  	[smem:$0x3FAA] =	sst s0  }
0x9: {  	[smem:$0x3FAB] =	sst s1  }
0xa: {  	[smem:$0x3FAC] =	sst s2  }
0xb: {  	[smem:$0x3FAD] =	sst s3  }
0xc: {  	[smem:$0x3FAE] =	sst s4  }
0xd: {  	[smem:$0x3FAF] =	sst s5  }
0xe: {  	[smem:$0x3FB0] =	sst s6  }
0xf: {  	[smem:$0x3FB1] =	sst s7  }
0x10: {  	[smem:$0x3FB2] =	sst s8  }
0x11: {  	[smem:$0x3FB3] =	sst s9;
	s0 =	simm.s32 @!p0 $0x0  }
0x12: {  	s1 =	sld [smem:$0x3F99];
	s0 =	simm.s32 @p0 $0x1  }
0x13: {  	[smem:$0x3FB4] =	sst s0;
	s0 =	simm.s32 @!p1 $0x0  }
0x14: {  	s2 =	sld [smem:$0x3F98];
	s0 =	simm.s32 @p1 $0x1  }
0x15: {  	[smem:$0x3FB5] =	sst s0;
	s0 =	simm.s32 @!p2 $0x0  }
0x16: {  	s3 =	sld [smem:$0x3FDB];
	s0 =	simm.s32 @p2 $0x1  }
0x17: {  	s4 =	simm.s32 $0x1BF5;
	[smem:$0x3FB7] =	sst s0  }
0x18: {  	s0 =	sld [smem:$0x3F9A];
	_ =	swait.ge [sflag:s4], $0x0  }
0x19: {  	s7 =	sld [smem:$0x3F9B]  }
0x1a: {  	s8 =	sadd.s32 $0xFFFFE003, lr  }
0x1b: {  	s9 =	sadd.s32 $0xFFFFFEF7, lr;
	s5 =	simm.s32 $0xFFFFFFFF;
	p2 =	slt.u32 s8, $0xFFFFF086  }
0x1c: {  	p1 =	slt.u32 s9, $0xF7A;
	s5 =	simm.s32 @!p2 $0x0  }
0x1d: {  	s5 =	simm.s32 @p1 $0x1;
	p0 =	seq.s32 s7, s2  }
0x1e: {  	s7 =	smul.u32 @!p0 $0xF7A, s2;
	p2 =	seq.s32 @!p0 s5, $0x0  }
0x1f: {  	s9 =	smul.u32 $0xF7A, s1;
	s8 =	simm.s32 @!p0 $0x1BF5;
	p2 =	por !p2, p0  }
0x20: {  	[sflag:s8] =	ssyncset.s32 @!p0 $0xFFFFF086;
	s6 =	sadd.s32 @!p0 s3, s7;
	s7 =	simm.s32 @!p0 $0x108  }
0x21: {  	s3 =	sadd.s32 s3, s9;
	s6 =	sadd.s32 @!p0 $0x88, s6;
	s7 =	simm.s32 @p2 $0x1082  }
0x22: {  	[simem:s7], [sflag:s8] =	dma.local @!p0 [hbm:s6], $0xF7A  }
0x23: {  	s9 =	sor.u32 $0xD0000000, s2;
	s6 =	simm.s32 $0x108;
	_ =	swait.ge @!p0 [sflag:s8], $0x0  }
0x24: {  	s3 =	sadd.s32 $0x88, s3;
	s6 =	simm.s32 @!p1 $0x1082;
	[sflag:s4] =	ssyncset.s32 $0xFFFFF086  }
0x25: {  	[simem:s6], [sflag:s4] =	dma.local [hbm:s3], $0xF7A  }
0x26: {  	[smem:$0x3F9B] =	sst s1;
	(tag) =	ssettag s2;
	_ =	strace s9  }
0x27: {  	s1 =	sld [smem:$0x3FAB]  }
0x28: {  	s2 =	sld [smem:$0x3FAC]  }
0x29: {  	s4 =	sld [smem:$0x3FAE]  }
0x2a: {  	p0 =	seq.s32 s5, $0x0;
	s5 =	sld [smem:$0x3FAF]  }
0x2b: {  	s6 =	sld [smem:$0x3FB0]  }
0x2c: {  	s7 =	sld [smem:$0x3FB1]  }
0x2d: {  	s3 =	simm.s32 $0x108;
	s8 =	sld [smem:$0x3FB2]  }
0x2e: {  	s3 =	simm.s32 @!p0 $0x1082;
	s9 =	sld [smem:$0x3FB3]  }
0x2f: {  	lr =	sadd.s32 s0, s3;
	s0 =	sld [smem:$0x3FAA]  }
0x30: {  	s3 =	sld [smem:$0x3FAD]  }
0x31: {  	[smem:$0x3FB6] =	sst s10  }
0x32: {  	s10 =	sld [smem:$0x3FB4];
	_ =	sdelay $0x3  }
0x33: {  	p0 =	seq.s32 s10, $0x1;
	s10 =	sld [smem:$0x3FB6];
	_ =	sdelay $0x3  }
0x34: {  	[smem:$0x3FB6] =	sst s10  }
0x35: {  	s10 =	sld [smem:$0x3FB5];
	_ =	sdelay $0x3  }
0x36: {  	p1 =	seq.s32 s10, $0x1;
	s10 =	sld [smem:$0x3FB6];
	_ =	sdelay $0x3  }
0x37: {  	[smem:$0x3FB6] =	sst s10  }
0x38: {  	s10 =	sld [smem:$0x3FB7]  }
0x39: {  	_ = 	snop;
	(pc) =	sbr.ind lr, $3  }
0x3a: {  	_ = 	snop  }
0x3b: {  	_ = 	snop  }
0x3c: {  	p2 =	seq.s32 s10, $0x1;
	s10 =	sld [smem:$0x3FB6]  }
0x3d: {  	_ =	shalt  }
0x3e: {  	_ =	shalt  }
0x3f: {  	_ =	shalt  }
0x40: {  	_ =	shalt  }
0x41: {  	_ =	shalt  }
0x42: {  	_ =	shalt  }
0x43: {  	_ =	shalt  }
0x44: {  	_ =	shalt  }
0x45: {  	_ =	shalt  }
0x46: {  	_ =	shalt  }
0x47: {  	_ =	shalt  }
0x48: {  	_ =	shalt  }
0x49: {  	_ =	shalt  }
0x4a: {  	_ =	shalt  }
0x4b: {  	_ =	shalt  }
0x4c: {  	_ =	shalt  }
0x4d: {  	_ =	shalt  }
0x4e: {  	_ =	shalt  }
0x4f: {  	_ =	shalt  }
0x50: {  	_ =	shalt  }
0x51: {  	_ =	shalt  }
0x52: {  	_ =	shalt  }
0x53: {  	_ =	shalt  }
0x54: {  	_ =	shalt  }
0x55: {  	_ =	shalt  }
0x56: {  	_ =	shalt  }
0x57: {  	_ =	shalt  }
0x58: {  	_ =	shalt  }
0x59: {  	_ =	shalt  }
0x5a: {  	_ =	shalt  }
0x5b: {  	_ =	shalt  }
0x5c: {  	_ =	shalt  }
0x5d: {  	_ =	shalt  }
0x5e: {  	_ =	shalt  }
0x5f: {  	_ =	shalt  }
0x60: {  	_ =	shalt  }
0x61: {  	_ =	shalt  }
0x62: {  	_ =	shalt  }
0x63: {  	_ =	shalt  }
0x64: {  	_ =	shalt  }
0x65: {  	_ =	shalt  }
0x66: {  	_ =	shalt  }
0x67: {  	_ =	shalt  }
0x68: {  	_ =	shalt  }
0x69: {  	_ =	shalt  }
0x6a: {  	_ =	shalt  }
0x6b: {  	_ =	shalt  }
0x6c: {  	_ =	shalt  }
0x6d: {  	_ =	shalt  }
0x6e: {  	_ =	shalt  }
0x6f: {  	_ =	shalt  }
0x70: {  	_ =	shalt  }
0x71: {  	_ =	shalt  }
0x72: {  	_ =	shalt  }
0x73: {  	_ =	shalt  }
0x74: {  	_ =	shalt  }
0x75: {  	_ =	shalt  }
0x76: {  	_ =	shalt  }
0x77: {  	_ =	shalt  }
0x78: {  	_ =	shalt  }
0x79: {  	_ =	shalt  }
0x7a: {  	_ =	shalt  }
0x7b: {  	_ =	shalt  }
0x7c: {  	_ =	shalt  }
0x7d: {  	_ =	shalt  }
0x7e: {  	_ =	shalt  }
0x7f: {  	_ =	shalt  }
0x80: {  	_ =	shalt  }
0x81: {  	_ =	shalt  }
0x82: {  	_ =	shalt  }
0x83: {  	_ =	shalt  }
0x84: {  	_ =	shalt  }
0x85: {  	_ =	shalt  }
0x86: {  	_ =	shalt  }
0x87: {  	_ =	shalt  }
.Lfunc_end0:
.L_simem_size_0:
called_computation.1_lowered:
.L_overlay_start_0:
0x88: {  	s2 =	sld [smem:$0x3FD9]  }
0x89: {  	s3 =	sld [smem:$0x3FFE];
	_ =	sdelay $0x1  }
0x8a: {  	s1 =	srdreg.scid  }
0x8b: {  	s0 =	sand.u32 $0x1, s1  }
0x8c: {  	s17 =	sshll.u32 s0, $0xA;
	s2 =	sadd.s32 s3, s2  }
0x8d: {  	s2 =	sadd.s32 s2, s17  }
0x8e: {  	[smem:$0x3FC2] =	sst s2  }
0x8f: {  	_ = 	snop  }
0x90: {  	s18 =	sld [smem:$0x3FC7]  }
0x91: {  	s4 =	sld [smem:$0x3FC6];
	(tm) =	ssettm $0x1  }
0x92: {  	s19 =	sld [smem:$0x3FFB];
	_ =	sdelay $0x3  }
0x93: {  	_ =	strace s19  }
0x94: {  	s2 =	sld [smem:$0x3FFC];
	_ =	sdelay $0x3  }
0x95: {  	_ =	strace s2  }
0x96: {  	s2 =	sld [smem:$0x3FFD];
	_ =	sdelay $0x3  }
0x97: {  	_ =	strace s2  }
0x98: {  	_ =	strace $0x8FFFFFFF  }
0x99: {  	s20 =	sld [smem:$0x3FDB];
	_ =	sdelay $0x1  }
0x9a: {  	s5 =	simm.s32 $_scs_section_size  }
0x9b: {  	s6 =	simm.s32 $_size__tile_overlayer_lowered;
	s7 =	simm.s32 $_tile_overlayer_lowered  }
0x9c: {  	s8 =	simm.s32 $0x1BFF;
	s21 =	sshll.u32 s7, $0x1;
	s5 =	sadd.s32 s5, s20  }
0x9d: {  	s22 =	simm.s32 $0x0;
	s6 =	sshll.u32 s6, $0x1;
	s7 =	sadd.s32 s21, s5  }
0x9e: {  	[timem:s22], [sflag:s8] =	dma.local [hbm:s7], s6  }
0x9f: {  	_ =	swait.ge [sflag:s8], s6  }
0xa0: {  	s6 =	ssub.s32 $0x0, s6;
	[sflag:s8] =	ssyncset.done $0x0  }
0xa1: {  	[sflag:s8] =	ssyncadd.s32 s6;
	_ =	sdelay $0x1  }
0xa2: {  	s23 =	simm.s32 $0x1B8B  }
0xa3: {  	_ =	swait.ge [sflag:s23], $0x1  }
0xa4: {  	[sflag:s23] =	ssyncset.done $0x0  }
0xa5: {  	[sflag:s23] =	ssyncadd.s32 $0xFFFFFFFF  }
0xa6: {  	s6 =	sld [smem:$0x0]  }
0xa7: {  	s7 =	sand.u32 $0xFFFFFFFE, s1  }
0xa8: {  	p0 =	sne.s32 s1, s7  }
0xa9: {  	s7 =	sshll.u32 @p0 s7, $0xE  }
0xaa: {  	s7 =	sadd.s32 @p0 $0x11B8D, s7;
	s8 =	sshll.u32 @p0 s6, $0x11  }
0xab: {  	s7 =	sor.u32 @p0 s8, s7  }
0xac: {  	[sflag:s7] =	ssyncadd.remote.s32 @p0 $0x1;
	_ =	sdelay $0x1  }
0xad: {  	s7 =	simm.s32 @p0 $0x1B8D  }
0xae: {  	_ =	swait.eq @p0 [sflag:s7], $0x1  }
0xaf: {  	[sflag:s7] =	ssyncadd.s32 @p0 $0xFFFFFFFF  }
0xb0: {  	s8 =	sshll.u32 @!p0 s1, $0xE  }
0xb1: {  	s8 =	sor.u32 @!p0 $0x4000, s8;
	s7 =	simm.s32 @!p0 $0x1B8D  }
0xb2: {  	s6 =	sshll.u32 @!p0 s6, $0x11;
	s8 =	sadd.s32 @!p0 $0x11B8D, s8;
	_ =	swait.eq @!p0 [sflag:s7], $0x1  }
0xb3: {  	s6 =	sor.u32 @!p0 s6, s8;
	[sflag:s7] =	ssyncadd.s32 @!p0 $0xFFFFFFFF  }
0xb4: {  	s25 =	simm.s32 $0x1B8E;
	s24 =	sld [smem:$0x3FFE];
	[sflag:s6] =	ssyncadd.remote.s32 @!p0 $0x1  }
0xb5: {  	s26 =	simm.s32 $execute0_lowered;
	[smem:$0x3FD2] =	sst s25  }
0xb6: {  	s7 =	sshll.u32 s26, $0x1;
	_ =	strace $0x80000049;
	[dreg:$0x1] =	wrdreg $0xFFFFFFFF  }
0xb7: {  	s28 =	simm.s32 $_size_execute0_lowered;
	s5 =	sadd.s32 s5, s7;
	[dreg:$0x0] =	wrdreg $0x0  }
0xb8: {  	s7 =	sshll.u32 s28, $0x1;
	[dreg:$0x2] =	wrdreg s5  }
0xb9: {  	[dreg:$0x3] =	wrdreg s7  }
0xba: {  	[dreg:$0x4] =	wrdreg $0xC0  }
0xbb: {  	_ =	task [dreg:s22], $0x5FFFF  }
0xbc: {  	[dreg:$0x1] =	wrdreg $0xFFFFFFFF  }
0xbd: {  	[dreg:$0x0] =	wrdreg $0x60  }
0xbe: {  	[dreg:$0x2] =	wrdreg s18  }
0xbf: {  	[dreg:$0x3] =	wrdreg s4  }
0xc0: {  	[dreg:$0x4] =	wrdreg s24  }
0xc1: {  	[dreg:$0x5] =	wrdreg $0xA  }
0xc2: {  	_ =	task.clear_ibuf [dreg:s22], $0x6FFFF;
	_ =	strace $0x90000049  }
0xc3: {  	s29 =	simm.s32 $0xA;
	_ =	strace $0x8000004B  }
0xc4: {  	_ =	swait.ge [sflag:s29], $0x1  }
0xc5: {  	[sflag:s29] =	ssyncadd.s32 $0xFFFFFFFF  }
0xc6: {  	_ =	strace $0x9000004B  }
0xc7: {  	_ =	sfence  }
0xc8: {  	s30 =	sld [smem:$0x0];
	_ =	sdelay $0x2  }
0xc9: {  	s31 =	sshll.u32 s1, $0xD;
	s1 =	sshrl.u32 s1, $0x2  }
0xca: {  	s4 =	sand.u32 $0x4000, s31;
	s1 =	sadd.s32 s1, s30  }
0xcb: {  	s0 =	sor.u32 s4, s0;
	s1 =	sshll.u32 s1, $0x11  }
0xcc: {  	s0 =	sor.u32 s1, s0  }
0xcd: {  	s0 =	sadd.s32 $0x8F2B, s0  }
0xce: {  	[sflag:s0] =	ssyncadd.remote.s32 $0x1  }
0xcf: {  	_ =	sfence.sel $0xFFFF  }
0xd0: {  	[dreg:$0x0] =	wrdreg $0xFFFFFFFF;
	(pc) =	sbr.abs _section_cstart, $3  }
0xd1: {  	[dreg:$0x1] =	wrdreg $0xFFFFFFFF  }
0xd2: {  	_ =	task.clear_ibuf [dreg:s22], $0x2FFFF;
	_ =	strace $0x9FFFFFFF  }
0xd3: {  	(tm) =	ssettm $0x7FFFFFFF  }
tec
execute0_lowered:
.L_overlay_start_1:
0x0: {  	(tag) =	ssettag $0x1  }
0x1: {  	s1 =	rddreg [dreg:$0x0]  }
0x2: {  	s0 =	rddreg [dreg:$0x2]  }
0x3: {  	s3 =	simm.s32 $0x0;
	s2 =	srdreg.scid;
	s6 =	stileid.u32  }
0x4: {  	s10 =	simm.s32 $0x4;
	s11 =	simm.s32 $0x80;
	s13 =	simm.s32 $0x2480  }
0x5: {  	s15 =	simm.s32 $0x2500;
	s17 =	simm.s32 $0x2580;
	s26 =	simm.s32 $0x1400  }
0x6: {  	s12 =	simm.s32 $0x1;
	s14 =	simm.s32 $0x3880;
	s2 =	sand.u32 $0x1, s2  }
0x7: {  	s19 =	simm.s32 $0xB880;
	s20 =	simm.s32 $0x2;
	s4 =	ssub.s32 $0x2, s2  }
0x8: {  	s8 =	sshll.u32 s6, $0x8;
	s2 =	sshll.u32 s2, $0x7;
	s7 =	sshrl.u32 s4, $0x1  }
0x9: {  	s21 =	simm.s32 $0x3;
	s4 =	ssub.s32 s4, s7;
	s7 =	sor.u32 s2, s8  }
0xa: {  	s22 =	simm.s32 $0x17880;
	s23 =	simm.s32 $0x400;
	[smem:$0x7FF] =	sst s3;
	v1 =	vmov s7  }
0xb: {  	v0 =	vlaneseq.u32;
	s24 =	simm.s32 $0x0;
	s5 =	sadd.s32 $0x50800, s0;
	_ =	strace $0x8000004A;
	v4 =	vor.u32 $0x1, v1;
	[tilespmem:$0x1FFE0] =	vst v1  }
0xc: {  	v10 =	vimm.f32 $0.0e+00;
	v16 =	vimm.s32 $0x0;
	s6 =	sadd.s32 $0x421200, s0;
	v17 =	vmul.u32 $0x80, v0;
	s8 =	sadd.s32 $0x421280, s0;
	s9 =	smax.u32 s4, $0x1;
	[tilespmem:$0x1FFF0] =	vst v4  }
.LBB2_1:
0xd: {  	v0 =	vadd.s32 v1, v16;
	s0 =	rddreg [dreg:$0x1]  }
0xe: {  	[tilespmem:s3], [sflag:$0x4] =	stream.linear.gather [hbm4b:s0+s3], $0x1001, $0x38;
	[tilespmem:$0x1C880] =	vst v63  }
0xf: {  	v2 =	vadd.s32 v4, v16;
	_ =	swait.ge [sflag:s10], $0x1001  }
0x10: {  	[sflag:s10] =	ssyncset.done $0x0  }
0x11: {  	[sflag:s10] =	ssyncadd.s32 $0xFFFFEFFF  }
0x12: {  	v3 =	vld.idx.msk [tilespmem:v0+s3+$0x0], $0xffff  }
0x13: {  	v5 =	vlaneseq.u32  }
0x14: {  	v7 =	vld.idx.msk [tilespmem:v2+s3+$0x0], $0xffff;
	v0 =	vadd.s32 $0x10, v5  }
0x15: {  	vm0 =	vgt.s32 v0, $0x13  }
0x16: {  	v2 =	vadd.s32 $0xFFFFFFFC, v5;
	v6 =	vsel vm0, $0x1, v16  }
0x17: {  	v2 =	vsel vm0, v2, v0;
	v0 =	vadd.s32 v6, v16;
	v3 =	vadd.s32 v5, v3  }
0x18: {  	v6 =	vadd.s32 v1, v0  }
0x19: {  	vm15 =	vlt.s32 v3, v7;
	vm1 =	vlt.s32 v3, $0x9FFF;
	v7 =	vadd.s32 v4, v0  }
0x1a: {  	s2 =	simm.s32 $0x80;
	s4 =	simm.s32 $0x0;
	s0 =	simm.s32 $0x40;
	v9 =	vnsel vm1, $0x9FFF, v3;
	v8 =	vsel vm15, $0x3F800000, v10;
	v3 =	vmov v2  }
.LBB2_2:
0x1b: {  	p0 =	sne.s32 s2, $0x27C0;
	[tilespmem:s4+$0x1080] =	vst v9;
	s25 =	smov.u32 s2;
	s2 =	sadd.s32 $0x40, s2  }
0x1c: {  	[tilespmem:s4+$0x1A80] =	vst v8  }
0x1d: {  	v8 =	vld.idx.msk [tilespmem:v6+s3+$0x0], $0xffff  }
0x1e: {  	v9 =	vld.idx.msk [tilespmem:v7+s3+$0x0], $0xffff  }
0x1f: {  	v6 =	vadd.s32 $0x10, v2  }
0x20: {  	v2 =	vadd.s32 $0xFFFFFFFC, v2;
	vm0 =	vgt.s32 v6, $0x13  }
.Ltmp0:
0x21: {  	v2 =	vsel vm0, v2, v6;
	v6 =	vsel vm0, $0x1, v16;
	(pc) =	sbr.rel @p0 .LBB2_2-.Ltmp0, $4  }
0x22: {  	v0 =	vadd.s32 v6, v0  }
0x23: {  	v6 =	vadd.s32 v1, v0;
	v8 =	vadd.s32 v3, v8;
	v3 =	vmov v2  }
0x24: {  	v7 =	vadd.s32 v4, v0;
	vm0 =	vlt.s32 v8, v9;
	vm1 =	vlt.s32 v8, $0x9FFF  }
0x25: {  	s4 =	sshra.s32 s0, $0x2;
	s0 =	smov.u32 s25;
	v9 =	vnsel vm1, $0x9FFF, v8;
	v8 =	vsel vm0, $0x3F800000, v10  }
0x26: {  	_ =	sdelay $0x1  }
0x27: {  	[tilespmem:s4+$0x1080] =	vst v9  }
0x28: {  	[tilespmem:s4+$0x1A80] =	vst v8  }
0x29: {  	v0 =	vld.idx.msk [tilespmem:v6+s3+$0x0], $0xffff;
	_ =	sdelay $0x1  }
0x2a: {  	v2 =	vld.idx.msk [tilespmem:v7+s3+$0x0], $0xffff;
	_ =	sdelay $0x2  }
0x2b: {  	v0 =	vadd.s32 v3, v0  }
0x2c: {  	vm0 =	vlt.s32 v0, $0x9FFF  }
0x2d: {  	s0 =	sshra.s32 s0, $0x2;
	vm1 =	vlt.s32 v0, v2;
	v0 =	vnsel vm0, $0x9FFF, v0  }
0x2e: {  	v2 =	vsel vm1, $0x3F800000, v10;
	[tilespmem:s0+$0x1080] =	vst v0  }
0x2f: {  	s31 =	simm.s32 $0x1080;
	[tilespmem:s0+$0x1A80] =	vst v2  }
0x30: {  	[tilespmem:s13], [sflag:$0x1] =	stream.indirect.gather [hbm4b:s1+s11], $0x1, s31, s11, $0xb8;
	[tilespmem:$0x1C880] =	vst v63  }
0x31: {  	s2 =	simm.s32 $0x1100  }
0x32: {  	[tilespmem:s15], [sflag:$0x1] =	stream.indirect.gather [hbm4b:s1+s11], $0x1, s2, s11, $0xb8;
	[tilespmem:$0x1C880] =	vst v63  }
0x33: {  	s4 =	simm.s32 $0x1180  }
0x34: {  	[tilespmem:s17], [sflag:$0x1] =	stream.indirect.gather [hbm4b:s1+s11], $0x1, s4, s11, $0xb8;
	[tilespmem:$0x1C880] =	vst v63  }
0x35: {  	s16 =	simm.s32 $0x1200;
	s2 =	simm.s32 $0x2600  }
0x36: {  	[tilespmem:s2], [sflag:$0x1] =	stream.indirect.gather [hbm4b:s1+s11], $0x1, s16, s11, $0xb8;
	[tilespmem:$0x1C880] =	vst v63  }
0x37: {  	s18 =	simm.s32 $0x1280;
	s25 =	simm.s32 $0x2680  }
0x38: {  	[tilespmem:s25], [sflag:$0x1] =	stream.indirect.gather [hbm4b:s1+s11], $0x1, s18, s11, $0xb8;
	[tilespmem:$0x1C880] =	vst v63  }
0x39: {  	s28 =	simm.s32 $0x1300;
	s29 =	simm.s32 $0x2700  }
0x3a: {  	[tilespmem:s29], [sflag:$0x1] =	stream.indirect.gather [hbm4b:s1+s11], $0x1, s28, s11, $0xb8;
	[tilespmem:$0x1C880] =	vst v63  }
0x3b: {  	s30 =	simm.s32 $0x1380;
	s31 =	simm.s32 $0x2780  }
0x3c: {  	[tilespmem:s31], [sflag:$0x1] =	stream.indirect.gather [hbm4b:s1+s11], $0x1, s30, s11, $0xb8;
	[tilespmem:$0x1C880] =	vst v63  }
0x3d: {  	s2 =	simm.s32 $0x2800  }
0x3e: {  	[tilespmem:s2], [sflag:$0x1] =	stream.indirect.gather [hbm4b:s1+s11], $0x1, s26, s11, $0xb8;
	[tilespmem:$0x1C880] =	vst v63  }
0x3f: {  	s4 =	simm.s32 $0x1480;
	s16 =	simm.s32 $0x2880  }
0x40: {  	[tilespmem:s16], [sflag:$0x1] =	stream.indirect.gather [hbm4b:s1+s11], $0x1, s4, s11, $0xb8;
	[tilespmem:$0x1C880] =	vst v63  }
0x41: {  	s18 =	simm.s32 $0x1500;
	s25 =	simm.s32 $0x2900  }
0x42: {  	[tilespmem:s25], [sflag:$0x1] =	stream.indirect.gather [hbm4b:s1+s11], $0x1, s18, s11, $0xb8;
	[tilespmem:$0x1C880] =	vst v63  }
0x43: {  	s28 =	simm.s32 $0x1580;
	s29 =	simm.s32 $0x2980  }
0x44: {  	[tilespmem:s29], [sflag:$0x1] =	stream.indirect.gather [hbm4b:s1+s11], $0x1, s28, s11, $0xb8;
	[tilespmem:$0x1C880] =	vst v63  }
0x45: {  	s30 =	simm.s32 $0x1600;
	s31 =	simm.s32 $0x2A00  }
0x46: {  	[tilespmem:s31], [sflag:$0x1] =	stream.indirect.gather [hbm4b:s1+s11], $0x1, s30, s11, $0xb8;
	[tilespmem:$0x1C880] =	vst v63  }
0x47: {  	s4 =	simm.s32 $0x1680;
	s16 =	simm.s32 $0x2A80  }
0x48: {  	[tilespmem:s16], [sflag:$0x1] =	stream.indirect.gather [hbm4b:s1+s11], $0x1, s4, s11, $0xb8;
	[tilespmem:$0x1C880] =	vst v63  }
0x49: {  	s18 =	simm.s32 $0x1700;
	s25 =	simm.s32 $0x2B00  }
0x4a: {  	[tilespmem:s25], [sflag:$0x1] =	stream.indirect.gather [hbm4b:s1+s11], $0x1, s18, s11, $0xb8;
	[tilespmem:$0x1C880] =	vst v63  }
0x4b: {  	s28 =	simm.s32 $0x1780;
	s29 =	simm.s32 $0x2B80  }
0x4c: {  	[tilespmem:s29], [sflag:$0x1] =	stream.indirect.gather [hbm4b:s1+s11], $0x1, s28, s11, $0xb8;
	[tilespmem:$0x1C880] =	vst v63  }
0x4d: {  	s30 =	simm.s32 $0x1800;
	s31 =	simm.s32 $0x2C00  }
0x4e: {  	[tilespmem:s31], [sflag:$0x1] =	stream.indirect.gather [hbm4b:s1+s11], $0x1, s30, s11, $0xb8;
	[tilespmem:$0x1C880] =	vst v63  }
0x4f: {  	s4 =	simm.s32 $0x1880;
	s16 =	simm.s32 $0x2C80  }
0x50: {  	[tilespmem:s16], [sflag:$0x1] =	stream.indirect.gather [hbm4b:s1+s11], $0x1, s4, s11, $0xb8;
	[tilespmem:$0x1C880] =	vst v63  }
0x51: {  	s18 =	simm.s32 $0x1900;
	s25 =	simm.s32 $0x2D00  }
0x52: {  	[tilespmem:s25], [sflag:$0x1] =	stream.indirect.gather [hbm4b:s1+s11], $0x1, s18, s11, $0xb8;
	[tilespmem:$0x1C880] =	vst v63  }
0x53: {  	s28 =	simm.s32 $0x1980;
	s29 =	simm.s32 $0x2D80  }
0x54: {  	[tilespmem:s29], [sflag:$0x1] =	stream.indirect.gather [hbm4b:s1+s11], $0x1, s28, s11, $0xb8;
	[tilespmem:$0x1C880] =	vst v63  }
0x55: {  	s30 =	simm.s32 $0x1A00;
	s31 =	simm.s32 $0x2E00  }
0x56: {  	[tilespmem:s31], [sflag:$0x1] =	stream.indirect.gather [hbm4b:s1+s11], $0x1, s30, s11, $0xb8;
	[tilespmem:$0x1C880] =	vst v63  }
0x57: {  	_ =	swait.ge [sflag:s12], $0x80  }
0x58: {  	[sflag:s12] =	ssyncset.done $0x0  }
0x59: {  	[sflag:s12] =	ssyncadd.s32 $0xFFFFFF80  }
0x5a: {  	_ =	swait.ge [sflag:s12], $0x80  }
0x5b: {  	[sflag:s12] =	ssyncset.done $0x0  }
0x5c: {  	[sflag:s12] =	ssyncadd.s32 $0xFFFFFF80  }
0x5d: {  	_ =	swait.ge [sflag:s12], $0x80  }
0x5e: {  	[sflag:s12] =	ssyncset.done $0x0  }
0x5f: {  	[sflag:s12] =	ssyncadd.s32 $0xFFFFFF80  }
0x60: {  	_ =	swait.ge [sflag:s12], $0x80  }
0x61: {  	[sflag:s12] =	ssyncset.done $0x0  }
0x62: {  	[sflag:s12] =	ssyncadd.s32 $0xFFFFFF80  }
0x63: {  	_ =	swait.ge [sflag:s12], $0x80  }
0x64: {  	[sflag:s12] =	ssyncset.done $0x0  }
0x65: {  	[sflag:s12] =	ssyncadd.s32 $0xFFFFFF80  }
0x66: {  	_ =	swait.ge [sflag:s12], $0x80  }
0x67: {  	[sflag:s12] =	ssyncset.done $0x0  }
0x68: {  	[sflag:s12] =	ssyncadd.s32 $0xFFFFFF80  }
0x69: {  	_ =	swait.ge [sflag:s12], $0x80  }
0x6a: {  	[sflag:s12] =	ssyncset.done $0x0  }
0x6b: {  	[sflag:s12] =	ssyncadd.s32 $0xFFFFFF80  }
0x6c: {  	_ =	swait.ge [sflag:s12], $0x80  }
0x6d: {  	[sflag:s12] =	ssyncset.done $0x0  }
0x6e: {  	[sflag:s12] =	ssyncadd.s32 $0xFFFFFF80  }
0x6f: {  	_ =	swait.ge [sflag:s12], $0x80  }
0x70: {  	[sflag:s12] =	ssyncset.done $0x0  }
0x71: {  	[sflag:s12] =	ssyncadd.s32 $0xFFFFFF80  }
0x72: {  	_ =	swait.ge [sflag:s12], $0x80  }
0x73: {  	[sflag:s12] =	ssyncset.done $0x0  }
0x74: {  	[sflag:s12] =	ssyncadd.s32 $0xFFFFFF80  }
0x75: {  	_ =	swait.ge [sflag:s12], $0x80  }
0x76: {  	[sflag:s12] =	ssyncset.done $0x0  }
0x77: {  	[sflag:s12] =	ssyncadd.s32 $0xFFFFFF80  }
0x78: {  	_ =	swait.ge [sflag:s12], $0x80  }
0x79: {  	[sflag:s12] =	ssyncset.done $0x0  }
0x7a: {  	[sflag:s12] =	ssyncadd.s32 $0xFFFFFF80  }
0x7b: {  	_ =	swait.ge [sflag:s12], $0x80  }
0x7c: {  	[sflag:s12] =	ssyncset.done $0x0  }
0x7d: {  	[sflag:s12] =	ssyncadd.s32 $0xFFFFFF80  }
0x7e: {  	_ =	swait.ge [sflag:s12], $0x80  }
0x7f: {  	[sflag:s12] =	ssyncset.done $0x0  }
0x80: {  	[sflag:s12] =	ssyncadd.s32 $0xFFFFFF80  }
0x81: {  	_ =	swait.ge [sflag:s12], $0x80  }
0x82: {  	[sflag:s12] =	ssyncset.done $0x0  }
0x83: {  	[sflag:s12] =	ssyncadd.s32 $0xFFFFFF80  }
0x84: {  	_ =	swait.ge [sflag:s12], $0x80  }
0x85: {  	[sflag:s12] =	ssyncset.done $0x0  }
0x86: {  	[sflag:s12] =	ssyncadd.s32 $0xFFFFFF80  }
0x87: {  	_ =	swait.ge [sflag:s12], $0x80  }
0x88: {  	[sflag:s12] =	ssyncset.done $0x0  }
0x89: {  	[sflag:s12] =	ssyncadd.s32 $0xFFFFFF80  }
0x8a: {  	_ =	swait.ge [sflag:s12], $0x80  }
0x8b: {  	[sflag:s12] =	ssyncset.done $0x0  }
0x8c: {  	[sflag:s12] =	ssyncadd.s32 $0xFFFFFF80  }
0x8d: {  	_ =	swait.ge [sflag:s12], $0x80  }
0x8e: {  	[sflag:s12] =	ssyncset.done $0x0  }
0x8f: {  	[sflag:s12] =	ssyncadd.s32 $0xFFFFFF80  }
0x90: {  	_ =	swait.ge [sflag:s12], $0x80  }
0x91: {  	[sflag:s12] =	ssyncset.done $0x0  }
0x92: {  	s0 =	simm.s32 $0x0;
	[sflag:s12] =	ssyncadd.s32 $0xFFFFFF80  }
0x93: {  	v0 =	vld [tilespmem:s0+$0x2480];
	_ =	sdelay $0x4  }
0x94: {  	s2 =	simm.s32 $0x80;
	s4 =	simm.s32 $0x40;
	v2 =	vshrl.u32 v0, $0x2;
	v0 =	vshll.u32 v0, $0x5  }
.LBB2_4:
0x95: {  	p0 =	sne.s32 s2, $0x27C0;
	s25 =	sshra.s32 s4, $0x2;
	[tilespmem:s0+$0x2480] =	vst v2;
	v0 =	vand.u32 $0x60, v0;
	s4 =	smov.u32 s2  }
0x96: {  	v3 =	vld [tilespmem:s25+$0x2480];
	[tilespmem:s0+$0x2E80] =	vst v0;
	s0 =	smov.u32 s25  }
.Ltmp1:
0x97: {  	(pc) =	sbr.rel @p0 .LBB2_4-.Ltmp1, $2  }
0x98: {  	_ =	sdelay $0x2  }
0x99: {  	s2 =	sadd.s32 $0x40, s2;
	v2 =	vshrl.u32 v3, $0x2;
	v0 =	vshll.u32 v3, $0x5  }
0x9a: {  	s2 =	sshra.s32 s4, $0x2;
	[tilespmem:s0+$0x2480] =	vst v2  }
0x9b: {  	v2 =	vld [tilespmem:s2+$0x2480];
	_ =	sdelay $0x3  }
0x9c: {  	v0 =	vand.u32 $0x60, v0  }
0x9d: {  	[tilespmem:s0+$0x2E80] =	vst v0;
	v62 =	vshrl.u32 v2, $0x2;
	v2 =	vshll.u32 v2, $0x5  }
0x9e: {  	[tilespmem:s2+$0x2480] =	vst v62;
	v63 =	vand.u32 $0x60, v2  }
0x9f: {  	[tilespmem:s2+$0x2E80] =	vst v63  }
0xa0: {  	[tilespmem:s14], [sflag:$0x2] =	stream.indirect.gather [hbm4b:s5+s11], $0x80, s13, s11, $0xb8;
	[tilespmem:$0x1C880] =	vst v63  }
0xa1: {  	s30 =	simm.s32 $0x7880;
	s31 =	simm.s32 $0x40  }
0xa2: {  	[tilespmem:s30], [sflag:$0x2] =	stream.indirect.gather [hbm4b:s5+s11], $0x80, s15, s11, $0xb8;
	[tilespmem:$0x1C880] =	vst v63  }
0xa3: {  	s29 =	simm.s32 $0x0;
	s4 =	simm.s32 $0x1A80;
	s2 =	simm.s32 $0x2E80  }
0xa4: {  	[tilespmem:s19], [sflag:$0x2] =	stream.indirect.gather [hbm4b:s5+s31], $0x80, s17, s31, $0xb8;
	[tilespmem:$0x1C880] =	vst v63  }
.LBB2_6:
0xa5: {  	_ =	swait.ge [sflag:s20], $0x4000  }
0xa6: {  	[sflag:s20] =	ssyncset.done $0x0  }
0xa7: {  	s31 =	sand.u32 $0x1, s29;
	[sflag:s20] =	ssyncadd.s32 $0xFFFFC000  }
0xa8: {  	p0 =	seq.s32 s29, $0x7;
	s30 =	sadd.s32 $0x1, s29;
	_ =	swait.ge [sflag:s20], $0x4000  }
0xa9: {  	s0 =	sxor.u32 @!p0 $0x1, s31;
	s25 =	smul.u32 @!p0 $0x500, s30;
	[sflag:s20] =	ssyncset.done $0x0  }
0xaa: {  	s0 =	smul.u32 @!p0 $0x28000, s0;
	[sflag:s20] =	ssyncadd.s32 $0xFFFFC000  }
0xab: {  	s18 =	simm.s32 @!p0 $0x80;
	_ =	swait.ge [sflag:s20], $0x2000  }
0xac: {  	s25 =	sshra.s32 @!p0 s25, $0x2;
	s0 =	sshrl.u32 @!p0 s0, $0x2;
	[sflag:s20] =	ssyncset.done $0x0  }
0xad: {  	s16 =	sadd.s32 @!p0 $0x2480, s25;
	s28 =	sadd.s32 @!p0 $0x3880, s0;
	[sflag:s20] =	ssyncadd.s32 $0xFFFFE000  }
0xae: {  	[tilespmem:s28], [sflag:$0x2] =	stream.indirect.gather @!p0 [hbm4b:s5+s18], $0x80, s16, s18, $0xb8;
	[tilespmem:$0x1C880] =	vst v63  }
0xaf: {  	p1 =	slt.u32 @!p0 s29, $0x2;
	s16 =	sadd.s32 @!p0 $0x7880, s0;
	s28 =	sadd.s32 @!p0 $0x2500, s25  }
0xb0: {  	[tilespmem:s16], [sflag:$0x2] =	stream.indirect.gather @!p0 [hbm4b:s5+s18], $0x80, s28, s18, $0xb8;
	[tilespmem:$0x1C880] =	vst v63  }
0xb1: {  	s0 =	sadd.s32 @!p0 $0xB880, s0;
	s16 =	sadd.s32 @!p0 $0x2580, s25;
	s18 =	simm.s32 @!p0 $0x40  }
0xb2: {  	[tilespmem:s0], [sflag:$0x2] =	stream.indirect.gather @!p0 [hbm4b:s5+s18], $0x80, s16, s18, $0xb8;
	[tilespmem:$0x1C880] =	vst v63  }
0xb3: {  	p0 =	por p0, !p1  }
0xb4: {  	_ =	swait.ge @p0 [sflag:s21], $0x800  }
0xb5: {  	[sflag:s21] =	ssyncset.done @p0 $0x0  }
0xb6: {  	[sflag:s21] =	ssyncadd.s32 @p0 $0xFFFFF800  }
0xb7: {  	_ =	swait.ge @p0 [sflag:s21], $0x800  }
0xb8: {  	[sflag:s21] =	ssyncset.done @p0 $0x0  }
0xb9: {  	[sflag:s21] =	ssyncadd.s32 @p0 $0xFFFFF800  }
0xba: {  	_ =	swait.ge @p0 [sflag:s21], $0x800  }
0xbb: {  	[sflag:s21] =	ssyncset.done @p0 $0x0  }
0xbc: {  	[sflag:s21] =	ssyncadd.s32 @p0 $0xFFFFF800  }
0xbd: {  	_ =	swait.ge @p0 [sflag:s21], $0x800  }
0xbe: {  	[sflag:s21] =	ssyncset.done @p0 $0x0  }
0xbf: {  	[sflag:s21] =	ssyncadd.s32 @p0 $0xFFFFF800  }
0xc0: {  	_ =	swait.ge @p0 [sflag:s21], $0x800  }
0xc1: {  	[sflag:s21] =	ssyncset.done @p0 $0x0  }
0xc2: {  	[sflag:s21] =	ssyncadd.s32 @p0 $0xFFFFF800  }
0xc3: {  	v9 =	vld [tilespmem:s2+$0x0]  }
0xc4: {  	s25 =	simm.s32 $0x0  }
0xc5: {  	v0 =	vmov s31;
	v2 =	vmov s25  }
0xc6: {  	v1 =	vmul.u32 $0xA000, v0;
	v2 =	vshll.u32 v2, $0x7  }
0xc7: {  	v2 =	vor.u32 v17, v2  }
0xc8: {  	v11 =	vadd.s32 v1, v2;
	v3 =	vand.u32 $0xFFFFFF80, v9  }
0xc9: {  	v2 =	vand.u32 $0x7F, v9;
	v3 =	vadd.s32 v11, v3  }
0xca: {  	v2 =	vor.u32 v2, v3;
	_ =	sdelay $0x2  }
0xcb: {  	v8 =	vimm.s32 $0x0;
	v10 =	vlaneseq.u32;
	[tilespmem:$0x1FFD0] =	vst v1;
	v1 =	vmul.u32 $0x2800, v0  }
0xcc: {  	v13 =	vshll.u32 v8, $0x7;
	v14 =	vshll.u32 v10, $0x5;
	v12 =	vld [tilespmem:s4+$0x0];
	v3 =	vshll.u32 v10, $0x9  }
0xcd: {  	v13 =	vadd.s32 v1, v13;
	v0 =	vadd.s32 $0x1, v9;
	v3 =	vand.u32 $0xFFFFF800, v3;
	v2 =	vld.idx.msk [tilespmem:v2+s14+$0x0], $0xffff  }
0xce: {  	v14 =	vand.u32 $0x60, v14;
	v34 =	vand.u32 $0xFFFFFF80, v0;
	v3 =	vadd.s32 v3, v13  }
0xcf: {  	v0 =	vand.u32 $0x7F, v0;
	v15 =	vadd.s32 v11, v34;
	v35 =	vor.u32 v14, v3  }
0xd0: {  	v0 =	vor.u32 v0, v15;
	_ =	sdelay $0x1  }
0xd1: {  	v2 =	vmul.f32 v2, v12;
	_ =	sdelay $0x1  }
0xd2: {  	[tilespmem:v35+s22+$0x0] =	vst.idx.msk $0xffff, v2  }
0xd3: {  	v2 =	vadd.s32 $0x2, v9;
	v0 =	vld.idx.msk [tilespmem:v0+s14+$0x0], $0xffff  }
0xd4: {  	v3 =	vand.u32 $0xFFFFFF80, v2  }
0xd5: {  	v14 =	vor.u32 $0x1, v35;
	v2 =	vand.u32 $0x7F, v2;
	v3 =	vadd.s32 v11, v3  }
0xd6: {  	v2 =	vor.u32 v2, v3;
	_ =	sdelay $0x1  }
0xd7: {  	v0 =	vmul.f32 v0, v12;
	_ =	sdelay $0x1  }
0xd8: {  	[tilespmem:v14+s22+$0x0] =	vst.idx.msk $0xffff, v0  }
0xd9: {  	v0 =	vadd.s32 $0x3, v9;
	v2 =	vld.idx.msk [tilespmem:v2+s14+$0x0], $0xffff  }
0xda: {  	v3 =	vand.u32 $0xFFFFFF80, v0  }
0xdb: {  	v36 =	vor.u32 $0x2, v35;
	v0 =	vand.u32 $0x7F, v0;
	v3 =	vadd.s32 v11, v3  }
0xdc: {  	v0 =	vor.u32 v0, v3;
	_ =	sdelay $0x1  }
0xdd: {  	v2 =	vmul.f32 v2, v12;
	_ =	sdelay $0x1  }
0xde: {  	[tilespmem:v36+s22+$0x0] =	vst.idx.msk $0xffff, v2  }
0xdf: {  	v2 =	vadd.s32 $0x4, v9;
	v0 =	vld.idx.msk [tilespmem:v0+s14+$0x0], $0xffff  }
0xe0: {  	v3 =	vand.u32 $0xFFFFFF80, v2  }
0xe1: {  	v37 =	vor.u32 $0x3, v35;
	v2 =	vand.u32 $0x7F, v2;
	v3 =	vadd.s32 v11, v3  }
0xe2: {  	v2 =	vor.u32 v2, v3;
	_ =	sdelay $0x1  }
0xe3: {  	v0 =	vmul.f32 v0, v12;
	_ =	sdelay $0x1  }
0xe4: {  	[tilespmem:v37+s22+$0x0] =	vst.idx.msk $0xffff, v0  }
0xe5: {  	v0 =	vadd.s32 $0x5, v9;
	v2 =	vld.idx.msk [tilespmem:v2+s14+$0x0], $0xffff  }
0xe6: {  	v3 =	vand.u32 $0xFFFFFF80, v0  }
0xe7: {  	v38 =	vor.u32 $0x4, v35;
	v0 =	vand.u32 $0x7F, v0;
	v3 =	vadd.s32 v11, v3  }
0xe8: {  	v0 =	vor.u32 v0, v3;
	_ =	sdelay $0x1  }
0xe9: {  	v2 =	vmul.f32 v2, v12;
	_ =	sdelay $0x1  }
0xea: {  	[tilespmem:v38+s22+$0x0] =	vst.idx.msk $0xffff, v2  }
0xeb: {  	v2 =	vadd.s32 $0x6, v9;
	v0 =	vld.idx.msk [tilespmem:v0+s14+$0x0], $0xffff  }
0xec: {  	v3 =	vand.u32 $0xFFFFFF80, v2  }
0xed: {  	v39 =	vor.u32 $0x5, v35;
	v2 =	vand.u32 $0x7F, v2;
	v3 =	vadd.s32 v11, v3  }
0xee: {  	v2 =	vor.u32 v2, v3;
	_ =	sdelay $0x1  }
0xef: {  	v0 =	vmul.f32 v0, v12;
	_ =	sdelay $0x1  }
0xf0: {  	[tilespmem:v39+s22+$0x0] =	vst.idx.msk $0xffff, v0  }
0xf1: {  	v0 =	vadd.s32 $0x7, v9;
	v2 =	vld.idx.msk [tilespmem:v2+s14+$0x0], $0xffff  }
0xf2: {  	v3 =	vand.u32 $0xFFFFFF80, v0  }
0xf3: {  	v40 =	vor.u32 $0x6, v35;
	v0 =	vand.u32 $0x7F, v0;
	v3 =	vadd.s32 v11, v3  }
0xf4: {  	v0 =	vor.u32 v0, v3;
	_ =	sdelay $0x1  }
0xf5: {  	v2 =	vmul.f32 v2, v12;
	_ =	sdelay $0x1  }
0xf6: {  	[tilespmem:v40+s22+$0x0] =	vst.idx.msk $0xffff, v2  }
0xf7: {  	v2 =	vadd.s32 $0x8, v9;
	v0 =	vld.idx.msk [tilespmem:v0+s14+$0x0], $0xffff  }
0xf8: {  	v3 =	vand.u32 $0xFFFFFF80, v2  }
0xf9: {  	v41 =	vor.u32 $0x7, v35;
	v2 =	vand.u32 $0x7F, v2;
	v3 =	vadd.s32 v11, v3  }
0xfa: {  	v2 =	vor.u32 v2, v3;
	_ =	sdelay $0x1  }
0xfb: {  	v0 =	vmul.f32 v0, v12;
	_ =	sdelay $0x1  }
0xfc: {  	[tilespmem:v41+s22+$0x0] =	vst.idx.msk $0xffff, v0  }
0xfd: {  	v0 =	vadd.s32 $0x9, v9;
	v2 =	vld.idx.msk [tilespmem:v2+s14+$0x0], $0xffff  }
0xfe: {  	v3 =	vand.u32 $0xFFFFFF80, v0  }
0xff: {  	v42 =	vor.u32 $0x8, v35;
	v0 =	vand.u32 $0x7F, v0;
	v3 =	vadd.s32 v11, v3  }
0x100: {  	v0 =	vor.u32 v0, v3;
	_ =	sdelay $0x1  }
0x101: {  	v2 =	vmul.f32 v2, v12;
	_ =	sdelay $0x1  }
0x102: {  	[tilespmem:v42+s22+$0x0] =	vst.idx.msk $0xffff, v2  }
0x103: {  	v2 =	vadd.s32 $0xA, v9;
	v0 =	vld.idx.msk [tilespmem:v0+s14+$0x0], $0xffff  }
0x104: {  	v3 =	vand.u32 $0xFFFFFF80, v2  }
0x105: {  	v43 =	vor.u32 $0x9, v35;
	v2 =	vand.u32 $0x7F, v2;
	v3 =	vadd.s32 v11, v3  }
0x106: {  	v2 =	vor.u32 v2, v3;
	_ =	sdelay $0x1  }
0x107: {  	v0 =	vmul.f32 v0, v12;
	_ =	sdelay $0x1  }
0x108: {  	[tilespmem:v43+s22+$0x0] =	vst.idx.msk $0xffff, v0  }
0x109: {  	v0 =	vadd.s32 $0xB, v9;
	v2 =	vld.idx.msk [tilespmem:v2+s14+$0x0], $0xffff  }
0x10a: {  	v3 =	vand.u32 $0xFFFFFF80, v0  }
0x10b: {  	v44 =	vor.u32 $0xA, v35;
	v0 =	vand.u32 $0x7F, v0;
	v3 =	vadd.s32 v11, v3  }
0x10c: {  	v0 =	vor.u32 v0, v3;
	_ =	sdelay $0x1  }
0x10d: {  	v2 =	vmul.f32 v2, v12;
	_ =	sdelay $0x1  }
0x10e: {  	[tilespmem:v44+s22+$0x0] =	vst.idx.msk $0xffff, v2  }
0x10f: {  	v2 =	vadd.s32 $0xC, v9;
	v0 =	vld.idx.msk [tilespmem:v0+s14+$0x0], $0xffff  }
0x110: {  	v3 =	vand.u32 $0xFFFFFF80, v2  }
0x111: {  	v45 =	vor.u32 $0xB, v35;
	v2 =	vand.u32 $0x7F, v2;
	v3 =	vadd.s32 v11, v3  }
0x112: {  	v2 =	vor.u32 v2, v3;
	_ =	sdelay $0x1  }
0x113: {  	v0 =	vmul.f32 v0, v12;
	_ =	sdelay $0x1  }
0x114: {  	[tilespmem:v45+s22+$0x0] =	vst.idx.msk $0xffff, v0  }
0x115: {  	v0 =	vadd.s32 $0xD, v9;
	v2 =	vld.idx.msk [tilespmem:v2+s14+$0x0], $0xffff  }
0x116: {  	v3 =	vand.u32 $0xFFFFFF80, v0  }
0x117: {  	v46 =	vor.u32 $0xC, v35;
	v0 =	vand.u32 $0x7F, v0;
	v3 =	vadd.s32 v11, v3  }
0x118: {  	v0 =	vor.u32 v0, v3;
	_ =	sdelay $0x1  }
0x119: {  	v2 =	vmul.f32 v2, v12;
	_ =	sdelay $0x1  }
0x11a: {  	[tilespmem:v46+s22+$0x0] =	vst.idx.msk $0xffff, v2  }
0x11b: {  	v2 =	vadd.s32 $0xE, v9;
	v0 =	vld.idx.msk [tilespmem:v0+s14+$0x0], $0xffff  }
0x11c: {  	v3 =	vand.u32 $0xFFFFFF80, v2  }
0x11d: {  	v47 =	vor.u32 $0xD, v35;
	v2 =	vand.u32 $0x7F, v2;
	v3 =	vadd.s32 v11, v3  }
0x11e: {  	v2 =	vor.u32 v2, v3;
	_ =	sdelay $0x1  }
0x11f: {  	v0 =	vmul.f32 v0, v12;
	_ =	sdelay $0x1  }
0x120: {  	[tilespmem:v47+s22+$0x0] =	vst.idx.msk $0xffff, v0  }
0x121: {  	v0 =	vadd.s32 $0xF, v9;
	v2 =	vld.idx.msk [tilespmem:v2+s14+$0x0], $0xffff  }
0x122: {  	v3 =	vand.u32 $0xFFFFFF80, v0  }
0x123: {  	v48 =	vor.u32 $0xE, v35;
	v0 =	vand.u32 $0x7F, v0;
	v3 =	vadd.s32 v11, v3  }
0x124: {  	v0 =	vor.u32 v0, v3;
	_ =	sdelay $0x1  }
0x125: {  	v2 =	vmul.f32 v2, v12;
	_ =	sdelay $0x1  }
0x126: {  	[tilespmem:v48+s22+$0x0] =	vst.idx.msk $0xffff, v2  }
0x127: {  	v2 =	vadd.s32 $0x10, v9;
	v0 =	vld.idx.msk [tilespmem:v0+s14+$0x0], $0xffff  }
0x128: {  	v3 =	vand.u32 $0xFFFFFF80, v2  }
0x129: {  	v49 =	vor.u32 $0xF, v35;
	v2 =	vand.u32 $0x7F, v2;
	v3 =	vadd.s32 v11, v3  }
0x12a: {  	v2 =	vor.u32 v2, v3;
	_ =	sdelay $0x1  }
0x12b: {  	v0 =	vmul.f32 v0, v12;
	_ =	sdelay $0x1  }
0x12c: {  	[tilespmem:v49+s22+$0x0] =	vst.idx.msk $0xffff, v0  }
0x12d: {  	v0 =	vadd.s32 $0x11, v9;
	v2 =	vld.idx.msk [tilespmem:v2+s14+$0x0], $0xffff  }
0x12e: {  	v3 =	vand.u32 $0xFFFFFF80, v0  }
0x12f: {  	v50 =	vor.u32 $0x10, v35;
	v0 =	vand.u32 $0x7F, v0;
	v3 =	vadd.s32 v11, v3  }
0x130: {  	v0 =	vor.u32 v0, v3;
	_ =	sdelay $0x1  }
0x131: {  	v2 =	vmul.f32 v2, v12;
	_ =	sdelay $0x1  }
0x132: {  	[tilespmem:v50+s22+$0x0] =	vst.idx.msk $0xffff, v2  }
0x133: {  	v2 =	vadd.s32 $0x12, v9;
	v0 =	vld.idx.msk [tilespmem:v0+s14+$0x0], $0xffff  }
0x134: {  	v3 =	vand.u32 $0xFFFFFF80, v2  }
0x135: {  	v51 =	vor.u32 $0x11, v35;
	v2 =	vand.u32 $0x7F, v2;
	v3 =	vadd.s32 v11, v3  }
0x136: {  	v2 =	vor.u32 v2, v3;
	_ =	sdelay $0x1  }
0x137: {  	v0 =	vmul.f32 v0, v12;
	_ =	sdelay $0x1  }
0x138: {  	[tilespmem:v51+s22+$0x0] =	vst.idx.msk $0xffff, v0  }
0x139: {  	v0 =	vadd.s32 $0x13, v9;
	v2 =	vld.idx.msk [tilespmem:v2+s14+$0x0], $0xffff  }
0x13a: {  	v3 =	vand.u32 $0xFFFFFF80, v0  }
0x13b: {  	v52 =	vor.u32 $0x12, v35;
	v0 =	vand.u32 $0x7F, v0;
	v3 =	vadd.s32 v11, v3  }
0x13c: {  	v0 =	vor.u32 v0, v3;
	_ =	sdelay $0x1  }
0x13d: {  	v2 =	vmul.f32 v2, v12;
	_ =	sdelay $0x1  }
0x13e: {  	[tilespmem:v52+s22+$0x0] =	vst.idx.msk $0xffff, v2  }
0x13f: {  	v2 =	vadd.s32 $0x14, v9;
	v0 =	vld.idx.msk [tilespmem:v0+s14+$0x0], $0xffff  }
0x140: {  	v3 =	vand.u32 $0xFFFFFF80, v2  }
0x141: {  	v53 =	vor.u32 $0x13, v35;
	v2 =	vand.u32 $0x7F, v2;
	v3 =	vadd.s32 v11, v3  }
0x142: {  	v2 =	vor.u32 v2, v3;
	_ =	sdelay $0x1  }
0x143: {  	v0 =	vmul.f32 v0, v12;
	_ =	sdelay $0x1  }
0x144: {  	[tilespmem:v53+s22+$0x0] =	vst.idx.msk $0xffff, v0  }
0x145: {  	v0 =	vadd.s32 $0x15, v9;
	v2 =	vld.idx.msk [tilespmem:v2+s14+$0x0], $0xffff  }
0x146: {  	v3 =	vand.u32 $0xFFFFFF80, v0  }
0x147: {  	v54 =	vor.u32 $0x14, v35;
	v0 =	vand.u32 $0x7F, v0;
	v3 =	vadd.s32 v11, v3  }
0x148: {  	v0 =	vor.u32 v0, v3;
	_ =	sdelay $0x1  }
0x149: {  	v2 =	vmul.f32 v2, v12;
	_ =	sdelay $0x1  }
0x14a: {  	[tilespmem:v54+s22+$0x0] =	vst.idx.msk $0xffff, v2  }
0x14b: {  	v2 =	vadd.s32 $0x16, v9;
	v0 =	vld.idx.msk [tilespmem:v0+s14+$0x0], $0xffff  }
0x14c: {  	v3 =	vand.u32 $0xFFFFFF80, v2  }
0x14d: {  	v55 =	vor.u32 $0x15, v35;
	v2 =	vand.u32 $0x7F, v2;
	v3 =	vadd.s32 v11, v3  }
0x14e: {  	v2 =	vor.u32 v2, v3;
	_ =	sdelay $0x1  }
0x14f: {  	v0 =	vmul.f32 v0, v12;
	_ =	sdelay $0x1  }
0x150: {  	[tilespmem:v55+s22+$0x0] =	vst.idx.msk $0xffff, v0  }
0x151: {  	v0 =	vadd.s32 $0x17, v9;
	v2 =	vld.idx.msk [tilespmem:v2+s14+$0x0], $0xffff  }
0x152: {  	v3 =	vand.u32 $0xFFFFFF80, v0  }
0x153: {  	v56 =	vor.u32 $0x16, v35;
	v0 =	vand.u32 $0x7F, v0;
	v3 =	vadd.s32 v11, v3  }
0x154: {  	v0 =	vor.u32 v0, v3;
	_ =	sdelay $0x1  }
0x155: {  	v2 =	vmul.f32 v2, v12;
	_ =	sdelay $0x1  }
0x156: {  	[tilespmem:v56+s22+$0x0] =	vst.idx.msk $0xffff, v2  }
0x157: {  	v2 =	vadd.s32 $0x18, v9;
	v0 =	vld.idx.msk [tilespmem:v0+s14+$0x0], $0xffff  }
0x158: {  	v3 =	vand.u32 $0xFFFFFF80, v2  }
0x159: {  	v57 =	vor.u32 $0x17, v35;
	v2 =	vand.u32 $0x7F, v2;
	v3 =	vadd.s32 v11, v3  }
0x15a: {  	v2 =	vor.u32 v2, v3;
	_ =	sdelay $0x1  }
0x15b: {  	v0 =	vmul.f32 v0, v12;
	_ =	sdelay $0x1  }
0x15c: {  	[tilespmem:v57+s22+$0x0] =	vst.idx.msk $0xffff, v0  }
0x15d: {  	v0 =	vadd.s32 $0x19, v9;
	v2 =	vld.idx.msk [tilespmem:v2+s14+$0x0], $0xffff  }
0x15e: {  	v3 =	vand.u32 $0xFFFFFF80, v0  }
0x15f: {  	v58 =	vor.u32 $0x18, v35;
	v0 =	vand.u32 $0x7F, v0;
	v3 =	vadd.s32 v11, v3  }
0x160: {  	v0 =	vor.u32 v0, v3;
	_ =	sdelay $0x1  }
0x161: {  	v2 =	vmul.f32 v2, v12;
	_ =	sdelay $0x1  }
0x162: {  	[tilespmem:v58+s22+$0x0] =	vst.idx.msk $0xffff, v2  }
0x163: {  	v2 =	vadd.s32 $0x1A, v9;
	v0 =	vld.idx.msk [tilespmem:v0+s14+$0x0], $0xffff  }
0x164: {  	v3 =	vand.u32 $0xFFFFFF80, v2  }
0x165: {  	v59 =	vor.u32 $0x19, v35;
	v2 =	vand.u32 $0x7F, v2;
	v3 =	vadd.s32 v11, v3  }
0x166: {  	v2 =	vor.u32 v2, v3;
	_ =	sdelay $0x1  }
0x167: {  	v0 =	vmul.f32 v0, v12;
	_ =	sdelay $0x1  }
0x168: {  	[tilespmem:v59+s22+$0x0] =	vst.idx.msk $0xffff, v0  }
0x169: {  	v0 =	vadd.s32 $0x1B, v9;
	v2 =	vld.idx.msk [tilespmem:v2+s14+$0x0], $0xffff  }
0x16a: {  	v3 =	vand.u32 $0xFFFFFF80, v0  }
0x16b: {  	v60 =	vor.u32 $0x1A, v35;
	v0 =	vand.u32 $0x7F, v0;
	v3 =	vadd.s32 v11, v3  }
0x16c: {  	v0 =	vor.u32 v0, v3;
	_ =	sdelay $0x1  }
0x16d: {  	v2 =	vmul.f32 v2, v12;
	_ =	sdelay $0x1  }
0x16e: {  	[tilespmem:v60+s22+$0x0] =	vst.idx.msk $0xffff, v2  }
0x16f: {  	v2 =	vadd.s32 $0x1C, v9;
	v0 =	vld.idx.msk [tilespmem:v0+s14+$0x0], $0xffff  }
0x170: {  	v3 =	vand.u32 $0xFFFFFF80, v2  }
0x171: {  	v61 =	vor.u32 $0x1B, v35;
	v2 =	vand.u32 $0x7F, v2;
	v3 =	vadd.s32 v11, v3  }
0x172: {  	v2 =	vor.u32 v2, v3;
	_ =	sdelay $0x1  }
0x173: {  	v0 =	vmul.f32 v0, v12;
	_ =	sdelay $0x1  }
0x174: {  	[tilespmem:v61+s22+$0x0] =	vst.idx.msk $0xffff, v0  }
0x175: {  	v0 =	vadd.s32 $0x1D, v9;
	v2 =	vld.idx.msk [tilespmem:v2+s14+$0x0], $0xffff  }
0x176: {  	v3 =	vand.u32 $0xFFFFFF80, v0  }
0x177: {  	v62 =	vor.u32 $0x1C, v35;
	v0 =	vand.u32 $0x7F, v0;
	v3 =	vadd.s32 v11, v3  }
0x178: {  	v0 =	vor.u32 v0, v3;
	_ =	sdelay $0x1  }
0x179: {  	v2 =	vmul.f32 v2, v12;
	_ =	sdelay $0x1  }
0x17a: {  	[tilespmem:v62+s22+$0x0] =	vst.idx.msk $0xffff, v2  }
0x17b: {  	v2 =	vadd.s32 $0x1E, v9;
	v0 =	vld.idx.msk [tilespmem:v0+s14+$0x0], $0xffff  }
0x17c: {  	v3 =	vand.u32 $0xFFFFFF80, v2  }
0x17d: {  	v63 =	vor.u32 $0x1D, v35;
	v2 =	vand.u32 $0x7F, v2;
	v3 =	vadd.s32 v11, v3  }
0x17e: {  	v2 =	vor.u32 v2, v3;
	_ =	sdelay $0x1  }
0x17f: {  	v0 =	vmul.f32 v0, v12;
	_ =	sdelay $0x1  }
0x180: {  	[tilespmem:v63+s22+$0x0] =	vst.idx.msk $0xffff, v0  }
0x181: {  	v0 =	vadd.s32 $0x1F, v9;
	v2 =	vld.idx.msk [tilespmem:v2+s14+$0x0], $0xffff  }
0x182: {  	v3 =	vand.u32 $0xFFFFFF80, v0  }
0x183: {  	v9 =	vor.u32 $0x1E, v35;
	v0 =	vand.u32 $0x7F, v0;
	v3 =	vadd.s32 v11, v3  }
0x184: {  	v0 =	vor.u32 v0, v3;
	_ =	sdelay $0x1  }
0x185: {  	v2 =	vmul.f32 v2, v12;
	_ =	sdelay $0x1  }
0x186: {  	[tilespmem:v9+s22+$0x0] =	vst.idx.msk $0xffff, v2  }
0x187: {  	v0 =	vld.idx.msk [tilespmem:v0+s14+$0x0], $0xffff;
	_ =	sdelay $0x1  }
0x188: {  	v3 =	vadd.s32 $0x10, v10  }
0x189: {  	vm0 =	vgt.s32 v3, $0x13;
	v9 =	vadd.s32 $0xFFFFFFFC, v10  }
0x18a: {  	v9 =	vsel vm0, v9, v3  }
0x18b: {  	s28 =	smov.u32 s2;
	s25 =	smov.u32 s4;
	s0 =	simm.s32 $0x10;
	v7 =	vmovc v1;
	v3 =	vsel vm0, $0x1, v16;
	v2 =	vmul.f32 v0, v12;
	v0 =	vor.u32 $0x1F, v35  }
.LBB2_7:
0x18c: {  	_ =	sdelay $0x3  }
0x18d: {  	[tilespmem:v0+s22+$0x0] =	vst.idx.msk $0xffff, v2;
	s28 =	sadd.s32 $0x10, s28;
	v1 =	vld [tilespmem:$0x1FFD0]  }
0x18e: {  	v12 =	vld [tilespmem:s28+$0x0]  }
0x18f: {  	s16 =	smov.u32 s0  }
0x190: {  	v0 =	vmov s16  }
0x191: {  	v0 =	vshll.u32 v0, $0x7  }
0x192: {  	v0 =	vor.u32 v17, v0  }
0x193: {  	v13 =	vadd.s32 v1, v0;
	v2 =	vand.u32 $0xFFFFFF80, v12  }
0x194: {  	v0 =	vand.u32 $0x7F, v12;
	v2 =	vadd.s32 v13, v2  }
0x195: {  	v2 =	vor.u32 v0, v2;
	_ =	sdelay $0x3  }
0x196: {  	v8 =	vadd.s32 v3, v8  }
0x197: {  	s25 =	sadd.s32 $0x10, s25;
	v22 =	vshll.u32 v9, $0x5;
	v11 =	vshll.u32 v8, $0x7;
	v21 =	vld.idx.msk [tilespmem:v2+s14+$0x0], $0xffff;
	v2 =	vshll.u32 v9, $0x9  }
0x198: {  	v10 =	vld [tilespmem:s25+$0x0];
	v11 =	vadd.s32 v7, v11;
	v14 =	vadd.s32 $0x1, v12;
	v2 =	vand.u32 $0xFFFFF800, v2  }
0x199: {  	v22 =	vand.u32 $0x60, v22;
	v3 =	vand.u32 $0xFFFFFF80, v14;
	v2 =	vadd.s32 v2, v11  }
0x19a: {  	v14 =	vand.u32 $0x7F, v14;
	v16 =	vadd.s32 v13, v3;
	v11 =	vor.u32 v22, v2  }
0x19b: {  	v6 =	vmovc v17;
	v17 =	vadd.s32 $0x2, v12;
	v57 =	vadd.s32 $0x7, v12;
	v14 =	vor.u32 v14, v16  }
0x19c: {  	v59 =	vadd.s32 $0x8, v12;
	v56 =	vadd.s32 $0x9, v12;
	v54 =	vadd.s32 $0xA, v12  }
0x19d: {  	v49 =	vadd.s32 $0xC, v12;
	v16 =	vand.u32 $0xFFFFFF80, v57;
	v21 =	vmul.f32 v21, v10  }
0x19e: {  	v48 =	vadd.s32 $0xD, v12;
	v62 =	vadd.s32 v13, v16;
	v16 =	vand.u32 $0xFFFFFF80, v59  }
0x19f: {  	v0 =	vand.u32 $0xFFFFFF80, v17;
	v60 =	vadd.s32 v13, v16;
	v16 =	vand.u32 $0xFFFFFF80, v56;
	[tilespmem:v11+s22+$0x0] =	vst.idx.msk $0xffff, v21  }
0x1a0: {  	v17 =	vand.u32 $0x7F, v17;
	v58 =	vadd.s32 v13, v16;
	v16 =	vand.u32 $0xFFFFFF80, v54;
	v14 =	vld.idx.msk [tilespmem:v14+s14+$0x0], $0xffff  }
0x1a1: {  	v19 =	vadd.s32 v13, v0;
	v55 =	vadd.s32 v13, v16;
	v16 =	vand.u32 $0xFFFFFF80, v49  }
0x1a2: {  	v51 =	vadd.s32 v13, v16;
	v16 =	vand.u32 $0xFFFFFF80, v48;
	v22 =	vor.u32 $0x1, v11  }
0x1a3: {  	v50 =	vadd.s32 v13, v16;
	v16 =	vor.u32 v17, v19;
	_ =	sdelay $0x1  }
0x1a4: {  	v14 =	vmul.f32 v14, v10  }
0x1a5: {  	v18 =	vadd.s32 $0x3, v12;
	v43 =	vadd.s32 $0xF, v12  }
0x1a6: {  	v42 =	vadd.s32 $0x10, v12;
	v33 =	vadd.s32 $0x14, v12;
	v17 =	vand.u32 $0xFFFFFF80, v43;
	[tilespmem:v22+s22+$0x0] =	vst.idx.msk $0xffff, v14  }
0x1a7: {  	v0 =	vand.u32 $0xFFFFFF80, v18;
	v45 =	vadd.s32 v13, v17;
	v17 =	vand.u32 $0xFFFFFF80, v42;
	v16 =	vld.idx.msk [tilespmem:v16+s14+$0x0], $0xffff  }
0x1a8: {  	v18 =	vand.u32 $0x7F, v18;
	v44 =	vadd.s32 v13, v17;
	v17 =	vand.u32 $0xFFFFFF80, v33  }
0x1a9: {  	v20 =	vadd.s32 v13, v0;
	v35 =	vadd.s32 v13, v17;
	v17 =	vor.u32 $0x2, v11  }
0x1aa: {  	v14 =	vor.u32 v18, v20;
	_ =	sdelay $0x1  }
0x1ab: {  	v16 =	vmul.f32 v16, v10;
	_ =	sdelay $0x1  }
0x1ac: {  	[tilespmem:v17+s22+$0x0] =	vst.idx.msk $0xffff, v16  }
0x1ad: {  	v15 =	vadd.s32 $0x4, v12;
	v1 =	vld.idx.msk [tilespmem:v14+s14+$0x0], $0xffff  }
0x1ae: {  	v3 =	vand.u32 $0xFFFFFF80, v15  }
0x1af: {  	v15 =	vand.u32 $0x7F, v15;
	v0 =	vadd.s32 v13, v3;
	v4 =	vor.u32 $0x3, v11  }
0x1b0: {  	v0 =	vor.u32 v15, v0;
	_ =	sdelay $0x1  }
0x1b1: {  	v1 =	vmul.f32 v1, v10;
	_ =	sdelay $0x1  }
0x1b2: {  	[tilespmem:v4+s22+$0x0] =	vst.idx.msk $0xffff, v1  }
0x1b3: {  	v63 =	vadd.s32 $0x5, v12;
	v0 =	vld.idx.msk [tilespmem:v0+s14+$0x0], $0xffff  }
0x1b4: {  	v3 =	vand.u32 $0xFFFFFF80, v63  }
0x1b5: {  	v3 =	vadd.s32 v13, v3;
	v1 =	vor.u32 $0x4, v11;
	v4 =	vand.u32 $0x7F, v63  }
0x1b6: {  	v3 =	vor.u32 v4, v3;
	_ =	sdelay $0x1  }
0x1b7: {  	v0 =	vmul.f32 v0, v10;
	_ =	sdelay $0x1  }
0x1b8: {  	[tilespmem:v1+s22+$0x0] =	vst.idx.msk $0xffff, v0  }
0x1b9: {  	v61 =	vadd.s32 $0x6, v12;
	v0 =	vld.idx.msk [tilespmem:v3+s14+$0x0], $0xffff  }
0x1ba: {  	v23 =	vand.u32 $0xFFFFFF80, v61  }
0x1bb: {  	v2 =	vadd.s32 v13, v23;
	v1 =	vor.u32 $0x5, v11;
	v3 =	vand.u32 $0x7F, v61  }
0x1bc: {  	v2 =	vor.u32 v3, v2;
	_ =	sdelay $0x1  }
0x1bd: {  	v0 =	vmul.f32 v0, v10;
	_ =	sdelay $0x1  }
0x1be: {  	[tilespmem:v1+s22+$0x0] =	vst.idx.msk $0xffff, v0  }
0x1bf: {  	v0 =	vld.idx.msk [tilespmem:v2+s14+$0x0], $0xffff;
	_ =	sdelay $0x1  }
0x1c0: {  	v1 =	vor.u32 $0x6, v11;
	v2 =	vand.u32 $0x7F, v57  }
0x1c1: {  	v2 =	vor.u32 v2, v62;
	_ =	sdelay $0x1  }
0x1c2: {  	v0 =	vmul.f32 v0, v10;
	_ =	sdelay $0x1  }
0x1c3: {  	[tilespmem:v1+s22+$0x0] =	vst.idx.msk $0xffff, v0  }
0x1c4: {  	v0 =	vld.idx.msk [tilespmem:v2+s14+$0x0], $0xffff;
	_ =	sdelay $0x1  }
0x1c5: {  	v1 =	vor.u32 $0x7, v11;
	v2 =	vand.u32 $0x7F, v59  }
0x1c6: {  	v2 =	vor.u32 v2, v60;
	_ =	sdelay $0x1  }
0x1c7: {  	v0 =	vmul.f32 v0, v10;
	_ =	sdelay $0x1  }
0x1c8: {  	[tilespmem:v1+s22+$0x0] =	vst.idx.msk $0xffff, v0  }
0x1c9: {  	v0 =	vld.idx.msk [tilespmem:v2+s14+$0x0], $0xffff;
	_ =	sdelay $0x1  }
0x1ca: {  	v1 =	vor.u32 $0x8, v11;
	v2 =	vand.u32 $0x7F, v56  }
0x1cb: {  	v2 =	vor.u32 v2, v58;
	_ =	sdelay $0x1  }
0x1cc: {  	v0 =	vmul.f32 v0, v10;
	_ =	sdelay $0x1  }
0x1cd: {  	[tilespmem:v1+s22+$0x0] =	vst.idx.msk $0xffff, v0  }
0x1ce: {  	v0 =	vld.idx.msk [tilespmem:v2+s14+$0x0], $0xffff;
	_ =	sdelay $0x1  }
0x1cf: {  	v1 =	vor.u32 $0x9, v11;
	v2 =	vand.u32 $0x7F, v54  }
0x1d0: {  	v2 =	vor.u32 v2, v55;
	_ =	sdelay $0x1  }
0x1d1: {  	v0 =	vmul.f32 v0, v10;
	_ =	sdelay $0x1  }
0x1d2: {  	[tilespmem:v1+s22+$0x0] =	vst.idx.msk $0xffff, v0  }
0x1d3: {  	v52 =	vadd.s32 $0xB, v12;
	v0 =	vld.idx.msk [tilespmem:v2+s14+$0x0], $0xffff  }
0x1d4: {  	v29 =	vand.u32 $0xFFFFFF80, v52  }
0x1d5: {  	v53 =	vadd.s32 v13, v29;
	v1 =	vor.u32 $0xA, v11;
	v2 =	vand.u32 $0x7F, v52  }
0x1d6: {  	v2 =	vor.u32 v2, v53;
	_ =	sdelay $0x1  }
0x1d7: {  	v0 =	vmul.f32 v0, v10;
	_ =	sdelay $0x1  }
0x1d8: {  	[tilespmem:v1+s22+$0x0] =	vst.idx.msk $0xffff, v0  }
0x1d9: {  	v0 =	vld.idx.msk [tilespmem:v2+s14+$0x0], $0xffff;
	_ =	sdelay $0x1  }
0x1da: {  	v1 =	vor.u32 $0xB, v11;
	v2 =	vand.u32 $0x7F, v49  }
0x1db: {  	v2 =	vor.u32 v2, v51;
	_ =	sdelay $0x1  }
0x1dc: {  	v0 =	vmul.f32 v0, v10;
	_ =	sdelay $0x1  }
0x1dd: {  	[tilespmem:v1+s22+$0x0] =	vst.idx.msk $0xffff, v0  }
0x1de: {  	v0 =	vld.idx.msk [tilespmem:v2+s14+$0x0], $0xffff;
	_ =	sdelay $0x1  }
0x1df: {  	v1 =	vor.u32 $0xC, v11;
	v2 =	vand.u32 $0x7F, v48  }
0x1e0: {  	v2 =	vor.u32 v2, v50;
	_ =	sdelay $0x1  }
0x1e1: {  	v0 =	vmul.f32 v0, v10;
	_ =	sdelay $0x1  }
0x1e2: {  	[tilespmem:v1+s22+$0x0] =	vst.idx.msk $0xffff, v0  }
0x1e3: {  	v46 =	vadd.s32 $0xE, v12;
	v0 =	vld.idx.msk [tilespmem:v2+s14+$0x0], $0xffff  }
0x1e4: {  	v30 =	vand.u32 $0xFFFFFF80, v46  }
0x1e5: {  	v47 =	vadd.s32 v13, v30;
	v1 =	vor.u32 $0xD, v11;
	v2 =	vand.u32 $0x7F, v46  }
0x1e6: {  	v2 =	vor.u32 v2, v47;
	_ =	sdelay $0x1  }
0x1e7: {  	v0 =	vmul.f32 v0, v10;
	_ =	sdelay $0x1  }
0x1e8: {  	[tilespmem:v1+s22+$0x0] =	vst.idx.msk $0xffff, v0  }
0x1e9: {  	v0 =	vld.idx.msk [tilespmem:v2+s14+$0x0], $0xffff;
	_ =	sdelay $0x1  }
0x1ea: {  	v1 =	vor.u32 $0xE, v11;
	v2 =	vand.u32 $0x7F, v43  }
0x1eb: {  	v2 =	vor.u32 v2, v45;
	_ =	sdelay $0x1  }
0x1ec: {  	v0 =	vmul.f32 v0, v10;
	_ =	sdelay $0x1  }
0x1ed: {  	[tilespmem:v1+s22+$0x0] =	vst.idx.msk $0xffff, v0  }
0x1ee: {  	v0 =	vld.idx.msk [tilespmem:v2+s14+$0x0], $0xffff;
	_ =	sdelay $0x1  }
0x1ef: {  	v1 =	vor.u32 $0xF, v11;
	v2 =	vand.u32 $0x7F, v42  }
0x1f0: {  	v2 =	vor.u32 v2, v44;
	_ =	sdelay $0x1  }
0x1f1: {  	v0 =	vmul.f32 v0, v10;
	_ =	sdelay $0x1  }
0x1f2: {  	[tilespmem:v1+s22+$0x0] =	vst.idx.msk $0xffff, v0  }
0x1f3: {  	v40 =	vadd.s32 $0x11, v12;
	v0 =	vld.idx.msk [tilespmem:v2+s14+$0x0], $0xffff  }
0x1f4: {  	v19 =	vand.u32 $0xFFFFFF80, v40  }
0x1f5: {  	v41 =	vadd.s32 v13, v19;
	v1 =	vor.u32 $0x10, v11;
	v2 =	vand.u32 $0x7F, v40  }
0x1f6: {  	v2 =	vor.u32 v2, v41;
	_ =	sdelay $0x1  }
0x1f7: {  	v0 =	vmul.f32 v0, v10;
	_ =	sdelay $0x1  }
0x1f8: {  	[tilespmem:v1+s22+$0x0] =	vst.idx.msk $0xffff, v0  }
0x1f9: {  	v38 =	vadd.s32 $0x12, v12;
	v0 =	vld.idx.msk [tilespmem:v2+s14+$0x0], $0xffff  }
0x1fa: {  	v31 =	vand.u32 $0xFFFFFF80, v38  }
0x1fb: {  	v39 =	vadd.s32 v13, v31;
	v1 =	vor.u32 $0x11, v11;
	v2 =	vand.u32 $0x7F, v38  }
0x1fc: {  	v2 =	vor.u32 v2, v39;
	_ =	sdelay $0x1  }
0x1fd: {  	v0 =	vmul.f32 v0, v10;
	_ =	sdelay $0x1  }
0x1fe: {  	[tilespmem:v1+s22+$0x0] =	vst.idx.msk $0xffff, v0  }
0x1ff: {  	v36 =	vadd.s32 $0x13, v12;
	v0 =	vld.idx.msk [tilespmem:v2+s14+$0x0], $0xffff  }
0x200: {  	v32 =	vand.u32 $0xFFFFFF80, v36  }
0x201: {  	v37 =	vadd.s32 v13, v32;
	v1 =	vor.u32 $0x12, v11;
	v2 =	vand.u32 $0x7F, v36  }
0x202: {  	v2 =	vor.u32 v2, v37;
	_ =	sdelay $0x1  }
0x203: {  	v0 =	vmul.f32 v0, v10;
	_ =	sdelay $0x1  }
0x204: {  	[tilespmem:v1+s22+$0x0] =	vst.idx.msk $0xffff, v0  }
0x205: {  	v0 =	vld.idx.msk [tilespmem:v2+s14+$0x0], $0xffff;
	_ =	sdelay $0x1  }
0x206: {  	v1 =	vor.u32 $0x13, v11;
	v2 =	vand.u32 $0x7F, v33  }
0x207: {  	v2 =	vor.u32 v2, v35;
	_ =	sdelay $0x1  }
0x208: {  	v0 =	vmul.f32 v0, v10;
	_ =	sdelay $0x1  }
0x209: {  	[tilespmem:v1+s22+$0x0] =	vst.idx.msk $0xffff, v0  }
0x20a: {  	v32 =	vadd.s32 $0x15, v12;
	v0 =	vld.idx.msk [tilespmem:v2+s14+$0x0], $0xffff  }
0x20b: {  	v34 =	vand.u32 $0xFFFFFF80, v32  }
0x20c: {  	v34 =	vadd.s32 v13, v34;
	v1 =	vor.u32 $0x14, v11;
	v2 =	vand.u32 $0x7F, v32  }
0x20d: {  	v2 =	vor.u32 v2, v34;
	_ =	sdelay $0x1  }
0x20e: {  	v0 =	vmul.f32 v0, v10;
	_ =	sdelay $0x1  }
0x20f: {  	[tilespmem:v1+s22+$0x0] =	vst.idx.msk $0xffff, v0  }
0x210: {  	v30 =	vadd.s32 $0x16, v12;
	v0 =	vld.idx.msk [tilespmem:v2+s14+$0x0], $0xffff  }
0x211: {  	v18 =	vand.u32 $0xFFFFFF80, v30  }
0x212: {  	v31 =	vadd.s32 v13, v18;
	v1 =	vor.u32 $0x15, v11;
	v2 =	vand.u32 $0x7F, v30  }
0x213: {  	v2 =	vor.u32 v2, v31;
	_ =	sdelay $0x1  }
0x214: {  	v0 =	vmul.f32 v0, v10;
	_ =	sdelay $0x1  }
0x215: {  	[tilespmem:v1+s22+$0x0] =	vst.idx.msk $0xffff, v0  }
0x216: {  	v27 =	vadd.s32 $0x17, v12;
	v0 =	vld.idx.msk [tilespmem:v2+s14+$0x0], $0xffff  }
0x217: {  	v19 =	vand.u32 $0xFFFFFF80, v27  }
0x218: {  	v29 =	vadd.s32 v13, v19;
	v1 =	vor.u32 $0x16, v11;
	v2 =	vand.u32 $0x7F, v27  }
0x219: {  	v2 =	vor.u32 v2, v29;
	_ =	sdelay $0x1  }
0x21a: {  	v0 =	vmul.f32 v0, v10;
	_ =	sdelay $0x1  }
0x21b: {  	[tilespmem:v1+s22+$0x0] =	vst.idx.msk $0xffff, v0  }
0x21c: {  	v26 =	vadd.s32 $0x18, v12;
	v0 =	vld.idx.msk [tilespmem:v2+s14+$0x0], $0xffff  }
0x21d: {  	v18 =	vand.u32 $0xFFFFFF80, v26  }
0x21e: {  	v28 =	vadd.s32 v13, v18;
	v1 =	vor.u32 $0x17, v11;
	v2 =	vand.u32 $0x7F, v26  }
0x21f: {  	v2 =	vor.u32 v2, v28;
	_ =	sdelay $0x1  }
0x220: {  	v0 =	vmul.f32 v0, v10;
	_ =	sdelay $0x1  }
0x221: {  	[tilespmem:v1+s22+$0x0] =	vst.idx.msk $0xffff, v0  }
0x222: {  	v24 =	vadd.s32 $0x19, v12;
	v0 =	vld.idx.msk [tilespmem:v2+s14+$0x0], $0xffff  }
0x223: {  	v18 =	vand.u32 $0xFFFFFF80, v24  }
0x224: {  	v25 =	vadd.s32 v13, v18;
	v1 =	vor.u32 $0x18, v11;
	v2 =	vand.u32 $0x7F, v24  }
0x225: {  	v2 =	vor.u32 v2, v25;
	_ =	sdelay $0x1  }
0x226: {  	v0 =	vmul.f32 v0, v10;
	_ =	sdelay $0x1  }
0x227: {  	[tilespmem:v1+s22+$0x0] =	vst.idx.msk $0xffff, v0  }
0x228: {  	v22 =	vadd.s32 $0x1A, v12;
	v0 =	vld.idx.msk [tilespmem:v2+s14+$0x0], $0xffff  }
0x229: {  	v16 =	vand.u32 $0xFFFFFF80, v22  }
0x22a: {  	v23 =	vadd.s32 v13, v16;
	v1 =	vor.u32 $0x19, v11;
	v2 =	vand.u32 $0x7F, v22  }
0x22b: {  	v2 =	vor.u32 v2, v23;
	_ =	sdelay $0x1  }
0x22c: {  	v0 =	vmul.f32 v0, v10;
	_ =	sdelay $0x1  }
0x22d: {  	[tilespmem:v1+s22+$0x0] =	vst.idx.msk $0xffff, v0  }
0x22e: {  	v20 =	vadd.s32 $0x1B, v12;
	v0 =	vld.idx.msk [tilespmem:v2+s14+$0x0], $0xffff  }
0x22f: {  	v21 =	vand.u32 $0xFFFFFF80, v20  }
0x230: {  	v21 =	vadd.s32 v13, v21;
	v1 =	vor.u32 $0x1A, v11;
	v2 =	vand.u32 $0x7F, v20  }
0x231: {  	v2 =	vor.u32 v2, v21;
	_ =	sdelay $0x1  }
0x232: {  	v0 =	vmul.f32 v0, v10;
	_ =	sdelay $0x1  }
0x233: {  	[tilespmem:v1+s22+$0x0] =	vst.idx.msk $0xffff, v0  }
0x234: {  	v18 =	vadd.s32 $0x1C, v12;
	v0 =	vld.idx.msk [tilespmem:v2+s14+$0x0], $0xffff  }
0x235: {  	v14 =	vand.u32 $0xFFFFFF80, v18  }
0x236: {  	v19 =	vadd.s32 v13, v14;
	v1 =	vor.u32 $0x1B, v11;
	v2 =	vand.u32 $0x7F, v18  }
0x237: {  	v2 =	vor.u32 v2, v19;
	_ =	sdelay $0x1  }
0x238: {  	v0 =	vmul.f32 v0, v10;
	_ =	sdelay $0x1  }
0x239: {  	[tilespmem:v1+s22+$0x0] =	vst.idx.msk $0xffff, v0  }
0x23a: {  	v16 =	vadd.s32 $0x1D, v12;
	v0 =	vld.idx.msk [tilespmem:v2+s14+$0x0], $0xffff  }
0x23b: {  	v17 =	vand.u32 $0xFFFFFF80, v16  }
0x23c: {  	v17 =	vadd.s32 v13, v17;
	v1 =	vor.u32 $0x1C, v11;
	v2 =	vand.u32 $0x7F, v16  }
0x23d: {  	v2 =	vor.u32 v2, v17;
	_ =	sdelay $0x1  }
0x23e: {  	v0 =	vmul.f32 v0, v10;
	_ =	sdelay $0x1  }
0x23f: {  	[tilespmem:v1+s22+$0x0] =	vst.idx.msk $0xffff, v0  }
0x240: {  	v14 =	vadd.s32 $0x1E, v12;
	v0 =	vld.idx.msk [tilespmem:v2+s14+$0x0], $0xffff  }
0x241: {  	v15 =	vand.u32 $0xFFFFFF80, v14  }
0x242: {  	v15 =	vadd.s32 v13, v15;
	v1 =	vor.u32 $0x1D, v11;
	v2 =	vand.u32 $0x7F, v14  }
0x243: {  	v2 =	vor.u32 v2, v15;
	_ =	sdelay $0x1  }
0x244: {  	v0 =	vmul.f32 v0, v10;
	_ =	sdelay $0x1  }
0x245: {  	[tilespmem:v1+s22+$0x0] =	vst.idx.msk $0xffff, v0  }
0x246: {  	v12 =	vadd.s32 $0x1F, v12;
	v0 =	vld.idx.msk [tilespmem:v2+s14+$0x0], $0xffff  }
0x247: {  	v5 =	vand.u32 $0xFFFFFF80, v12  }
0x248: {  	v13 =	vadd.s32 v13, v5;
	v1 =	vor.u32 $0x1E, v11;
	v2 =	vand.u32 $0x7F, v12  }
0x249: {  	v2 =	vor.u32 v2, v13;
	_ =	sdelay $0x1  }
0x24a: {  	v0 =	vmul.f32 v0, v10;
	_ =	sdelay $0x1  }
0x24b: {  	[tilespmem:v1+s22+$0x0] =	vst.idx.msk $0xffff, v0  }
0x24c: {  	v1 =	vld.idx.msk [tilespmem:v2+s14+$0x0], $0xffff  }
0x24d: {  	p0 =	sne.s32 s0, $0x130  }
.Ltmp2:
0x24e: {  	_ = 	snop;
	(pc) =	sbr.rel @p0 .LBB2_7-.Ltmp2, $4  }
0x24f: {  	v3 =	vadd.s32 $0x10, v9  }
0x250: {  	vm0 =	vgt.s32 v3, $0x13  }
0x251: {  	v16 =	vimm.s32 $0x0;
	v2 =	vmul.f32 v1, v10;
	v1 =	vadd.s32 $0xFFFFFFFC, v9  }
0x252: {  	s0 =	sadd.s32 $0x10, s0;
	v17 =	vmovc v6;
	v0 =	vor.u32 $0x1F, v11;
	v9 =	vsel vm0, v1, v3;
	v3 =	vsel vm0, $0x1, v16  }
0x253: {  	s0 =	sshll.u32 s29, $0x4  }
0x254: {  	s0 =	sadd.s32 s7, s0  }
0x255: {  	s16 =	smul.u32 $0xA000, s31;
	s0 =	sshrl.u32 s0, $0x3  }
0x256: {  	s0 =	smul.u32 $0x1400, s0;
	_ =	sdelay $0x1  }
0x257: {  	s16 =	sshrl.u32 s16, $0x2;
	s0 =	sshrl.u32 s0, $0x3  }
0x258: {  	[tilespmem:v0+s22+$0x0] =	vst.idx.msk $0xffff, v2;
	s18 =	sadd.s32 $0x17880, s16;
	s25 =	sadd.s32 s6, s0  }
0x259: {  	[hbm4b:s25+s23] =	stream.strided.scatter [tilespmem:s18], [sflag:$0x3], $0x800, s26, s23, $0x38;
	[tilespmem:$0x1C880] =	vst v63  }
0x25a: {  	s31 =	sor.u32 $0x18080, s16;
	s0 =	sadd.s32 s0, s8  }
0x25b: {  	[hbm4b:s0+s23] =	stream.strided.scatter [tilespmem:s31], [sflag:$0x3], $0x800, s26, s23, $0x38;
	[tilespmem:$0x1C880] =	vst v63  }
0x25c: {  	p0 =	sne.s32 s30, $0x8;
	s28 =	sadd.s32 $0x18880, s16;
	s31 =	sadd.s32 $0x100, s25  }
0x25d: {  	[hbm4b:s31+s23] =	stream.strided.scatter [tilespmem:s28], [sflag:$0x3], $0x800, s26, s23, $0x38;
	[tilespmem:$0x1C880] =	vst v63  }
.Ltmp3:
0x25e: {  	s4 =	sadd.s32 $0x140, s4;
	(pc) =	sbr.rel @p0 .LBB2_6-.Ltmp3, $4  }
0x25f: {  	s2 =	sadd.s32 $0x140, s2;
	s28 =	sadd.s32 $0x19080, s16;
	s31 =	sadd.s32 $0x180, s25  }
0x260: {  	[hbm4b:s31+s23] =	stream.strided.scatter [tilespmem:s28], [sflag:$0x3], $0x800, s26, s23, $0x38;
	[tilespmem:$0x1C880] =	vst v63  }
0x261: {  	s29 =	smov.u32 s30;
	s28 =	sadd.s32 $0x19880, s16;
	s31 =	sadd.s32 $0x200, s25  }
0x262: {  	[hbm4b:s31+s23] =	stream.strided.scatter [tilespmem:s28], [sflag:$0x3], $0x800, s26, s23, $0x38;
	[tilespmem:$0x1C880] =	vst v63  }
0x263: {  	_ =	swait.ge [sflag:s21], $0x800  }
0x264: {  	[sflag:s21] =	ssyncset.done $0x0  }
0x265: {  	[sflag:s21] =	ssyncadd.s32 $0xFFFFF800  }
0x266: {  	_ =	swait.ge [sflag:s21], $0x800  }
0x267: {  	[sflag:s21] =	ssyncset.done $0x0  }
0x268: {  	[sflag:s21] =	ssyncadd.s32 $0xFFFFF800  }
0x269: {  	_ =	swait.ge [sflag:s21], $0x800  }
0x26a: {  	[sflag:s21] =	ssyncset.done $0x0  }
0x26b: {  	[sflag:s21] =	ssyncadd.s32 $0xFFFFF800  }
0x26c: {  	_ =	swait.ge [sflag:s21], $0x800  }
0x26d: {  	[sflag:s21] =	ssyncset.done $0x0  }
0x26e: {  	[sflag:s21] =	ssyncadd.s32 $0xFFFFF800  }
0x26f: {  	_ =	swait.ge [sflag:s21], $0x800  }
0x270: {  	[sflag:s21] =	ssyncset.done $0x0  }
0x271: {  	[sflag:s21] =	ssyncadd.s32 $0xFFFFF800  }
0x272: {  	_ =	swait.ge [sflag:s21], $0x800  }
0x273: {  	[sflag:s21] =	ssyncset.done $0x0  }
0x274: {  	[sflag:s21] =	ssyncadd.s32 $0xFFFFF800  }
0x275: {  	_ =	swait.ge [sflag:s21], $0x800  }
0x276: {  	[sflag:s21] =	ssyncset.done $0x0  }
0x277: {  	[sflag:s21] =	ssyncadd.s32 $0xFFFFF800  }
0x278: {  	_ =	swait.ge [sflag:s21], $0x800  }
0x279: {  	[sflag:s21] =	ssyncset.done $0x0  }
0x27a: {  	[sflag:s21] =	ssyncadd.s32 $0xFFFFF800  }
0x27b: {  	_ =	swait.ge [sflag:s21], $0x800  }
0x27c: {  	[sflag:s21] =	ssyncset.done $0x0  }
0x27d: {  	s24 =	sadd.s32 $0x1, s24;
	[sflag:s21] =	ssyncadd.s32 $0xFFFFF800  }
0x27e: {  	p0 =	sne.s32 s24, s9;
	_ =	swait.ge [sflag:s21], $0x800  }
.Ltmp4:
0x27f: {  	v1 =	vld [tilespmem:$0x1FFE0];
	(pc) =	sbr.rel @p0 .LBB2_1-.Ltmp4, $4  }
0x280: {  	_ = 	snop  }
0x281: {  	v4 =	vld [tilespmem:$0x1FFF0]  }
0x282: {  	[sflag:s21] =	ssyncset.done $0x0  }
0x283: {  	v10 =	vimm.f32 $0.0e+00;
	[sflag:s21] =	ssyncadd.s32 $0xFFFFF800  }
0x284: {  	_ =	sfence.sel $0x180000  }
0x285: {  	[bflag:$0x0] =	sbarrier.arrive $0xFFFF  }
0x286: {  	_ =	strace $0x9000004A  }
0x287: {  	s0 =	stileid.u32;
	[bflag:$0x2] =	sbarrier.arrive $0xFFFF  }
0x288: {  	p0 =	sne.s32 s0, $0x0;
	s0 =	rddreg [dreg:$0x3]  }
0x289: {  	s0 =	sadd.s32 @!p0 $0x100000, s0  }
0x28a: {  	[sflag:s0] =	ssyncadd.tile.s32 @!p0 $0x1;
	_ =	shalt  }
.Lfunc_end2:
_tile_overlayer_lowered:
.L_overlay_start_2:
0x28b: {  	(tag) =	ssettag $0x2  }
0x28c: {  	s0 =	rddreg [dreg:$0x0];
	s2 =	stileid.u32  }
0x28d: {  	s1 =	rddreg [dreg:$0x1];
	p0 =	sne.s32 s2, $0x0  }
0x28e: {  	s3 =	rddreg [dreg:$0x2];
	[bflag:$0x3] =	sbarrier.arrive $0xFFFF;
	s2 =	simm.s32 @!p0 $0x1C04  }
0x28f: {  	[timem:s3], [sflag:s2] =	dma.local @!p0 [hbm:s0], s1  }
0x290: {  	s0 =	simm.s32 @!p0 $0x4  }
0x291: {  	_ =	swait.ge @!p0 [sflag:s0], s1  }
0x292: {  	s1 =	ssub.s32 @!p0 $0x0, s1;
	[sflag:s0] =	ssyncset.done @!p0 $0x0  }
0x293: {  	[sflag:s0] =	ssyncadd.s32 @!p0 s1  }
0x294: {  	[bflag:$0x3] =	sbarrier.arrive $0xFFFF  }
0x295: {  	_ =	shalt  }

</sc_bundles>
